<compile_context>
chip_gen: v7x
topology: tpu7x:2x2x1
jax: 0.10.2.dev20260603
libtpu: 0.0.44.dev20260713+nightly
codegen_flags: <defaults>
</compile_context>

<pallas_src>
import functools

import jax
import jax.numpy as jnp
from jax import lax
from jax.experimental import pallas as pl
from jax.experimental.pallas import tpu as pltpu
from jax.experimental.pallas import tpu_sc as plsc

NC = 2
NS = 16
LANES = 16

NP = 10240
BM = 512
K = 80
ZR = 64



def _sc_agg_body(with_deg, n, d, epw, nchunk, support, src, dst, *rest):
    if with_deg:
        (out, degout, idx_s, idx_d, rows, zbuf, sem, acc,
         ones, zdeg, dacc) = rest
    else:
        out, idx_s, idx_d, rows, zbuf, sem, acc = rest
    cid = lax.axis_index("c")
    sid = lax.axis_index("s")
    wid = cid * NS + sid
    rows_per_tile = n // NS
    base = sid * rows_per_tile
    nz = rows_per_tile // ZR


    zeros16 = jnp.zeros((LANES,), jnp.float32)

    def zero_zbuf(t, _):
        i = t // (d // LANES)
        j = t % (d // LANES)
        zbuf[i, pl.ds(j * LANES, LANES)] = zeros16
        return 0

    lax.fori_loop(0, ZR * (d // LANES), zero_zbuf, 0)

    if with_deg:
        ones16 = jnp.ones((LANES,), jnp.float32)

        def fill_ones(i, _):
            ones[i, :] = ones16
            return 0

        lax.fori_loop(0, K, fill_ones, 0)

        def zero_zdeg(i, _):
            zdeg[i, :] = zeros16
            return 0

        lax.fori_loop(0, ZR, zero_zdeg, 0)

    for z in range(nz):
        pltpu.sync_copy(zbuf, acc.at[pl.ds(base + z * ZR, ZR)])
        if with_deg:
            pltpu.sync_copy(zdeg, dacc.at[pl.ds(base + z * ZR, ZR)])
    plsc.subcore_barrier()

    ebase = wid * epw

    def chunk(i, _):
        off = ebase + i * K
        pltpu.sync_copy(src.at[pl.ds(off, K)], idx_s)
        pltpu.sync_copy(dst.at[pl.ds(off, K)], idx_d)
        pltpu.async_copy(support.at[idx_s], rows, sem).wait()
        pltpu.sync_copy(rows, acc.at[idx_d], add=True)
        if with_deg:
            pltpu.sync_copy(ones, dacc.at[idx_d], add=True)
        return 0

    lax.fori_loop(0, nchunk, chunk, 0)
    plsc.subcore_barrier()

    for z in range(nz):
        r0 = base + z * ZR
        pltpu.sync_copy(acc.at[pl.ds(r0, ZR)], zbuf)
        pltpu.sync_copy(zbuf, out.at[cid, pl.ds(r0, ZR)])
        if with_deg:
            pltpu.sync_copy(dacc.at[pl.ds(r0, ZR)], zdeg)
            pltpu.sync_copy(zdeg, degout.at[cid, pl.ds(r0, ZR)])


@functools.lru_cache(maxsize=None)
def _make_sc_agg(n, e, d, with_deg):
    epw = e // (NC * NS)
    nchunk = epw // K
    assert epw % K == 0 and n % (NS * ZR) == 0

    out_type = [jax.ShapeDtypeStruct((NC, n, d), jnp.float32)]
    scratch = [
        pltpu.VMEM((K,), jnp.int32),
        pltpu.VMEM((K,), jnp.int32),
        pltpu.VMEM((K, d), jnp.float32),
        pltpu.VMEM((ZR, d), jnp.float32),
        pltpu.SemaphoreType.DMA,
        pltpu.VMEM_SHARED((n, d), jnp.float32),
    ]
    if with_deg:
        out_type.append(jax.ShapeDtypeStruct((NC, n, LANES), jnp.float32))
        scratch += [
            pltpu.VMEM((K, LANES), jnp.float32),
            pltpu.VMEM((ZR, LANES), jnp.float32),
            pltpu.VMEM_SHARED((n, LANES), jnp.float32),
        ]

    body = functools.partial(_sc_agg_body, with_deg, n, d, epw, nchunk)
    return pl.kernel(
        body,
        out_type=out_type,
        mesh=plsc.VectorSubcoreMesh(core_axis_name="c", subcore_axis_name="s"),
        scratch_types=scratch,
        compiler_params=pltpu.CompilerParams(use_tc_tiling_on_sc=False),
    )



def _mm_body(x_ref, w_ref, o_ref):
    o_ref[...] = jnp.dot(x_ref[...], w_ref[...],
                         preferred_element_type=jnp.float32)


def _mid_body(relu, p_ref, dp_ref, b_ref, w_ref, o_ref):
    deg = dp_ref[0, :, 0:1] + dp_ref[1, :, 0:1]
    rdeg = 1.0 / jnp.maximum(deg, 1.0)
    h = (p_ref[0] + p_ref[1]) * rdeg + b_ref[...]
    if relu:
        h = jnp.maximum(h, 0.0)
    o_ref[...] = jnp.dot(h, w_ref[...], preferred_element_type=jnp.float32)


def _fin_body(p_ref, dp_ref, b_ref, o_ref):
    deg = dp_ref[0, :, 0:1] + dp_ref[1, :, 0:1]
    rdeg = 1.0 / jnp.maximum(deg, 1.0)
    o_ref[...] = (p_ref[0] + p_ref[1]) * rdeg + b_ref[...]


@functools.lru_cache(maxsize=None)
def _make_mm(n, d_in, d_out):
    grid = (n // BM,)
    return pl.pallas_call(
        _mm_body,
        grid=grid,
        in_specs=[
            pl.BlockSpec((BM, d_in), lambda i: (i, 0)),
            pl.BlockSpec((d_in, d_out), lambda i: (0, 0)),
        ],
        out_specs=pl.BlockSpec((BM, d_out), lambda i: (i, 0)),
        out_shape=jax.ShapeDtypeStruct((n, d_out), jnp.float32),
    )


@functools.lru_cache(maxsize=None)
def _make_mid(n, d_in, d_out):
    grid = (n // BM,)
    return pl.pallas_call(
        functools.partial(_mid_body, True),
        grid=grid,
        in_specs=[
            pl.BlockSpec((NC, BM, d_in), lambda i: (0, i, 0)),
            pl.BlockSpec((NC, BM, LANES), lambda i: (0, i, 0)),
            pl.BlockSpec((1, d_in), lambda i: (0, 0)),
            pl.BlockSpec((d_in, d_out), lambda i: (0, 0)),
        ],
        out_specs=pl.BlockSpec((BM, d_out), lambda i: (i, 0)),
        out_shape=jax.ShapeDtypeStruct((n, d_out), jnp.float32),
    )


@functools.lru_cache(maxsize=None)
def _make_fin(n, d):
    grid = (n // BM,)
    return pl.pallas_call(
        _fin_body,
        grid=grid,
        in_specs=[
            pl.BlockSpec((NC, BM, d), lambda i: (0, i, 0)),
            pl.BlockSpec((NC, BM, LANES), lambda i: (0, i, 0)),
            pl.BlockSpec((1, d), lambda i: (0, 0)),
        ],
        out_specs=pl.BlockSpec((BM, d), lambda i: (i, 0)),
        out_shape=jax.ShapeDtypeStruct((n, d), jnp.float32),
    )



def kernel(features, edge_index, W1, b1, W2, b2, W3, b3):
    n, d_in = features.shape
    e = edge_index.shape[1]
    d_h = W1.shape[1]
    n_cls = W3.shape[1]
    d3 = 128
    src = edge_index[0]
    dst = edge_index[1]

    W3p = jnp.pad(W3, ((0, 0), (0, d3 - n_cls)))
    b1r = b1.reshape(1, d_h)
    b2r = b2.reshape(1, d_h)
    b3r = jnp.pad(b3, (0, d3 - n_cls)).reshape(1, d3)
    feat_p = jnp.pad(features, ((0, NP - n), (0, 0)))

    s1 = _make_mm(NP, d_in, d_h)(feat_p, W1)
    p1, dp = _make_sc_agg(NP, e, d_h, True)(s1, src, dst)
    s2 = _make_mid(NP, d_h, d_h)(p1, dp, b1r, W2)
    (p2,) = _make_sc_agg(NP, e, d_h, False)(s2, src, dst)
    s3 = _make_mid(NP, d_h, d3)(p2, dp, b2r, W3p)
    (p3,) = _make_sc_agg(NP, e, d3, False)(s3, src, dst)
    out = _make_fin(NP, d3)(p3, dp, b3r)
    return out[:n, :n_cls]

# --- scband reference (transcript-rebuilt; emitter-appended) ---
"""Pipeline reference for scband-gcn-21921513079346 (READ-ONLY COPY).

The authoritative reference and input builder live on the scoring server;
editing this copy changes nothing except your own understanding.
"""

import jax, jax.numpy as jnp
import numpy as np

N = 10000
E = 320000
D_IN = 128
D_H = 128
N_CLASSES = 40


def setup_inputs(seed: int = 0) -> dict:
    key = jax.random.key(seed)
    ks = jax.random.split(key, 9)
    features = jax.random.normal(ks[0], (N, D_IN), dtype=jnp.float32)
    edge_index = jax.random.randint(ks[1], (2, E), 0, N, dtype=jnp.int32)
    s1 = 1.0 / np.sqrt(D_IN)
    s2 = 1.0 / np.sqrt(D_H)
    W1 = jax.random.uniform(ks[2], (D_IN, D_H), jnp.float32, -s1, s1)
    b1 = jnp.zeros((D_H,), jnp.float32)
    W2 = jax.random.uniform(ks[3], (D_H, D_H), jnp.float32, -s2, s2)
    b2 = jnp.zeros((D_H,), jnp.float32)
    W3 = jax.random.uniform(ks[4], (D_H, N_CLASSES), jnp.float32, -s2, s2)
    b3 = jnp.zeros((N_CLASSES,), jnp.float32)
    return {"features": features, "edge_index": edge_index,
            "W1": W1, "b1": b1, "W2": W2, "b2": b2, "W3": W3, "b3": b3}


def _graph_conv(x, src, dst, W, b, apply_act):
    # DGL GraphConv with norm='right': h = D_in^{-1} (A (X W)) + b
    support = x @ W
    msgs = support[src]
    agg = jax.ops.segment_sum(msgs, dst, num_segments=N)
    deg = jax.ops.segment_sum(jnp.ones((src.shape[0],), x.dtype), dst, num_segments=N)
    deg = jnp.clip(deg, 1.0)
    out = agg / deg[:, None] + b
    if apply_act:
        out = jax.nn.relu(out)
    return out


def reference(features, edge_index, W1, b1, W2, b2, W3, b3):
    src = edge_index[0]
    dst = edge_index[1]
    # dropout is identity in eval/reference mode
    h = _graph_conv(features, src, dst, W1, b1, True)
    h = _graph_conv(h, src, dst, W2, b2, True)
    h = _graph_conv(h, src, dst, W3, b3, False)
    return h

if __name__ == "__main__":
    import jax
    _d = setup_inputs()
    print(jax.jit(kernel)(*tuple(_d.values())))

</pallas_src>

<mosaic_0001>
#map = affine_map<(d0, d1) -> (0, 0)>
#map1 = affine_map<(d0, d1) -> (0)>
#map2 = affine_map<(d0, d1) -> (0, 0, 0)>
module attributes {stable_mosaic.version = 14 : i64} {
  func.func @_sc_agg_body(%arg0: i32, %arg1: i32, %arg2: memref<10240x128xf32, #tpu.memory_space<hbm>>, %arg3: memref<320000xi32, #tpu.memory_space<hbm>>, %arg4: memref<320000xi32, #tpu.memory_space<hbm>>, %arg5: memref<2x10240x128xf32, #tpu.memory_space<hbm>>, %arg6: memref<80xi32, #tpu.memory_space<vmem>>, %arg7: memref<80xi32, #tpu.memory_space<vmem>>, %arg8: memref<80x128xf32, #tpu.memory_space<vmem>>, %arg9: memref<64x128xf32, #tpu.memory_space<vmem>>, %arg10: memref<!tpu.dma_semaphore, #tpu.memory_space<semaphore_mem>>, %arg11: memref<10240x128xf32, #tpu.memory_space<vmem_shared>>) attributes {dimension_semantics = [#tpu.dimension_semantics<core_parallel>, #tpu.dimension_semantics<subcore_parallel>], iteration_bounds = array<i64: 2, 16>, scalar_prefetch = 0 : i64, scratch_operands = 6 : i64, tpu.core_type = #tpu.core_type<sc_vector_subcore>, window_params = [{transform_indices = #map}, {transform_indices = #map1}, {transform_indices = #map1}, {transform_indices = #map2}]} {
    %mul3A = arith.constant 16 : i32
    %mul3A_0 = arith.muli %arg0, %mul3A : i32
    %add3A = arith.addi %mul3A_0, %arg1 : i32
    %mul3A_1 = arith.constant 640 : i32
    %mul3A_2 = arith.muli %arg1, %mul3A_1 : i32
    %broadcast_in_dim3A = arith.constant 0.000000e+00 : f32
    %broadcast_in_dim3A_3 = vector.broadcast %broadcast_in_dim3A : f32 to vector<16xf32>
    %scan3A = arith.constant 0 : i32
    %scan3A_4 = arith.constant 0 : i32
    %scan3A_5 = arith.constant 512 : i32
    %scan3A_6 = arith.addi %scan3A_4, %scan3A_5 : i32
    %scan3A_7 = arith.constant 1 : i32
    %scan3A_8 = scf.for %scan3A_60 = %scan3A_4 to %scan3A_6 step %scan3A_7 iter_args(%scan3A_61 = %scan3A) -> (i32)  : i32 {
      %jit3A = arith.constant 8 : i32
      %div3A = arith.divsi %scan3A_60, %jit3A : i32
      %sign3A = arith.constant 0 : i32
      %sign3A_62 = arith.cmpi sgt, %scan3A_60, %sign3A : i32
      %sign3A_63 = arith.extui %sign3A_62 : i1 to i32
      %sign3A_64 = arith.constant 0 : i32
      %sign3A_65 = arith.cmpi slt, %scan3A_60, %sign3A_64 : i32
      %sign3A_66 = arith.extui %sign3A_65 : i1 to i32
      %sign3A_67 = arith.subi %sign3A_63, %sign3A_66 : i32
      %sign3A_68 = arith.constant 0 : i32
      %sign3A_69 = arith.cmpi sgt, %jit3A, %sign3A_68 : i32
      %sign3A_70 = arith.extui %sign3A_69 : i1 to i32
      %sign3A_71 = arith.constant 0 : i32
      %sign3A_72 = arith.cmpi slt, %jit3A, %sign3A_71 : i32
      %sign3A_73 = arith.extui %sign3A_72 : i1 to i32
      %sign3A_74 = arith.subi %sign3A_70, %sign3A_73 : i32
      %ne3A = arith.cmpi ne, %sign3A_67, %sign3A_74 : i32
      %rem3A = arith.remsi %scan3A_60, %jit3A : i32
      %ne3A_75 = arith.constant 0 : i32
      %ne3A_76 = arith.cmpi ne, %rem3A, %ne3A_75 : i32
      %and3A = arith.andi %ne3A, %ne3A_76 : i1
      %sub3A = arith.constant 1 : i32
      %sub3A_77 = arith.subi %div3A, %sub3A : i32
      %select_n3A = arith.select %and3A, %sub3A_77, %div3A : i32
      %jit3A_78 = arith.constant 8 : i32
      %eq3A = arith.constant 0 : i32
      %eq3A_79 = arith.cmpi eq, %jit3A_78, %eq3A : i32
      %jit3A_80 = arith.constant 1 : i32
      %select_n3A_81 = arith.select %eq3A_79, %jit3A_80, %jit3A_78 : i32
      %rem3A_82 = arith.remsi %scan3A_60, %select_n3A_81 : i32
      %ne3A_83 = arith.constant 0 : i32
      %ne3A_84 = arith.cmpi ne, %rem3A_82, %ne3A_83 : i32
      %lt3A = arith.constant 0 : i32
      %lt3A_85 = arith.cmpi slt, %rem3A_82, %lt3A : i32
      %lt3A_86 = arith.constant 0 : i32
      %lt3A_87 = arith.cmpi slt, %select_n3A_81, %lt3A_86 : i32
      %ne3A_88 = arith.xori %lt3A_85, %lt3A_87 : i1
      %and3A_89 = arith.andi %ne3A_88, %ne3A_84 : i1
      %add3A_90 = arith.addi %rem3A_82, %select_n3A_81 : i32
      %select_n3A_91 = arith.select %and3A_89, %add3A_90, %rem3A_82 : i32
      %mul3A_92 = arith.constant 16 : i32
      %mul3A_93 = arith.muli %select_n3A_91, %mul3A_92 : i32
      %swap3A = arith.index_cast %select_n3A : i32 to index
      %swap3A_94 = arith.index_cast %mul3A_93 : i32 to index
      %swap3A_95 = tpu.vector_load %arg9[%swap3A, %swap3A_94] {strides = array<i32>} : memref<64x128xf32, #tpu.memory_space<vmem>>, vector<1x16xf32>,
      %swap3A_96 = vector.shape_cast %swap3A_95 : vector<1x16xf32> to vector<16xf32>
      %swap3A_97 = vector.shape_cast %broadcast_in_dim3A_3 : vector<16xf32> to vector<1x16xf32>
      tpu.vector_store %arg9[%swap3A, %swap3A_94], %swap3A_97 {strides = array<i32>} : memref<64x128xf32, #tpu.memory_space<vmem>>, vector<1x16xf32>,
      %scan3A_98 = arith.constant 0 : i32
      scf.yield %scan3A_98 : i32
    }
    %scan3A_9 = arith.constant 512 : i32
    %add3A_10 = arith.constant 0 : i32
    %add3A_11 = arith.addi %mul3A_2, %add3A_10 : i32
    "tpu.region"() ({
      %run_scoped3A = tpu.sem_alloc : memref<!tpu.dma_semaphore, #tpu.memory_space<semaphore_mem>>
      %dma_start3A = arith.constant 0 : i32
      %dma_start3A_60 = tpu.memref_slice %arg11[%add3A_11, %dma_start3A] : memref<10240x128xf32, #tpu.memory_space<vmem_shared>> -> memref<64x128xf32, #tpu.memory_space<vmem_shared>>
      %dma_start3A_61 = arith.constant 0 : i32
      %dma_start3A_62 = tpu.memref_slice %arg11[%add3A_11, %dma_start3A_61] : memref<10240x128xf32, #tpu.memory_space<vmem_shared>> -> memref<64x128xf32, #tpu.memory_space<vmem_shared>>
      tpu.enqueue_dma source(%arg9 : memref<64x128xf32, #tpu.memory_space<vmem>>) target(%dma_start3A_62 : memref<64x128xf32, #tpu.memory_space<vmem_shared>>) target_semaphore(%run_scoped3A : memref<!tpu.dma_semaphore, #tpu.memory_space<semaphore_mem>>)
      %dma_wait3A = arith.constant 0 : i32
      %dma_wait3A_63 = tpu.memref_slice %arg11[%add3A_11, %dma_wait3A] : memref<10240x128xf32, #tpu.memory_space<vmem_shared>> -> memref<64x128xf32, #tpu.memory_space<vmem_shared>>
      %dma_wait3A_64 = arith.constant 0 : i32
      %dma_wait3A_65 = tpu.memref_slice %arg11[%add3A_11, %dma_wait3A_64] : memref<10240x128xf32, #tpu.memory_space<vmem_shared>> -> memref<64x128xf32, #tpu.memory_space<vmem_shared>>
      tpu.wait_dma2 semaphore(%run_scoped3A : memref<!tpu.dma_semaphore, #tpu.memory_space<semaphore_mem>>) src(%arg9 : memref<64x128xf32, #tpu.memory_space<vmem>>) dst(%dma_wait3A_65 : memref<64x128xf32, #tpu.memory_space<vmem_shared>>)
      tpu.yield
    }) : () -> ()
    %add3A_12 = arith.constant 64 : i32
    %add3A_13 = arith.addi %mul3A_2, %add3A_12 : i32
    "tpu.region"() ({
      %run_scoped3A = tpu.sem_alloc : memref<!tpu.dma_semaphore, #tpu.memory_space<semaphore_mem>>
      %dma_start3A = arith.constant 0 : i32
      %dma_start3A_60 = tpu.memref_slice %arg11[%add3A_13, %dma_start3A] : memref<10240x128xf32, #tpu.memory_space<vmem_shared>> -> memref<64x128xf32, #tpu.memory_space<vmem_shared>>
      %dma_start3A_61 = arith.constant 0 : i32
      %dma_start3A_62 = tpu.memref_slice %arg11[%add3A_13, %dma_start3A_61] : memref<10240x128xf32, #tpu.memory_space<vmem_shared>> -> memref<64x128xf32, #tpu.memory_space<vmem_shared>>
      tpu.enqueue_dma source(%arg9 : memref<64x128xf32, #tpu.memory_space<vmem>>) target(%dma_start3A_62 : memref<64x128xf32, #tpu.memory_space<vmem_shared>>) target_semaphore(%run_scoped3A : memref<!tpu.dma_semaphore, #tpu.memory_space<semaphore_mem>>)
      %dma_wait3A = arith.constant 0 : i32
      %dma_wait3A_63 = tpu.memref_slice %arg11[%add3A_13, %dma_wait3A] : memref<10240x128xf32, #tpu.memory_space<vmem_shared>> -> memref<64x128xf32, #tpu.memory_space<vmem_shared>>
      %dma_wait3A_64 = arith.constant 0 : i32
      %dma_wait3A_65 = tpu.memref_slice %arg11[%add3A_13, %dma_wait3A_64] : memref<10240x128xf32, #tpu.memory_space<vmem_shared>> -> memref<64x128xf32, #tpu.memory_space<vmem_shared>>
      tpu.wait_dma2 semaphore(%run_scoped3A : memref<!tpu.dma_semaphore, #tpu.memory_space<semaphore_mem>>) src(%arg9 : memref<64x128xf32, #tpu.memory_space<vmem>>) dst(%dma_wait3A_65 : memref<64x128xf32, #tpu.memory_space<vmem_shared>>)
      tpu.yield
    }) : () -> ()
    %add3A_14 = arith.constant 128 : i32
    %add3A_15 = arith.addi %mul3A_2, %add3A_14 : i32
    "tpu.region"() ({
      %run_scoped3A = tpu.sem_alloc : memref<!tpu.dma_semaphore, #tpu.memory_space<semaphore_mem>>
      %dma_start3A = arith.constant 0 : i32
      %dma_start3A_60 = tpu.memref_slice %arg11[%add3A_15, %dma_start3A] : memref<10240x128xf32, #tpu.memory_space<vmem_shared>> -> memref<64x128xf32, #tpu.memory_space<vmem_shared>>
      %dma_start3A_61 = arith.constant 0 : i32
      %dma_start3A_62 = tpu.memref_slice %arg11[%add3A_15, %dma_start3A_61] : memref<10240x128xf32, #tpu.memory_space<vmem_shared>> -> memref<64x128xf32, #tpu.memory_space<vmem_shared>>
      tpu.enqueue_dma source(%arg9 : memref<64x128xf32, #tpu.memory_space<vmem>>) target(%dma_start3A_62 : memref<64x128xf32, #tpu.memory_space<vmem_shared>>) target_semaphore(%run_scoped3A : memref<!tpu.dma_semaphore, #tpu.memory_space<semaphore_mem>>)
      %dma_wait3A = arith.constant 0 : i32
      %dma_wait3A_63 = tpu.memref_slice %arg11[%add3A_15, %dma_wait3A] : memref<10240x128xf32, #tpu.memory_space<vmem_shared>> -> memref<64x128xf32, #tpu.memory_space<vmem_shared>>
      %dma_wait3A_64 = arith.constant 0 : i32
      %dma_wait3A_65 = tpu.memref_slice %arg11[%add3A_15, %dma_wait3A_64] : memref<10240x128xf32, #tpu.memory_space<vmem_shared>> -> memref<64x128xf32, #tpu.memory_space<vmem_shared>>
      tpu.wait_dma2 semaphore(%run_scoped3A : memref<!tpu.dma_semaphore, #tpu.memory_space<semaphore_mem>>) src(%arg9 : memref<64x128xf32, #tpu.memory_space<vmem>>) dst(%dma_wait3A_65 : memref<64x128xf32, #tpu.memory_space<vmem_shared>>)
      tpu.yield
    }) : () -> ()
    %add3A_16 = arith.constant 192 : i32
    %add3A_17 = arith.addi %mul3A_2, %add3A_16 : i32
    "tpu.region"() ({
      %run_scoped3A = tpu.sem_alloc : memref<!tpu.dma_semaphore, #tpu.memory_space<semaphore_mem>>
      %dma_start3A = arith.constant 0 : i32
      %dma_start3A_60 = tpu.memref_slice %arg11[%add3A_17, %dma_start3A] : memref<10240x128xf32, #tpu.memory_space<vmem_shared>> -> memref<64x128xf32, #tpu.memory_space<vmem_shared>>
      %dma_start3A_61 = arith.constant 0 : i32
      %dma_start3A_62 = tpu.memref_slice %arg11[%add3A_17, %dma_start3A_61] : memref<10240x128xf32, #tpu.memory_space<vmem_shared>> -> memref<64x128xf32, #tpu.memory_space<vmem_shared>>
      tpu.enqueue_dma source(%arg9 : memref<64x128xf32, #tpu.memory_space<vmem>>) target(%dma_start3A_62 : memref<64x128xf32, #tpu.memory_space<vmem_shared>>) target_semaphore(%run_scoped3A : memref<!tpu.dma_semaphore, #tpu.memory_space<semaphore_mem>>)
      %dma_wait3A = arith.constant 0 : i32
      %dma_wait3A_63 = tpu.memref_slice %arg11[%add3A_17, %dma_wait3A] : memref<10240x128xf32, #tpu.memory_space<vmem_shared>> -> memref<64x128xf32, #tpu.memory_space<vmem_shared>>
      %dma_wait3A_64 = arith.constant 0 : i32
      %dma_wait3A_65 = tpu.memref_slice %arg11[%add3A_17, %dma_wait3A_64] : memref<10240x128xf32, #tpu.memory_space<vmem_shared>> -> memref<64x128xf32, #tpu.memory_space<vmem_shared>>
      tpu.wait_dma2 semaphore(%run_scoped3A : memref<!tpu.dma_semaphore, #tpu.memory_space<semaphore_mem>>) src(%arg9 : memref<64x128xf32, #tpu.memory_space<vmem>>) dst(%dma_wait3A_65 : memref<64x128xf32, #tpu.memory_space<vmem_shared>>)
      tpu.yield
    }) : () -> ()
    %add3A_18 = arith.constant 256 : i32
    %add3A_19 = arith.addi %mul3A_2, %add3A_18 : i32
    "tpu.region"() ({
      %run_scoped3A = tpu.sem_alloc : memref<!tpu.dma_semaphore, #tpu.memory_space<semaphore_mem>>
      %dma_start3A = arith.constant 0 : i32
      %dma_start3A_60 = tpu.memref_slice %arg11[%add3A_19, %dma_start3A] : memref<10240x128xf32, #tpu.memory_space<vmem_shared>> -> memref<64x128xf32, #tpu.memory_space<vmem_shared>>
      %dma_start3A_61 = arith.constant 0 : i32
      %dma_start3A_62 = tpu.memref_slice %arg11[%add3A_19, %dma_start3A_61] : memref<10240x128xf32, #tpu.memory_space<vmem_shared>> -> memref<64x128xf32, #tpu.memory_space<vmem_shared>>
      tpu.enqueue_dma source(%arg9 : memref<64x128xf32, #tpu.memory_space<vmem>>) target(%dma_start3A_62 : memref<64x128xf32, #tpu.memory_space<vmem_shared>>) target_semaphore(%run_scoped3A : memref<!tpu.dma_semaphore, #tpu.memory_space<semaphore_mem>>)
      %dma_wait3A = arith.constant 0 : i32
      %dma_wait3A_63 = tpu.memref_slice %arg11[%add3A_19, %dma_wait3A] : memref<10240x128xf32, #tpu.memory_space<vmem_shared>> -> memref<64x128xf32, #tpu.memory_space<vmem_shared>>
      %dma_wait3A_64 = arith.constant 0 : i32
      %dma_wait3A_65 = tpu.memref_slice %arg11[%add3A_19, %dma_wait3A_64] : memref<10240x128xf32, #tpu.memory_space<vmem_shared>> -> memref<64x128xf32, #tpu.memory_space<vmem_shared>>
      tpu.wait_dma2 semaphore(%run_scoped3A : memref<!tpu.dma_semaphore, #tpu.memory_space<semaphore_mem>>) src(%arg9 : memref<64x128xf32, #tpu.memory_space<vmem>>) dst(%dma_wait3A_65 : memref<64x128xf32, #tpu.memory_space<vmem_shared>>)
      tpu.yield
    }) : () -> ()
    %add3A_20 = arith.constant 320 : i32
    %add3A_21 = arith.addi %mul3A_2, %add3A_20 : i32
    "tpu.region"() ({
      %run_scoped3A = tpu.sem_alloc : memref<!tpu.dma_semaphore, #tpu.memory_space<semaphore_mem>>
      %dma_start3A = arith.constant 0 : i32
      %dma_start3A_60 = tpu.memref_slice %arg11[%add3A_21, %dma_start3A] : memref<10240x128xf32, #tpu.memory_space<vmem_shared>> -> memref<64x128xf32, #tpu.memory_space<vmem_shared>>
      %dma_start3A_61 = arith.constant 0 : i32
      %dma_start3A_62 = tpu.memref_slice %arg11[%add3A_21, %dma_start3A_61] : memref<10240x128xf32, #tpu.memory_space<vmem_shared>> -> memref<64x128xf32, #tpu.memory_space<vmem_shared>>
      tpu.enqueue_dma source(%arg9 : memref<64x128xf32, #tpu.memory_space<vmem>>) target(%dma_start3A_62 : memref<64x128xf32, #tpu.memory_space<vmem_shared>>) target_semaphore(%run_scoped3A : memref<!tpu.dma_semaphore, #tpu.memory_space<semaphore_mem>>)
      %dma_wait3A = arith.constant 0 : i32
      %dma_wait3A_63 = tpu.memref_slice %arg11[%add3A_21, %dma_wait3A] : memref<10240x128xf32, #tpu.memory_space<vmem_shared>> -> memref<64x128xf32, #tpu.memory_space<vmem_shared>>
      %dma_wait3A_64 = arith.constant 0 : i32
      %dma_wait3A_65 = tpu.memref_slice %arg11[%add3A_21, %dma_wait3A_64] : memref<10240x128xf32, #tpu.memory_space<vmem_shared>> -> memref<64x128xf32, #tpu.memory_space<vmem_shared>>
      tpu.wait_dma2 semaphore(%run_scoped3A : memref<!tpu.dma_semaphore, #tpu.memory_space<semaphore_mem>>) src(%arg9 : memref<64x128xf32, #tpu.memory_space<vmem>>) dst(%dma_wait3A_65 : memref<64x128xf32, #tpu.memory_space<vmem_shared>>)
      tpu.yield
    }) : () -> ()
    %add3A_22 = arith.constant 384 : i32
    %add3A_23 = arith.addi %mul3A_2, %add3A_22 : i32
    "tpu.region"() ({
      %run_scoped3A = tpu.sem_alloc : memref<!tpu.dma_semaphore, #tpu.memory_space<semaphore_mem>>
      %dma_start3A = arith.constant 0 : i32
      %dma_start3A_60 = tpu.memref_slice %arg11[%add3A_23, %dma_start3A] : memref<10240x128xf32, #tpu.memory_space<vmem_shared>> -> memref<64x128xf32, #tpu.memory_space<vmem_shared>>
      %dma_start3A_61 = arith.constant 0 : i32
      %dma_start3A_62 = tpu.memref_slice %arg11[%add3A_23, %dma_start3A_61] : memref<10240x128xf32, #tpu.memory_space<vmem_shared>> -> memref<64x128xf32, #tpu.memory_space<vmem_shared>>
      tpu.enqueue_dma source(%arg9 : memref<64x128xf32, #tpu.memory_space<vmem>>) target(%dma_start3A_62 : memref<64x128xf32, #tpu.memory_space<vmem_shared>>) target_semaphore(%run_scoped3A : memref<!tpu.dma_semaphore, #tpu.memory_space<semaphore_mem>>)
      %dma_wait3A = arith.constant 0 : i32
      %dma_wait3A_63 = tpu.memref_slice %arg11[%add3A_23, %dma_wait3A] : memref<10240x128xf32, #tpu.memory_space<vmem_shared>> -> memref<64x128xf32, #tpu.memory_space<vmem_shared>>
      %dma_wait3A_64 = arith.constant 0 : i32
      %dma_wait3A_65 = tpu.memref_slice %arg11[%add3A_23, %dma_wait3A_64] : memref<10240x128xf32, #tpu.memory_space<vmem_shared>> -> memref<64x128xf32, #tpu.memory_space<vmem_shared>>
      tpu.wait_dma2 semaphore(%run_scoped3A : memref<!tpu.dma_semaphore, #tpu.memory_space<semaphore_mem>>) src(%arg9 : memref<64x128xf32, #tpu.memory_space<vmem>>) dst(%dma_wait3A_65 : memref<64x128xf32, #tpu.memory_space<vmem_shared>>)
      tpu.yield
    }) : () -> ()
    %add3A_24 = arith.constant 448 : i32
    %add3A_25 = arith.addi %mul3A_2, %add3A_24 : i32
    "tpu.region"() ({
      %run_scoped3A = tpu.sem_alloc : memref<!tpu.dma_semaphore, #tpu.memory_space<semaphore_mem>>
      %dma_start3A = arith.constant 0 : i32
      %dma_start3A_60 = tpu.memref_slice %arg11[%add3A_25, %dma_start3A] : memref<10240x128xf32, #tpu.memory_space<vmem_shared>> -> memref<64x128xf32, #tpu.memory_space<vmem_shared>>
      %dma_start3A_61 = arith.constant 0 : i32
      %dma_start3A_62 = tpu.memref_slice %arg11[%add3A_25, %dma_start3A_61] : memref<10240x128xf32, #tpu.memory_space<vmem_shared>> -> memref<64x128xf32, #tpu.memory_space<vmem_shared>>
      tpu.enqueue_dma source(%arg9 : memref<64x128xf32, #tpu.memory_space<vmem>>) target(%dma_start3A_62 : memref<64x128xf32, #tpu.memory_space<vmem_shared>>) target_semaphore(%run_scoped3A : memref<!tpu.dma_semaphore, #tpu.memory_space<semaphore_mem>>)
      %dma_wait3A = arith.constant 0 : i32
      %dma_wait3A_63 = tpu.memref_slice %arg11[%add3A_25, %dma_wait3A] : memref<10240x128xf32, #tpu.memory_space<vmem_shared>> -> memref<64x128xf32, #tpu.memory_space<vmem_shared>>
      %dma_wait3A_64 = arith.constant 0 : i32
      %dma_wait3A_65 = tpu.memref_slice %arg11[%add3A_25, %dma_wait3A_64] : memref<10240x128xf32, #tpu.memory_space<vmem_shared>> -> memref<64x128xf32, #tpu.memory_space<vmem_shared>>
      tpu.wait_dma2 semaphore(%run_scoped3A : memref<!tpu.dma_semaphore, #tpu.memory_space<semaphore_mem>>) src(%arg9 : memref<64x128xf32, #tpu.memory_space<vmem>>) dst(%dma_wait3A_65 : memref<64x128xf32, #tpu.memory_space<vmem_shared>>)
      tpu.yield
    }) : () -> ()
    %add3A_26 = arith.constant 512 : i32
    %add3A_27 = arith.addi %mul3A_2, %add3A_26 : i32
    "tpu.region"() ({
      %run_scoped3A = tpu.sem_alloc : memref<!tpu.dma_semaphore, #tpu.memory_space<semaphore_mem>>
      %dma_start3A = arith.constant 0 : i32
      %dma_start3A_60 = tpu.memref_slice %arg11[%add3A_27, %dma_start3A] : memref<10240x128xf32, #tpu.memory_space<vmem_shared>> -> memref<64x128xf32, #tpu.memory_space<vmem_shared>>
      %dma_start3A_61 = arith.constant 0 : i32
      %dma_start3A_62 = tpu.memref_slice %arg11[%add3A_27, %dma_start3A_61] : memref<10240x128xf32, #tpu.memory_space<vmem_shared>> -> memref<64x128xf32, #tpu.memory_space<vmem_shared>>
      tpu.enqueue_dma source(%arg9 : memref<64x128xf32, #tpu.memory_space<vmem>>) target(%dma_start3A_62 : memref<64x128xf32, #tpu.memory_space<vmem_shared>>) target_semaphore(%run_scoped3A : memref<!tpu.dma_semaphore, #tpu.memory_space<semaphore_mem>>)
      %dma_wait3A = arith.constant 0 : i32
      %dma_wait3A_63 = tpu.memref_slice %arg11[%add3A_27, %dma_wait3A] : memref<10240x128xf32, #tpu.memory_space<vmem_shared>> -> memref<64x128xf32, #tpu.memory_space<vmem_shared>>
      %dma_wait3A_64 = arith.constant 0 : i32
      %dma_wait3A_65 = tpu.memref_slice %arg11[%add3A_27, %dma_wait3A_64] : memref<10240x128xf32, #tpu.memory_space<vmem_shared>> -> memref<64x128xf32, #tpu.memory_space<vmem_shared>>
      tpu.wait_dma2 semaphore(%run_scoped3A : memref<!tpu.dma_semaphore, #tpu.memory_space<semaphore_mem>>) src(%arg9 : memref<64x128xf32, #tpu.memory_space<vmem>>) dst(%dma_wait3A_65 : memref<64x128xf32, #tpu.memory_space<vmem_shared>>)
      tpu.yield
    }) : () -> ()
    %add3A_28 = arith.constant 576 : i32
    %add3A_29 = arith.addi %mul3A_2, %add3A_28 : i32
    "tpu.region"() ({
      %run_scoped3A = tpu.sem_alloc : memref<!tpu.dma_semaphore, #tpu.memory_space<semaphore_mem>>
      %dma_start3A = arith.constant 0 : i32
      %dma_start3A_60 = tpu.memref_slice %arg11[%add3A_29, %dma_start3A] : memref<10240x128xf32, #tpu.memory_space<vmem_shared>> -> memref<64x128xf32, #tpu.memory_space<vmem_shared>>
      %dma_start3A_61 = arith.constant 0 : i32
      %dma_start3A_62 = tpu.memref_slice %arg11[%add3A_29, %dma_start3A_61] : memref<10240x128xf32, #tpu.memory_space<vmem_shared>> -> memref<64x128xf32, #tpu.memory_space<vmem_shared>>
      tpu.enqueue_dma source(%arg9 : memref<64x128xf32, #tpu.memory_space<vmem>>) target(%dma_start3A_62 : memref<64x128xf32, #tpu.memory_space<vmem_shared>>) target_semaphore(%run_scoped3A : memref<!tpu.dma_semaphore, #tpu.memory_space<semaphore_mem>>)
      %dma_wait3A = arith.constant 0 : i32
      %dma_wait3A_63 = tpu.memref_slice %arg11[%add3A_29, %dma_wait3A] : memref<10240x128xf32, #tpu.memory_space<vmem_shared>> -> memref<64x128xf32, #tpu.memory_space<vmem_shared>>
      %dma_wait3A_64 = arith.constant 0 : i32
      %dma_wait3A_65 = tpu.memref_slice %arg11[%add3A_29, %dma_wait3A_64] : memref<10240x128xf32, #tpu.memory_space<vmem_shared>> -> memref<64x128xf32, #tpu.memory_space<vmem_shared>>
      tpu.wait_dma2 semaphore(%run_scoped3A : memref<!tpu.dma_semaphore, #tpu.memory_space<semaphore_mem>>) src(%arg9 : memref<64x128xf32, #tpu.memory_space<vmem>>) dst(%dma_wait3A_65 : memref<64x128xf32, #tpu.memory_space<vmem_shared>>)
      tpu.yield
    }) : () -> ()
    %barrier3A = arith.constant 0 : index
    tpu.barrier barrier_id(%barrier3A)
    %mul3A_30 = arith.constant 10000 : i32
    %mul3A_31 = arith.muli %add3A, %mul3A_30 : i32
    %scan3A_32 = arith.constant 0 : i32
    %scan3A_33 = arith.constant 0 : i32
    %scan3A_34 = arith.constant 125 : i32
    %scan3A_35 = arith.addi %scan3A_33, %scan3A_34 : i32
    %scan3A_36 = arith.constant 1 : i32
    %scan3A_37 = scf.for %scan3A_60 = %scan3A_33 to %scan3A_35 step %scan3A_36 iter_args(%scan3A_61 = %scan3A_32) -> (i32)  : i32 {
      %mul3A_62 = arith.constant 80 : i32
      %mul3A_63 = arith.muli %scan3A_60, %mul3A_62 : i32
      %add3A_64 = arith.addi %mul3A_31, %mul3A_63 : i32
      "tpu.region"() ({
        %run_scoped3A = tpu.sem_alloc : memref<!tpu.dma_semaphore, #tpu.memory_space<semaphore_mem>>
        %dma_start3A_70 = tpu.memref_slice %arg3[%add3A_64] : memref<320000xi32, #tpu.memory_space<hbm>> -> memref<80xi32, #tpu.memory_space<hbm>>
        %dma_start3A_71 = tpu.memref_slice %arg3[%add3A_64] : memref<320000xi32, #tpu.memory_space<hbm>> -> memref<80xi32, #tpu.memory_space<hbm>>
        tpu.enqueue_dma source(%dma_start3A_71 : memref<80xi32, #tpu.memory_space<hbm>>) target(%arg6 : memref<80xi32, #tpu.memory_space<vmem>>) target_semaphore(%run_scoped3A : memref<!tpu.dma_semaphore, #tpu.memory_space<semaphore_mem>>)
        %dma_wait3A_72 = tpu.memref_slice %arg3[%add3A_64] : memref<320000xi32, #tpu.memory_space<hbm>> -> memref<80xi32, #tpu.memory_space<hbm>>
        %dma_wait3A_73 = tpu.memref_slice %arg3[%add3A_64] : memref<320000xi32, #tpu.memory_space<hbm>> -> memref<80xi32, #tpu.memory_space<hbm>>
        tpu.wait_dma2 semaphore(%run_scoped3A : memref<!tpu.dma_semaphore, #tpu.memory_space<semaphore_mem>>) src(%dma_wait3A_73 : memref<80xi32, #tpu.memory_space<hbm>>) dst(%arg6 : memref<80xi32, #tpu.memory_space<vmem>>)
        tpu.yield
      }) : () -> ()
      "tpu.region"() ({
        %run_scoped3A = tpu.sem_alloc : memref<!tpu.dma_semaphore, #tpu.memory_space<semaphore_mem>>
        %dma_start3A_70 = tpu.memref_slice %arg4[%add3A_64] : memref<320000xi32, #tpu.memory_space<hbm>> -> memref<80xi32, #tpu.memory_space<hbm>>
        %dma_start3A_71 = tpu.memref_slice %arg4[%add3A_64] : memref<320000xi32, #tpu.memory_space<hbm>> -> memref<80xi32, #tpu.memory_space<hbm>>
        tpu.enqueue_dma source(%dma_start3A_71 : memref<80xi32, #tpu.memory_space<hbm>>) target(%arg7 : memref<80xi32, #tpu.memory_space<vmem>>) target_semaphore(%run_scoped3A : memref<!tpu.dma_semaphore, #tpu.memory_space<semaphore_mem>>)
        %dma_wait3A_72 = tpu.memref_slice %arg4[%add3A_64] : memref<320000xi32, #tpu.memory_space<hbm>> -> memref<80xi32, #tpu.memory_space<hbm>>
        %dma_wait3A_73 = tpu.memref_slice %arg4[%add3A_64] : memref<320000xi32, #tpu.memory_space<hbm>> -> memref<80xi32, #tpu.memory_space<hbm>>
        tpu.wait_dma2 semaphore(%run_scoped3A : memref<!tpu.dma_semaphore, #tpu.memory_space<semaphore_mem>>) src(%dma_wait3A_73 : memref<80xi32, #tpu.memory_space<hbm>>) dst(%arg7 : memref<80xi32, #tpu.memory_space<vmem>>)
        tpu.yield
      }) : () -> ()
      %dma_start3A = arith.constant 0 : i32
      %dma_start3A_65 = arith.constant 0 : i32
      %dma_start3A_66 = tpu.memref_slice %arg2[%dma_start3A, %dma_start3A_65] : memref<10240x128xf32, #tpu.memory_space<hbm>> -> memref<10240x128xf32, #tpu.memory_space<hbm>>
      tpu.enqueue_indirect_dma source(%dma_start3A_66 : memref<10240x128xf32, #tpu.memory_space<hbm>>) target(%arg8 : memref<80x128xf32, #tpu.memory_space<vmem>>) offsets(%arg6 : memref<80xi32, #tpu.memory_space<vmem>>) semaphore(%arg10 : memref<!tpu.dma_semaphore, #tpu.memory_space<semaphore_mem>>)
      %dma_wait3A = arith.constant 0 : i32
      %dma_wait3A_67 = arith.constant 0 : i32
      %dma_wait3A_68 = tpu.memref_slice %arg2[%dma_wait3A, %dma_wait3A_67] : memref<10240x128xf32, #tpu.memory_space<hbm>> -> memref<10240x128xf32, #tpu.memory_space<hbm>>
      tpu.wait_indirect_dma semaphore(%arg10 : memref<!tpu.dma_semaphore, #tpu.memory_space<semaphore_mem>>) src(%dma_wait3A_68 : memref<10240x128xf32, #tpu.memory_space<hbm>>) dst(%arg8 : memref<80x128xf32, #tpu.memory_space<vmem>>)
      "tpu.region"() ({
        %run_scoped3A = tpu.sem_alloc : memref<!tpu.dma_semaphore, #tpu.memory_space<semaphore_mem>>
        %dma_start3A_70 = arith.constant 0 : i32
        %dma_start3A_71 = arith.constant 0 : i32
        %dma_start3A_72 = tpu.memref_slice %arg11[%dma_start3A_70, %dma_start3A_71] : memref<10240x128xf32, #tpu.memory_space<vmem_shared>> -> memref<10240x128xf32, #tpu.memory_space<vmem_shared>>
        tpu.enqueue_indirect_dma source(%arg8 : memref<80x128xf32, #tpu.memory_space<vmem>>) target(%dma_start3A_72 : memref<10240x128xf32, #tpu.memory_space<vmem_shared>>) offsets(%arg7 : memref<80xi32, #tpu.memory_space<vmem>>) semaphore(%run_scoped3A : memref<!tpu.dma_semaphore, #tpu.memory_space<semaphore_mem>>) {add = true}
        %dma_wait3A_73 = arith.constant 0 : i32
        %dma_wait3A_74 = arith.constant 0 : i32
        %dma_wait3A_75 = tpu.memref_slice %arg11[%dma_wait3A_73, %dma_wait3A_74] : memref<10240x128xf32, #tpu.memory_space<vmem_shared>> -> memref<10240x128xf32, #tpu.memory_space<vmem_shared>>
        tpu.wait_indirect_dma semaphore(%run_scoped3A : memref<!tpu.dma_semaphore, #tpu.memory_space<semaphore_mem>>) src(%arg8 : memref<80x128xf32, #tpu.memory_space<vmem>>) dst(%dma_wait3A_75 : memref<10240x128xf32, #tpu.memory_space<vmem_shared>>)
        tpu.yield
      }) : () -> ()
      %scan3A_69 = arith.constant 0 : i32
      scf.yield %scan3A_69 : i32
    }
    %scan3A_38 = arith.constant 125 : i32
    %barrier3A_39 = arith.constant 0 : index
    tpu.barrier barrier_id(%barrier3A_39)
    %add3A_40 = arith.constant 0 : i32
    %add3A_41 = arith.addi %mul3A_2, %add3A_40 : i32
    "tpu.region"() ({
      %run_scoped3A = tpu.sem_alloc : memref<!tpu.dma_semaphore, #tpu.memory_space<semaphore_mem>>
      %dma_start3A = arith.constant 0 : i32
      %dma_start3A_60 = tpu.memref_slice %arg11[%add3A_41, %dma_start3A] : memref<10240x128xf32, #tpu.memory_space<vmem_shared>> -> memref<64x128xf32, #tpu.memory_space<vmem_shared>>
      %dma_start3A_61 = arith.constant 0 : i32
      %dma_start3A_62 = tpu.memref_slice %arg11[%add3A_41, %dma_start3A_61] : memref<10240x128xf32, #tpu.memory_space<vmem_shared>> -> memref<64x128xf32, #tpu.memory_space<vmem_shared>>
      tpu.enqueue_dma source(%dma_start3A_62 : memref<64x128xf32, #tpu.memory_space<vmem_shared>>) target(%arg9 : memref<64x128xf32, #tpu.memory_space<vmem>>) target_semaphore(%run_scoped3A : memref<!tpu.dma_semaphore, #tpu.memory_space<semaphore_mem>>)
      %dma_wait3A = arith.constant 0 : i32
      %dma_wait3A_63 = tpu.memref_slice %arg11[%add3A_41, %dma_wait3A] : memref<10240x128xf32, #tpu.memory_space<vmem_shared>> -> memref<64x128xf32, #tpu.memory_space<vmem_shared>>
      %dma_wait3A_64 = arith.constant 0 : i32
      %dma_wait3A_65 = tpu.memref_slice %arg11[%add3A_41, %dma_wait3A_64] : memref<10240x128xf32, #tpu.memory_space<vmem_shared>> -> memref<64x128xf32, #tpu.memory_space<vmem_shared>>
      tpu.wait_dma2 semaphore(%run_scoped3A : memref<!tpu.dma_semaphore, #tpu.memory_space<semaphore_mem>>) src(%dma_wait3A_65 : memref<64x128xf32, #tpu.memory_space<vmem_shared>>) dst(%arg9 : memref<64x128xf32, #tpu.memory_space<vmem>>)
      tpu.yield
    }) : () -> ()
    "tpu.region"() ({
      %run_scoped3A = tpu.sem_alloc : memref<!tpu.dma_semaphore, #tpu.memory_space<semaphore_mem>>
      %dma_start3A = arith.constant 0 : i32
      %dma_start3A_60 = tpu.memref_slice %arg5[%arg0, %add3A_41, %dma_start3A] : memref<2x10240x128xf32, #tpu.memory_space<hbm>> -> memref<1x64x128xf32, #tpu.memory_space<hbm>>
      %dma_start3A_61 = tpu.memref_squeeze %dma_start3A_60 : memref<1x64x128xf32, #tpu.memory_space<hbm>> -> memref<64x128xf32, #tpu.memory_space<hbm>>
      %dma_start3A_62 = arith.constant 0 : i32
      %dma_start3A_63 = tpu.memref_slice %arg5[%arg0, %add3A_41, %dma_start3A_62] : memref<2x10240x128xf32, #tpu.memory_space<hbm>> -> memref<1x64x128xf32, #tpu.memory_space<hbm>>
      %dma_start3A_64 = tpu.memref_squeeze %dma_start3A_63 : memref<1x64x128xf32, #tpu.memory_space<hbm>> -> memref<64x128xf32, #tpu.memory_space<hbm>>
      tpu.enqueue_dma source(%arg9 : memref<64x128xf32, #tpu.memory_space<vmem>>) target(%dma_start3A_64 : memref<64x128xf32, #tpu.memory_space<hbm>>) target_semaphore(%run_scoped3A : memref<!tpu.dma_semaphore, #tpu.memory_space<semaphore_mem>>)
      %dma_wait3A = arith.constant 0 : i32
      %dma_wait3A_65 = tpu.memref_slice %arg5[%arg0, %add3A_41, %dma_wait3A] : memref<2x10240x128xf32, #tpu.memory_space<hbm>> -> memref<1x64x128xf32, #tpu.memory_space<hbm>>
      %dma_wait3A_66 = tpu.memref_squeeze %dma_wait3A_65 : memref<1x64x128xf32, #tpu.memory_space<hbm>> -> memref<64x128xf32, #tpu.memory_space<hbm>>
      %dma_wait3A_67 = arith.constant 0 : i32
      %dma_wait3A_68 = tpu.memref_slice %arg5[%arg0, %add3A_41, %dma_wait3A_67] : memref<2x10240x128xf32, #tpu.memory_space<hbm>> -> memref<1x64x128xf32, #tpu.memory_space<hbm>>
      %dma_wait3A_69 = tpu.memref_squeeze %dma_wait3A_68 : memref<1x64x128xf32, #tpu.memory_space<hbm>> -> memref<64x128xf32, #tpu.memory_space<hbm>>
      tpu.wait_dma2 semaphore(%run_scoped3A : memref<!tpu.dma_semaphore, #tpu.memory_space<semaphore_mem>>) src(%arg9 : memref<64x128xf32, #tpu.memory_space<vmem>>) dst(%dma_wait3A_69 : memref<64x128xf32, #tpu.memory_space<hbm>>)
      tpu.yield
    }) : () -> ()
    %add3A_42 = arith.constant 64 : i32
    %add3A_43 = arith.addi %mul3A_2, %add3A_42 : i32
    "tpu.region"() ({
      %run_scoped3A = tpu.sem_alloc : memref<!tpu.dma_semaphore, #tpu.memory_space<semaphore_mem>>
      %dma_start3A = arith.constant 0 : i32
      %dma_start3A_60 = tpu.memref_slice %arg11[%add3A_43, %dma_start3A] : memref<10240x128xf32, #tpu.memory_space<vmem_shared>> -> memref<64x128xf32, #tpu.memory_space<vmem_shared>>
      %dma_start3A_61 = arith.constant 0 : i32
      %dma_start3A_62 = tpu.memref_slice %arg11[%add3A_43, %dma_start3A_61] : memref<10240x128xf32, #tpu.memory_space<vmem_shared>> -> memref<64x128xf32, #tpu.memory_space<vmem_shared>>
      tpu.enqueue_dma source(%dma_start3A_62 : memref<64x128xf32, #tpu.memory_space<vmem_shared>>) target(%arg9 : memref<64x128xf32, #tpu.memory_space<vmem>>) target_semaphore(%run_scoped3A : memref<!tpu.dma_semaphore, #tpu.memory_space<semaphore_mem>>)
      %dma_wait3A = arith.constant 0 : i32
      %dma_wait3A_63 = tpu.memref_slice %arg11[%add3A_43, %dma_wait3A] : memref<10240x128xf32, #tpu.memory_space<vmem_shared>> -> memref<64x128xf32, #tpu.memory_space<vmem_shared>>
      %dma_wait3A_64 = arith.constant 0 : i32
      %dma_wait3A_65 = tpu.memref_slice %arg11[%add3A_43, %dma_wait3A_64] : memref<10240x128xf32, #tpu.memory_space<vmem_shared>> -> memref<64x128xf32, #tpu.memory_space<vmem_shared>>
      tpu.wait_dma2 semaphore(%run_scoped3A : memref<!tpu.dma_semaphore, #tpu.memory_space<semaphore_mem>>) src(%dma_wait3A_65 : memref<64x128xf32, #tpu.memory_space<vmem_shared>>) dst(%arg9 : memref<64x128xf32, #tpu.memory_space<vmem>>)
      tpu.yield
    }) : () -> ()
    "tpu.region"() ({
      %run_scoped3A = tpu.sem_alloc : memref<!tpu.dma_semaphore, #tpu.memory_space<semaphore_mem>>
      %dma_start3A = arith.constant 0 : i32
      %dma_start3A_60 = tpu.memref_slice %arg5[%arg0, %add3A_43, %dma_start3A] : memref<2x10240x128xf32, #tpu.memory_space<hbm>> -> memref<1x64x128xf32, #tpu.memory_space<hbm>>
      %dma_start3A_61 = tpu.memref_squeeze %dma_start3A_60 : memref<1x64x128xf32, #tpu.memory_space<hbm>> -> memref<64x128xf32, #tpu.memory_space<hbm>>
      %dma_start3A_62 = arith.constant 0 : i32
      %dma_start3A_63 = tpu.memref_slice %arg5[%arg0, %add3A_43, %dma_start3A_62] : memref<2x10240x128xf32, #tpu.memory_space<hbm>> -> memref<1x64x128xf32, #tpu.memory_space<hbm>>
      %dma_start3A_64 = tpu.memref_squeeze %dma_start3A_63 : memref<1x64x128xf32, #tpu.memory_space<hbm>> -> memref<64x128xf32, #tpu.memory_space<hbm>>
      tpu.enqueue_dma source(%arg9 : memref<64x128xf32, #tpu.memory_space<vmem>>) target(%dma_start3A_64 : memref<64x128xf32, #tpu.memory_space<hbm>>) target_semaphore(%run_scoped3A : memref<!tpu.dma_semaphore, #tpu.memory_space<semaphore_mem>>)
      %dma_wait3A = arith.constant 0 : i32
      %dma_wait3A_65 = tpu.memref_slice %arg5[%arg0, %add3A_43, %dma_wait3A] : memref<2x10240x128xf32, #tpu.memory_space<hbm>> -> memref<1x64x128xf32, #tpu.memory_space<hbm>>
      %dma_wait3A_66 = tpu.memref_squeeze %dma_wait3A_65 : memref<1x64x128xf32, #tpu.memory_space<hbm>> -> memref<64x128xf32, #tpu.memory_space<hbm>>
      %dma_wait3A_67 = arith.constant 0 : i32
      %dma_wait3A_68 = tpu.memref_slice %arg5[%arg0, %add3A_43, %dma_wait3A_67] : memref<2x10240x128xf32, #tpu.memory_space<hbm>> -> memref<1x64x128xf32, #tpu.memory_space<hbm>>
      %dma_wait3A_69 = tpu.memref_squeeze %dma_wait3A_68 : memref<1x64x128xf32, #tpu.memory_space<hbm>> -> memref<64x128xf32, #tpu.memory_space<hbm>>
      tpu.wait_dma2 semaphore(%run_scoped3A : memref<!tpu.dma_semaphore, #tpu.memory_space<semaphore_mem>>) src(%arg9 : memref<64x128xf32, #tpu.memory_space<vmem>>) dst(%dma_wait3A_69 : memref<64x128xf32, #tpu.memory_space<hbm>>)
      tpu.yield
    }) : () -> ()
    %add3A_44 = arith.constant 128 : i32
    %add3A_45 = arith.addi %mul3A_2, %add3A_44 : i32
    "tpu.region"() ({
      %run_scoped3A = tpu.sem_alloc : memref<!tpu.dma_semaphore, #tpu.memory_space<semaphore_mem>>
      %dma_start3A = arith.constant 0 : i32
      %dma_start3A_60 = tpu.memref_slice %arg11[%add3A_45, %dma_start3A] : memref<10240x128xf32, #tpu.memory_space<vmem_shared>> -> memref<64x128xf32, #tpu.memory_space<vmem_shared>>
      %dma_start3A_61 = arith.constant 0 : i32
      %dma_start3A_62 = tpu.memref_slice %arg11[%add3A_45, %dma_start3A_61] : memref<10240x128xf32, #tpu.memory_space<vmem_shared>> -> memref<64x128xf32, #tpu.memory_space<vmem_shared>>
      tpu.enqueue_dma source(%dma_start3A_62 : memref<64x128xf32, #tpu.memory_space<vmem_shared>>) target(%arg9 : memref<64x128xf32, #tpu.memory_space<vmem>>) target_semaphore(%run_scoped3A : memref<!tpu.dma_semaphore, #tpu.memory_space<semaphore_mem>>)
      %dma_wait3A = arith.constant 0 : i32
      %dma_wait3A_63 = tpu.memref_slice %arg11[%add3A_45, %dma_wait3A] : memref<10240x128xf32, #tpu.memory_space<vmem_shared>> -> memref<64x128xf32, #tpu.memory_space<vmem_shared>>
      %dma_wait3A_64 = arith.constant 0 : i32
      %dma_wait3A_65 = tpu.memref_slice %arg11[%add3A_45, %dma_wait3A_64] : memref<10240x128xf32, #tpu.memory_space<vmem_shared>> -> memref<64x128xf32, #tpu.memory_space<vmem_shared>>
      tpu.wait_dma2 semaphore(%run_scoped3A : memref<!tpu.dma_semaphore, #tpu.memory_space<semaphore_mem>>) src(%dma_wait3A_65 : memref<64x128xf32, #tpu.memory_space<vmem_shared>>) dst(%arg9 : memref<64x128xf32, #tpu.memory_space<vmem>>)
      tpu.yield
    }) : () -> ()
    "tpu.region"() ({
      %run_scoped3A = tpu.sem_alloc : memref<!tpu.dma_semaphore, #tpu.memory_space<semaphore_mem>>
      %dma_start3A = arith.constant 0 : i32
      %dma_start3A_60 = tpu.memref_slice %arg5[%arg0, %add3A_45, %dma_start3A] : memref<2x10240x128xf32, #tpu.memory_space<hbm>> -> memref<1x64x128xf32, #tpu.memory_space<hbm>>
      %dma_start3A_61 = tpu.memref_squeeze %dma_start3A_60 : memref<1x64x128xf32, #tpu.memory_space<hbm>> -> memref<64x128xf32, #tpu.memory_space<hbm>>
      %dma_start3A_62 = arith.constant 0 : i32
      %dma_start3A_63 = tpu.memref_slice %arg5[%arg0, %add3A_45, %dma_start3A_62] : memref<2x10240x128xf32, #tpu.memory_space<hbm>> -> memref<1x64x128xf32, #tpu.memory_space<hbm>>
      %dma_start3A_64 = tpu.memref_squeeze %dma_start3A_63 : memref<1x64x128xf32, #tpu.memory_space<hbm>> -> memref<64x128xf32, #tpu.memory_space<hbm>>
      tpu.enqueue_dma source(%arg9 : memref<64x128xf32, #tpu.memory_space<vmem>>) target(%dma_start3A_64 : memref<64x128xf32, #tpu.memory_space<hbm>>) target_semaphore(%run_scoped3A : memref<!tpu.dma_semaphore, #tpu.memory_space<semaphore_mem>>)
      %dma_wait3A = arith.constant 0 : i32
      %dma_wait3A_65 = tpu.memref_slice %arg5[%arg0, %add3A_45, %dma_wait3A] : memref<2x10240x128xf32, #tpu.memory_space<hbm>> -> memref<1x64x128xf32, #tpu.memory_space<hbm>>
      %dma_wait3A_66 = tpu.memref_squeeze %dma_wait3A_65 : memref<1x64x128xf32, #tpu.memory_space<hbm>> -> memref<64x128xf32, #tpu.memory_space<hbm>>
      %dma_wait3A_67 = arith.constant 0 : i32
      %dma_wait3A_68 = tpu.memref_slice %arg5[%arg0, %add3A_45, %dma_wait3A_67] : memref<2x10240x128xf32, #tpu.memory_space<hbm>> -> memref<1x64x128xf32, #tpu.memory_space<hbm>>
      %dma_wait3A_69 = tpu.memref_squeeze %dma_wait3A_68 : memref<1x64x128xf32, #tpu.memory_space<hbm>> -> memref<64x128xf32, #tpu.memory_space<hbm>>
      tpu.wait_dma2 semaphore(%run_scoped3A : memref<!tpu.dma_semaphore, #tpu.memory_space<semaphore_mem>>) src(%arg9 : memref<64x128xf32, #tpu.memory_space<vmem>>) dst(%dma_wait3A_69 : memref<64x128xf32, #tpu.memory_space<hbm>>)
      tpu.yield
    }) : () -> ()
    %add3A_46 = arith.constant 192 : i32
    %add3A_47 = arith.addi %mul3A_2, %add3A_46 : i32
    "tpu.region"() ({
      %run_scoped3A = tpu.sem_alloc : memref<!tpu.dma_semaphore, #tpu.memory_space<semaphore_mem>>
      %dma_start3A = arith.constant 0 : i32
      %dma_start3A_60 = tpu.memref_slice %arg11[%add3A_47, %dma_start3A] : memref<10240x128xf32, #tpu.memory_space<vmem_shared>> -> memref<64x128xf32, #tpu.memory_space<vmem_shared>>
      %dma_start3A_61 = arith.constant 0 : i32
      %dma_start3A_62 = tpu.memref_slice %arg11[%add3A_47, %dma_start3A_61] : memref<10240x128xf32, #tpu.memory_space<vmem_shared>> -> memref<64x128xf32, #tpu.memory_space<vmem_shared>>
      tpu.enqueue_dma source(%dma_start3A_62 : memref<64x128xf32, #tpu.memory_space<vmem_shared>>) target(%arg9 : memref<64x128xf32, #tpu.memory_space<vmem>>) target_semaphore(%run_scoped3A : memref<!tpu.dma_semaphore, #tpu.memory_space<semaphore_mem>>)
      %dma_wait3A = arith.constant 0 : i32
      %dma_wait3A_63 = tpu.memref_slice %arg11[%add3A_47, %dma_wait3A] : memref<10240x128xf32, #tpu.memory_space<vmem_shared>> -> memref<64x128xf32, #tpu.memory_space<vmem_shared>>
      %dma_wait3A_64 = arith.constant 0 : i32
      %dma_wait3A_65 = tpu.memref_slice %arg11[%add3A_47, %dma_wait3A_64] : memref<10240x128xf32, #tpu.memory_space<vmem_shared>> -> memref<64x128xf32, #tpu.memory_space<vmem_shared>>
      tpu.wait_dma2 semaphore(%run_scoped3A : memref<!tpu.dma_semaphore, #tpu.memory_space<semaphore_mem>>) src(%dma_wait3A_65 : memref<64x128xf32, #tpu.memory_space<vmem_shared>>) dst(%arg9 : memref<64x128xf32, #tpu.memory_space<vmem>>)
      tpu.yield
    }) : () -> ()
    "tpu.region"() ({
      %run_scoped3A = tpu.sem_alloc : memref<!tpu.dma_semaphore, #tpu.memory_space<semaphore_mem>>
      %dma_start3A = arith.constant 0 : i32
      %dma_start3A_60 = tpu.memref_slice %arg5[%arg0, %add3A_47, %dma_start3A] : memref<2x10240x128xf32, #tpu.memory_space<hbm>> -> memref<1x64x128xf32, #tpu.memory_space<hbm>>
      %dma_start3A_61 = tpu.memref_squeeze %dma_start3A_60 : memref<1x64x128xf32, #tpu.memory_space<hbm>> -> memref<64x128xf32, #tpu.memory_space<hbm>>
      %dma_start3A_62 = arith.constant 0 : i32
      %dma_start3A_63 = tpu.memref_slice %arg5[%arg0, %add3A_47, %dma_start3A_62] : memref<2x10240x128xf32, #tpu.memory_space<hbm>> -> memref<1x64x128xf32, #tpu.memory_space<hbm>>
      %dma_start3A_64 = tpu.memref_squeeze %dma_start3A_63 : memref<1x64x128xf32, #tpu.memory_space<hbm>> -> memref<64x128xf32, #tpu.memory_space<hbm>>
      tpu.enqueue_dma source(%arg9 : memref<64x128xf32, #tpu.memory_space<vmem>>) target(%dma_start3A_64 : memref<64x128xf32, #tpu.memory_space<hbm>>) target_semaphore(%run_scoped3A : memref<!tpu.dma_semaphore, #tpu.memory_space<semaphore_mem>>)
      %dma_wait3A = arith.constant 0 : i32
      %dma_wait3A_65 = tpu.memref_slice %arg5[%arg0, %add3A_47, %dma_wait3A] : memref<2x10240x128xf32, #tpu.memory_space<hbm>> -> memref<1x64x128xf32, #tpu.memory_space<hbm>>
      %dma_wait3A_66 = tpu.memref_squeeze %dma_wait3A_65 : memref<1x64x128xf32, #tpu.memory_space<hbm>> -> memref<64x128xf32, #tpu.memory_space<hbm>>
      %dma_wait3A_67 = arith.constant 0 : i32
      %dma_wait3A_68 = tpu.memref_slice %arg5[%arg0, %add3A_47, %dma_wait3A_67] : memref<2x10240x128xf32, #tpu.memory_space<hbm>> -> memref<1x64x128xf32, #tpu.memory_space<hbm>>
      %dma_wait3A_69 = tpu.memref_squeeze %dma_wait3A_68 : memref<1x64x128xf32, #tpu.memory_space<hbm>> -> memref<64x128xf32, #tpu.memory_space<hbm>>
      tpu.wait_dma2 semaphore(%run_scoped3A : memref<!tpu.dma_semaphore, #tpu.memory_space<semaphore_mem>>) src(%arg9 : memref<64x128xf32, #tpu.memory_space<vmem>>) dst(%dma_wait3A_69 : memref<64x128xf32, #tpu.memory_space<hbm>>)
      tpu.yield
    }) : () -> ()
    %add3A_48 = arith.constant 256 : i32
    %add3A_49 = arith.addi %mul3A_2, %add3A_48 : i32
    "tpu.region"() ({
      %run_scoped3A = tpu.sem_alloc : memref<!tpu.dma_semaphore, #tpu.memory_space<semaphore_mem>>
      %dma_start3A = arith.constant 0 : i32
      %dma_start3A_60 = tpu.memref_slice %arg11[%add3A_49, %dma_start3A] : memref<10240x128xf32, #tpu.memory_space<vmem_shared>> -> memref<64x128xf32, #tpu.memory_space<vmem_shared>>
      %dma_start3A_61 = arith.constant 0 : i32
      %dma_start3A_62 = tpu.memref_slice %arg11[%add3A_49, %dma_start3A_61] : memref<10240x128xf32, #tpu.memory_space<vmem_shared>> -> memref<64x128xf32, #tpu.memory_space<vmem_shared>>
      tpu.enqueue_dma source(%dma_start3A_62 : memref<64x128xf32, #tpu.memory_space<vmem_shared>>) target(%arg9 : memref<64x128xf32, #tpu.memory_space<vmem>>) target_semaphore(%run_scoped3A : memref<!tpu.dma_semaphore, #tpu.memory_space<semaphore_mem>>)
      %dma_wait3A = arith.constant 0 : i32
      %dma_wait3A_63 = tpu.memref_slice %arg11[%add3A_49, %dma_wait3A] : memref<10240x128xf32, #tpu.memory_space<vmem_shared>> -> memref<64x128xf32, #tpu.memory_space<vmem_shared>>
      %dma_wait3A_64 = arith.constant 0 : i32
      %dma_wait3A_65 = tpu.memref_slice %arg11[%add3A_49, %dma_wait3A_64] : memref<10240x128xf32, #tpu.memory_space<vmem_shared>> -> memref<64x128xf32, #tpu.memory_space<vmem_shared>>
      tpu.wait_dma2 semaphore(%run_scoped3A : memref<!tpu.dma_semaphore, #tpu.memory_space<semaphore_mem>>) src(%dma_wait3A_65 : memref<64x128xf32, #tpu.memory_space<vmem_shared>>) dst(%arg9 : memref<64x128xf32, #tpu.memory_space<vmem>>)
      tpu.yield
    }) : () -> ()
    "tpu.region"() ({
      %run_scoped3A = tpu.sem_alloc : memref<!tpu.dma_semaphore, #tpu.memory_space<semaphore_mem>>
      %dma_start3A = arith.constant 0 : i32
      %dma_start3A_60 = tpu.memref_slice %arg5[%arg0, %add3A_49, %dma_start3A] : memref<2x10240x128xf32, #tpu.memory_space<hbm>> -> memref<1x64x128xf32, #tpu.memory_space<hbm>>
      %dma_start3A_61 = tpu.memref_squeeze %dma_start3A_60 : memref<1x64x128xf32, #tpu.memory_space<hbm>> -> memref<64x128xf32, #tpu.memory_space<hbm>>
      %dma_start3A_62 = arith.constant 0 : i32
      %dma_start3A_63 = tpu.memref_slice %arg5[%arg0, %add3A_49, %dma_start3A_62] : memref<2x10240x128xf32, #tpu.memory_space<hbm>> -> memref<1x64x128xf32, #tpu.memory_space<hbm>>
      %dma_start3A_64 = tpu.memref_squeeze %dma_start3A_63 : memref<1x64x128xf32, #tpu.memory_space<hbm>> -> memref<64x128xf32, #tpu.memory_space<hbm>>
      tpu.enqueue_dma source(%arg9 : memref<64x128xf32, #tpu.memory_space<vmem>>) target(%dma_start3A_64 : memref<64x128xf32, #tpu.memory_space<hbm>>) target_semaphore(%run_scoped3A : memref<!tpu.dma_semaphore, #tpu.memory_space<semaphore_mem>>)
      %dma_wait3A = arith.constant 0 : i32
      %dma_wait3A_65 = tpu.memref_slice %arg5[%arg0, %add3A_49, %dma_wait3A] : memref<2x10240x128xf32, #tpu.memory_space<hbm>> -> memref<1x64x128xf32, #tpu.memory_space<hbm>>
      %dma_wait3A_66 = tpu.memref_squeeze %dma_wait3A_65 : memref<1x64x128xf32, #tpu.memory_space<hbm>> -> memref<64x128xf32, #tpu.memory_space<hbm>>
      %dma_wait3A_67 = arith.constant 0 : i32
      %dma_wait3A_68 = tpu.memref_slice %arg5[%arg0, %add3A_49, %dma_wait3A_67] : memref<2x10240x128xf32, #tpu.memory_space<hbm>> -> memref<1x64x128xf32, #tpu.memory_space<hbm>>
      %dma_wait3A_69 = tpu.memref_squeeze %dma_wait3A_68 : memref<1x64x128xf32, #tpu.memory_space<hbm>> -> memref<64x128xf32, #tpu.memory_space<hbm>>
      tpu.wait_dma2 semaphore(%run_scoped3A : memref<!tpu.dma_semaphore, #tpu.memory_space<semaphore_mem>>) src(%arg9 : memref<64x128xf32, #tpu.memory_space<vmem>>) dst(%dma_wait3A_69 : memref<64x128xf32, #tpu.memory_space<hbm>>)
      tpu.yield
    }) : () -> ()
    %add3A_50 = arith.constant 320 : i32
    %add3A_51 = arith.addi %mul3A_2, %add3A_50 : i32
    "tpu.region"() ({
      %run_scoped3A = tpu.sem_alloc : memref<!tpu.dma_semaphore, #tpu.memory_space<semaphore_mem>>
      %dma_start3A = arith.constant 0 : i32
      %dma_start3A_60 = tpu.memref_slice %arg11[%add3A_51, %dma_start3A] : memref<10240x128xf32, #tpu.memory_space<vmem_shared>> -> memref<64x128xf32, #tpu.memory_space<vmem_shared>>
      %dma_start3A_61 = arith.constant 0 : i32
      %dma_start3A_62 = tpu.memref_slice %arg11[%add3A_51, %dma_start3A_61] : memref<10240x128xf32, #tpu.memory_space<vmem_shared>> -> memref<64x128xf32, #tpu.memory_space<vmem_shared>>
      tpu.enqueue_dma source(%dma_start3A_62 : memref<64x128xf32, #tpu.memory_space<vmem_shared>>) target(%arg9 : memref<64x128xf32, #tpu.memory_space<vmem>>) target_semaphore(%run_scoped3A : memref<!tpu.dma_semaphore, #tpu.memory_space<semaphore_mem>>)
      %dma_wait3A = arith.constant 0 : i32
      %dma_wait3A_63 = tpu.memref_slice %arg11[%add3A_51, %dma_wait3A] : memref<10240x128xf32, #tpu.memory_space<vmem_shared>> -> memref<64x128xf32, #tpu.memory_space<vmem_shared>>
      %dma_wait3A_64 = arith.constant 0 : i32
      %dma_wait3A_65 = tpu.memref_slice %arg11[%add3A_51, %dma_wait3A_64] : memref<10240x128xf32, #tpu.memory_space<vmem_shared>> -> memref<64x128xf32, #tpu.memory_space<vmem_shared>>
      tpu.wait_dma2 semaphore(%run_scoped3A : memref<!tpu.dma_semaphore, #tpu.memory_space<semaphore_mem>>) src(%dma_wait3A_65 : memref<64x128xf32, #tpu.memory_space<vmem_shared>>) dst(%arg9 : memref<64x128xf32, #tpu.memory_space<vmem>>)
      tpu.yield
    }) : () -> ()
    "tpu.region"() ({
      %run_scoped3A = tpu.sem_alloc : memref<!tpu.dma_semaphore, #tpu.memory_space<semaphore_mem>>
      %dma_start3A = arith.constant 0 : i32
      %dma_start3A_60 = tpu.memref_slice %arg5[%arg0, %add3A_51, %dma_start3A] : memref<2x10240x128xf32, #tpu.memory_space<hbm>> -> memref<1x64x128xf32, #tpu.memory_space<hbm>>
      %dma_start3A_61 = tpu.memref_squeeze %dma_start3A_60 : memref<1x64x128xf32, #tpu.memory_space<hbm>> -> memref<64x128xf32, #tpu.memory_space<hbm>>
      %dma_start3A_62 = arith.constant 0 : i32
      %dma_start3A_63 = tpu.memref_slice %arg5[%arg0, %add3A_51, %dma_start3A_62] : memref<2x10240x128xf32, #tpu.memory_space<hbm>> -> memref<1x64x128xf32, #tpu.memory_space<hbm>>
      %dma_start3A_64 = tpu.memref_squeeze %dma_start3A_63 : memref<1x64x128xf32, #tpu.memory_space<hbm>> -> memref<64x128xf32, #tpu.memory_space<hbm>>
      tpu.enqueue_dma source(%arg9 : memref<64x128xf32, #tpu.memory_space<vmem>>) target(%dma_start3A_64 : memref<64x128xf32, #tpu.memory_space<hbm>>) target_semaphore(%run_scoped3A : memref<!tpu.dma_semaphore, #tpu.memory_space<semaphore_mem>>)
      %dma_wait3A = arith.constant 0 : i32
      %dma_wait3A_65 = tpu.memref_slice %arg5[%arg0, %add3A_51, %dma_wait3A] : memref<2x10240x128xf32, #tpu.memory_space<hbm>> -> memref<1x64x128xf32, #tpu.memory_space<hbm>>
      %dma_wait3A_66 = tpu.memref_squeeze %dma_wait3A_65 : memref<1x64x128xf32, #tpu.memory_space<hbm>> -> memref<64x128xf32, #tpu.memory_space<hbm>>
      %dma_wait3A_67 = arith.constant 0 : i32
      %dma_wait3A_68 = tpu.memref_slice %arg5[%arg0, %add3A_51, %dma_wait3A_67] : memref<2x10240x128xf32, #tpu.memory_space<hbm>> -> memref<1x64x128xf32, #tpu.memory_space<hbm>>
      %dma_wait3A_69 = tpu.memref_squeeze %dma_wait3A_68 : memref<1x64x128xf32, #tpu.memory_space<hbm>> -> memref<64x128xf32, #tpu.memory_space<hbm>>
      tpu.wait_dma2 semaphore(%run_scoped3A : memref<!tpu.dma_semaphore, #tpu.memory_space<semaphore_mem>>) src(%arg9 : memref<64x128xf32, #tpu.memory_space<vmem>>) dst(%dma_wait3A_69 : memref<64x128xf32, #tpu.memory_space<hbm>>)
      tpu.yield
    }) : () -> ()
    %add3A_52 = arith.constant 384 : i32
    %add3A_53 = arith.addi %mul3A_2, %add3A_52 : i32
    "tpu.region"() ({
      %run_scoped3A = tpu.sem_alloc : memref<!tpu.dma_semaphore, #tpu.memory_space<semaphore_mem>>
      %dma_start3A = arith.constant 0 : i32
      %dma_start3A_60 = tpu.memref_slice %arg11[%add3A_53, %dma_start3A] : memref<10240x128xf32, #tpu.memory_space<vmem_shared>> -> memref<64x128xf32, #tpu.memory_space<vmem_shared>>
      %dma_start3A_61 = arith.constant 0 : i32
      %dma_start3A_62 = tpu.memref_slice %arg11[%add3A_53, %dma_start3A_61] : memref<10240x128xf32, #tpu.memory_space<vmem_shared>> -> memref<64x128xf32, #tpu.memory_space<vmem_shared>>
      tpu.enqueue_dma source(%dma_start3A_62 : memref<64x128xf32, #tpu.memory_space<vmem_shared>>) target(%arg9 : memref<64x128xf32, #tpu.memory_space<vmem>>) target_semaphore(%run_scoped3A : memref<!tpu.dma_semaphore, #tpu.memory_space<semaphore_mem>>)
      %dma_wait3A = arith.constant 0 : i32
      %dma_wait3A_63 = tpu.memref_slice %arg11[%add3A_53, %dma_wait3A] : memref<10240x128xf32, #tpu.memory_space<vmem_shared>> -> memref<64x128xf32, #tpu.memory_space<vmem_shared>>
      %dma_wait3A_64 = arith.constant 0 : i32
      %dma_wait3A_65 = tpu.memref_slice %arg11[%add3A_53, %dma_wait3A_64] : memref<10240x128xf32, #tpu.memory_space<vmem_shared>> -> memref<64x128xf32, #tpu.memory_space<vmem_shared>>
      tpu.wait_dma2 semaphore(%run_scoped3A : memref<!tpu.dma_semaphore, #tpu.memory_space<semaphore_mem>>) src(%dma_wait3A_65 : memref<64x128xf32, #tpu.memory_space<vmem_shared>>) dst(%arg9 : memref<64x128xf32, #tpu.memory_space<vmem>>)
      tpu.yield
    }) : () -> ()
    "tpu.region"() ({
      %run_scoped3A = tpu.sem_alloc : memref<!tpu.dma_semaphore, #tpu.memory_space<semaphore_mem>>
      %dma_start3A = arith.constant 0 : i32
      %dma_start3A_60 = tpu.memref_slice %arg5[%arg0, %add3A_53, %dma_start3A] : memref<2x10240x128xf32, #tpu.memory_space<hbm>> -> memref<1x64x128xf32, #tpu.memory_space<hbm>>
      %dma_start3A_61 = tpu.memref_squeeze %dma_start3A_60 : memref<1x64x128xf32, #tpu.memory_space<hbm>> -> memref<64x128xf32, #tpu.memory_space<hbm>>
      %dma_start3A_62 = arith.constant 0 : i32
      %dma_start3A_63 = tpu.memref_slice %arg5[%arg0, %add3A_53, %dma_start3A_62] : memref<2x10240x128xf32, #tpu.memory_space<hbm>> -> memref<1x64x128xf32, #tpu.memory_space<hbm>>
      %dma_start3A_64 = tpu.memref_squeeze %dma_start3A_63 : memref<1x64x128xf32, #tpu.memory_space<hbm>> -> memref<64x128xf32, #tpu.memory_space<hbm>>
      tpu.enqueue_dma source(%arg9 : memref<64x128xf32, #tpu.memory_space<vmem>>) target(%dma_start3A_64 : memref<64x128xf32, #tpu.memory_space<hbm>>) target_semaphore(%run_scoped3A : memref<!tpu.dma_semaphore, #tpu.memory_space<semaphore_mem>>)
      %dma_wait3A = arith.constant 0 : i32
      %dma_wait3A_65 = tpu.memref_slice %arg5[%arg0, %add3A_53, %dma_wait3A] : memref<2x10240x128xf32, #tpu.memory_space<hbm>> -> memref<1x64x128xf32, #tpu.memory_space<hbm>>
      %dma_wait3A_66 = tpu.memref_squeeze %dma_wait3A_65 : memref<1x64x128xf32, #tpu.memory_space<hbm>> -> memref<64x128xf32, #tpu.memory_space<hbm>>
      %dma_wait3A_67 = arith.constant 0 : i32
      %dma_wait3A_68 = tpu.memref_slice %arg5[%arg0, %add3A_53, %dma_wait3A_67] : memref<2x10240x128xf32, #tpu.memory_space<hbm>> -> memref<1x64x128xf32, #tpu.memory_space<hbm>>
      %dma_wait3A_69 = tpu.memref_squeeze %dma_wait3A_68 : memref<1x64x128xf32, #tpu.memory_space<hbm>> -> memref<64x128xf32, #tpu.memory_space<hbm>>
      tpu.wait_dma2 semaphore(%run_scoped3A : memref<!tpu.dma_semaphore, #tpu.memory_space<semaphore_mem>>) src(%arg9 : memref<64x128xf32, #tpu.memory_space<vmem>>) dst(%dma_wait3A_69 : memref<64x128xf32, #tpu.memory_space<hbm>>)
      tpu.yield
    }) : () -> ()
    %add3A_54 = arith.constant 448 : i32
    %add3A_55 = arith.addi %mul3A_2, %add3A_54 : i32
    "tpu.region"() ({
      %run_scoped3A = tpu.sem_alloc : memref<!tpu.dma_semaphore, #tpu.memory_space<semaphore_mem>>
      %dma_start3A = arith.constant 0 : i32
      %dma_start3A_60 = tpu.memref_slice %arg11[%add3A_55, %dma_start3A] : memref<10240x128xf32, #tpu.memory_space<vmem_shared>> -> memref<64x128xf32, #tpu.memory_space<vmem_shared>>
      %dma_start3A_61 = arith.constant 0 : i32
      %dma_start3A_62 = tpu.memref_slice %arg11[%add3A_55, %dma_start3A_61] : memref<10240x128xf32, #tpu.memory_space<vmem_shared>> -> memref<64x128xf32, #tpu.memory_space<vmem_shared>>
      tpu.enqueue_dma source(%dma_start3A_62 : memref<64x128xf32, #tpu.memory_space<vmem_shared>>) target(%arg9 : memref<64x128xf32, #tpu.memory_space<vmem>>) target_semaphore(%run_scoped3A : memref<!tpu.dma_semaphore, #tpu.memory_space<semaphore_mem>>)
      %dma_wait3A = arith.constant 0 : i32
      %dma_wait3A_63 = tpu.memref_slice %arg11[%add3A_55, %dma_wait3A] : memref<10240x128xf32, #tpu.memory_space<vmem_shared>> -> memref<64x128xf32, #tpu.memory_space<vmem_shared>>
      %dma_wait3A_64 = arith.constant 0 : i32
      %dma_wait3A_65 = tpu.memref_slice %arg11[%add3A_55, %dma_wait3A_64] : memref<10240x128xf32, #tpu.memory_space<vmem_shared>> -> memref<64x128xf32, #tpu.memory_space<vmem_shared>>
      tpu.wait_dma2 semaphore(%run_scoped3A : memref<!tpu.dma_semaphore, #tpu.memory_space<semaphore_mem>>) src(%dma_wait3A_65 : memref<64x128xf32, #tpu.memory_space<vmem_shared>>) dst(%arg9 : memref<64x128xf32, #tpu.memory_space<vmem>>)
      tpu.yield
    }) : () -> ()
    "tpu.region"() ({
      %run_scoped3A = tpu.sem_alloc : memref<!tpu.dma_semaphore, #tpu.memory_space<semaphore_mem>>
      %dma_start3A = arith.constant 0 : i32
      %dma_start3A_60 = tpu.memref_slice %arg5[%arg0, %add3A_55, %dma_start3A] : memref<2x10240x128xf32, #tpu.memory_space<hbm>> -> memref<1x64x128xf32, #tpu.memory_space<hbm>>
      %dma_start3A_61 = tpu.memref_squeeze %dma_start3A_60 : memref<1x64x128xf32, #tpu.memory_space<hbm>> -> memref<64x128xf32, #tpu.memory_space<hbm>>
      %dma_start3A_62 = arith.constant 0 : i32
      %dma_start3A_63 = tpu.memref_slice %arg5[%arg0, %add3A_55, %dma_start3A_62] : memref<2x10240x128xf32, #tpu.memory_space<hbm>> -> memref<1x64x128xf32, #tpu.memory_space<hbm>>
      %dma_start3A_64 = tpu.memref_squeeze %dma_start3A_63 : memref<1x64x128xf32, #tpu.memory_space<hbm>> -> memref<64x128xf32, #tpu.memory_space<hbm>>
      tpu.enqueue_dma source(%arg9 : memref<64x128xf32, #tpu.memory_space<vmem>>) target(%dma_start3A_64 : memref<64x128xf32, #tpu.memory_space<hbm>>) target_semaphore(%run_scoped3A : memref<!tpu.dma_semaphore, #tpu.memory_space<semaphore_mem>>)
      %dma_wait3A = arith.constant 0 : i32
      %dma_wait3A_65 = tpu.memref_slice %arg5[%arg0, %add3A_55, %dma_wait3A] : memref<2x10240x128xf32, #tpu.memory_space<hbm>> -> memref<1x64x128xf32, #tpu.memory_space<hbm>>
      %dma_wait3A_66 = tpu.memref_squeeze %dma_wait3A_65 : memref<1x64x128xf32, #tpu.memory_space<hbm>> -> memref<64x128xf32, #tpu.memory_space<hbm>>
      %dma_wait3A_67 = arith.constant 0 : i32
      %dma_wait3A_68 = tpu.memref_slice %arg5[%arg0, %add3A_55, %dma_wait3A_67] : memref<2x10240x128xf32, #tpu.memory_space<hbm>> -> memref<1x64x128xf32, #tpu.memory_space<hbm>>
      %dma_wait3A_69 = tpu.memref_squeeze %dma_wait3A_68 : memref<1x64x128xf32, #tpu.memory_space<hbm>> -> memref<64x128xf32, #tpu.memory_space<hbm>>
      tpu.wait_dma2 semaphore(%run_scoped3A : memref<!tpu.dma_semaphore, #tpu.memory_space<semaphore_mem>>) src(%arg9 : memref<64x128xf32, #tpu.memory_space<vmem>>) dst(%dma_wait3A_69 : memref<64x128xf32, #tpu.memory_space<hbm>>)
      tpu.yield
    }) : () -> ()
    %add3A_56 = arith.constant 512 : i32
    %add3A_57 = arith.addi %mul3A_2, %add3A_56 : i32
    "tpu.region"() ({
      %run_scoped3A = tpu.sem_alloc : memref<!tpu.dma_semaphore, #tpu.memory_space<semaphore_mem>>
      %dma_start3A = arith.constant 0 : i32
      %dma_start3A_60 = tpu.memref_slice %arg11[%add3A_57, %dma_start3A] : memref<10240x128xf32, #tpu.memory_space<vmem_shared>> -> memref<64x128xf32, #tpu.memory_space<vmem_shared>>
      %dma_start3A_61 = arith.constant 0 : i32
      %dma_start3A_62 = tpu.memref_slice %arg11[%add3A_57, %dma_start3A_61] : memref<10240x128xf32, #tpu.memory_space<vmem_shared>> -> memref<64x128xf32, #tpu.memory_space<vmem_shared>>
      tpu.enqueue_dma source(%dma_start3A_62 : memref<64x128xf32, #tpu.memory_space<vmem_shared>>) target(%arg9 : memref<64x128xf32, #tpu.memory_space<vmem>>) target_semaphore(%run_scoped3A : memref<!tpu.dma_semaphore, #tpu.memory_space<semaphore_mem>>)
      %dma_wait3A = arith.constant 0 : i32
      %dma_wait3A_63 = tpu.memref_slice %arg11[%add3A_57, %dma_wait3A] : memref<10240x128xf32, #tpu.memory_space<vmem_shared>> -> memref<64x128xf32, #tpu.memory_space<vmem_shared>>
      %dma_wait3A_64 = arith.constant 0 : i32
      %dma_wait3A_65 = tpu.memref_slice %arg11[%add3A_57, %dma_wait3A_64] : memref<10240x128xf32, #tpu.memory_space<vmem_shared>> -> memref<64x128xf32, #tpu.memory_space<vmem_shared>>
      tpu.wait_dma2 semaphore(%run_scoped3A : memref<!tpu.dma_semaphore, #tpu.memory_space<semaphore_mem>>) src(%dma_wait3A_65 : memref<64x128xf32, #tpu.memory_space<vmem_shared>>) dst(%arg9 : memref<64x128xf32, #tpu.memory_space<vmem>>)
      tpu.yield
    }) : () -> ()
    "tpu.region"() ({
      %run_scoped3A = tpu.sem_alloc : memref<!tpu.dma_semaphore, #tpu.memory_space<semaphore_mem>>
      %dma_start3A = arith.constant 0 : i32
      %dma_start3A_60 = tpu.memref_slice %arg5[%arg0, %add3A_57, %dma_start3A] : memref<2x10240x128xf32, #tpu.memory_space<hbm>> -> memref<1x64x128xf32, #tpu.memory_space<hbm>>
      %dma_start3A_61 = tpu.memref_squeeze %dma_start3A_60 : memref<1x64x128xf32, #tpu.memory_space<hbm>> -> memref<64x128xf32, #tpu.memory_space<hbm>>
      %dma_start3A_62 = arith.constant 0 : i32
      %dma_start3A_63 = tpu.memref_slice %arg5[%arg0, %add3A_57, %dma_start3A_62] : memref<2x10240x128xf32, #tpu.memory_space<hbm>> -> memref<1x64x128xf32, #tpu.memory_space<hbm>>
      %dma_start3A_64 = tpu.memref_squeeze %dma_start3A_63 : memref<1x64x128xf32, #tpu.memory_space<hbm>> -> memref<64x128xf32, #tpu.memory_space<hbm>>
      tpu.enqueue_dma source(%arg9 : memref<64x128xf32, #tpu.memory_space<vmem>>) target(%dma_start3A_64 : memref<64x128xf32, #tpu.memory_space<hbm>>) target_semaphore(%run_scoped3A : memref<!tpu.dma_semaphore, #tpu.memory_space<semaphore_mem>>)
      %dma_wait3A = arith.constant 0 : i32
      %dma_wait3A_65 = tpu.memref_slice %arg5[%arg0, %add3A_57, %dma_wait3A] : memref<2x10240x128xf32, #tpu.memory_space<hbm>> -> memref<1x64x128xf32, #tpu.memory_space<hbm>>
      %dma_wait3A_66 = tpu.memref_squeeze %dma_wait3A_65 : memref<1x64x128xf32, #tpu.memory_space<hbm>> -> memref<64x128xf32, #tpu.memory_space<hbm>>
      %dma_wait3A_67 = arith.constant 0 : i32
      %dma_wait3A_68 = tpu.memref_slice %arg5[%arg0, %add3A_57, %dma_wait3A_67] : memref<2x10240x128xf32, #tpu.memory_space<hbm>> -> memref<1x64x128xf32, #tpu.memory_space<hbm>>
      %dma_wait3A_69 = tpu.memref_squeeze %dma_wait3A_68 : memref<1x64x128xf32, #tpu.memory_space<hbm>> -> memref<64x128xf32, #tpu.memory_space<hbm>>
      tpu.wait_dma2 semaphore(%run_scoped3A : memref<!tpu.dma_semaphore, #tpu.memory_space<semaphore_mem>>) src(%arg9 : memref<64x128xf32, #tpu.memory_space<vmem>>) dst(%dma_wait3A_69 : memref<64x128xf32, #tpu.memory_space<hbm>>)
      tpu.yield
    }) : () -> ()
    %add3A_58 = arith.constant 576 : i32
    %add3A_59 = arith.addi %mul3A_2, %add3A_58 : i32
    "tpu.region"() ({
      %run_scoped3A = tpu.sem_alloc : memref<!tpu.dma_semaphore, #tpu.memory_space<semaphore_mem>>
      %dma_start3A = arith.constant 0 : i32
      %dma_start3A_60 = tpu.memref_slice %arg11[%add3A_59, %dma_start3A] : memref<10240x128xf32, #tpu.memory_space<vmem_shared>> -> memref<64x128xf32, #tpu.memory_space<vmem_shared>>
      %dma_start3A_61 = arith.constant 0 : i32
      %dma_start3A_62 = tpu.memref_slice %arg11[%add3A_59, %dma_start3A_61] : memref<10240x128xf32, #tpu.memory_space<vmem_shared>> -> memref<64x128xf32, #tpu.memory_space<vmem_shared>>
      tpu.enqueue_dma source(%dma_start3A_62 : memref<64x128xf32, #tpu.memory_space<vmem_shared>>) target(%arg9 : memref<64x128xf32, #tpu.memory_space<vmem>>) target_semaphore(%run_scoped3A : memref<!tpu.dma_semaphore, #tpu.memory_space<semaphore_mem>>)
      %dma_wait3A = arith.constant 0 : i32
      %dma_wait3A_63 = tpu.memref_slice %arg11[%add3A_59, %dma_wait3A] : memref<10240x128xf32, #tpu.memory_space<vmem_shared>> -> memref<64x128xf32, #tpu.memory_space<vmem_shared>>
      %dma_wait3A_64 = arith.constant 0 : i32
      %dma_wait3A_65 = tpu.memref_slice %arg11[%add3A_59, %dma_wait3A_64] : memref<10240x128xf32, #tpu.memory_space<vmem_shared>> -> memref<64x128xf32, #tpu.memory_space<vmem_shared>>
      tpu.wait_dma2 semaphore(%run_scoped3A : memref<!tpu.dma_semaphore, #tpu.memory_space<semaphore_mem>>) src(%dma_wait3A_65 : memref<64x128xf32, #tpu.memory_space<vmem_shared>>) dst(%arg9 : memref<64x128xf32, #tpu.memory_space<vmem>>)
      tpu.yield
    }) : () -> ()
    "tpu.region"() ({
      %run_scoped3A = tpu.sem_alloc : memref<!tpu.dma_semaphore, #tpu.memory_space<semaphore_mem>>
      %dma_start3A = arith.constant 0 : i32
      %dma_start3A_60 = tpu.memref_slice %arg5[%arg0, %add3A_59, %dma_start3A] : memref<2x10240x128xf32, #tpu.memory_space<hbm>> -> memref<1x64x128xf32, #tpu.memory_space<hbm>>
      %dma_start3A_61 = tpu.memref_squeeze %dma_start3A_60 : memref<1x64x128xf32, #tpu.memory_space<hbm>> -> memref<64x128xf32, #tpu.memory_space<hbm>>
      %dma_start3A_62 = arith.constant 0 : i32
      %dma_start3A_63 = tpu.memref_slice %arg5[%arg0, %add3A_59, %dma_start3A_62] : memref<2x10240x128xf32, #tpu.memory_space<hbm>> -> memref<1x64x128xf32, #tpu.memory_space<hbm>>
      %dma_start3A_64 = tpu.memref_squeeze %dma_start3A_63 : memref<1x64x128xf32, #tpu.memory_space<hbm>> -> memref<64x128xf32, #tpu.memory_space<hbm>>
      tpu.enqueue_dma source(%arg9 : memref<64x128xf32, #tpu.memory_space<vmem>>) target(%dma_start3A_64 : memref<64x128xf32, #tpu.memory_space<hbm>>) target_semaphore(%run_scoped3A : memref<!tpu.dma_semaphore, #tpu.memory_space<semaphore_mem>>)
      %dma_wait3A = arith.constant 0 : i32
      %dma_wait3A_65 = tpu.memref_slice %arg5[%arg0, %add3A_59, %dma_wait3A] : memref<2x10240x128xf32, #tpu.memory_space<hbm>> -> memref<1x64x128xf32, #tpu.memory_space<hbm>>
      %dma_wait3A_66 = tpu.memref_squeeze %dma_wait3A_65 : memref<1x64x128xf32, #tpu.memory_space<hbm>> -> memref<64x128xf32, #tpu.memory_space<hbm>>
      %dma_wait3A_67 = arith.constant 0 : i32
      %dma_wait3A_68 = tpu.memref_slice %arg5[%arg0, %add3A_59, %dma_wait3A_67] : memref<2x10240x128xf32, #tpu.memory_space<hbm>> -> memref<1x64x128xf32, #tpu.memory_space<hbm>>
      %dma_wait3A_69 = tpu.memref_squeeze %dma_wait3A_68 : memref<1x64x128xf32, #tpu.memory_space<hbm>> -> memref<64x128xf32, #tpu.memory_space<hbm>>
      tpu.wait_dma2 semaphore(%run_scoped3A : memref<!tpu.dma_semaphore, #tpu.memory_space<semaphore_mem>>) src(%arg9 : memref<64x128xf32, #tpu.memory_space<vmem>>) dst(%dma_wait3A_69 : memref<64x128xf32, #tpu.memory_space<hbm>>)
      tpu.yield
    }) : () -> ()
    return
  }
}

#map = affine_map<(d0, d1) -> (0, 0)>
#map1 = affine_map<(d0, d1) -> (0)>
#map2 = affine_map<(d0, d1) -> (0, 0, 0)>
module attributes {stable_mosaic.version = 14 : i64} {
  func.func @_sc_agg_body(%arg0: i32, %arg1: i32, %arg2: memref<10240x128xf32, #tpu.memory_space<hbm>>, %arg3: memref<320000xi32, #tpu.memory_space<hbm>>, %arg4: memref<320000xi32, #tpu.memory_space<hbm>>, %arg5: memref<2x10240x128xf32, #tpu.memory_space<hbm>>, %arg6: memref<2x10240x16xf32, #tpu.memory_space<hbm>>, %arg7: memref<80xi32, #tpu.memory_space<vmem>>, %arg8: memref<80xi32, #tpu.memory_space<vmem>>, %arg9: memref<80x128xf32, #tpu.memory_space<vmem>>, %arg10: memref<64x128xf32, #tpu.memory_space<vmem>>, %arg11: memref<!tpu.dma_semaphore, #tpu.memory_space<semaphore_mem>>, %arg12: memref<10240x128xf32, #tpu.memory_space<vmem_shared>>, %arg13: memref<80x16xf32, #tpu.memory_space<vmem>>, %arg14: memref<64x16xf32, #tpu.memory_space<vmem>>, %arg15: memref<10240x16xf32, #tpu.memory_space<vmem_shared>>) attributes {dimension_semantics = [#tpu.dimension_semantics<core_parallel>, #tpu.dimension_semantics<subcore_parallel>], iteration_bounds = array<i64: 2, 16>, scalar_prefetch = 0 : i64, scratch_operands = 9 : i64, tpu.core_type = #tpu.core_type<sc_vector_subcore>, window_params = [{transform_indices = #map}, {transform_indices = #map1}, {transform_indices = #map1}, {transform_indices = #map2}, {transform_indices = #map2}]} {
    %mul3A = arith.constant 16 : i32
    %mul3A_0 = arith.muli %arg0, %mul3A : i32
    %add3A = arith.addi %mul3A_0, %arg1 : i32
    %mul3A_1 = arith.constant 640 : i32
    %mul3A_2 = arith.muli %arg1, %mul3A_1 : i32
    %broadcast_in_dim3A = arith.constant 0.000000e+00 : f32
    %broadcast_in_dim3A_3 = vector.broadcast %broadcast_in_dim3A : f32 to vector<16xf32>
    %scan3A = arith.constant 0 : i32
    %scan3A_4 = arith.constant 0 : i32
    %scan3A_5 = arith.constant 512 : i32
    %scan3A_6 = arith.addi %scan3A_4, %scan3A_5 : i32
    %scan3A_7 = arith.constant 1 : i32
    %scan3A_8 = scf.for %scan3A_96 = %scan3A_4 to %scan3A_6 step %scan3A_7 iter_args(%scan3A_97 = %scan3A) -> (i32)  : i32 {
      %jit3A = arith.constant 8 : i32
      %div3A = arith.divsi %scan3A_96, %jit3A : i32
      %sign3A = arith.constant 0 : i32
      %sign3A_98 = arith.cmpi sgt, %scan3A_96, %sign3A : i32
      %sign3A_99 = arith.extui %sign3A_98 : i1 to i32
      %sign3A_100 = arith.constant 0 : i32
      %sign3A_101 = arith.cmpi slt, %scan3A_96, %sign3A_100 : i32
      %sign3A_102 = arith.extui %sign3A_101 : i1 to i32
      %sign3A_103 = arith.subi %sign3A_99, %sign3A_102 : i32
      %sign3A_104 = arith.constant 0 : i32
      %sign3A_105 = arith.cmpi sgt, %jit3A, %sign3A_104 : i32
      %sign3A_106 = arith.extui %sign3A_105 : i1 to i32
      %sign3A_107 = arith.constant 0 : i32
      %sign3A_108 = arith.cmpi slt, %jit3A, %sign3A_107 : i32
      %sign3A_109 = arith.extui %sign3A_108 : i1 to i32
      %sign3A_110 = arith.subi %sign3A_106, %sign3A_109 : i32
      %ne3A = arith.cmpi ne, %sign3A_103, %sign3A_110 : i32
      %rem3A = arith.remsi %scan3A_96, %jit3A : i32
      %ne3A_111 = arith.constant 0 : i32
      %ne3A_112 = arith.cmpi ne, %rem3A, %ne3A_111 : i32
      %and3A = arith.andi %ne3A, %ne3A_112 : i1
      %sub3A = arith.constant 1 : i32
      %sub3A_113 = arith.subi %div3A, %sub3A : i32
      %select_n3A = arith.select %and3A, %sub3A_113, %div3A : i32
      %jit3A_114 = arith.constant 8 : i32
      %eq3A = arith.constant 0 : i32
      %eq3A_115 = arith.cmpi eq, %jit3A_114, %eq3A : i32
      %jit3A_116 = arith.constant 1 : i32
      %select_n3A_117 = arith.select %eq3A_115, %jit3A_116, %jit3A_114 : i32
      %rem3A_118 = arith.remsi %scan3A_96, %select_n3A_117 : i32
      %ne3A_119 = arith.constant 0 : i32
      %ne3A_120 = arith.cmpi ne, %rem3A_118, %ne3A_119 : i32
      %lt3A = arith.constant 0 : i32
      %lt3A_121 = arith.cmpi slt, %rem3A_118, %lt3A : i32
      %lt3A_122 = arith.constant 0 : i32
      %lt3A_123 = arith.cmpi slt, %select_n3A_117, %lt3A_122 : i32
      %ne3A_124 = arith.xori %lt3A_121, %lt3A_123 : i1
      %and3A_125 = arith.andi %ne3A_124, %ne3A_120 : i1
      %add3A_126 = arith.addi %rem3A_118, %select_n3A_117 : i32
      %select_n3A_127 = arith.select %and3A_125, %add3A_126, %rem3A_118 : i32
      %mul3A_128 = arith.constant 16 : i32
      %mul3A_129 = arith.muli %select_n3A_127, %mul3A_128 : i32
      %swap3A = arith.index_cast %select_n3A : i32 to index
      %swap3A_130 = arith.index_cast %mul3A_129 : i32 to index
      %swap3A_131 = tpu.vector_load %arg10[%swap3A, %swap3A_130] {strides = array<i32>} : memref<64x128xf32, #tpu.memory_space<vmem>>, vector<1x16xf32>,
      %swap3A_132 = vector.shape_cast %swap3A_131 : vector<1x16xf32> to vector<16xf32>
      %swap3A_133 = vector.shape_cast %broadcast_in_dim3A_3 : vector<16xf32> to vector<1x16xf32>
      tpu.vector_store %arg10[%swap3A, %swap3A_130], %swap3A_133 {strides = array<i32>} : memref<64x128xf32, #tpu.memory_space<vmem>>, vector<1x16xf32>,
      %scan3A_134 = arith.constant 0 : i32
      scf.yield %scan3A_134 : i32
    }
    %scan3A_9 = arith.constant 512 : i32
    %broadcast_in_dim3A_10 = arith.constant 1.000000e+00 : f32
    %broadcast_in_dim3A_11 = vector.broadcast %broadcast_in_dim3A_10 : f32 to vector<16xf32>
    %scan3A_12 = arith.constant 0 : i32
    %scan3A_13 = arith.constant 0 : i32
    %scan3A_14 = arith.constant 80 : i32
    %scan3A_15 = arith.addi %scan3A_13, %scan3A_14 : i32
    %scan3A_16 = arith.constant 1 : i32
    %scan3A_17 = scf.for %scan3A_96 = %scan3A_13 to %scan3A_15 step %scan3A_16 iter_args(%scan3A_97 = %scan3A_12) -> (i32)  : i32 {
      %swap3A = arith.index_cast %scan3A_96 : i32 to index
      %swap3A_98 = arith.constant 0 : index
      %swap3A_99 = tpu.vector_load %arg13[%swap3A, %swap3A_98] {strides = array<i32>} : memref<80x16xf32, #tpu.memory_space<vmem>>, vector<1x16xf32>,
      %swap3A_100 = vector.shape_cast %swap3A_99 : vector<1x16xf32> to vector<16xf32>
      %swap3A_101 = vector.shape_cast %broadcast_in_dim3A_11 : vector<16xf32> to vector<1x16xf32>
      tpu.vector_store %arg13[%swap3A, %swap3A_98], %swap3A_101 {strides = array<i32>} : memref<80x16xf32, #tpu.memory_space<vmem>>, vector<1x16xf32>,
      %scan3A_102 = arith.constant 0 : i32
      scf.yield %scan3A_102 : i32
    }
    %scan3A_18 = arith.constant 80 : i32
    %scan3A_19 = arith.constant 0 : i32
    %scan3A_20 = arith.constant 0 : i32
    %scan3A_21 = arith.constant 64 : i32
    %scan3A_22 = arith.addi %scan3A_20, %scan3A_21 : i32
    %scan3A_23 = arith.constant 1 : i32
    %scan3A_24 = scf.for %scan3A_96 = %scan3A_20 to %scan3A_22 step %scan3A_23 iter_args(%scan3A_97 = %scan3A_19) -> (i32)  : i32 {
      %swap3A = arith.index_cast %scan3A_96 : i32 to index
      %swap3A_98 = arith.constant 0 : index
      %swap3A_99 = tpu.vector_load %arg14[%swap3A, %swap3A_98] {strides = array<i32>} : memref<64x16xf32, #tpu.memory_space<vmem>>, vector<1x16xf32>,
      %swap3A_100 = vector.shape_cast %swap3A_99 : vector<1x16xf32> to vector<16xf32>
      %swap3A_101 = vector.shape_cast %broadcast_in_dim3A_3 : vector<16xf32> to vector<1x16xf32>
      tpu.vector_store %arg14[%swap3A, %swap3A_98], %swap3A_101 {strides = array<i32>} : memref<64x16xf32, #tpu.memory_space<vmem>>, vector<1x16xf32>,
      %scan3A_102 = arith.constant 0 : i32
      scf.yield %scan3A_102 : i32
    }
    %scan3A_25 = arith.constant 64 : i32
    %add3A_26 = arith.constant 0 : i32
    %add3A_27 = arith.addi %mul3A_2, %add3A_26 : i32
    "tpu.region"() ({
      %run_scoped3A = tpu.sem_alloc : memref<!tpu.dma_semaphore, #tpu.memory_space<semaphore_mem>>
      %dma_start3A = arith.constant 0 : i32
      %dma_start3A_96 = tpu.memref_slice %arg12[%add3A_27, %dma_start3A] : memref<10240x128xf32, #tpu.memory_space<vmem_shared>> -> memref<64x128xf32, #tpu.memory_space<vmem_shared>>
      %dma_start3A_97 = arith.constant 0 : i32
      %dma_start3A_98 = tpu.memref_slice %arg12[%add3A_27, %dma_start3A_97] : memref<10240x128xf32, #tpu.memory_space<vmem_shared>> -> memref<64x128xf32, #tpu.memory_space<vmem_shared>>
      tpu.enqueue_dma source(%arg10 : memref<64x128xf32, #tpu.memory_space<vmem>>) target(%dma_start3A_98 : memref<64x128xf32, #tpu.memory_space<vmem_shared>>) target_semaphore(%run_scoped3A : memref<!tpu.dma_semaphore, #tpu.memory_space<semaphore_mem>>)
      %dma_wait3A = arith.constant 0 : i32
      %dma_wait3A_99 = tpu.memref_slice %arg12[%add3A_27, %dma_wait3A] : memref<10240x128xf32, #tpu.memory_space<vmem_shared>> -> memref<64x128xf32, #tpu.memory_space<vmem_shared>>
      %dma_wait3A_100 = arith.constant 0 : i32
      %dma_wait3A_101 = tpu.memref_slice %arg12[%add3A_27, %dma_wait3A_100] : memref<10240x128xf32, #tpu.memory_space<vmem_shared>> -> memref<64x128xf32, #tpu.memory_space<vmem_shared>>
      tpu.wait_dma2 semaphore(%run_scoped3A : memref<!tpu.dma_semaphore, #tpu.memory_space<semaphore_mem>>) src(%arg10 : memref<64x128xf32, #tpu.memory_space<vmem>>) dst(%dma_wait3A_101 : memref<64x128xf32, #tpu.memory_space<vmem_shared>>)
      tpu.yield
    }) : () -> ()
    %add3A_28 = arith.constant 0 : i32
    %add3A_29 = arith.addi %mul3A_2, %add3A_28 : i32
    "tpu.region"() ({
      %run_scoped3A = tpu.sem_alloc : memref<!tpu.dma_semaphore, #tpu.memory_space<semaphore_mem>>
      %dma_start3A = arith.constant 0 : i32
      %dma_start3A_96 = tpu.memref_slice %arg15[%add3A_29, %dma_start3A] : memref<10240x16xf32, #tpu.memory_space<vmem_shared>> -> memref<64x16xf32, #tpu.memory_space<vmem_shared>>
      %dma_start3A_97 = arith.constant 0 : i32
      %dma_start3A_98 = tpu.memref_slice %arg15[%add3A_29, %dma_start3A_97] : memref<10240x16xf32, #tpu.memory_space<vmem_shared>> -> memref<64x16xf32, #tpu.memory_space<vmem_shared>>
      tpu.enqueue_dma source(%arg14 : memref<64x16xf32, #tpu.memory_space<vmem>>) target(%dma_start3A_98 : memref<64x16xf32, #tpu.memory_space<vmem_shared>>) target_semaphore(%run_scoped3A : memref<!tpu.dma_semaphore, #tpu.memory_space<semaphore_mem>>)
      %dma_wait3A = arith.constant 0 : i32
      %dma_wait3A_99 = tpu.memref_slice %arg15[%add3A_29, %dma_wait3A] : memref<10240x16xf32, #tpu.memory_space<vmem_shared>> -> memref<64x16xf32, #tpu.memory_space<vmem_shared>>
      %dma_wait3A_100 = arith.constant 0 : i32
      %dma_wait3A_101 = tpu.memref_slice %arg15[%add3A_29, %dma_wait3A_100] : memref<10240x16xf32, #tpu.memory_space<vmem_shared>> -> memref<64x16xf32, #tpu.memory_space<vmem_shared>>
      tpu.wait_dma2 semaphore(%run_scoped3A : memref<!tpu.dma_semaphore, #tpu.memory_space<semaphore_mem>>) src(%arg14 : memref<64x16xf32, #tpu.memory_space<vmem>>) dst(%dma_wait3A_101 : memref<64x16xf32, #tpu.memory_space<vmem_shared>>)
      tpu.yield
    }) : () -> ()
    %add3A_30 = arith.constant 64 : i32
    %add3A_31 = arith.addi %mul3A_2, %add3A_30 : i32
    "tpu.region"() ({
      %run_scoped3A = tpu.sem_alloc : memref<!tpu.dma_semaphore, #tpu.memory_space<semaphore_mem>>
      %dma_start3A = arith.constant 0 : i32
      %dma_start3A_96 = tpu.memref_slice %arg12[%add3A_31, %dma_start3A] : memref<10240x128xf32, #tpu.memory_space<vmem_shared>> -> memref<64x128xf32, #tpu.memory_space<vmem_shared>>
      %dma_start3A_97 = arith.constant 0 : i32
      %dma_start3A_98 = tpu.memref_slice %arg12[%add3A_31, %dma_start3A_97] : memref<10240x128xf32, #tpu.memory_space<vmem_shared>> -> memref<64x128xf32, #tpu.memory_space<vmem_shared>>
      tpu.enqueue_dma source(%arg10 : memref<64x128xf32, #tpu.memory_space<vmem>>) target(%dma_start3A_98 : memref<64x128xf32, #tpu.memory_space<vmem_shared>>) target_semaphore(%run_scoped3A : memref<!tpu.dma_semaphore, #tpu.memory_space<semaphore_mem>>)
      %dma_wait3A = arith.constant 0 : i32
      %dma_wait3A_99 = tpu.memref_slice %arg12[%add3A_31, %dma_wait3A] : memref<10240x128xf32, #tpu.memory_space<vmem_shared>> -> memref<64x128xf32, #tpu.memory_space<vmem_shared>>
      %dma_wait3A_100 = arith.constant 0 : i32
      %dma_wait3A_101 = tpu.memref_slice %arg12[%add3A_31, %dma_wait3A_100] : memref<10240x128xf32, #tpu.memory_space<vmem_shared>> -> memref<64x128xf32, #tpu.memory_space<vmem_shared>>
      tpu.wait_dma2 semaphore(%run_scoped3A : memref<!tpu.dma_semaphore, #tpu.memory_space<semaphore_mem>>) src(%arg10 : memref<64x128xf32, #tpu.memory_space<vmem>>) dst(%dma_wait3A_101 : memref<64x128xf32, #tpu.memory_space<vmem_shared>>)
      tpu.yield
    }) : () -> ()
    %add3A_32 = arith.constant 64 : i32
    %add3A_33 = arith.addi %mul3A_2, %add3A_32 : i32
    "tpu.region"() ({
      %run_scoped3A = tpu.sem_alloc : memref<!tpu.dma_semaphore, #tpu.memory_space<semaphore_mem>>
      %dma_start3A = arith.constant 0 : i32
      %dma_start3A_96 = tpu.memref_slice %arg15[%add3A_33, %dma_start3A] : memref<10240x16xf32, #tpu.memory_space<vmem_shared>> -> memref<64x16xf32, #tpu.memory_space<vmem_shared>>
      %dma_start3A_97 = arith.constant 0 : i32
      %dma_start3A_98 = tpu.memref_slice %arg15[%add3A_33, %dma_start3A_97] : memref<10240x16xf32, #tpu.memory_space<vmem_shared>> -> memref<64x16xf32, #tpu.memory_space<vmem_shared>>
      tpu.enqueue_dma source(%arg14 : memref<64x16xf32, #tpu.memory_space<vmem>>) target(%dma_start3A_98 : memref<64x16xf32, #tpu.memory_space<vmem_shared>>) target_semaphore(%run_scoped3A : memref<!tpu.dma_semaphore, #tpu.memory_space<semaphore_mem>>)
      %dma_wait3A = arith.constant 0 : i32
      %dma_wait3A_99 = tpu.memref_slice %arg15[%add3A_33, %dma_wait3A] : memref<10240x16xf32, #tpu.memory_space<vmem_shared>> -> memref<64x16xf32, #tpu.memory_space<vmem_shared>>
      %dma_wait3A_100 = arith.constant 0 : i32
      %dma_wait3A_101 = tpu.memref_slice %arg15[%add3A_33, %dma_wait3A_100] : memref<10240x16xf32, #tpu.memory_space<vmem_shared>> -> memref<64x16xf32, #tpu.memory_space<vmem_shared>>
      tpu.wait_dma2 semaphore(%run_scoped3A : memref<!tpu.dma_semaphore, #tpu.memory_space<semaphore_mem>>) src(%arg14 : memref<64x16xf32, #tpu.memory_space<vmem>>) dst(%dma_wait3A_101 : memref<64x16xf32, #tpu.memory_space<vmem_shared>>)
      tpu.yield
    }) : () -> ()
    %add3A_34 = arith.constant 128 : i32
    %add3A_35 = arith.addi %mul3A_2, %add3A_34 : i32
    "tpu.region"() ({
      %run_scoped3A = tpu.sem_alloc : memref<!tpu.dma_semaphore, #tpu.memory_space<semaphore_mem>>
      %dma_start3A = arith.constant 0 : i32
      %dma_start3A_96 = tpu.memref_slice %arg12[%add3A_35, %dma_start3A] : memref<10240x128xf32, #tpu.memory_space<vmem_shared>> -> memref<64x128xf32, #tpu.memory_space<vmem_shared>>
      %dma_start3A_97 = arith.constant 0 : i32
      %dma_start3A_98 = tpu.memref_slice %arg12[%add3A_35, %dma_start3A_97] : memref<10240x128xf32, #tpu.memory_space<vmem_shared>> -> memref<64x128xf32, #tpu.memory_space<vmem_shared>>
      tpu.enqueue_dma source(%arg10 : memref<64x128xf32, #tpu.memory_space<vmem>>) target(%dma_start3A_98 : memref<64x128xf32, #tpu.memory_space<vmem_shared>>) target_semaphore(%run_scoped3A : memref<!tpu.dma_semaphore, #tpu.memory_space<semaphore_mem>>)
      %dma_wait3A = arith.constant 0 : i32
      %dma_wait3A_99 = tpu.memref_slice %arg12[%add3A_35, %dma_wait3A] : memref<10240x128xf32, #tpu.memory_space<vmem_shared>> -> memref<64x128xf32, #tpu.memory_space<vmem_shared>>
      %dma_wait3A_100 = arith.constant 0 : i32
      %dma_wait3A_101 = tpu.memref_slice %arg12[%add3A_35, %dma_wait3A_100] : memref<10240x128xf32, #tpu.memory_space<vmem_shared>> -> memref<64x128xf32, #tpu.memory_space<vmem_shared>>
      tpu.wait_dma2 semaphore(%run_scoped3A : memref<!tpu.dma_semaphore, #tpu.memory_space<semaphore_mem>>) src(%arg10 : memref<64x128xf32, #tpu.memory_space<vmem>>) dst(%dma_wait3A_101 : memref<64x128xf32, #tpu.memory_space<vmem_shared>>)
      tpu.yield
    }) : () -> ()
    %add3A_36 = arith.constant 128 : i32
    %add3A_37 = arith.addi %mul3A_2, %add3A_36 : i32
    "tpu.region"() ({
      %run_scoped3A = tpu.sem_alloc : memref<!tpu.dma_semaphore, #tpu.memory_space<semaphore_mem>>
      %dma_start3A = arith.constant 0 : i32
      %dma_start3A_96 = tpu.memref_slice %arg15[%add3A_37, %dma_start3A] : memref<10240x16xf32, #tpu.memory_space<vmem_shared>> -> memref<64x16xf32, #tpu.memory_space<vmem_shared>>
      %dma_start3A_97 = arith.constant 0 : i32
      %dma_start3A_98 = tpu.memref_slice %arg15[%add3A_37, %dma_start3A_97] : memref<10240x16xf32, #tpu.memory_space<vmem_shared>> -> memref<64x16xf32, #tpu.memory_space<vmem_shared>>
      tpu.enqueue_dma source(%arg14 : memref<64x16xf32, #tpu.memory_space<vmem>>) target(%dma_start3A_98 : memref<64x16xf32, #tpu.memory_space<vmem_shared>>) target_semaphore(%run_scoped3A : memref<!tpu.dma_semaphore, #tpu.memory_space<semaphore_mem>>)
      %dma_wait3A = arith.constant 0 : i32
      %dma_wait3A_99 = tpu.memref_slice %arg15[%add3A_37, %dma_wait3A] : memref<10240x16xf32, #tpu.memory_space<vmem_shared>> -> memref<64x16xf32, #tpu.memory_space<vmem_shared>>
      %dma_wait3A_100 = arith.constant 0 : i32
      %dma_wait3A_101 = tpu.memref_slice %arg15[%add3A_37, %dma_wait3A_100] : memref<10240x16xf32, #tpu.memory_space<vmem_shared>> -> memref<64x16xf32, #tpu.memory_space<vmem_shared>>
      tpu.wait_dma2 semaphore(%run_scoped3A : memref<!tpu.dma_semaphore, #tpu.memory_space<semaphore_mem>>) src(%arg14 : memref<64x16xf32, #tpu.memory_space<vmem>>) dst(%dma_wait3A_101 : memref<64x16xf32, #tpu.memory_space<vmem_shared>>)
      tpu.yield
    }) : () -> ()
    %add3A_38 = arith.constant 192 : i32
    %add3A_39 = arith.addi %mul3A_2, %add3A_38 : i32
    "tpu.region"() ({
      %run_scoped3A = tpu.sem_alloc : memref<!tpu.dma_semaphore, #tpu.memory_space<semaphore_mem>>
      %dma_start3A = arith.constant 0 : i32
      %dma_start3A_96 = tpu.memref_slice %arg12[%add3A_39, %dma_start3A] : memref<10240x128xf32, #tpu.memory_space<vmem_shared>> -> memref<64x128xf32, #tpu.memory_space<vmem_shared>>
      %dma_start3A_97 = arith.constant 0 : i32
      %dma_start3A_98 = tpu.memref_slice %arg12[%add3A_39, %dma_start3A_97] : memref<10240x128xf32, #tpu.memory_space<vmem_shared>> -> memref<64x128xf32, #tpu.memory_space<vmem_shared>>
      tpu.enqueue_dma source(%arg10 : memref<64x128xf32, #tpu.memory_space<vmem>>) target(%dma_start3A_98 : memref<64x128xf32, #tpu.memory_space<vmem_shared>>) target_semaphore(%run_scoped3A : memref<!tpu.dma_semaphore, #tpu.memory_space<semaphore_mem>>)
      %dma_wait3A = arith.constant 0 : i32
      %dma_wait3A_99 = tpu.memref_slice %arg12[%add3A_39, %dma_wait3A] : memref<10240x128xf32, #tpu.memory_space<vmem_shared>> -> memref<64x128xf32, #tpu.memory_space<vmem_shared>>
      %dma_wait3A_100 = arith.constant 0 : i32
      %dma_wait3A_101 = tpu.memref_slice %arg12[%add3A_39, %dma_wait3A_100] : memref<10240x128xf32, #tpu.memory_space<vmem_shared>> -> memref<64x128xf32, #tpu.memory_space<vmem_shared>>
      tpu.wait_dma2 semaphore(%run_scoped3A : memref<!tpu.dma_semaphore, #tpu.memory_space<semaphore_mem>>) src(%arg10 : memref<64x128xf32, #tpu.memory_space<vmem>>) dst(%dma_wait3A_101 : memref<64x128xf32, #tpu.memory_space<vmem_shared>>)
      tpu.yield
    }) : () -> ()
    %add3A_40 = arith.constant 192 : i32
    %add3A_41 = arith.addi %mul3A_2, %add3A_40 : i32
    "tpu.region"() ({
      %run_scoped3A = tpu.sem_alloc : memref<!tpu.dma_semaphore, #tpu.memory_space<semaphore_mem>>
      %dma_start3A = arith.constant 0 : i32
      %dma_start3A_96 = tpu.memref_slice %arg15[%add3A_41, %dma_start3A] : memref<10240x16xf32, #tpu.memory_space<vmem_shared>> -> memref<64x16xf32, #tpu.memory_space<vmem_shared>>
      %dma_start3A_97 = arith.constant 0 : i32
      %dma_start3A_98 = tpu.memref_slice %arg15[%add3A_41, %dma_start3A_97] : memref<10240x16xf32, #tpu.memory_space<vmem_shared>> -> memref<64x16xf32, #tpu.memory_space<vmem_shared>>
      tpu.enqueue_dma source(%arg14 : memref<64x16xf32, #tpu.memory_space<vmem>>) target(%dma_start3A_98 : memref<64x16xf32, #tpu.memory_space<vmem_shared>>) target_semaphore(%run_scoped3A : memref<!tpu.dma_semaphore, #tpu.memory_space<semaphore_mem>>)
      %dma_wait3A = arith.constant 0 : i32
      %dma_wait3A_99 = tpu.memref_slice %arg15[%add3A_41, %dma_wait3A] : memref<10240x16xf32, #tpu.memory_space<vmem_shared>> -> memref<64x16xf32, #tpu.memory_space<vmem_shared>>
      %dma_wait3A_100 = arith.constant 0 : i32
      %dma_wait3A_101 = tpu.memref_slice %arg15[%add3A_41, %dma_wait3A_100] : memref<10240x16xf32, #tpu.memory_space<vmem_shared>> -> memref<64x16xf32, #tpu.memory_space<vmem_shared>>
      tpu.wait_dma2 semaphore(%run_scoped3A : memref<!tpu.dma_semaphore, #tpu.memory_space<semaphore_mem>>) src(%arg14 : memref<64x16xf32, #tpu.memory_space<vmem>>) dst(%dma_wait3A_101 : memref<64x16xf32, #tpu.memory_space<vmem_shared>>)
      tpu.yield
    }) : () -> ()
    %add3A_42 = arith.constant 256 : i32
    %add3A_43 = arith.addi %mul3A_2, %add3A_42 : i32
    "tpu.region"() ({
      %run_scoped3A = tpu.sem_alloc : memref<!tpu.dma_semaphore, #tpu.memory_space<semaphore_mem>>
      %dma_start3A = arith.constant 0 : i32
      %dma_start3A_96 = tpu.memref_slice %arg12[%add3A_43, %dma_start3A] : memref<10240x128xf32, #tpu.memory_space<vmem_shared>> -> memref<64x128xf32, #tpu.memory_space<vmem_shared>>
      %dma_start3A_97 = arith.constant 0 : i32
      %dma_start3A_98 = tpu.memref_slice %arg12[%add3A_43, %dma_start3A_97] : memref<10240x128xf32, #tpu.memory_space<vmem_shared>> -> memref<64x128xf32, #tpu.memory_space<vmem_shared>>
      tpu.enqueue_dma source(%arg10 : memref<64x128xf32, #tpu.memory_space<vmem>>) target(%dma_start3A_98 : memref<64x128xf32, #tpu.memory_space<vmem_shared>>) target_semaphore(%run_scoped3A : memref<!tpu.dma_semaphore, #tpu.memory_space<semaphore_mem>>)
      %dma_wait3A = arith.constant 0 : i32
      %dma_wait3A_99 = tpu.memref_slice %arg12[%add3A_43, %dma_wait3A] : memref<10240x128xf32, #tpu.memory_space<vmem_shared>> -> memref<64x128xf32, #tpu.memory_space<vmem_shared>>
      %dma_wait3A_100 = arith.constant 0 : i32
      %dma_wait3A_101 = tpu.memref_slice %arg12[%add3A_43, %dma_wait3A_100] : memref<10240x128xf32, #tpu.memory_space<vmem_shared>> -> memref<64x128xf32, #tpu.memory_space<vmem_shared>>
      tpu.wait_dma2 semaphore(%run_scoped3A : memref<!tpu.dma_semaphore, #tpu.memory_space<semaphore_mem>>) src(%arg10 : memref<64x128xf32, #tpu.memory_space<vmem>>) dst(%dma_wait3A_101 : memref<64x128xf32, #tpu.memory_space<vmem_shared>>)
      tpu.yield
    }) : () -> ()
    %add3A_44 = arith.constant 256 : i32
    %add3A_45 = arith.addi %mul3A_2, %add3A_44 : i32
    "tpu.region"() ({
      %run_scoped3A = tpu.sem_alloc : memref<!tpu.dma_semaphore, #tpu.memory_space<semaphore_mem>>
      %dma_start3A = arith.constant 0 : i32
      %dma_start3A_96 = tpu.memref_slice %arg15[%add3A_45, %dma_start3A] : memref<10240x16xf32, #tpu.memory_space<vmem_shared>> -> memref<64x16xf32, #tpu.memory_space<vmem_shared>>
      %dma_start3A_97 = arith.constant 0 : i32
      %dma_start3A_98 = tpu.memref_slice %arg15[%add3A_45, %dma_start3A_97] : memref<10240x16xf32, #tpu.memory_space<vmem_shared>> -> memref<64x16xf32, #tpu.memory_space<vmem_shared>>
      tpu.enqueue_dma source(%arg14 : memref<64x16xf32, #tpu.memory_space<vmem>>) target(%dma_start3A_98 : memref<64x16xf32, #tpu.memory_space<vmem_shared>>) target_semaphore(%run_scoped3A : memref<!tpu.dma_semaphore, #tpu.memory_space<semaphore_mem>>)
      %dma_wait3A = arith.constant 0 : i32
      %dma_wait3A_99 = tpu.memref_slice %arg15[%add3A_45, %dma_wait3A] : memref<10240x16xf32, #tpu.memory_space<vmem_shared>> -> memref<64x16xf32, #tpu.memory_space<vmem_shared>>
      %dma_wait3A_100 = arith.constant 0 : i32
      %dma_wait3A_101 = tpu.memref_slice %arg15[%add3A_45, %dma_wait3A_100] : memref<10240x16xf32, #tpu.memory_space<vmem_shared>> -> memref<64x16xf32, #tpu.memory_space<vmem_shared>>
      tpu.wait_dma2 semaphore(%run_scoped3A : memref<!tpu.dma_semaphore, #tpu.memory_space<semaphore_mem>>) src(%arg14 : memref<64x16xf32, #tpu.memory_space<vmem>>) dst(%dma_wait3A_101 : memref<64x16xf32, #tpu.memory_space<vmem_shared>>)
      tpu.yield
    }) : () -> ()
    %add3A_46 = arith.constant 320 : i32
    %add3A_47 = arith.addi %mul3A_2, %add3A_46 : i32
    "tpu.region"() ({
      %run_scoped3A = tpu.sem_alloc : memref<!tpu.dma_semaphore, #tpu.memory_space<semaphore_mem>>
      %dma_start3A = arith.constant 0 : i32
      %dma_start3A_96 = tpu.memref_slice %arg12[%add3A_47, %dma_start3A] : memref<10240x128xf32, #tpu.memory_space<vmem_shared>> -> memref<64x128xf32, #tpu.memory_space<vmem_shared>>
      %dma_start3A_97 = arith.constant 0 : i32
      %dma_start3A_98 = tpu.memref_slice %arg12[%add3A_47, %dma_start3A_97] : memref<10240x128xf32, #tpu.memory_space<vmem_shared>> -> memref<64x128xf32, #tpu.memory_space<vmem_shared>>
      tpu.enqueue_dma source(%arg10 : memref<64x128xf32, #tpu.memory_space<vmem>>) target(%dma_start3A_98 : memref<64x128xf32, #tpu.memory_space<vmem_shared>>) target_semaphore(%run_scoped3A : memref<!tpu.dma_semaphore, #tpu.memory_space<semaphore_mem>>)
      %dma_wait3A = arith.constant 0 : i32
      %dma_wait3A_99 = tpu.memref_slice %arg12[%add3A_47, %dma_wait3A] : memref<10240x128xf32, #tpu.memory_space<vmem_shared>> -> memref<64x128xf32, #tpu.memory_space<vmem_shared>>
      %dma_wait3A_100 = arith.constant 0 : i32
      %dma_wait3A_101 = tpu.memref_slice %arg12[%add3A_47, %dma_wait3A_100] : memref<10240x128xf32, #tpu.memory_space<vmem_shared>> -> memref<64x128xf32, #tpu.memory_space<vmem_shared>>
      tpu.wait_dma2 semaphore(%run_scoped3A : memref<!tpu.dma_semaphore, #tpu.memory_space<semaphore_mem>>) src(%arg10 : memref<64x128xf32, #tpu.memory_space<vmem>>) dst(%dma_wait3A_101 : memref<64x128xf32, #tpu.memory_space<vmem_shared>>)
      tpu.yield
    }) : () -> ()
    %add3A_48 = arith.constant 320 : i32
    %add3A_49 = arith.addi %mul3A_2, %add3A_48 : i32
    "tpu.region"() ({
      %run_scoped3A = tpu.sem_alloc : memref<!tpu.dma_semaphore, #tpu.memory_space<semaphore_mem>>
      %dma_start3A = arith.constant 0 : i32
      %dma_start3A_96 = tpu.memref_slice %arg15[%add3A_49, %dma_start3A] : memref<10240x16xf32, #tpu.memory_space<vmem_shared>> -> memref<64x16xf32, #tpu.memory_space<vmem_shared>>
      %dma_start3A_97 = arith.constant 0 : i32
      %dma_start3A_98 = tpu.memref_slice %arg15[%add3A_49, %dma_start3A_97] : memref<10240x16xf32, #tpu.memory_space<vmem_shared>> -> memref<64x16xf32, #tpu.memory_space<vmem_shared>>
      tpu.enqueue_dma source(%arg14 : memref<64x16xf32, #tpu.memory_space<vmem>>) target(%dma_start3A_98 : memref<64x16xf32, #tpu.memory_space<vmem_shared>>) target_semaphore(%run_scoped3A : memref<!tpu.dma_semaphore, #tpu.memory_space<semaphore_mem>>)
      %dma_wait3A = arith.constant 0 : i32
      %dma_wait3A_99 = tpu.memref_slice %arg15[%add3A_49, %dma_wait3A] : memref<10240x16xf32, #tpu.memory_space<vmem_shared>> -> memref<64x16xf32, #tpu.memory_space<vmem_shared>>
      %dma_wait3A_100 = arith.constant 0 : i32
      %dma_wait3A_101 = tpu.memref_slice %arg15[%add3A_49, %dma_wait3A_100] : memref<10240x16xf32, #tpu.memory_space<vmem_shared>> -> memref<64x16xf32, #tpu.memory_space<vmem_shared>>
      tpu.wait_dma2 semaphore(%run_scoped3A : memref<!tpu.dma_semaphore, #tpu.memory_space<semaphore_mem>>) src(%arg14 : memref<64x16xf32, #tpu.memory_space<vmem>>) dst(%dma_wait3A_101 : memref<64x16xf32, #tpu.memory_space<vmem_shared>>)
      tpu.yield
    }) : () -> ()
    %add3A_50 = arith.constant 384 : i32
    %add3A_51 = arith.addi %mul3A_2, %add3A_50 : i32
    "tpu.region"() ({
      %run_scoped3A = tpu.sem_alloc : memref<!tpu.dma_semaphore, #tpu.memory_space<semaphore_mem>>
      %dma_start3A = arith.constant 0 : i32
      %dma_start3A_96 = tpu.memref_slice %arg12[%add3A_51, %dma_start3A] : memref<10240x128xf32, #tpu.memory_space<vmem_shared>> -> memref<64x128xf32, #tpu.memory_space<vmem_shared>>
      %dma_start3A_97 = arith.constant 0 : i32
      %dma_start3A_98 = tpu.memref_slice %arg12[%add3A_51, %dma_start3A_97] : memref<10240x128xf32, #tpu.memory_space<vmem_shared>> -> memref<64x128xf32, #tpu.memory_space<vmem_shared>>
      tpu.enqueue_dma source(%arg10 : memref<64x128xf32, #tpu.memory_space<vmem>>) target(%dma_start3A_98 : memref<64x128xf32, #tpu.memory_space<vmem_shared>>) target_semaphore(%run_scoped3A : memref<!tpu.dma_semaphore, #tpu.memory_space<semaphore_mem>>)
      %dma_wait3A = arith.constant 0 : i32
      %dma_wait3A_99 = tpu.memref_slice %arg12[%add3A_51, %dma_wait3A] : memref<10240x128xf32, #tpu.memory_space<vmem_shared>> -> memref<64x128xf32, #tpu.memory_space<vmem_shared>>
      %dma_wait3A_100 = arith.constant 0 : i32
      %dma_wait3A_101 = tpu.memref_slice %arg12[%add3A_51, %dma_wait3A_100] : memref<10240x128xf32, #tpu.memory_space<vmem_shared>> -> memref<64x128xf32, #tpu.memory_space<vmem_shared>>
      tpu.wait_dma2 semaphore(%run_scoped3A : memref<!tpu.dma_semaphore, #tpu.memory_space<semaphore_mem>>) src(%arg10 : memref<64x128xf32, #tpu.memory_space<vmem>>) dst(%dma_wait3A_101 : memref<64x128xf32, #tpu.memory_space<vmem_shared>>)
      tpu.yield
    }) : () -> ()
    %add3A_52 = arith.constant 384 : i32
    %add3A_53 = arith.addi %mul3A_2, %add3A_52 : i32
    "tpu.region"() ({
      %run_scoped3A = tpu.sem_alloc : memref<!tpu.dma_semaphore, #tpu.memory_space<semaphore_mem>>
      %dma_start3A = arith.constant 0 : i32
      %dma_start3A_96 = tpu.memref_slice %arg15[%add3A_53, %dma_start3A] : memref<10240x16xf32, #tpu.memory_space<vmem_shared>> -> memref<64x16xf32, #tpu.memory_space<vmem_shared>>
      %dma_start3A_97 = arith.constant 0 : i32
      %dma_start3A_98 = tpu.memref_slice %arg15[%add3A_53, %dma_start3A_97] : memref<10240x16xf32, #tpu.memory_space<vmem_shared>> -> memref<64x16xf32, #tpu.memory_space<vmem_shared>>
      tpu.enqueue_dma source(%arg14 : memref<64x16xf32, #tpu.memory_space<vmem>>) target(%dma_start3A_98 : memref<64x16xf32, #tpu.memory_space<vmem_shared>>) target_semaphore(%run_scoped3A : memref<!tpu.dma_semaphore, #tpu.memory_space<semaphore_mem>>)
      %dma_wait3A = arith.constant 0 : i32
      %dma_wait3A_99 = tpu.memref_slice %arg15[%add3A_53, %dma_wait3A] : memref<10240x16xf32, #tpu.memory_space<vmem_shared>> -> memref<64x16xf32, #tpu.memory_space<vmem_shared>>
      %dma_wait3A_100 = arith.constant 0 : i32
      %dma_wait3A_101 = tpu.memref_slice %arg15[%add3A_53, %dma_wait3A_100] : memref<10240x16xf32, #tpu.memory_space<vmem_shared>> -> memref<64x16xf32, #tpu.memory_space<vmem_shared>>
      tpu.wait_dma2 semaphore(%run_scoped3A : memref<!tpu.dma_semaphore, #tpu.memory_space<semaphore_mem>>) src(%arg14 : memref<64x16xf32, #tpu.memory_space<vmem>>) dst(%dma_wait3A_101 : memref<64x16xf32, #tpu.memory_space<vmem_shared>>)
      tpu.yield
    }) : () -> ()
    %add3A_54 = arith.constant 448 : i32
    %add3A_55 = arith.addi %mul3A_2, %add3A_54 : i32
    "tpu.region"() ({
      %run_scoped3A = tpu.sem_alloc : memref<!tpu.dma_semaphore, #tpu.memory_space<semaphore_mem>>
      %dma_start3A = arith.constant 0 : i32
      %dma_start3A_96 = tpu.memref_slice %arg12[%add3A_55, %dma_start3A] : memref<10240x128xf32, #tpu.memory_space<vmem_shared>> -> memref<64x128xf32, #tpu.memory_space<vmem_shared>>
      %dma_start3A_97 = arith.constant 0 : i32
      %dma_start3A_98 = tpu.memref_slice %arg12[%add3A_55, %dma_start3A_97] : memref<10240x128xf32, #tpu.memory_space<vmem_shared>> -> memref<64x128xf32, #tpu.memory_space<vmem_shared>>
      tpu.enqueue_dma source(%arg10 : memref<64x128xf32, #tpu.memory_space<vmem>>) target(%dma_start3A_98 : memref<64x128xf32, #tpu.memory_space<vmem_shared>>) target_semaphore(%run_scoped3A : memref<!tpu.dma_semaphore, #tpu.memory_space<semaphore_mem>>)
      %dma_wait3A = arith.constant 0 : i32
      %dma_wait3A_99 = tpu.memref_slice %arg12[%add3A_55, %dma_wait3A] : memref<10240x128xf32, #tpu.memory_space<vmem_shared>> -> memref<64x128xf32, #tpu.memory_space<vmem_shared>>
      %dma_wait3A_100 = arith.constant 0 : i32
      %dma_wait3A_101 = tpu.memref_slice %arg12[%add3A_55, %dma_wait3A_100] : memref<10240x128xf32, #tpu.memory_space<vmem_shared>> -> memref<64x128xf32, #tpu.memory_space<vmem_shared>>
      tpu.wait_dma2 semaphore(%run_scoped3A : memref<!tpu.dma_semaphore, #tpu.memory_space<semaphore_mem>>) src(%arg10 : memref<64x128xf32, #tpu.memory_space<vmem>>) dst(%dma_wait3A_101 : memref<64x128xf32, #tpu.memory_space<vmem_shared>>)
      tpu.yield
    }) : () -> ()
    %add3A_56 = arith.constant 448 : i32
    %add3A_57 = arith.addi %mul3A_2, %add3A_56 : i32
    "tpu.region"() ({
      %run_scoped3A = tpu.sem_alloc : memref<!tpu.dma_semaphore, #tpu.memory_space<semaphore_mem>>
      %dma_start3A = arith.constant 0 : i32
      %dma_start3A_96 = tpu.memref_slice %arg15[%add3A_57, %dma_start3A] : memref<10240x16xf32, #tpu.memory_space<vmem_shared>> -> memref<64x16xf32, #tpu.memory_space<vmem_shared>>
      %dma_start3A_97 = arith.constant 0 : i32
      %dma_start3A_98 = tpu.memref_slice %arg15[%add3A_57, %dma_start3A_97] : memref<10240x16xf32, #tpu.memory_space<vmem_shared>> -> memref<64x16xf32, #tpu.memory_space<vmem_shared>>
      tpu.enqueue_dma source(%arg14 : memref<64x16xf32, #tpu.memory_space<vmem>>) target(%dma_start3A_98 : memref<64x16xf32, #tpu.memory_space<vmem_shared>>) target_semaphore(%run_scoped3A : memref<!tpu.dma_semaphore, #tpu.memory_space<semaphore_mem>>)
      %dma_wait3A = arith.constant 0 : i32
      %dma_wait3A_99 = tpu.memref_slice %arg15[%add3A_57, %dma_wait3A] : memref<10240x16xf32, #tpu.memory_space<vmem_shared>> -> memref<64x16xf32, #tpu.memory_space<vmem_shared>>
      %dma_wait3A_100 = arith.constant 0 : i32
      %dma_wait3A_101 = tpu.memref_slice %arg15[%add3A_57, %dma_wait3A_100] : memref<10240x16xf32, #tpu.memory_space<vmem_shared>> -> memref<64x16xf32, #tpu.memory_space<vmem_shared>>
      tpu.wait_dma2 semaphore(%run_scoped3A : memref<!tpu.dma_semaphore, #tpu.memory_space<semaphore_mem>>) src(%arg14 : memref<64x16xf32, #tpu.memory_space<vmem>>) dst(%dma_wait3A_101 : memref<64x16xf32, #tpu.memory_space<vmem_shared>>)
      tpu.yield
    }) : () -> ()
    %add3A_58 = arith.constant 512 : i32
    %add3A_59 = arith.addi %mul3A_2, %add3A_58 : i32
    "tpu.region"() ({
      %run_scoped3A = tpu.sem_alloc : memref<!tpu.dma_semaphore, #tpu.memory_space<semaphore_mem>>
      %dma_start3A = arith.constant 0 : i32
      %dma_start3A_96 = tpu.memref_slice %arg12[%add3A_59, %dma_start3A] : memref<10240x128xf32, #tpu.memory_space<vmem_shared>> -> memref<64x128xf32, #tpu.memory_space<vmem_shared>>
      %dma_start3A_97 = arith.constant 0 : i32
      %dma_start3A_98 = tpu.memref_slice %arg12[%add3A_59, %dma_start3A_97] : memref<10240x128xf32, #tpu.memory_space<vmem_shared>> -> memref<64x128xf32, #tpu.memory_space<vmem_shared>>
      tpu.enqueue_dma source(%arg10 : memref<64x128xf32, #tpu.memory_space<vmem>>) target(%dma_start3A_98 : memref<64x128xf32, #tpu.memory_space<vmem_shared>>) target_semaphore(%run_scoped3A : memref<!tpu.dma_semaphore, #tpu.memory_space<semaphore_mem>>)
      %dma_wait3A = arith.constant 0 : i32
      %dma_wait3A_99 = tpu.memref_slice %arg12[%add3A_59, %dma_wait3A] : memref<10240x128xf32, #tpu.memory_space<vmem_shared>> -> memref<64x128xf32, #tpu.memory_space<vmem_shared>>
      %dma_wait3A_100 = arith.constant 0 : i32
      %dma_wait3A_101 = tpu.memref_slice %arg12[%add3A_59, %dma_wait3A_100] : memref<10240x128xf32, #tpu.memory_space<vmem_shared>> -> memref<64x128xf32, #tpu.memory_space<vmem_shared>>
      tpu.wait_dma2 semaphore(%run_scoped3A : memref<!tpu.dma_semaphore, #tpu.memory_space<semaphore_mem>>) src(%arg10 : memref<64x128xf32, #tpu.memory_space<vmem>>) dst(%dma_wait3A_101 : memref<64x128xf32, #tpu.memory_space<vmem_shared>>)
      tpu.yield
    }) : () -> ()
    %add3A_60 = arith.constant 512 : i32
    %add3A_61 = arith.addi %mul3A_2, %add3A_60 : i32
    "tpu.region"() ({
      %run_scoped3A = tpu.sem_alloc : memref<!tpu.dma_semaphore, #tpu.memory_space<semaphore_mem>>
      %dma_start3A = arith.constant 0 : i32
      %dma_start3A_96 = tpu.memref_slice %arg15[%add3A_61, %dma_start3A] : memref<10240x16xf32, #tpu.memory_space<vmem_shared>> -> memref<64x16xf32, #tpu.memory_space<vmem_shared>>
      %dma_start3A_97 = arith.constant 0 : i32
      %dma_start3A_98 = tpu.memref_slice %arg15[%add3A_61, %dma_start3A_97] : memref<10240x16xf32, #tpu.memory_space<vmem_shared>> -> memref<64x16xf32, #tpu.memory_space<vmem_shared>>
      tpu.enqueue_dma source(%arg14 : memref<64x16xf32, #tpu.memory_space<vmem>>) target(%dma_start3A_98 : memref<64x16xf32, #tpu.memory_space<vmem_shared>>) target_semaphore(%run_scoped3A : memref<!tpu.dma_semaphore, #tpu.memory_space<semaphore_mem>>)
      %dma_wait3A = arith.constant 0 : i32
      %dma_wait3A_99 = tpu.memref_slice %arg15[%add3A_61, %dma_wait3A] : memref<10240x16xf32, #tpu.memory_space<vmem_shared>> -> memref<64x16xf32, #tpu.memory_space<vmem_shared>>
      %dma_wait3A_100 = arith.constant 0 : i32
      %dma_wait3A_101 = tpu.memref_slice %arg15[%add3A_61, %dma_wait3A_100] : memref<10240x16xf32, #tpu.memory_space<vmem_shared>> -> memref<64x16xf32, #tpu.memory_space<vmem_shared>>
      tpu.wait_dma2 semaphore(%run_scoped3A : memref<!tpu.dma_semaphore, #tpu.memory_space<semaphore_mem>>) src(%arg14 : memref<64x16xf32, #tpu.memory_space<vmem>>) dst(%dma_wait3A_101 : memref<64x16xf32, #tpu.memory_space<vmem_shared>>)
      tpu.yield
    }) : () -> ()
    %add3A_62 = arith.constant 576 : i32
    %add3A_63 = arith.addi %mul3A_2, %add3A_62 : i32
    "tpu.region"() ({
      %run_scoped3A = tpu.sem_alloc : memref<!tpu.dma_semaphore, #tpu.memory_space<semaphore_mem>>
      %dma_start3A = arith.constant 0 : i32
      %dma_start3A_96 = tpu.memref_slice %arg12[%add3A_63, %dma_start3A] : memref<10240x128xf32, #tpu.memory_space<vmem_shared>> -> memref<64x128xf32, #tpu.memory_space<vmem_shared>>
      %dma_start3A_97 = arith.constant 0 : i32
      %dma_start3A_98 = tpu.memref_slice %arg12[%add3A_63, %dma_start3A_97] : memref<10240x128xf32, #tpu.memory_space<vmem_shared>> -> memref<64x128xf32, #tpu.memory_space<vmem_shared>>
      tpu.enqueue_dma source(%arg10 : memref<64x128xf32, #tpu.memory_space<vmem>>) target(%dma_start3A_98 : memref<64x128xf32, #tpu.memory_space<vmem_shared>>) target_semaphore(%run_scoped3A : memref<!tpu.dma_semaphore, #tpu.memory_space<semaphore_mem>>)
      %dma_wait3A = arith.constant 0 : i32
      %dma_wait3A_99 = tpu.memref_slice %arg12[%add3A_63, %dma_wait3A] : memref<10240x128xf32, #tpu.memory_space<vmem_shared>> -> memref<64x128xf32, #tpu.memory_space<vmem_shared>>
      %dma_wait3A_100 = arith.constant 0 : i32
      %dma_wait3A_101 = tpu.memref_slice %arg12[%add3A_63, %dma_wait3A_100] : memref<10240x128xf32, #tpu.memory_space<vmem_shared>> -> memref<64x128xf32, #tpu.memory_space<vmem_shared>>
      tpu.wait_dma2 semaphore(%run_scoped3A : memref<!tpu.dma_semaphore, #tpu.memory_space<semaphore_mem>>) src(%arg10 : memref<64x128xf32, #tpu.memory_space<vmem>>) dst(%dma_wait3A_101 : memref<64x128xf32, #tpu.memory_space<vmem_shared>>)
      tpu.yield
    }) : () -> ()
    %add3A_64 = arith.constant 576 : i32
    %add3A_65 = arith.addi %mul3A_2, %add3A_64 : i32
    "tpu.region"() ({
      %run_scoped3A = tpu.sem_alloc : memref<!tpu.dma_semaphore, #tpu.memory_space<semaphore_mem>>
      %dma_start3A = arith.constant 0 : i32
      %dma_start3A_96 = tpu.memref_slice %arg15[%add3A_65, %dma_start3A] : memref<10240x16xf32, #tpu.memory_space<vmem_shared>> -> memref<64x16xf32, #tpu.memory_space<vmem_shared>>
      %dma_start3A_97 = arith.constant 0 : i32
      %dma_start3A_98 = tpu.memref_slice %arg15[%add3A_65, %dma_start3A_97] : memref<10240x16xf32, #tpu.memory_space<vmem_shared>> -> memref<64x16xf32, #tpu.memory_space<vmem_shared>>
      tpu.enqueue_dma source(%arg14 : memref<64x16xf32, #tpu.memory_space<vmem>>) target(%dma_start3A_98 : memref<64x16xf32, #tpu.memory_space<vmem_shared>>) target_semaphore(%run_scoped3A : memref<!tpu.dma_semaphore, #tpu.memory_space<semaphore_mem>>)
      %dma_wait3A = arith.constant 0 : i32
      %dma_wait3A_99 = tpu.memref_slice %arg15[%add3A_65, %dma_wait3A] : memref<10240x16xf32, #tpu.memory_space<vmem_shared>> -> memref<64x16xf32, #tpu.memory_space<vmem_shared>>
      %dma_wait3A_100 = arith.constant 0 : i32
      %dma_wait3A_101 = tpu.memref_slice %arg15[%add3A_65, %dma_wait3A_100] : memref<10240x16xf32, #tpu.memory_space<vmem_shared>> -> memref<64x16xf32, #tpu.memory_space<vmem_shared>>
      tpu.wait_dma2 semaphore(%run_scoped3A : memref<!tpu.dma_semaphore, #tpu.memory_space<semaphore_mem>>) src(%arg14 : memref<64x16xf32, #tpu.memory_space<vmem>>) dst(%dma_wait3A_101 : memref<64x16xf32, #tpu.memory_space<vmem_shared>>)
      tpu.yield
    }) : () -> ()
    %barrier3A = arith.constant 0 : index
    tpu.barrier barrier_id(%barrier3A)
    %mul3A_66 = arith.constant 10000 : i32
    %mul3A_67 = arith.muli %add3A, %mul3A_66 : i32
    %scan3A_68 = arith.constant 0 : i32
    %scan3A_69 = arith.constant 0 : i32
    %scan3A_70 = arith.constant 125 : i32
    %scan3A_71 = arith.addi %scan3A_69, %scan3A_70 : i32
    %scan3A_72 = arith.constant 1 : i32
    %scan3A_73 = scf.for %scan3A_96 = %scan3A_69 to %scan3A_71 step %scan3A_72 iter_args(%scan3A_97 = %scan3A_68) -> (i32)  : i32 {
      %mul3A_98 = arith.constant 80 : i32
      %mul3A_99 = arith.muli %scan3A_96, %mul3A_98 : i32
      %add3A_100 = arith.addi %mul3A_67, %mul3A_99 : i32
      "tpu.region"() ({
        %run_scoped3A = tpu.sem_alloc : memref<!tpu.dma_semaphore, #tpu.memory_space<semaphore_mem>>
        %dma_start3A_106 = tpu.memref_slice %arg3[%add3A_100] : memref<320000xi32, #tpu.memory_space<hbm>> -> memref<80xi32, #tpu.memory_space<hbm>>
        %dma_start3A_107 = tpu.memref_slice %arg3[%add3A_100] : memref<320000xi32, #tpu.memory_space<hbm>> -> memref<80xi32, #tpu.memory_space<hbm>>
        tpu.enqueue_dma source(%dma_start3A_107 : memref<80xi32, #tpu.memory_space<hbm>>) target(%arg7 : memref<80xi32, #tpu.memory_space<vmem>>) target_semaphore(%run_scoped3A : memref<!tpu.dma_semaphore, #tpu.memory_space<semaphore_mem>>)
        %dma_wait3A_108 = tpu.memref_slice %arg3[%add3A_100] : memref<320000xi32, #tpu.memory_space<hbm>> -> memref<80xi32, #tpu.memory_space<hbm>>
        %dma_wait3A_109 = tpu.memref_slice %arg3[%add3A_100] : memref<320000xi32, #tpu.memory_space<hbm>> -> memref<80xi32, #tpu.memory_space<hbm>>
        tpu.wait_dma2 semaphore(%run_scoped3A : memref<!tpu.dma_semaphore, #tpu.memory_space<semaphore_mem>>) src(%dma_wait3A_109 : memref<80xi32, #tpu.memory_space<hbm>>) dst(%arg7 : memref<80xi32, #tpu.memory_space<vmem>>)
        tpu.yield
      }) : () -> ()
      "tpu.region"() ({
        %run_scoped3A = tpu.sem_alloc : memref<!tpu.dma_semaphore, #tpu.memory_space<semaphore_mem>>
        %dma_start3A_106 = tpu.memref_slice %arg4[%add3A_100] : memref<320000xi32, #tpu.memory_space<hbm>> -> memref<80xi32, #tpu.memory_space<hbm>>
        %dma_start3A_107 = tpu.memref_slice %arg4[%add3A_100] : memref<320000xi32, #tpu.memory_space<hbm>> -> memref<80xi32, #tpu.memory_space<hbm>>
        tpu.enqueue_dma source(%dma_start3A_107 : memref<80xi32, #tpu.memory_space<hbm>>) target(%arg8 : memref<80xi32, #tpu.memory_space<vmem>>) target_semaphore(%run_scoped3A : memref<!tpu.dma_semaphore, #tpu.memory_space<semaphore_mem>>)
        %dma_wait3A_108 = tpu.memref_slice %arg4[%add3A_100] : memref<320000xi32, #tpu.memory_space<hbm>> -> memref<80xi32, #tpu.memory_space<hbm>>
        %dma_wait3A_109 = tpu.memref_slice %arg4[%add3A_100] : memref<320000xi32, #tpu.memory_space<hbm>> -> memref<80xi32, #tpu.memory_space<hbm>>
        tpu.wait_dma2 semaphore(%run_scoped3A : memref<!tpu.dma_semaphore, #tpu.memory_space<semaphore_mem>>) src(%dma_wait3A_109 : memref<80xi32, #tpu.memory_space<hbm>>) dst(%arg8 : memref<80xi32, #tpu.memory_space<vmem>>)
        tpu.yield
      }) : () -> ()
      %dma_start3A = arith.constant 0 : i32
      %dma_start3A_101 = arith.constant 0 : i32
      %dma_start3A_102 = tpu.memref_slice %arg2[%dma_start3A, %dma_start3A_101] : memref<10240x128xf32, #tpu.memory_space<hbm>> -> memref<10240x128xf32, #tpu.memory_space<hbm>>
      tpu.enqueue_indirect_dma source(%dma_start3A_102 : memref<10240x128xf32, #tpu.memory_space<hbm>>) target(%arg9 : memref<80x128xf32, #tpu.memory_space<vmem>>) offsets(%arg7 : memref<80xi32, #tpu.memory_space<vmem>>) semaphore(%arg11 : memref<!tpu.dma_semaphore, #tpu.memory_space<semaphore_mem>>)
      %dma_wait3A = arith.constant 0 : i32
      %dma_wait3A_103 = arith.constant 0 : i32
      %dma_wait3A_104 = tpu.memref_slice %arg2[%dma_wait3A, %dma_wait3A_103] : memref<10240x128xf32, #tpu.memory_space<hbm>> -> memref<10240x128xf32, #tpu.memory_space<hbm>>
      tpu.wait_indirect_dma semaphore(%arg11 : memref<!tpu.dma_semaphore, #tpu.memory_space<semaphore_mem>>) src(%dma_wait3A_104 : memref<10240x128xf32, #tpu.memory_space<hbm>>) dst(%arg9 : memref<80x128xf32, #tpu.memory_space<vmem>>)
      "tpu.region"() ({
        %run_scoped3A = tpu.sem_alloc : memref<!tpu.dma_semaphore, #tpu.memory_space<semaphore_mem>>
        %dma_start3A_106 = arith.constant 0 : i32
        %dma_start3A_107 = arith.constant 0 : i32
        %dma_start3A_108 = tpu.memref_slice %arg12[%dma_start3A_106, %dma_start3A_107] : memref<10240x128xf32, #tpu.memory_space<vmem_shared>> -> memref<10240x128xf32, #tpu.memory_space<vmem_shared>>
        tpu.enqueue_indirect_dma source(%arg9 : memref<80x128xf32, #tpu.memory_space<vmem>>) target(%dma_start3A_108 : memref<10240x128xf32, #tpu.memory_space<vmem_shared>>) offsets(%arg8 : memref<80xi32, #tpu.memory_space<vmem>>) semaphore(%run_scoped3A : memref<!tpu.dma_semaphore, #tpu.memory_space<semaphore_mem>>) {add = true}
        %dma_wait3A_109 = arith.constant 0 : i32
        %dma_wait3A_110 = arith.constant 0 : i32
        %dma_wait3A_111 = tpu.memref_slice %arg12[%dma_wait3A_109, %dma_wait3A_110] : memref<10240x128xf32, #tpu.memory_space<vmem_shared>> -> memref<10240x128xf32, #tpu.memory_space<vmem_shared>>
        tpu.wait_indirect_dma semaphore(%run_scoped3A : memref<!tpu.dma_semaphore, #tpu.memory_space<semaphore_mem>>) src(%arg9 : memref<80x128xf32, #tpu.memory_space<vmem>>) dst(%dma_wait3A_111 : memref<10240x128xf32, #tpu.memory_space<vmem_shared>>)
        tpu.yield
      }) : () -> ()
      "tpu.region"() ({
        %run_scoped3A = tpu.sem_alloc : memref<!tpu.dma_semaphore, #tpu.memory_space<semaphore_mem>>
        %dma_start3A_106 = arith.constant 0 : i32
        %dma_start3A_107 = arith.constant 0 : i32
        %dma_start3A_108 = tpu.memref_slice %arg15[%dma_start3A_106, %dma_start3A_107] : memref<10240x16xf32, #tpu.memory_space<vmem_shared>> -> memref<10240x16xf32, #tpu.memory_space<vmem_shared>>
        tpu.enqueue_indirect_dma source(%arg13 : memref<80x16xf32, #tpu.memory_space<vmem>>) target(%dma_start3A_108 : memref<10240x16xf32, #tpu.memory_space<vmem_shared>>) offsets(%arg8 : memref<80xi32, #tpu.memory_space<vmem>>) semaphore(%run_scoped3A : memref<!tpu.dma_semaphore, #tpu.memory_space<semaphore_mem>>) {add = true}
        %dma_wait3A_109 = arith.constant 0 : i32
        %dma_wait3A_110 = arith.constant 0 : i32
        %dma_wait3A_111 = tpu.memref_slice %arg15[%dma_wait3A_109, %dma_wait3A_110] : memref<10240x16xf32, #tpu.memory_space<vmem_shared>> -> memref<10240x16xf32, #tpu.memory_space<vmem_shared>>
        tpu.wait_indirect_dma semaphore(%run_scoped3A : memref<!tpu.dma_semaphore, #tpu.memory_space<semaphore_mem>>) src(%arg13 : memref<80x16xf32, #tpu.memory_space<vmem>>) dst(%dma_wait3A_111 : memref<10240x16xf32, #tpu.memory_space<vmem_shared>>)
        tpu.yield
      }) : () -> ()
      %scan3A_105 = arith.constant 0 : i32
      scf.yield %scan3A_105 : i32
    }
    %scan3A_74 = arith.constant 125 : i32
    %barrier3A_75 = arith.constant 0 : index
    tpu.barrier barrier_id(%barrier3A_75)
    %add3A_76 = arith.constant 0 : i32
    %add3A_77 = arith.addi %mul3A_2, %add3A_76 : i32
    "tpu.region"() ({
      %run_scoped3A = tpu.sem_alloc : memref<!tpu.dma_semaphore, #tpu.memory_space<semaphore_mem>>
      %dma_start3A = arith.constant 0 : i32
      %dma_start3A_96 = tpu.memref_slice %arg12[%add3A_77, %dma_start3A] : memref<10240x128xf32, #tpu.memory_space<vmem_shared>> -> memref<64x128xf32, #tpu.memory_space<vmem_shared>>
      %dma_start3A_97 = arith.constant 0 : i32
      %dma_start3A_98 = tpu.memref_slice %arg12[%add3A_77, %dma_start3A_97] : memref<10240x128xf32, #tpu.memory_space<vmem_shared>> -> memref<64x128xf32, #tpu.memory_space<vmem_shared>>
      tpu.enqueue_dma source(%dma_start3A_98 : memref<64x128xf32, #tpu.memory_space<vmem_shared>>) target(%arg10 : memref<64x128xf32, #tpu.memory_space<vmem>>) target_semaphore(%run_scoped3A : memref<!tpu.dma_semaphore, #tpu.memory_space<semaphore_mem>>)
      %dma_wait3A = arith.constant 0 : i32
      %dma_wait3A_99 = tpu.memref_slice %arg12[%add3A_77, %dma_wait3A] : memref<10240x128xf32, #tpu.memory_space<vmem_shared>> -> memref<64x128xf32, #tpu.memory_space<vmem_shared>>
      %dma_wait3A_100 = arith.constant 0 : i32
      %dma_wait3A_101 = tpu.memref_slice %arg12[%add3A_77, %dma_wait3A_100] : memref<10240x128xf32, #tpu.memory_space<vmem_shared>> -> memref<64x128xf32, #tpu.memory_space<vmem_shared>>
      tpu.wait_dma2 semaphore(%run_scoped3A : memref<!tpu.dma_semaphore, #tpu.memory_space<semaphore_mem>>) src(%dma_wait3A_101 : memref<64x128xf32, #tpu.memory_space<vmem_shared>>) dst(%arg10 : memref<64x128xf32, #tpu.memory_space<vmem>>)
      tpu.yield
    }) : () -> ()
    "tpu.region"() ({
      %run_scoped3A = tpu.sem_alloc : memref<!tpu.dma_semaphore, #tpu.memory_space<semaphore_mem>>
      %dma_start3A = arith.constant 0 : i32
      %dma_start3A_96 = tpu.memref_slice %arg5[%arg0, %add3A_77, %dma_start3A] : memref<2x10240x128xf32, #tpu.memory_space<hbm>> -> memref<1x64x128xf32, #tpu.memory_space<hbm>>
      %dma_start3A_97 = tpu.memref_squeeze %dma_start3A_96 : memref<1x64x128xf32, #tpu.memory_space<hbm>> -> memref<64x128xf32, #tpu.memory_space<hbm>>
      %dma_start3A_98 = arith.constant 0 : i32
      %dma_start3A_99 = tpu.memref_slice %arg5[%arg0, %add3A_77, %dma_start3A_98] : memref<2x10240x128xf32, #tpu.memory_space<hbm>> -> memref<1x64x128xf32, #tpu.memory_space<hbm>>
      %dma_start3A_100 = tpu.memref_squeeze %dma_start3A_99 : memref<1x64x128xf32, #tpu.memory_space<hbm>> -> memref<64x128xf32, #tpu.memory_space<hbm>>
      tpu.enqueue_dma source(%arg10 : memref<64x128xf32, #tpu.memory_space<vmem>>) target(%dma_start3A_100 : memref<64x128xf32, #tpu.memory_space<hbm>>) target_semaphore(%run_scoped3A : memref<!tpu.dma_semaphore, #tpu.memory_space<semaphore_mem>>)
      %dma_wait3A = arith.constant 0 : i32
      %dma_wait3A_101 = tpu.memref_slice %arg5[%arg0, %add3A_77, %dma_wait3A] : memref<2x10240x128xf32, #tpu.memory_space<hbm>> -> memref<1x64x128xf32, #tpu.memory_space<hbm>>
      %dma_wait3A_102 = tpu.memref_squeeze %dma_wait3A_101 : memref<1x64x128xf32, #tpu.memory_space<hbm>> -> memref<64x128xf32, #tpu.memory_space<hbm>>
      %dma_wait3A_103 = arith.constant 0 : i32
      %dma_wait3A_104 = tpu.memref_slice %arg5[%arg0, %add3A_77, %dma_wait3A_103] : memref<2x10240x128xf32, #tpu.memory_space<hbm>> -> memref<1x64x128xf32, #tpu.memory_space<hbm>>
      %dma_wait3A_105 = tpu.memref_squeeze %dma_wait3A_104 : memref<1x64x128xf32, #tpu.memory_space<hbm>> -> memref<64x128xf32, #tpu.memory_space<hbm>>
      tpu.wait_dma2 semaphore(%run_scoped3A : memref<!tpu.dma_semaphore, #tpu.memory_space<semaphore_mem>>) src(%arg10 : memref<64x128xf32, #tpu.memory_space<vmem>>) dst(%dma_wait3A_105 : memref<64x128xf32, #tpu.memory_space<hbm>>)
      tpu.yield
    }) : () -> ()
    "tpu.region"() ({
      %run_scoped3A = tpu.sem_alloc : memref<!tpu.dma_semaphore, #tpu.memory_space<semaphore_mem>>
      %dma_start3A = arith.constant 0 : i32
      %dma_start3A_96 = tpu.memref_slice %arg15[%add3A_77, %dma_start3A] : memref<10240x16xf32, #tpu.memory_space<vmem_shared>> -> memref<64x16xf32, #tpu.memory_space<vmem_shared>>
      %dma_start3A_97 = arith.constant 0 : i32
      %dma_start3A_98 = tpu.memref_slice %arg15[%add3A_77, %dma_start3A_97] : memref<10240x16xf32, #tpu.memory_space<vmem_shared>> -> memref<64x16xf32, #tpu.memory_space<vmem_shared>>
      tpu.enqueue_dma source(%dma_start3A_98 : memref<64x16xf32, #tpu.memory_space<vmem_shared>>) target(%arg14 : memref<64x16xf32, #tpu.memory_space<vmem>>) target_semaphore(%run_scoped3A : memref<!tpu.dma_semaphore, #tpu.memory_space<semaphore_mem>>)
      %dma_wait3A = arith.constant 0 : i32
      %dma_wait3A_99 = tpu.memref_slice %arg15[%add3A_77, %dma_wait3A] : memref<10240x16xf32, #tpu.memory_space<vmem_shared>> -> memref<64x16xf32, #tpu.memory_space<vmem_shared>>
      %dma_wait3A_100 = arith.constant 0 : i32
      %dma_wait3A_101 = tpu.memref_slice %arg15[%add3A_77, %dma_wait3A_100] : memref<10240x16xf32, #tpu.memory_space<vmem_shared>> -> memref<64x16xf32, #tpu.memory_space<vmem_shared>>
      tpu.wait_dma2 semaphore(%run_scoped3A : memref<!tpu.dma_semaphore, #tpu.memory_space<semaphore_mem>>) src(%dma_wait3A_101 : memref<64x16xf32, #tpu.memory_space<vmem_shared>>) dst(%arg14 : memref<64x16xf32, #tpu.memory_space<vmem>>)
      tpu.yield
    }) : () -> ()
    "tpu.region"() ({
      %run_scoped3A = tpu.sem_alloc : memref<!tpu.dma_semaphore, #tpu.memory_space<semaphore_mem>>
      %dma_start3A = arith.constant 0 : i32
      %dma_start3A_96 = tpu.memref_slice %arg6[%arg0, %add3A_77, %dma_start3A] : memref<2x10240x16xf32, #tpu.memory_space<hbm>> -> memref<1x64x16xf32, #tpu.memory_space<hbm>>
      %dma_start3A_97 = tpu.memref_squeeze %dma_start3A_96 : memref<1x64x16xf32, #tpu.memory_space<hbm>> -> memref<64x16xf32, #tpu.memory_space<hbm>>
      %dma_start3A_98 = arith.constant 0 : i32
      %dma_start3A_99 = tpu.memref_slice %arg6[%arg0, %add3A_77, %dma_start3A_98] : memref<2x10240x16xf32, #tpu.memory_space<hbm>> -> memref<1x64x16xf32, #tpu.memory_space<hbm>>
      %dma_start3A_100 = tpu.memref_squeeze %dma_start3A_99 : memref<1x64x16xf32, #tpu.memory_space<hbm>> -> memref<64x16xf32, #tpu.memory_space<hbm>>
      tpu.enqueue_dma source(%arg14 : memref<64x16xf32, #tpu.memory_space<vmem>>) target(%dma_start3A_100 : memref<64x16xf32, #tpu.memory_space<hbm>>) target_semaphore(%run_scoped3A : memref<!tpu.dma_semaphore, #tpu.memory_space<semaphore_mem>>)
      %dma_wait3A = arith.constant 0 : i32
      %dma_wait3A_101 = tpu.memref_slice %arg6[%arg0, %add3A_77, %dma_wait3A] : memref<2x10240x16xf32, #tpu.memory_space<hbm>> -> memref<1x64x16xf32, #tpu.memory_space<hbm>>
      %dma_wait3A_102 = tpu.memref_squeeze %dma_wait3A_101 : memref<1x64x16xf32, #tpu.memory_space<hbm>> -> memref<64x16xf32, #tpu.memory_space<hbm>>
      %dma_wait3A_103 = arith.constant 0 : i32
      %dma_wait3A_104 = tpu.memref_slice %arg6[%arg0, %add3A_77, %dma_wait3A_103] : memref<2x10240x16xf32, #tpu.memory_space<hbm>> -> memref<1x64x16xf32, #tpu.memory_space<hbm>>
      %dma_wait3A_105 = tpu.memref_squeeze %dma_wait3A_104 : memref<1x64x16xf32, #tpu.memory_space<hbm>> -> memref<64x16xf32, #tpu.memory_space<hbm>>
      tpu.wait_dma2 semaphore(%run_scoped3A : memref<!tpu.dma_semaphore, #tpu.memory_space<semaphore_mem>>) src(%arg14 : memref<64x16xf32, #tpu.memory_space<vmem>>) dst(%dma_wait3A_105 : memref<64x16xf32, #tpu.memory_space<hbm>>)
      tpu.yield
    }) : () -> ()
    %add3A_78 = arith.constant 64 : i32
    %add3A_79 = arith.addi %mul3A_2, %add3A_78 : i32
    "tpu.region"() ({
      %run_scoped3A = tpu.sem_alloc : memref<!tpu.dma_semaphore, #tpu.memory_space<semaphore_mem>>
      %dma_start3A = arith.constant 0 : i32
      %dma_start3A_96 = tpu.memref_slice %arg12[%add3A_79, %dma_start3A] : memref<10240x128xf32, #tpu.memory_space<vmem_shared>> -> memref<64x128xf32, #tpu.memory_space<vmem_shared>>
      %dma_start3A_97 = arith.constant 0 : i32
      %dma_start3A_98 = tpu.memref_slice %arg12[%add3A_79, %dma_start3A_97] : memref<10240x128xf32, #tpu.memory_space<vmem_shared>> -> memref<64x128xf32, #tpu.memory_space<vmem_shared>>
      tpu.enqueue_dma source(%dma_start3A_98 : memref<64x128xf32, #tpu.memory_space<vmem_shared>>) target(%arg10 : memref<64x128xf32, #tpu.memory_space<vmem>>) target_semaphore(%run_scoped3A : memref<!tpu.dma_semaphore, #tpu.memory_space<semaphore_mem>>)
      %dma_wait3A = arith.constant 0 : i32
      %dma_wait3A_99 = tpu.memref_slice %arg12[%add3A_79, %dma_wait3A] : memref<10240x128xf32, #tpu.memory_space<vmem_shared>> -> memref<64x128xf32, #tpu.memory_space<vmem_shared>>
      %dma_wait3A_100 = arith.constant 0 : i32
      %dma_wait3A_101 = tpu.memref_slice %arg12[%add3A_79, %dma_wait3A_100] : memref<10240x128xf32, #tpu.memory_space<vmem_shared>> -> memref<64x128xf32, #tpu.memory_space<vmem_shared>>
      tpu.wait_dma2 semaphore(%run_scoped3A : memref<!tpu.dma_semaphore, #tpu.memory_space<semaphore_mem>>) src(%dma_wait3A_101 : memref<64x128xf32, #tpu.memory_space<vmem_shared>>) dst(%arg10 : memref<64x128xf32, #tpu.memory_space<vmem>>)
      tpu.yield
    }) : () -> ()
    "tpu.region"() ({
      %run_scoped3A = tpu.sem_alloc : memref<!tpu.dma_semaphore, #tpu.memory_space<semaphore_mem>>
      %dma_start3A = arith.constant 0 : i32
      %dma_start3A_96 = tpu.memref_slice %arg5[%arg0, %add3A_79, %dma_start3A] : memref<2x10240x128xf32, #tpu.memory_space<hbm>> -> memref<1x64x128xf32, #tpu.memory_space<hbm>>
      %dma_start3A_97 = tpu.memref_squeeze %dma_start3A_96 : memref<1x64x128xf32, #tpu.memory_space<hbm>> -> memref<64x128xf32, #tpu.memory_space<hbm>>
      %dma_start3A_98 = arith.constant 0 : i32
      %dma_start3A_99 = tpu.memref_slice %arg5[%arg0, %add3A_79, %dma_start3A_98] : memref<2x10240x128xf32, #tpu.memory_space<hbm>> -> memref<1x64x128xf32, #tpu.memory_space<hbm>>
      %dma_start3A_100 = tpu.memref_squeeze %dma_start3A_99 : memref<1x64x128xf32, #tpu.memory_space<hbm>> -> memref<64x128xf32, #tpu.memory_space<hbm>>
      tpu.enqueue_dma source(%arg10 : memref<64x128xf32, #tpu.memory_space<vmem>>) target(%dma_start3A_100 : memref<64x128xf32, #tpu.memory_space<hbm>>) target_semaphore(%run_scoped3A : memref<!tpu.dma_semaphore, #tpu.memory_space<semaphore_mem>>)
      %dma_wait3A = arith.constant 0 : i32
      %dma_wait3A_101 = tpu.memref_slice %arg5[%arg0, %add3A_79, %dma_wait3A] : memref<2x10240x128xf32, #tpu.memory_space<hbm>> -> memref<1x64x128xf32, #tpu.memory_space<hbm>>
      %dma_wait3A_102 = tpu.memref_squeeze %dma_wait3A_101 : memref<1x64x128xf32, #tpu.memory_space<hbm>> -> memref<64x128xf32, #tpu.memory_space<hbm>>
      %dma_wait3A_103 = arith.constant 0 : i32
      %dma_wait3A_104 = tpu.memref_slice %arg5[%arg0, %add3A_79, %dma_wait3A_103] : memref<2x10240x128xf32, #tpu.memory_space<hbm>> -> memref<1x64x128xf32, #tpu.memory_space<hbm>>
      %dma_wait3A_105 = tpu.memref_squeeze %dma_wait3A_104 : memref<1x64x128xf32, #tpu.memory_space<hbm>> -> memref<64x128xf32, #tpu.memory_space<hbm>>
      tpu.wait_dma2 semaphore(%run_scoped3A : memref<!tpu.dma_semaphore, #tpu.memory_space<semaphore_mem>>) src(%arg10 : memref<64x128xf32, #tpu.memory_space<vmem>>) dst(%dma_wait3A_105 : memref<64x128xf32, #tpu.memory_space<hbm>>)
      tpu.yield
    }) : () -> ()
    "tpu.region"() ({
      %run_scoped3A = tpu.sem_alloc : memref<!tpu.dma_semaphore, #tpu.memory_space<semaphore_mem>>
      %dma_start3A = arith.constant 0 : i32
      %dma_start3A_96 = tpu.memref_slice %arg15[%add3A_79, %dma_start3A] : memref<10240x16xf32, #tpu.memory_space<vmem_shared>> -> memref<64x16xf32, #tpu.memory_space<vmem_shared>>
      %dma_start3A_97 = arith.constant 0 : i32
      %dma_start3A_98 = tpu.memref_slice %arg15[%add3A_79, %dma_start3A_97] : memref<10240x16xf32, #tpu.memory_space<vmem_shared>> -> memref<64x16xf32, #tpu.memory_space<vmem_shared>>
      tpu.enqueue_dma source(%dma_start3A_98 : memref<64x16xf32, #tpu.memory_space<vmem_shared>>) target(%arg14 : memref<64x16xf32, #tpu.memory_space<vmem>>) target_semaphore(%run_scoped3A : memref<!tpu.dma_semaphore, #tpu.memory_space<semaphore_mem>>)
      %dma_wait3A = arith.constant 0 : i32
      %dma_wait3A_99 = tpu.memref_slice %arg15[%add3A_79, %dma_wait3A] : memref<10240x16xf32, #tpu.memory_space<vmem_shared>> -> memref<64x16xf32, #tpu.memory_space<vmem_shared>>
      %dma_wait3A_100 = arith.constant 0 : i32
      %dma_wait3A_101 = tpu.memref_slice %arg15[%add3A_79, %dma_wait3A_100] : memref<10240x16xf32, #tpu.memory_space<vmem_shared>> -> memref<64x16xf32, #tpu.memory_space<vmem_shared>>
      tpu.wait_dma2 semaphore(%run_scoped3A : memref<!tpu.dma_semaphore, #tpu.memory_space<semaphore_mem>>) src(%dma_wait3A_101 : memref<64x16xf32, #tpu.memory_space<vmem_shared>>) dst(%arg14 : memref<64x16xf32, #tpu.memory_space<vmem>>)
      tpu.yield
    }) : () -> ()
    "tpu.region"() ({
      %run_scoped3A = tpu.sem_alloc : memref<!tpu.dma_semaphore, #tpu.memory_space<semaphore_mem>>
      %dma_start3A = arith.constant 0 : i32
      %dma_start3A_96 = tpu.memref_slice %arg6[%arg0, %add3A_79, %dma_start3A] : memref<2x10240x16xf32, #tpu.memory_space<hbm>> -> memref<1x64x16xf32, #tpu.memory_space<hbm>>
      %dma_start3A_97 = tpu.memref_squeeze %dma_start3A_96 : memref<1x64x16xf32, #tpu.memory_space<hbm>> -> memref<64x16xf32, #tpu.memory_space<hbm>>
      %dma_start3A_98 = arith.constant 0 : i32
      %dma_start3A_99 = tpu.memref_slice %arg6[%arg0, %add3A_79, %dma_start3A_98] : memref<2x10240x16xf32, #tpu.memory_space<hbm>> -> memref<1x64x16xf32, #tpu.memory_space<hbm>>
      %dma_start3A_100 = tpu.memref_squeeze %dma_start3A_99 : memref<1x64x16xf32, #tpu.memory_space<hbm>> -> memref<64x16xf32, #tpu.memory_space<hbm>>
      tpu.enqueue_dma source(%arg14 : memref<64x16xf32, #tpu.memory_space<vmem>>) target(%dma_start3A_100 : memref<64x16xf32, #tpu.memory_space<hbm>>) target_semaphore(%run_scoped3A : memref<!tpu.dma_semaphore, #tpu.memory_space<semaphore_mem>>)
      %dma_wait3A = arith.constant 0 : i32
      %dma_wait3A_101 = tpu.memref_slice %arg6[%arg0, %add3A_79, %dma_wait3A] : memref<2x10240x16xf32, #tpu.memory_space<hbm>> -> memref<1x64x16xf32, #tpu.memory_space<hbm>>
      %dma_wait3A_102 = tpu.memref_squeeze %dma_wait3A_101 : memref<1x64x16xf32, #tpu.memory_space<hbm>> -> memref<64x16xf32, #tpu.memory_space<hbm>>
      %dma_wait3A_103 = arith.constant 0 : i32
      %dma_wait3A_104 = tpu.memref_slice %arg6[%arg0, %add3A_79, %dma_wait3A_103] : memref<2x10240x16xf32, #tpu.memory_space<hbm>> -> memref<1x64x16xf32, #tpu.memory_space<hbm>>
      %dma_wait3A_105 = tpu.memref_squeeze %dma_wait3A_104 : memref<1x64x16xf32, #tpu.memory_space<hbm>> -> memref<64x16xf32, #tpu.memory_space<hbm>>
      tpu.wait_dma2 semaphore(%run_scoped3A : memref<!tpu.dma_semaphore, #tpu.memory_space<semaphore_mem>>) src(%arg14 : memref<64x16xf32, #tpu.memory_space<vmem>>) dst(%dma_wait3A_105 : memref<64x16xf32, #tpu.memory_space<hbm>>)
      tpu.yield
    }) : () -> ()
    %add3A_80 = arith.constant 128 : i32
    %add3A_81 = arith.addi %mul3A_2, %add3A_80 : i32
    "tpu.region"() ({
      %run_scoped3A = tpu.sem_alloc : memref<!tpu.dma_semaphore, #tpu.memory_space<semaphore_mem>>
      %dma_start3A = arith.constant 0 : i32
      %dma_start3A_96 = tpu.memref_slice %arg12[%add3A_81, %dma_start3A] : memref<10240x128xf32, #tpu.memory_space<vmem_shared>> -> memref<64x128xf32, #tpu.memory_space<vmem_shared>>
      %dma_start3A_97 = arith.constant 0 : i32
      %dma_start3A_98 = tpu.memref_slice %arg12[%add3A_81, %dma_start3A_97] : memref<10240x128xf32, #tpu.memory_space<vmem_shared>> -> memref<64x128xf32, #tpu.memory_space<vmem_shared>>
      tpu.enqueue_dma source(%dma_start3A_98 : memref<64x128xf32, #tpu.memory_space<vmem_shared>>) target(%arg10 : memref<64x128xf32, #tpu.memory_space<vmem>>) target_semaphore(%run_scoped3A : memref<!tpu.dma_semaphore, #tpu.memory_space<semaphore_mem>>)
      %dma_wait3A = arith.constant 0 : i32
      %dma_wait3A_99 = tpu.memref_slice %arg12[%add3A_81, %dma_wait3A] : memref<10240x128xf32, #tpu.memory_space<vmem_shared>> -> memref<64x128xf32, #tpu.memory_space<vmem_shared>>
      %dma_wait3A_100 = arith.constant 0 : i32
      %dma_wait3A_101 = tpu.memref_slice %arg12[%add3A_81, %dma_wait3A_100] : memref<10240x128xf32, #tpu.memory_space<vmem_shared>> -> memref<64x128xf32, #tpu.memory_space<vmem_shared>>
      tpu.wait_dma2 semaphore(%run_scoped3A : memref<!tpu.dma_semaphore, #tpu.memory_space<semaphore_mem>>) src(%dma_wait3A_101 : memref<64x128xf32, #tpu.memory_space<vmem_shared>>) dst(%arg10 : memref<64x128xf32, #tpu.memory_space<vmem>>)
      tpu.yield
    }) : () -> ()
    "tpu.region"() ({
      %run_scoped3A = tpu.sem_alloc : memref<!tpu.dma_semaphore, #tpu.memory_space<semaphore_mem>>
      %dma_start3A = arith.constant 0 : i32
      %dma_start3A_96 = tpu.memref_slice %arg5[%arg0, %add3A_81, %dma_start3A] : memref<2x10240x128xf32, #tpu.memory_space<hbm>> -> memref<1x64x128xf32, #tpu.memory_space<hbm>>
      %dma_start3A_97 = tpu.memref_squeeze %dma_start3A_96 : memref<1x64x128xf32, #tpu.memory_space<hbm>> -> memref<64x128xf32, #tpu.memory_space<hbm>>
      %dma_start3A_98 = arith.constant 0 : i32
      %dma_start3A_99 = tpu.memref_slice %arg5[%arg0, %add3A_81, %dma_start3A_98] : memref<2x10240x128xf32, #tpu.memory_space<hbm>> -> memref<1x64x128xf32, #tpu.memory_space<hbm>>
      %dma_start3A_100 = tpu.memref_squeeze %dma_start3A_99 : memref<1x64x128xf32, #tpu.memory_space<hbm>> -> memref<64x128xf32, #tpu.memory_space<hbm>>
      tpu.enqueue_dma source(%arg10 : memref<64x128xf32, #tpu.memory_space<vmem>>) target(%dma_start3A_100 : memref<64x128xf32, #tpu.memory_space<hbm>>) target_semaphore(%run_scoped3A : memref<!tpu.dma_semaphore, #tpu.memory_space<semaphore_mem>>)
      %dma_wait3A = arith.constant 0 : i32
      %dma_wait3A_101 = tpu.memref_slice %arg5[%arg0, %add3A_81, %dma_wait3A] : memref<2x10240x128xf32, #tpu.memory_space<hbm>> -> memref<1x64x128xf32, #tpu.memory_space<hbm>>
      %dma_wait3A_102 = tpu.memref_squeeze %dma_wait3A_101 : memref<1x64x128xf32, #tpu.memory_space<hbm>> -> memref<64x128xf32, #tpu.memory_space<hbm>>
      %dma_wait3A_103 = arith.constant 0 : i32
      %dma_wait3A_104 = tpu.memref_slice %arg5[%arg0, %add3A_81, %dma_wait3A_103] : memref<2x10240x128xf32, #tpu.memory_space<hbm>> -> memref<1x64x128xf32, #tpu.memory_space<hbm>>
      %dma_wait3A_105 = tpu.memref_squeeze %dma_wait3A_104 : memref<1x64x128xf32, #tpu.memory_space<hbm>> -> memref<64x128xf32, #tpu.memory_space<hbm>>
      tpu.wait_dma2 semaphore(%run_scoped3A : memref<!tpu.dma_semaphore, #tpu.memory_space<semaphore_mem>>) src(%arg10 : memref<64x128xf32, #tpu.memory_space<vmem>>) dst(%dma_wait3A_105 : memref<64x128xf32, #tpu.memory_space<hbm>>)
      tpu.yield
    }) : () -> ()
    "tpu.region"() ({
      %run_scoped3A = tpu.sem_alloc : memref<!tpu.dma_semaphore, #tpu.memory_space<semaphore_mem>>
      %dma_start3A = arith.constant 0 : i32
      %dma_start3A_96 = tpu.memref_slice %arg15[%add3A_81, %dma_start3A] : memref<10240x16xf32, #tpu.memory_space<vmem_shared>> -> memref<64x16xf32, #tpu.memory_space<vmem_shared>>
      %dma_start3A_97 = arith.constant 0 : i32
      %dma_start3A_98 = tpu.memref_slice %arg15[%add3A_81, %dma_start3A_97] : memref<10240x16xf32, #tpu.memory_space<vmem_shared>> -> memref<64x16xf32, #tpu.memory_space<vmem_shared>>
      tpu.enqueue_dma source(%dma_start3A_98 : memref<64x16xf32, #tpu.memory_space<vmem_shared>>) target(%arg14 : memref<64x16xf32, #tpu.memory_space<vmem>>) target_semaphore(%run_scoped3A : memref<!tpu.dma_semaphore, #tpu.memory_space<semaphore_mem>>)
      %dma_wait3A = arith.constant 0 : i32
      %dma_wait3A_99 = tpu.memref_slice %arg15[%add3A_81, %dma_wait3A] : memref<10240x16xf32, #tpu.memory_space<vmem_shared>> -> memref<64x16xf32, #tpu.memory_space<vmem_shared>>
      %dma_wait3A_100 = arith.constant 0 : i32
      %dma_wait3A_101 = tpu.memref_slice %arg15[%add3A_81, %dma_wait3A_100] : memref<10240x16xf32, #tpu.memory_space<vmem_shared>> -> memref<64x16xf32, #tpu.memory_space<vmem_shared>>
      tpu.wait_dma2 semaphore(%run_scoped3A : memref<!tpu.dma_semaphore, #tpu.memory_space<semaphore_mem>>) src(%dma_wait3A_101 : memref<64x16xf32, #tpu.memory_space<vmem_shared>>) dst(%arg14 : memref<64x16xf32, #tpu.memory_space<vmem>>)
      tpu.yield
    }) : () -> ()
    "tpu.region"() ({
      %run_scoped3A = tpu.sem_alloc : memref<!tpu.dma_semaphore, #tpu.memory_space<semaphore_mem>>
      %dma_start3A = arith.constant 0 : i32
      %dma_start3A_96 = tpu.memref_slice %arg6[%arg0, %add3A_81, %dma_start3A] : memref<2x10240x16xf32, #tpu.memory_space<hbm>> -> memref<1x64x16xf32, #tpu.memory_space<hbm>>
      %dma_start3A_97 = tpu.memref_squeeze %dma_start3A_96 : memref<1x64x16xf32, #tpu.memory_space<hbm>> -> memref<64x16xf32, #tpu.memory_space<hbm>>
      %dma_start3A_98 = arith.constant 0 : i32
      %dma_start3A_99 = tpu.memref_slice %arg6[%arg0, %add3A_81, %dma_start3A_98] : memref<2x10240x16xf32, #tpu.memory_space<hbm>> -> memref<1x64x16xf32, #tpu.memory_space<hbm>>
      %dma_start3A_100 = tpu.memref_squeeze %dma_start3A_99 : memref<1x64x16xf32, #tpu.memory_space<hbm>> -> memref<64x16xf32, #tpu.memory_space<hbm>>
      tpu.enqueue_dma source(%arg14 : memref<64x16xf32, #tpu.memory_space<vmem>>) target(%dma_start3A_100 : memref<64x16xf32, #tpu.memory_space<hbm>>) target_semaphore(%run_scoped3A : memref<!tpu.dma_semaphore, #tpu.memory_space<semaphore_mem>>)
      %dma_wait3A = arith.constant 0 : i32
      %dma_wait3A_101 = tpu.memref_slice %arg6[%arg0, %add3A_81, %dma_wait3A] : memref<2x10240x16xf32, #tpu.memory_space<hbm>> -> memref<1x64x16xf32, #tpu.memory_space<hbm>>
      %dma_wait3A_102 = tpu.memref_squeeze %dma_wait3A_101 : memref<1x64x16xf32, #tpu.memory_space<hbm>> -> memref<64x16xf32, #tpu.memory_space<hbm>>
      %dma_wait3A_103 = arith.constant 0 : i32
      %dma_wait3A_104 = tpu.memref_slice %arg6[%arg0, %add3A_81, %dma_wait3A_103] : memref<2x10240x16xf32, #tpu.memory_space<hbm>> -> memref<1x64x16xf32, #tpu.memory_space<hbm>>
      %dma_wait3A_105 = tpu.memref_squeeze %dma_wait3A_104 : memref<1x64x16xf32, #tpu.memory_space<hbm>> -> memref<64x16xf32, #tpu.memory_space<hbm>>
      tpu.wait_dma2 semaphore(%run_scoped3A : memref<!tpu.dma_semaphore, #tpu.memory_space<semaphore_mem>>) src(%arg14 : memref<64x16xf32, #tpu.memory_space<vmem>>) dst(%dma_wait3A_105 : memref<64x16xf32, #tpu.memory_space<hbm>>)
      tpu.yield
    }) : () -> ()
    %add3A_82 = arith.constant 192 : i32
    %add3A_83 = arith.addi %mul3A_2, %add3A_82 : i32
    "tpu.region"() ({
      %run_scoped3A = tpu.sem_alloc : memref<!tpu.dma_semaphore, #tpu.memory_space<semaphore_mem>>
      %dma_start3A = arith.constant 0 : i32
      %dma_start3A_96 = tpu.memref_slice %arg12[%add3A_83, %dma_start3A] : memref<10240x128xf32, #tpu.memory_space<vmem_shared>> -> memref<64x128xf32, #tpu.memory_space<vmem_shared>>
      %dma_start3A_97 = arith.constant 0 : i32
      %dma_start3A_98 = tpu.memref_slice %arg12[%add3A_83, %dma_start3A_97] : memref<10240x128xf32, #tpu.memory_space<vmem_shared>> -> memref<64x128xf32, #tpu.memory_space<vmem_shared>>
      tpu.enqueue_dma source(%dma_start3A_98 : memref<64x128xf32, #tpu.memory_space<vmem_shared>>) target(%arg10 : memref<64x128xf32, #tpu.memory_space<vmem>>) target_semaphore(%run_scoped3A : memref<!tpu.dma_semaphore, #tpu.memory_space<semaphore_mem>>)
      %dma_wait3A = arith.constant 0 : i32
      %dma_wait3A_99 = tpu.memref_slice %arg12[%add3A_83, %dma_wait3A] : memref<10240x128xf32, #tpu.memory_space<vmem_shared>> -> memref<64x128xf32, #tpu.memory_space<vmem_shared>>
      %dma_wait3A_100 = arith.constant 0 : i32
      %dma_wait3A_101 = tpu.memref_slice %arg12[%add3A_83, %dma_wait3A_100] : memref<10240x128xf32, #tpu.memory_space<vmem_shared>> -> memref<64x128xf32, #tpu.memory_space<vmem_shared>>
      tpu.wait_dma2 semaphore(%run_scoped3A : memref<!tpu.dma_semaphore, #tpu.memory_space<semaphore_mem>>) src(%dma_wait3A_101 : memref<64x128xf32, #tpu.memory_space<vmem_shared>>) dst(%arg10 : memref<64x128xf32, #tpu.memory_space<vmem>>)
      tpu.yield
    }) : () -> ()
    "tpu.region"() ({
      %run_scoped3A = tpu.sem_alloc : memref<!tpu.dma_semaphore, #tpu.memory_space<semaphore_mem>>
      %dma_start3A = arith.constant 0 : i32
      %dma_start3A_96 = tpu.memref_slice %arg5[%arg0, %add3A_83, %dma_start3A] : memref<2x10240x128xf32, #tpu.memory_space<hbm>> -> memref<1x64x128xf32, #tpu.memory_space<hbm>>
      %dma_start3A_97 = tpu.memref_squeeze %dma_start3A_96 : memref<1x64x128xf32, #tpu.memory_space<hbm>> -> memref<64x128xf32, #tpu.memory_space<hbm>>
      %dma_start3A_98 = arith.constant 0 : i32
      %dma_start3A_99 = tpu.memref_slice %arg5[%arg0, %add3A_83, %dma_start3A_98] : memref<2x10240x128xf32, #tpu.memory_space<hbm>> -> memref<1x64x128xf32, #tpu.memory_space<hbm>>
      %dma_start3A_100 = tpu.memref_squeeze %dma_start3A_99 : memref<1x64x128xf32, #tpu.memory_space<hbm>> -> memref<64x128xf32, #tpu.memory_space<hbm>>
      tpu.enqueue_dma source(%arg10 : memref<64x128xf32, #tpu.memory_space<vmem>>) target(%dma_start3A_100 : memref<64x128xf32, #tpu.memory_space<hbm>>) target_semaphore(%run_scoped3A : memref<!tpu.dma_semaphore, #tpu.memory_space<semaphore_mem>>)
      %dma_wait3A = arith.constant 0 : i32
      %dma_wait3A_101 = tpu.memref_slice %arg5[%arg0, %add3A_83, %dma_wait3A] : memref<2x10240x128xf32, #tpu.memory_space<hbm>> -> memref<1x64x128xf32, #tpu.memory_space<hbm>>
      %dma_wait3A_102 = tpu.memref_squeeze %dma_wait3A_101 : memref<1x64x128xf32, #tpu.memory_space<hbm>> -> memref<64x128xf32, #tpu.memory_space<hbm>>
      %dma_wait3A_103 = arith.constant 0 : i32
      %dma_wait3A_104 = tpu.memref_slice %arg5[%arg0, %add3A_83, %dma_wait3A_103] : memref<2x10240x128xf32, #tpu.memory_space<hbm>> -> memref<1x64x128xf32, #tpu.memory_space<hbm>>
      %dma_wait3A_105 = tpu.memref_squeeze %dma_wait3A_104 : memref<1x64x128xf32, #tpu.memory_space<hbm>> -> memref<64x128xf32, #tpu.memory_space<hbm>>
      tpu.wait_dma2 semaphore(%run_scoped3A : memref<!tpu.dma_semaphore, #tpu.memory_space<semaphore_mem>>) src(%arg10 : memref<64x128xf32, #tpu.memory_space<vmem>>) dst(%dma_wait3A_105 : memref<64x128xf32, #tpu.memory_space<hbm>>)
      tpu.yield
    }) : () -> ()
    "tpu.region"() ({
      %run_scoped3A = tpu.sem_alloc : memref<!tpu.dma_semaphore, #tpu.memory_space<semaphore_mem>>
      %dma_start3A = arith.constant 0 : i32
      %dma_start3A_96 = tpu.memref_slice %arg15[%add3A_83, %dma_start3A] : memref<10240x16xf32, #tpu.memory_space<vmem_shared>> -> memref<64x16xf32, #tpu.memory_space<vmem_shared>>
      %dma_start3A_97 = arith.constant 0 : i32
      %dma_start3A_98 = tpu.memref_slice %arg15[%add3A_83, %dma_start3A_97] : memref<10240x16xf32, #tpu.memory_space<vmem_shared>> -> memref<64x16xf32, #tpu.memory_space<vmem_shared>>
      tpu.enqueue_dma source(%dma_start3A_98 : memref<64x16xf32, #tpu.memory_space<vmem_shared>>) target(%arg14 : memref<64x16xf32, #tpu.memory_space<vmem>>) target_semaphore(%run_scoped3A : memref<!tpu.dma_semaphore, #tpu.memory_space<semaphore_mem>>)
      %dma_wait3A = arith.constant 0 : i32
      %dma_wait3A_99 = tpu.memref_slice %arg15[%add3A_83, %dma_wait3A] : memref<10240x16xf32, #tpu.memory_space<vmem_shared>> -> memref<64x16xf32, #tpu.memory_space<vmem_shared>>
      %dma_wait3A_100 = arith.constant 0 : i32
      %dma_wait3A_101 = tpu.memref_slice %arg15[%add3A_83, %dma_wait3A_100] : memref<10240x16xf32, #tpu.memory_space<vmem_shared>> -> memref<64x16xf32, #tpu.memory_space<vmem_shared>>
      tpu.wait_dma2 semaphore(%run_scoped3A : memref<!tpu.dma_semaphore, #tpu.memory_space<semaphore_mem>>) src(%dma_wait3A_101 : memref<64x16xf32, #tpu.memory_space<vmem_shared>>) dst(%arg14 : memref<64x16xf32, #tpu.memory_space<vmem>>)
      tpu.yield
    }) : () -> ()
    "tpu.region"() ({
      %run_scoped3A = tpu.sem_alloc : memref<!tpu.dma_semaphore, #tpu.memory_space<semaphore_mem>>
      %dma_start3A = arith.constant 0 : i32
      %dma_start3A_96 = tpu.memref_slice %arg6[%arg0, %add3A_83, %dma_start3A] : memref<2x10240x16xf32, #tpu.memory_space<hbm>> -> memref<1x64x16xf32, #tpu.memory_space<hbm>>
      %dma_start3A_97 = tpu.memref_squeeze %dma_start3A_96 : memref<1x64x16xf32, #tpu.memory_space<hbm>> -> memref<64x16xf32, #tpu.memory_space<hbm>>
      %dma_start3A_98 = arith.constant 0 : i32
      %dma_start3A_99 = tpu.memref_slice %arg6[%arg0, %add3A_83, %dma_start3A_98] : memref<2x10240x16xf32, #tpu.memory_space<hbm>> -> memref<1x64x16xf32, #tpu.memory_space<hbm>>
      %dma_start3A_100 = tpu.memref_squeeze %dma_start3A_99 : memref<1x64x16xf32, #tpu.memory_space<hbm>> -> memref<64x16xf32, #tpu.memory_space<hbm>>
      tpu.enqueue_dma source(%arg14 : memref<64x16xf32, #tpu.memory_space<vmem>>) target(%dma_start3A_100 : memref<64x16xf32, #tpu.memory_space<hbm>>) target_semaphore(%run_scoped3A : memref<!tpu.dma_semaphore, #tpu.memory_space<semaphore_mem>>)
      %dma_wait3A = arith.constant 0 : i32
      %dma_wait3A_101 = tpu.memref_slice %arg6[%arg0, %add3A_83, %dma_wait3A] : memref<2x10240x16xf32, #tpu.memory_space<hbm>> -> memref<1x64x16xf32, #tpu.memory_space<hbm>>
      %dma_wait3A_102 = tpu.memref_squeeze %dma_wait3A_101 : memref<1x64x16xf32, #tpu.memory_space<hbm>> -> memref<64x16xf32, #tpu.memory_space<hbm>>
      %dma_wait3A_103 = arith.constant 0 : i32
      %dma_wait3A_104 = tpu.memref_slice %arg6[%arg0, %add3A_83, %dma_wait3A_103] : memref<2x10240x16xf32, #tpu.memory_space<hbm>> -> memref<1x64x16xf32, #tpu.memory_space<hbm>>
      %dma_wait3A_105 = tpu.memref_squeeze %dma_wait3A_104 : memref<1x64x16xf32, #tpu.memory_space<hbm>> -> memref<64x16xf32, #tpu.memory_space<hbm>>
      tpu.wait_dma2 semaphore(%run_scoped3A : memref<!tpu.dma_semaphore, #tpu.memory_space<semaphore_mem>>) src(%arg14 : memref<64x16xf32, #tpu.memory_space<vmem>>) dst(%dma_wait3A_105 : memref<64x16xf32, #tpu.memory_space<hbm>>)
      tpu.yield
    }) : () -> ()
    %add3A_84 = arith.constant 256 : i32
    %add3A_85 = arith.addi %mul3A_2, %add3A_84 : i32
    "tpu.region"() ({
      %run_scoped3A = tpu.sem_alloc : memref<!tpu.dma_semaphore, #tpu.memory_space<semaphore_mem>>
      %dma_start3A = arith.constant 0 : i32
      %dma_start3A_96 = tpu.memref_slice %arg12[%add3A_85, %dma_start3A] : memref<10240x128xf32, #tpu.memory_space<vmem_shared>> -> memref<64x128xf32, #tpu.memory_space<vmem_shared>>
      %dma_start3A_97 = arith.constant 0 : i32
      %dma_start3A_98 = tpu.memref_slice %arg12[%add3A_85, %dma_start3A_97] : memref<10240x128xf32, #tpu.memory_space<vmem_shared>> -> memref<64x128xf32, #tpu.memory_space<vmem_shared>>
      tpu.enqueue_dma source(%dma_start3A_98 : memref<64x128xf32, #tpu.memory_space<vmem_shared>>) target(%arg10 : memref<64x128xf32, #tpu.memory_space<vmem>>) target_semaphore(%run_scoped3A : memref<!tpu.dma_semaphore, #tpu.memory_space<semaphore_mem>>)
      %dma_wait3A = arith.constant 0 : i32
      %dma_wait3A_99 = tpu.memref_slice %arg12[%add3A_85, %dma_wait3A] : memref<10240x128xf32, #tpu.memory_space<vmem_shared>> -> memref<64x128xf32, #tpu.memory_space<vmem_shared>>
      %dma_wait3A_100 = arith.constant 0 : i32
      %dma_wait3A_101 = tpu.memref_slice %arg12[%add3A_85, %dma_wait3A_100] : memref<10240x128xf32, #tpu.memory_space<vmem_shared>> -> memref<64x128xf32, #tpu.memory_space<vmem_shared>>
      tpu.wait_dma2 semaphore(%run_scoped3A : memref<!tpu.dma_semaphore, #tpu.memory_space<semaphore_mem>>) src(%dma_wait3A_101 : memref<64x128xf32, #tpu.memory_space<vmem_shared>>) dst(%arg10 : memref<64x128xf32, #tpu.memory_space<vmem>>)
      tpu.yield
    }) : () -> ()
    "tpu.region"() ({
      %run_scoped3A = tpu.sem_alloc : memref<!tpu.dma_semaphore, #tpu.memory_space<semaphore_mem>>
      %dma_start3A = arith.constant 0 : i32
      %dma_start3A_96 = tpu.memref_slice %arg5[%arg0, %add3A_85, %dma_start3A] : memref<2x10240x128xf32, #tpu.memory_space<hbm>> -> memref<1x64x128xf32, #tpu.memory_space<hbm>>
      %dma_start3A_97 = tpu.memref_squeeze %dma_start3A_96 : memref<1x64x128xf32, #tpu.memory_space<hbm>> -> memref<64x128xf32, #tpu.memory_space<hbm>>
      %dma_start3A_98 = arith.constant 0 : i32
      %dma_start3A_99 = tpu.memref_slice %arg5[%arg0, %add3A_85, %dma_start3A_98] : memref<2x10240x128xf32, #tpu.memory_space<hbm>> -> memref<1x64x128xf32, #tpu.memory_space<hbm>>
      %dma_start3A_100 = tpu.memref_squeeze %dma_start3A_99 : memref<1x64x128xf32, #tpu.memory_space<hbm>> -> memref<64x128xf32, #tpu.memory_space<hbm>>
      tpu.enqueue_dma source(%arg10 : memref<64x128xf32, #tpu.memory_space<vmem>>) target(%dma_start3A_100 : memref<64x128xf32, #tpu.memory_space<hbm>>) target_semaphore(%run_scoped3A : memref<!tpu.dma_semaphore, #tpu.memory_space<semaphore_mem>>)
      %dma_wait3A = arith.constant 0 : i32
      %dma_wait3A_101 = tpu.memref_slice %arg5[%arg0, %add3A_85, %dma_wait3A] : memref<2x10240x128xf32, #tpu.memory_space<hbm>> -> memref<1x64x128xf32, #tpu.memory_space<hbm>>
      %dma_wait3A_102 = tpu.memref_squeeze %dma_wait3A_101 : memref<1x64x128xf32, #tpu.memory_space<hbm>> -> memref<64x128xf32, #tpu.memory_space<hbm>>
      %dma_wait3A_103 = arith.constant 0 : i32
      %dma_wait3A_104 = tpu.memref_slice %arg5[%arg0, %add3A_85, %dma_wait3A_103] : memref<2x10240x128xf32, #tpu.memory_space<hbm>> -> memref<1x64x128xf32, #tpu.memory_space<hbm>>
      %dma_wait3A_105 = tpu.memref_squeeze %dma_wait3A_104 : memref<1x64x128xf32, #tpu.memory_space<hbm>> -> memref<64x128xf32, #tpu.memory_space<hbm>>
      tpu.wait_dma2 semaphore(%run_scoped3A : memref<!tpu.dma_semaphore, #tpu.memory_space<semaphore_mem>>) src(%arg10 : memref<64x128xf32, #tpu.memory_space<vmem>>) dst(%dma_wait3A_105 : memref<64x128xf32, #tpu.memory_space<hbm>>)
      tpu.yield
    }) : () -> ()
    "tpu.region"() ({
      %run_scoped3A = tpu.sem_alloc : memref<!tpu.dma_semaphore, #tpu.memory_space<semaphore_mem>>
      %dma_start3A = arith.constant 0 : i32
      %dma_start3A_96 = tpu.memref_slice %arg15[%add3A_85, %dma_start3A] : memref<10240x16xf32, #tpu.memory_space<vmem_shared>> -> memref<64x16xf32, #tpu.memory_space<vmem_shared>>
      %dma_start3A_97 = arith.constant 0 : i32
      %dma_start3A_98 = tpu.memref_slice %arg15[%add3A_85, %dma_start3A_97] : memref<10240x16xf32, #tpu.memory_space<vmem_shared>> -> memref<64x16xf32, #tpu.memory_space<vmem_shared>>
      tpu.enqueue_dma source(%dma_start3A_98 : memref<64x16xf32, #tpu.memory_space<vmem_shared>>) target(%arg14 : memref<64x16xf32, #tpu.memory_space<vmem>>) target_semaphore(%run_scoped3A : memref<!tpu.dma_semaphore, #tpu.memory_space<semaphore_mem>>)
      %dma_wait3A = arith.constant 0 : i32
      %dma_wait3A_99 = tpu.memref_slice %arg15[%add3A_85, %dma_wait3A] : memref<10240x16xf32, #tpu.memory_space<vmem_shared>> -> memref<64x16xf32, #tpu.memory_space<vmem_shared>>
      %dma_wait3A_100 = arith.constant 0 : i32
      %dma_wait3A_101 = tpu.memref_slice %arg15[%add3A_85, %dma_wait3A_100] : memref<10240x16xf32, #tpu.memory_space<vmem_shared>> -> memref<64x16xf32, #tpu.memory_space<vmem_shared>>
      tpu.wait_dma2 semaphore(%run_scoped3A : memref<!tpu.dma_semaphore, #tpu.memory_space<semaphore_mem>>) src(%dma_wait3A_101 : memref<64x16xf32, #tpu.memory_space<vmem_shared>>) dst(%arg14 : memref<64x16xf32, #tpu.memory_space<vmem>>)
      tpu.yield
    }) : () -> ()
    "tpu.region"() ({
      %run_scoped3A = tpu.sem_alloc : memref<!tpu.dma_semaphore, #tpu.memory_space<semaphore_mem>>
      %dma_start3A = arith.constant 0 : i32
      %dma_start3A_96 = tpu.memref_slice %arg6[%arg0, %add3A_85, %dma_start3A] : memref<2x10240x16xf32, #tpu.memory_space<hbm>> -> memref<1x64x16xf32, #tpu.memory_space<hbm>>
      %dma_start3A_97 = tpu.memref_squeeze %dma_start3A_96 : memref<1x64x16xf32, #tpu.memory_space<hbm>> -> memref<64x16xf32, #tpu.memory_space<hbm>>
      %dma_start3A_98 = arith.constant 0 : i32
      %dma_start3A_99 = tpu.memref_slice %arg6[%arg0, %add3A_85, %dma_start3A_98] : memref<2x10240x16xf32, #tpu.memory_space<hbm>> -> memref<1x64x16xf32, #tpu.memory_space<hbm>>
      %dma_start3A_100 = tpu.memref_squeeze %dma_start3A_99 : memref<1x64x16xf32, #tpu.memory_space<hbm>> -> memref<64x16xf32, #tpu.memory_space<hbm>>
      tpu.enqueue_dma source(%arg14 : memref<64x16xf32, #tpu.memory_space<vmem>>) target(%dma_start3A_100 : memref<64x16xf32, #tpu.memory_space<hbm>>) target_semaphore(%run_scoped3A : memref<!tpu.dma_semaphore, #tpu.memory_space<semaphore_mem>>)
      %dma_wait3A = arith.constant 0 : i32
      %dma_wait3A_101 = tpu.memref_slice %arg6[%arg0, %add3A_85, %dma_wait3A] : memref<2x10240x16xf32, #tpu.memory_space<hbm>> -> memref<1x64x16xf32, #tpu.memory_space<hbm>>
      %dma_wait3A_102 = tpu.memref_squeeze %dma_wait3A_101 : memref<1x64x16xf32, #tpu.memory_space<hbm>> -> memref<64x16xf32, #tpu.memory_space<hbm>>
      %dma_wait3A_103 = arith.constant 0 : i32
      %dma_wait3A_104 = tpu.memref_slice %arg6[%arg0, %add3A_85, %dma_wait3A_103] : memref<2x10240x16xf32, #tpu.memory_space<hbm>> -> memref<1x64x16xf32, #tpu.memory_space<hbm>>
      %dma_wait3A_105 = tpu.memref_squeeze %dma_wait3A_104 : memref<1x64x16xf32, #tpu.memory_space<hbm>> -> memref<64x16xf32, #tpu.memory_space<hbm>>
      tpu.wait_dma2 semaphore(%run_scoped3A : memref<!tpu.dma_semaphore, #tpu.memory_space<semaphore_mem>>) src(%arg14 : memref<64x16xf32, #tpu.memory_space<vmem>>) dst(%dma_wait3A_105 : memref<64x16xf32, #tpu.memory_space<hbm>>)
      tpu.yield
    }) : () -> ()
    %add3A_86 = arith.constant 320 : i32
    %add3A_87 = arith.addi %mul3A_2, %add3A_86 : i32
    "tpu.region"() ({
      %run_scoped3A = tpu.sem_alloc : memref<!tpu.dma_semaphore, #tpu.memory_space<semaphore_mem>>
      %dma_start3A = arith.constant 0 : i32
      %dma_start3A_96 = tpu.memref_slice %arg12[%add3A_87, %dma_start3A] : memref<10240x128xf32, #tpu.memory_space<vmem_shared>> -> memref<64x128xf32, #tpu.memory_space<vmem_shared>>
      %dma_start3A_97 = arith.constant 0 : i32
      %dma_start3A_98 = tpu.memref_slice %arg12[%add3A_87, %dma_start3A_97] : memref<10240x128xf32, #tpu.memory_space<vmem_shared>> -> memref<64x128xf32, #tpu.memory_space<vmem_shared>>
      tpu.enqueue_dma source(%dma_start3A_98 : memref<64x128xf32, #tpu.memory_space<vmem_shared>>) target(%arg10 : memref<64x128xf32, #tpu.memory_space<vmem>>) target_semaphore(%run_scoped3A : memref<!tpu.dma_semaphore, #tpu.memory_space<semaphore_mem>>)
      %dma_wait3A = arith.constant 0 : i32
      %dma_wait3A_99 = tpu.memref_slice %arg12[%add3A_87, %dma_wait3A] : memref<10240x128xf32, #tpu.memory_space<vmem_shared>> -> memref<64x128xf32, #tpu.memory_space<vmem_shared>>
      %dma_wait3A_100 = arith.constant 0 : i32
      %dma_wait3A_101 = tpu.memref_slice %arg12[%add3A_87, %dma_wait3A_100] : memref<10240x128xf32, #tpu.memory_space<vmem_shared>> -> memref<64x128xf32, #tpu.memory_space<vmem_shared>>
      tpu.wait_dma2 semaphore(%run_scoped3A : memref<!tpu.dma_semaphore, #tpu.memory_space<semaphore_mem>>) src(%dma_wait3A_101 : memref<64x128xf32, #tpu.memory_space<vmem_shared>>) dst(%arg10 : memref<64x128xf32, #tpu.memory_space<vmem>>)
      tpu.yield
    }) : () -> ()
    "tpu.region"() ({
      %run_scoped3A = tpu.sem_alloc : memref<!tpu.dma_semaphore, #tpu.memory_space<semaphore_mem>>
      %dma_start3A = arith.constant 0 : i32
      %dma_start3A_96 = tpu.memref_slice %arg5[%arg0, %add3A_87, %dma_start3A] : memref<2x10240x128xf32, #tpu.memory_space<hbm>> -> memref<1x64x128xf32, #tpu.memory_space<hbm>>
      %dma_start3A_97 = tpu.memref_squeeze %dma_start3A_96 : memref<1x64x128xf32, #tpu.memory_space<hbm>> -> memref<64x128xf32, #tpu.memory_space<hbm>>
      %dma_start3A_98 = arith.constant 0 : i32
      %dma_start3A_99 = tpu.memref_slice %arg5[%arg0, %add3A_87, %dma_start3A_98] : memref<2x10240x128xf32, #tpu.memory_space<hbm>> -> memref<1x64x128xf32, #tpu.memory_space<hbm>>
      %dma_start3A_100 = tpu.memref_squeeze %dma_start3A_99 : memref<1x64x128xf32, #tpu.memory_space<hbm>> -> memref<64x128xf32, #tpu.memory_space<hbm>>
      tpu.enqueue_dma source(%arg10 : memref<64x128xf32, #tpu.memory_space<vmem>>) target(%dma_start3A_100 : memref<64x128xf32, #tpu.memory_space<hbm>>) target_semaphore(%run_scoped3A : memref<!tpu.dma_semaphore, #tpu.memory_space<semaphore_mem>>)
      %dma_wait3A = arith.constant 0 : i32
      %dma_wait3A_101 = tpu.memref_slice %arg5[%arg0, %add3A_87, %dma_wait3A] : memref<2x10240x128xf32, #tpu.memory_space<hbm>> -> memref<1x64x128xf32, #tpu.memory_space<hbm>>
      %dma_wait3A_102 = tpu.memref_squeeze %dma_wait3A_101 : memref<1x64x128xf32, #tpu.memory_space<hbm>> -> memref<64x128xf32, #tpu.memory_space<hbm>>
      %dma_wait3A_103 = arith.constant 0 : i32
      %dma_wait3A_104 = tpu.memref_slice %arg5[%arg0, %add3A_87, %dma_wait3A_103] : memref<2x10240x128xf32, #tpu.memory_space<hbm>> -> memref<1x64x128xf32, #tpu.memory_space<hbm>>
      %dma_wait3A_105 = tpu.memref_squeeze %dma_wait3A_104 : memref<1x64x128xf32, #tpu.memory_space<hbm>> -> memref<64x128xf32, #tpu.memory_space<hbm>>
      tpu.wait_dma2 semaphore(%run_scoped3A : memref<!tpu.dma_semaphore, #tpu.memory_space<semaphore_mem>>) src(%arg10 : memref<64x128xf32, #tpu.memory_space<vmem>>) dst(%dma_wait3A_105 : memref<64x128xf32, #tpu.memory_space<hbm>>)
      tpu.yield
    }) : () -> ()
    "tpu.region"() ({
      %run_scoped3A = tpu.sem_alloc : memref<!tpu.dma_semaphore, #tpu.memory_space<semaphore_mem>>
      %dma_start3A = arith.constant 0 : i32
      %dma_start3A_96 = tpu.memref_slice %arg15[%add3A_87, %dma_start3A] : memref<10240x16xf32, #tpu.memory_space<vmem_shared>> -> memref<64x16xf32, #tpu.memory_space<vmem_shared>>
      %dma_start3A_97 = arith.constant 0 : i32
      %dma_start3A_98 = tpu.memref_slice %arg15[%add3A_87, %dma_start3A_97] : memref<10240x16xf32, #tpu.memory_space<vmem_shared>> -> memref<64x16xf32, #tpu.memory_space<vmem_shared>>
      tpu.enqueue_dma source(%dma_start3A_98 : memref<64x16xf32, #tpu.memory_space<vmem_shared>>) target(%arg14 : memref<64x16xf32, #tpu.memory_space<vmem>>) target_semaphore(%run_scoped3A : memref<!tpu.dma_semaphore, #tpu.memory_space<semaphore_mem>>)
      %dma_wait3A = arith.constant 0 : i32
      %dma_wait3A_99 = tpu.memref_slice %arg15[%add3A_87, %dma_wait3A] : memref<10240x16xf32, #tpu.memory_space<vmem_shared>> -> memref<64x16xf32, #tpu.memory_space<vmem_shared>>
      %dma_wait3A_100 = arith.constant 0 : i32
      %dma_wait3A_101 = tpu.memref_slice %arg15[%add3A_87, %dma_wait3A_100] : memref<10240x16xf32, #tpu.memory_space<vmem_shared>> -> memref<64x16xf32, #tpu.memory_space<vmem_shared>>
      tpu.wait_dma2 semaphore(%run_scoped3A : memref<!tpu.dma_semaphore, #tpu.memory_space<semaphore_mem>>) src(%dma_wait3A_101 : memref<64x16xf32, #tpu.memory_space<vmem_shared>>) dst(%arg14 : memref<64x16xf32, #tpu.memory_space<vmem>>)
      tpu.yield
    }) : () -> ()
    "tpu.region"() ({
      %run_scoped3A = tpu.sem_alloc : memref<!tpu.dma_semaphore, #tpu.memory_space<semaphore_mem>>
      %dma_start3A = arith.constant 0 : i32
      %dma_start3A_96 = tpu.memref_slice %arg6[%arg0, %add3A_87, %dma_start3A] : memref<2x10240x16xf32, #tpu.memory_space<hbm>> -> memref<1x64x16xf32, #tpu.memory_space<hbm>>
      %dma_start3A_97 = tpu.memref_squeeze %dma_start3A_96 : memref<1x64x16xf32, #tpu.memory_space<hbm>> -> memref<64x16xf32, #tpu.memory_space<hbm>>
      %dma_start3A_98 = arith.constant 0 : i32
      %dma_start3A_99 = tpu.memref_slice %arg6[%arg0, %add3A_87, %dma_start3A_98] : memref<2x10240x16xf32, #tpu.memory_space<hbm>> -> memref<1x64x16xf32, #tpu.memory_space<hbm>>
      %dma_start3A_100 = tpu.memref_squeeze %dma_start3A_99 : memref<1x64x16xf32, #tpu.memory_space<hbm>> -> memref<64x16xf32, #tpu.memory_space<hbm>>
      tpu.enqueue_dma source(%arg14 : memref<64x16xf32, #tpu.memory_space<vmem>>) target(%dma_start3A_100 : memref<64x16xf32, #tpu.memory_space<hbm>>) target_semaphore(%run_scoped3A : memref<!tpu.dma_semaphore, #tpu.memory_space<semaphore_mem>>)
      %dma_wait3A = arith.constant 0 : i32
      %dma_wait3A_101 = tpu.memref_slice %arg6[%arg0, %add3A_87, %dma_wait3A] : memref<2x10240x16xf32, #tpu.memory_space<hbm>> -> memref<1x64x16xf32, #tpu.memory_space<hbm>>
      %dma_wait3A_102 = tpu.memref_squeeze %dma_wait3A_101 : memref<1x64x16xf32, #tpu.memory_space<hbm>> -> memref<64x16xf32, #tpu.memory_space<hbm>>
      %dma_wait3A_103 = arith.constant 0 : i32
      %dma_wait3A_104 = tpu.memref_slice %arg6[%arg0, %add3A_87, %dma_wait3A_103] : memref<2x10240x16xf32, #tpu.memory_space<hbm>> -> memref<1x64x16xf32, #tpu.memory_space<hbm>>
      %dma_wait3A_105 = tpu.memref_squeeze %dma_wait3A_104 : memref<1x64x16xf32, #tpu.memory_space<hbm>> -> memref<64x16xf32, #tpu.memory_space<hbm>>
      tpu.wait_dma2 semaphore(%run_scoped3A : memref<!tpu.dma_semaphore, #tpu.memory_space<semaphore_mem>>) src(%arg14 : memref<64x16xf32, #tpu.memory_space<vmem>>) dst(%dma_wait3A_105 : memref<64x16xf32, #tpu.memory_space<hbm>>)
      tpu.yield
    }) : () -> ()
    %add3A_88 = arith.constant 384 : i32
    %add3A_89 = arith.addi %mul3A_2, %add3A_88 : i32
    "tpu.region"() ({
      %run_scoped3A = tpu.sem_alloc : memref<!tpu.dma_semaphore, #tpu.memory_space<semaphore_mem>>
      %dma_start3A = arith.constant 0 : i32
      %dma_start3A_96 = tpu.memref_slice %arg12[%add3A_89, %dma_start3A] : memref<10240x128xf32, #tpu.memory_space<vmem_shared>> -> memref<64x128xf32, #tpu.memory_space<vmem_shared>>
      %dma_start3A_97 = arith.constant 0 : i32
      %dma_start3A_98 = tpu.memref_slice %arg12[%add3A_89, %dma_start3A_97] : memref<10240x128xf32, #tpu.memory_space<vmem_shared>> -> memref<64x128xf32, #tpu.memory_space<vmem_shared>>
      tpu.enqueue_dma source(%dma_start3A_98 : memref<64x128xf32, #tpu.memory_space<vmem_shared>>) target(%arg10 : memref<64x128xf32, #tpu.memory_space<vmem>>) target_semaphore(%run_scoped3A : memref<!tpu.dma_semaphore, #tpu.memory_space<semaphore_mem>>)
      %dma_wait3A = arith.constant 0 : i32
      %dma_wait3A_99 = tpu.memref_slice %arg12[%add3A_89, %dma_wait3A] : memref<10240x128xf32, #tpu.memory_space<vmem_shared>> -> memref<64x128xf32, #tpu.memory_space<vmem_shared>>
      %dma_wait3A_100 = arith.constant 0 : i32
      %dma_wait3A_101 = tpu.memref_slice %arg12[%add3A_89, %dma_wait3A_100] : memref<10240x128xf32, #tpu.memory_space<vmem_shared>> -> memref<64x128xf32, #tpu.memory_space<vmem_shared>>
      tpu.wait_dma2 semaphore(%run_scoped3A : memref<!tpu.dma_semaphore, #tpu.memory_space<semaphore_mem>>) src(%dma_wait3A_101 : memref<64x128xf32, #tpu.memory_space<vmem_shared>>) dst(%arg10 : memref<64x128xf32, #tpu.memory_space<vmem>>)
      tpu.yield
    }) : () -> ()
    "tpu.region"() ({
      %run_scoped3A = tpu.sem_alloc : memref<!tpu.dma_semaphore, #tpu.memory_space<semaphore_mem>>
      %dma_start3A = arith.constant 0 : i32
      %dma_start3A_96 = tpu.memref_slice %arg5[%arg0, %add3A_89, %dma_start3A] : memref<2x10240x128xf32, #tpu.memory_space<hbm>> -> memref<1x64x128xf32, #tpu.memory_space<hbm>>
      %dma_start3A_97 = tpu.memref_squeeze %dma_start3A_96 : memref<1x64x128xf32, #tpu.memory_space<hbm>> -> memref<64x128xf32, #tpu.memory_space<hbm>>
      %dma_start3A_98 = arith.constant 0 : i32
      %dma_start3A_99 = tpu.memref_slice %arg5[%arg0, %add3A_89, %dma_start3A_98] : memref<2x10240x128xf32, #tpu.memory_space<hbm>> -> memref<1x64x128xf32, #tpu.memory_space<hbm>>
      %dma_start3A_100 = tpu.memref_squeeze %dma_start3A_99 : memref<1x64x128xf32, #tpu.memory_space<hbm>> -> memref<64x128xf32, #tpu.memory_space<hbm>>
      tpu.enqueue_dma source(%arg10 : memref<64x128xf32, #tpu.memory_space<vmem>>) target(%dma_start3A_100 : memref<64x128xf32, #tpu.memory_space<hbm>>) target_semaphore(%run_scoped3A : memref<!tpu.dma_semaphore, #tpu.memory_space<semaphore_mem>>)
      %dma_wait3A = arith.constant 0 : i32
      %dma_wait3A_101 = tpu.memref_slice %arg5[%arg0, %add3A_89, %dma_wait3A] : memref<2x10240x128xf32, #tpu.memory_space<hbm>> -> memref<1x64x128xf32, #tpu.memory_space<hbm>>
      %dma_wait3A_102 = tpu.memref_squeeze %dma_wait3A_101 : memref<1x64x128xf32, #tpu.memory_space<hbm>> -> memref<64x128xf32, #tpu.memory_space<hbm>>
      %dma_wait3A_103 = arith.constant 0 : i32
      %dma_wait3A_104 = tpu.memref_slice %arg5[%arg0, %add3A_89, %dma_wait3A_103] : memref<2x10240x128xf32, #tpu.memory_space<hbm>> -> memref<1x64x128xf32, #tpu.memory_space<hbm>>
      %dma_wait3A_105 = tpu.memref_squeeze %dma_wait3A_104 : memref<1x64x128xf32, #tpu.memory_space<hbm>> -> memref<64x128xf32, #tpu.memory_space<hbm>>
      tpu.wait_dma2 semaphore(%run_scoped3A : memref<!tpu.dma_semaphore, #tpu.memory_space<semaphore_mem>>) src(%arg10 : memref<64x128xf32, #tpu.memory_space<vmem>>) dst(%dma_wait3A_105 : memref<64x128xf32, #tpu.memory_space<hbm>>)
      tpu.yield
    }) : () -> ()
    "tpu.region"() ({
      %run_scoped3A = tpu.sem_alloc : memref<!tpu.dma_semaphore, #tpu.memory_space<semaphore_mem>>
      %dma_start3A = arith.constant 0 : i32
      %dma_start3A_96 = tpu.memref_slice %arg15[%add3A_89, %dma_start3A] : memref<10240x16xf32, #tpu.memory_space<vmem_shared>> -> memref<64x16xf32, #tpu.memory_space<vmem_shared>>
      %dma_start3A_97 = arith.constant 0 : i32
      %dma_start3A_98 = tpu.memref_slice %arg15[%add3A_89, %dma_start3A_97] : memref<10240x16xf32, #tpu.memory_space<vmem_shared>> -> memref<64x16xf32, #tpu.memory_space<vmem_shared>>
      tpu.enqueue_dma source(%dma_start3A_98 : memref<64x16xf32, #tpu.memory_space<vmem_shared>>) target(%arg14 : memref<64x16xf32, #tpu.memory_space<vmem>>) target_semaphore(%run_scoped3A : memref<!tpu.dma_semaphore, #tpu.memory_space<semaphore_mem>>)
      %dma_wait3A = arith.constant 0 : i32
      %dma_wait3A_99 = tpu.memref_slice %arg15[%add3A_89, %dma_wait3A] : memref<10240x16xf32, #tpu.memory_space<vmem_shared>> -> memref<64x16xf32, #tpu.memory_space<vmem_shared>>
      %dma_wait3A_100 = arith.constant 0 : i32
      %dma_wait3A_101 = tpu.memref_slice %arg15[%add3A_89, %dma_wait3A_100] : memref<10240x16xf32, #tpu.memory_space<vmem_shared>> -> memref<64x16xf32, #tpu.memory_space<vmem_shared>>
      tpu.wait_dma2 semaphore(%run_scoped3A : memref<!tpu.dma_semaphore, #tpu.memory_space<semaphore_mem>>) src(%dma_wait3A_101 : memref<64x16xf32, #tpu.memory_space<vmem_shared>>) dst(%arg14 : memref<64x16xf32, #tpu.memory_space<vmem>>)
      tpu.yield
    }) : () -> ()
    "tpu.region"() ({
      %run_scoped3A = tpu.sem_alloc : memref<!tpu.dma_semaphore, #tpu.memory_space<semaphore_mem>>
      %dma_start3A = arith.constant 0 : i32
      %dma_start3A_96 = tpu.memref_slice %arg6[%arg0, %add3A_89, %dma_start3A] : memref<2x10240x16xf32, #tpu.memory_space<hbm>> -> memref<1x64x16xf32, #tpu.memory_space<hbm>>
      %dma_start3A_97 = tpu.memref_squeeze %dma_start3A_96 : memref<1x64x16xf32, #tpu.memory_space<hbm>> -> memref<64x16xf32, #tpu.memory_space<hbm>>
      %dma_start3A_98 = arith.constant 0 : i32
      %dma_start3A_99 = tpu.memref_slice %arg6[%arg0, %add3A_89, %dma_start3A_98] : memref<2x10240x16xf32, #tpu.memory_space<hbm>> -> memref<1x64x16xf32, #tpu.memory_space<hbm>>
      %dma_start3A_100 = tpu.memref_squeeze %dma_start3A_99 : memref<1x64x16xf32, #tpu.memory_space<hbm>> -> memref<64x16xf32, #tpu.memory_space<hbm>>
      tpu.enqueue_dma source(%arg14 : memref<64x16xf32, #tpu.memory_space<vmem>>) target(%dma_start3A_100 : memref<64x16xf32, #tpu.memory_space<hbm>>) target_semaphore(%run_scoped3A : memref<!tpu.dma_semaphore, #tpu.memory_space<semaphore_mem>>)
      %dma_wait3A = arith.constant 0 : i32
      %dma_wait3A_101 = tpu.memref_slice %arg6[%arg0, %add3A_89, %dma_wait3A] : memref<2x10240x16xf32, #tpu.memory_space<hbm>> -> memref<1x64x16xf32, #tpu.memory_space<hbm>>
      %dma_wait3A_102 = tpu.memref_squeeze %dma_wait3A_101 : memref<1x64x16xf32, #tpu.memory_space<hbm>> -> memref<64x16xf32, #tpu.memory_space<hbm>>
      %dma_wait3A_103 = arith.constant 0 : i32
      %dma_wait3A_104 = tpu.memref_slice %arg6[%arg0, %add3A_89, %dma_wait3A_103] : memref<2x10240x16xf32, #tpu.memory_space<hbm>> -> memref<1x64x16xf32, #tpu.memory_space<hbm>>
      %dma_wait3A_105 = tpu.memref_squeeze %dma_wait3A_104 : memref<1x64x16xf32, #tpu.memory_space<hbm>> -> memref<64x16xf32, #tpu.memory_space<hbm>>
      tpu.wait_dma2 semaphore(%run_scoped3A : memref<!tpu.dma_semaphore, #tpu.memory_space<semaphore_mem>>) src(%arg14 : memref<64x16xf32, #tpu.memory_space<vmem>>) dst(%dma_wait3A_105 : memref<64x16xf32, #tpu.memory_space<hbm>>)
      tpu.yield
    }) : () -> ()
    %add3A_90 = arith.constant 448 : i32
    %add3A_91 = arith.addi %mul3A_2, %add3A_90 : i32
    "tpu.region"() ({
      %run_scoped3A = tpu.sem_alloc : memref<!tpu.dma_semaphore, #tpu.memory_space<semaphore_mem>>
      %dma_start3A = arith.constant 0 : i32
      %dma_start3A_96 = tpu.memref_slice %arg12[%add3A_91, %dma_start3A] : memref<10240x128xf32, #tpu.memory_space<vmem_shared>> -> memref<64x128xf32, #tpu.memory_space<vmem_shared>>
      %dma_start3A_97 = arith.constant 0 : i32
      %dma_start3A_98 = tpu.memref_slice %arg12[%add3A_91, %dma_start3A_97] : memref<10240x128xf32, #tpu.memory_space<vmem_shared>> -> memref<64x128xf32, #tpu.memory_space<vmem_shared>>
      tpu.enqueue_dma source(%dma_start3A_98 : memref<64x128xf32, #tpu.memory_space<vmem_shared>>) target(%arg10 : memref<64x128xf32, #tpu.memory_space<vmem>>) target_semaphore(%run_scoped3A : memref<!tpu.dma_semaphore, #tpu.memory_space<semaphore_mem>>)
      %dma_wait3A = arith.constant 0 : i32
      %dma_wait3A_99 = tpu.memref_slice %arg12[%add3A_91, %dma_wait3A] : memref<10240x128xf32, #tpu.memory_space<vmem_shared>> -> memref<64x128xf32, #tpu.memory_space<vmem_shared>>
      %dma_wait3A_100 = arith.constant 0 : i32
      %dma_wait3A_101 = tpu.memref_slice %arg12[%add3A_91, %dma_wait3A_100] : memref<10240x128xf32, #tpu.memory_space<vmem_shared>> -> memref<64x128xf32, #tpu.memory_space<vmem_shared>>
      tpu.wait_dma2 semaphore(%run_scoped3A : memref<!tpu.dma_semaphore, #tpu.memory_space<semaphore_mem>>) src(%dma_wait3A_101 : memref<64x128xf32, #tpu.memory_space<vmem_shared>>) dst(%arg10 : memref<64x128xf32, #tpu.memory_space<vmem>>)
      tpu.yield
    }) : () -> ()
    "tpu.region"() ({
      %run_scoped3A = tpu.sem_alloc : memref<!tpu.dma_semaphore, #tpu.memory_space<semaphore_mem>>
      %dma_start3A = arith.constant 0 : i32
      %dma_start3A_96 = tpu.memref_slice %arg5[%arg0, %add3A_91, %dma_start3A] : memref<2x10240x128xf32, #tpu.memory_space<hbm>> -> memref<1x64x128xf32, #tpu.memory_space<hbm>>
      %dma_start3A_97 = tpu.memref_squeeze %dma_start3A_96 : memref<1x64x128xf32, #tpu.memory_space<hbm>> -> memref<64x128xf32, #tpu.memory_space<hbm>>
      %dma_start3A_98 = arith.constant 0 : i32
      %dma_start3A_99 = tpu.memref_slice %arg5[%arg0, %add3A_91, %dma_start3A_98] : memref<2x10240x128xf32, #tpu.memory_space<hbm>> -> memref<1x64x128xf32, #tpu.memory_space<hbm>>
      %dma_start3A_100 = tpu.memref_squeeze %dma_start3A_99 : memref<1x64x128xf32, #tpu.memory_space<hbm>> -> memref<64x128xf32, #tpu.memory_space<hbm>>
      tpu.enqueue_dma source(%arg10 : memref<64x128xf32, #tpu.memory_space<vmem>>) target(%dma_start3A_100 : memref<64x128xf32, #tpu.memory_space<hbm>>) target_semaphore(%run_scoped3A : memref<!tpu.dma_semaphore, #tpu.memory_space<semaphore_mem>>)
      %dma_wait3A = arith.constant 0 : i32
      %dma_wait3A_101 = tpu.memref_slice %arg5[%arg0, %add3A_91, %dma_wait3A] : memref<2x10240x128xf32, #tpu.memory_space<hbm>> -> memref<1x64x128xf32, #tpu.memory_space<hbm>>
      %dma_wait3A_102 = tpu.memref_squeeze %dma_wait3A_101 : memref<1x64x128xf32, #tpu.memory_space<hbm>> -> memref<64x128xf32, #tpu.memory_space<hbm>>
      %dma_wait3A_103 = arith.constant 0 : i32
      %dma_wait3A_104 = tpu.memref_slice %arg5[%arg0, %add3A_91, %dma_wait3A_103] : memref<2x10240x128xf32, #tpu.memory_space<hbm>> -> memref<1x64x128xf32, #tpu.memory_space<hbm>>
      %dma_wait3A_105 = tpu.memref_squeeze %dma_wait3A_104 : memref<1x64x128xf32, #tpu.memory_space<hbm>> -> memref<64x128xf32, #tpu.memory_space<hbm>>
      tpu.wait_dma2 semaphore(%run_scoped3A : memref<!tpu.dma_semaphore, #tpu.memory_space<semaphore_mem>>) src(%arg10 : memref<64x128xf32, #tpu.memory_space<vmem>>) dst(%dma_wait3A_105 : memref<64x128xf32, #tpu.memory_space<hbm>>)
      tpu.yield
    }) : () -> ()
    "tpu.region"() ({
      %run_scoped3A = tpu.sem_alloc : memref<!tpu.dma_semaphore, #tpu.memory_space<semaphore_mem>>
      %dma_start3A = arith.constant 0 : i32
      %dma_start3A_96 = tpu.memref_slice %arg15[%add3A_91, %dma_start3A] : memref<10240x16xf32, #tpu.memory_space<vmem_shared>> -> memref<64x16xf32, #tpu.memory_space<vmem_shared>>
      %dma_start3A_97 = arith.constant 0 : i32
      %dma_start3A_98 = tpu.memref_slice %arg15[%add3A_91, %dma_start3A_97] : memref<10240x16xf32, #tpu.memory_space<vmem_shared>> -> memref<64x16xf32, #tpu.memory_space<vmem_shared>>
      tpu.enqueue_dma source(%dma_start3A_98 : memref<64x16xf32, #tpu.memory_space<vmem_shared>>) target(%arg14 : memref<64x16xf32, #tpu.memory_space<vmem>>) target_semaphore(%run_scoped3A : memref<!tpu.dma_semaphore, #tpu.memory_space<semaphore_mem>>)
      %dma_wait3A = arith.constant 0 : i32
      %dma_wait3A_99 = tpu.memref_slice %arg15[%add3A_91, %dma_wait3A] : memref<10240x16xf32, #tpu.memory_space<vmem_shared>> -> memref<64x16xf32, #tpu.memory_space<vmem_shared>>
      %dma_wait3A_100 = arith.constant 0 : i32
      %dma_wait3A_101 = tpu.memref_slice %arg15[%add3A_91, %dma_wait3A_100] : memref<10240x16xf32, #tpu.memory_space<vmem_shared>> -> memref<64x16xf32, #tpu.memory_space<vmem_shared>>
      tpu.wait_dma2 semaphore(%run_scoped3A : memref<!tpu.dma_semaphore, #tpu.memory_space<semaphore_mem>>) src(%dma_wait3A_101 : memref<64x16xf32, #tpu.memory_space<vmem_shared>>) dst(%arg14 : memref<64x16xf32, #tpu.memory_space<vmem>>)
      tpu.yield
    }) : () -> ()
    "tpu.region"() ({
      %run_scoped3A = tpu.sem_alloc : memref<!tpu.dma_semaphore, #tpu.memory_space<semaphore_mem>>
      %dma_start3A = arith.constant 0 : i32
      %dma_start3A_96 = tpu.memref_slice %arg6[%arg0, %add3A_91, %dma_start3A] : memref<2x10240x16xf32, #tpu.memory_space<hbm>> -> memref<1x64x16xf32, #tpu.memory_space<hbm>>
      %dma_start3A_97 = tpu.memref_squeeze %dma_start3A_96 : memref<1x64x16xf32, #tpu.memory_space<hbm>> -> memref<64x16xf32, #tpu.memory_space<hbm>>
      %dma_start3A_98 = arith.constant 0 : i32
      %dma_start3A_99 = tpu.memref_slice %arg6[%arg0, %add3A_91, %dma_start3A_98] : memref<2x10240x16xf32, #tpu.memory_space<hbm>> -> memref<1x64x16xf32, #tpu.memory_space<hbm>>
      %dma_start3A_100 = tpu.memref_squeeze %dma_start3A_99 : memref<1x64x16xf32, #tpu.memory_space<hbm>> -> memref<64x16xf32, #tpu.memory_space<hbm>>
      tpu.enqueue_dma source(%arg14 : memref<64x16xf32, #tpu.memory_space<vmem>>) target(%dma_start3A_100 : memref<64x16xf32, #tpu.memory_space<hbm>>) target_semaphore(%run_scoped3A : memref<!tpu.dma_semaphore, #tpu.memory_space<semaphore_mem>>)
      %dma_wait3A = arith.constant 0 : i32
      %dma_wait3A_101 = tpu.memref_slice %arg6[%arg0, %add3A_91, %dma_wait3A] : memref<2x10240x16xf32, #tpu.memory_space<hbm>> -> memref<1x64x16xf32, #tpu.memory_space<hbm>>
      %dma_wait3A_102 = tpu.memref_squeeze %dma_wait3A_101 : memref<1x64x16xf32, #tpu.memory_space<hbm>> -> memref<64x16xf32, #tpu.memory_space<hbm>>
      %dma_wait3A_103 = arith.constant 0 : i32
      %dma_wait3A_104 = tpu.memref_slice %arg6[%arg0, %add3A_91, %dma_wait3A_103] : memref<2x10240x16xf32, #tpu.memory_space<hbm>> -> memref<1x64x16xf32, #tpu.memory_space<hbm>>
      %dma_wait3A_105 = tpu.memref_squeeze %dma_wait3A_104 : memref<1x64x16xf32, #tpu.memory_space<hbm>> -> memref<64x16xf32, #tpu.memory_space<hbm>>
      tpu.wait_dma2 semaphore(%run_scoped3A : memref<!tpu.dma_semaphore, #tpu.memory_space<semaphore_mem>>) src(%arg14 : memref<64x16xf32, #tpu.memory_space<vmem>>) dst(%dma_wait3A_105 : memref<64x16xf32, #tpu.memory_space<hbm>>)
      tpu.yield
    }) : () -> ()
    %add3A_92 = arith.constant 512 : i32
    %add3A_93 = arith.addi %mul3A_2, %add3A_92 : i32
    "tpu.region"() ({
      %run_scoped3A = tpu.sem_alloc : memref<!tpu.dma_semaphore, #tpu.memory_space<semaphore_mem>>
      %dma_start3A = arith.constant 0 : i32
      %dma_start3A_96 = tpu.memref_slice %arg12[%add3A_93, %dma_start3A] : memref<10240x128xf32, #tpu.memory_space<vmem_shared>> -> memref<64x128xf32, #tpu.memory_space<vmem_shared>>
      %dma_start3A_97 = arith.constant 0 : i32
      %dma_start3A_98 = tpu.memref_slice %arg12[%add3A_93, %dma_start3A_97] : memref<10240x128xf32, #tpu.memory_space<vmem_shared>> -> memref<64x128xf32, #tpu.memory_space<vmem_shared>>
      tpu.enqueue_dma source(%dma_start3A_98 : memref<64x128xf32, #tpu.memory_space<vmem_shared>>) target(%arg10 : memref<64x128xf32, #tpu.memory_space<vmem>>) target_semaphore(%run_scoped3A : memref<!tpu.dma_semaphore, #tpu.memory_space<semaphore_mem>>)
      %dma_wait3A = arith.constant 0 : i32
      %dma_wait3A_99 = tpu.memref_slice %arg12[%add3A_93, %dma_wait3A] : memref<10240x128xf32, #tpu.memory_space<vmem_shared>> -> memref<64x128xf32, #tpu.memory_space<vmem_shared>>
      %dma_wait3A_100 = arith.constant 0 : i32
      %dma_wait3A_101 = tpu.memref_slice %arg12[%add3A_93, %dma_wait3A_100] : memref<10240x128xf32, #tpu.memory_space<vmem_shared>> -> memref<64x128xf32, #tpu.memory_space<vmem_shared>>
      tpu.wait_dma2 semaphore(%run_scoped3A : memref<!tpu.dma_semaphore, #tpu.memory_space<semaphore_mem>>) src(%dma_wait3A_101 : memref<64x128xf32, #tpu.memory_space<vmem_shared>>) dst(%arg10 : memref<64x128xf32, #tpu.memory_space<vmem>>)
      tpu.yield
    }) : () -> ()
    "tpu.region"() ({
      %run_scoped3A = tpu.sem_alloc : memref<!tpu.dma_semaphore, #tpu.memory_space<semaphore_mem>>
      %dma_start3A = arith.constant 0 : i32
      %dma_start3A_96 = tpu.memref_slice %arg5[%arg0, %add3A_93, %dma_start3A] : memref<2x10240x128xf32, #tpu.memory_space<hbm>> -> memref<1x64x128xf32, #tpu.memory_space<hbm>>
      %dma_start3A_97 = tpu.memref_squeeze %dma_start3A_96 : memref<1x64x128xf32, #tpu.memory_space<hbm>> -> memref<64x128xf32, #tpu.memory_space<hbm>>
      %dma_start3A_98 = arith.constant 0 : i32
      %dma_start3A_99 = tpu.memref_slice %arg5[%arg0, %add3A_93, %dma_start3A_98] : memref<2x10240x128xf32, #tpu.memory_space<hbm>> -> memref<1x64x128xf32, #tpu.memory_space<hbm>>
      %dma_start3A_100 = tpu.memref_squeeze %dma_start3A_99 : memref<1x64x128xf32, #tpu.memory_space<hbm>> -> memref<64x128xf32, #tpu.memory_space<hbm>>
      tpu.enqueue_dma source(%arg10 : memref<64x128xf32, #tpu.memory_space<vmem>>) target(%dma_start3A_100 : memref<64x128xf32, #tpu.memory_space<hbm>>) target_semaphore(%run_scoped3A : memref<!tpu.dma_semaphore, #tpu.memory_space<semaphore_mem>>)
      %dma_wait3A = arith.constant 0 : i32
      %dma_wait3A_101 = tpu.memref_slice %arg5[%arg0, %add3A_93, %dma_wait3A] : memref<2x10240x128xf32, #tpu.memory_space<hbm>> -> memref<1x64x128xf32, #tpu.memory_space<hbm>>
      %dma_wait3A_102 = tpu.memref_squeeze %dma_wait3A_101 : memref<1x64x128xf32, #tpu.memory_space<hbm>> -> memref<64x128xf32, #tpu.memory_space<hbm>>
      %dma_wait3A_103 = arith.constant 0 : i32
      %dma_wait3A_104 = tpu.memref_slice %arg5[%arg0, %add3A_93, %dma_wait3A_103] : memref<2x10240x128xf32, #tpu.memory_space<hbm>> -> memref<1x64x128xf32, #tpu.memory_space<hbm>>
      %dma_wait3A_105 = tpu.memref_squeeze %dma_wait3A_104 : memref<1x64x128xf32, #tpu.memory_space<hbm>> -> memref<64x128xf32, #tpu.memory_space<hbm>>
      tpu.wait_dma2 semaphore(%run_scoped3A : memref<!tpu.dma_semaphore, #tpu.memory_space<semaphore_mem>>) src(%arg10 : memref<64x128xf32, #tpu.memory_space<vmem>>) dst(%dma_wait3A_105 : memref<64x128xf32, #tpu.memory_space<hbm>>)
      tpu.yield
    }) : () -> ()
    "tpu.region"() ({
      %run_scoped3A = tpu.sem_alloc : memref<!tpu.dma_semaphore, #tpu.memory_space<semaphore_mem>>
      %dma_start3A = arith.constant 0 : i32
      %dma_start3A_96 = tpu.memref_slice %arg15[%add3A_93, %dma_start3A] : memref<10240x16xf32, #tpu.memory_space<vmem_shared>> -> memref<64x16xf32, #tpu.memory_space<vmem_shared>>
      %dma_start3A_97 = arith.constant 0 : i32
      %dma_start3A_98 = tpu.memref_slice %arg15[%add3A_93, %dma_start3A_97] : memref<10240x16xf32, #tpu.memory_space<vmem_shared>> -> memref<64x16xf32, #tpu.memory_space<vmem_shared>>
      tpu.enqueue_dma source(%dma_start3A_98 : memref<64x16xf32, #tpu.memory_space<vmem_shared>>) target(%arg14 : memref<64x16xf32, #tpu.memory_space<vmem>>) target_semaphore(%run_scoped3A : memref<!tpu.dma_semaphore, #tpu.memory_space<semaphore_mem>>)
      %dma_wait3A = arith.constant 0 : i32
      %dma_wait3A_99 = tpu.memref_slice %arg15[%add3A_93, %dma_wait3A] : memref<10240x16xf32, #tpu.memory_space<vmem_shared>> -> memref<64x16xf32, #tpu.memory_space<vmem_shared>>
      %dma_wait3A_100 = arith.constant 0 : i32
      %dma_wait3A_101 = tpu.memref_slice %arg15[%add3A_93, %dma_wait3A_100] : memref<10240x16xf32, #tpu.memory_space<vmem_shared>> -> memref<64x16xf32, #tpu.memory_space<vmem_shared>>
      tpu.wait_dma2 semaphore(%run_scoped3A : memref<!tpu.dma_semaphore, #tpu.memory_space<semaphore_mem>>) src(%dma_wait3A_101 : memref<64x16xf32, #tpu.memory_space<vmem_shared>>) dst(%arg14 : memref<64x16xf32, #tpu.memory_space<vmem>>)
      tpu.yield
    }) : () -> ()
    "tpu.region"() ({
      %run_scoped3A = tpu.sem_alloc : memref<!tpu.dma_semaphore, #tpu.memory_space<semaphore_mem>>
      %dma_start3A = arith.constant 0 : i32
      %dma_start3A_96 = tpu.memref_slice %arg6[%arg0, %add3A_93, %dma_start3A] : memref<2x10240x16xf32, #tpu.memory_space<hbm>> -> memref<1x64x16xf32, #tpu.memory_space<hbm>>
      %dma_start3A_97 = tpu.memref_squeeze %dma_start3A_96 : memref<1x64x16xf32, #tpu.memory_space<hbm>> -> memref<64x16xf32, #tpu.memory_space<hbm>>
      %dma_start3A_98 = arith.constant 0 : i32
      %dma_start3A_99 = tpu.memref_slice %arg6[%arg0, %add3A_93, %dma_start3A_98] : memref<2x10240x16xf32, #tpu.memory_space<hbm>> -> memref<1x64x16xf32, #tpu.memory_space<hbm>>
      %dma_start3A_100 = tpu.memref_squeeze %dma_start3A_99 : memref<1x64x16xf32, #tpu.memory_space<hbm>> -> memref<64x16xf32, #tpu.memory_space<hbm>>
      tpu.enqueue_dma source(%arg14 : memref<64x16xf32, #tpu.memory_space<vmem>>) target(%dma_start3A_100 : memref<64x16xf32, #tpu.memory_space<hbm>>) target_semaphore(%run_scoped3A : memref<!tpu.dma_semaphore, #tpu.memory_space<semaphore_mem>>)
      %dma_wait3A = arith.constant 0 : i32
      %dma_wait3A_101 = tpu.memref_slice %arg6[%arg0, %add3A_93, %dma_wait3A] : memref<2x10240x16xf32, #tpu.memory_space<hbm>> -> memref<1x64x16xf32, #tpu.memory_space<hbm>>
      %dma_wait3A_102 = tpu.memref_squeeze %dma_wait3A_101 : memref<1x64x16xf32, #tpu.memory_space<hbm>> -> memref<64x16xf32, #tpu.memory_space<hbm>>
      %dma_wait3A_103 = arith.constant 0 : i32
      %dma_wait3A_104 = tpu.memref_slice %arg6[%arg0, %add3A_93, %dma_wait3A_103] : memref<2x10240x16xf32, #tpu.memory_space<hbm>> -> memref<1x64x16xf32, #tpu.memory_space<hbm>>
      %dma_wait3A_105 = tpu.memref_squeeze %dma_wait3A_104 : memref<1x64x16xf32, #tpu.memory_space<hbm>> -> memref<64x16xf32, #tpu.memory_space<hbm>>
      tpu.wait_dma2 semaphore(%run_scoped3A : memref<!tpu.dma_semaphore, #tpu.memory_space<semaphore_mem>>) src(%arg14 : memref<64x16xf32, #tpu.memory_space<vmem>>) dst(%dma_wait3A_105 : memref<64x16xf32, #tpu.memory_space<hbm>>)
      tpu.yield
    }) : () -> ()
    %add3A_94 = arith.constant 576 : i32
    %add3A_95 = arith.addi %mul3A_2, %add3A_94 : i32
    "tpu.region"() ({
      %run_scoped3A = tpu.sem_alloc : memref<!tpu.dma_semaphore, #tpu.memory_space<semaphore_mem>>
      %dma_start3A = arith.constant 0 : i32
      %dma_start3A_96 = tpu.memref_slice %arg12[%add3A_95, %dma_start3A] : memref<10240x128xf32, #tpu.memory_space<vmem_shared>> -> memref<64x128xf32, #tpu.memory_space<vmem_shared>>
      %dma_start3A_97 = arith.constant 0 : i32
      %dma_start3A_98 = tpu.memref_slice %arg12[%add3A_95, %dma_start3A_97] : memref<10240x128xf32, #tpu.memory_space<vmem_shared>> -> memref<64x128xf32, #tpu.memory_space<vmem_shared>>
      tpu.enqueue_dma source(%dma_start3A_98 : memref<64x128xf32, #tpu.memory_space<vmem_shared>>) target(%arg10 : memref<64x128xf32, #tpu.memory_space<vmem>>) target_semaphore(%run_scoped3A : memref<!tpu.dma_semaphore, #tpu.memory_space<semaphore_mem>>)
      %dma_wait3A = arith.constant 0 : i32
      %dma_wait3A_99 = tpu.memref_slice %arg12[%add3A_95, %dma_wait3A] : memref<10240x128xf32, #tpu.memory_space<vmem_shared>> -> memref<64x128xf32, #tpu.memory_space<vmem_shared>>
      %dma_wait3A_100 = arith.constant 0 : i32
      %dma_wait3A_101 = tpu.memref_slice %arg12[%add3A_95, %dma_wait3A_100] : memref<10240x128xf32, #tpu.memory_space<vmem_shared>> -> memref<64x128xf32, #tpu.memory_space<vmem_shared>>
      tpu.wait_dma2 semaphore(%run_scoped3A : memref<!tpu.dma_semaphore, #tpu.memory_space<semaphore_mem>>) src(%dma_wait3A_101 : memref<64x128xf32, #tpu.memory_space<vmem_shared>>) dst(%arg10 : memref<64x128xf32, #tpu.memory_space<vmem>>)
      tpu.yield
    }) : () -> ()
    "tpu.region"() ({
      %run_scoped3A = tpu.sem_alloc : memref<!tpu.dma_semaphore, #tpu.memory_space<semaphore_mem>>
      %dma_start3A = arith.constant 0 : i32
      %dma_start3A_96 = tpu.memref_slice %arg5[%arg0, %add3A_95, %dma_start3A] : memref<2x10240x128xf32, #tpu.memory_space<hbm>> -> memref<1x64x128xf32, #tpu.memory_space<hbm>>
      %dma_start3A_97 = tpu.memref_squeeze %dma_start3A_96 : memref<1x64x128xf32, #tpu.memory_space<hbm>> -> memref<64x128xf32, #tpu.memory_space<hbm>>
      %dma_start3A_98 = arith.constant 0 : i32
      %dma_start3A_99 = tpu.memref_slice %arg5[%arg0, %add3A_95, %dma_start3A_98] : memref<2x10240x128xf32, #tpu.memory_space<hbm>> -> memref<1x64x128xf32, #tpu.memory_space<hbm>>
      %dma_start3A_100 = tpu.memref_squeeze %dma_start3A_99 : memref<1x64x128xf32, #tpu.memory_space<hbm>> -> memref<64x128xf32, #tpu.memory_space<hbm>>
      tpu.enqueue_dma source(%arg10 : memref<64x128xf32, #tpu.memory_space<vmem>>) target(%dma_start3A_100 : memref<64x128xf32, #tpu.memory_space<hbm>>) target_semaphore(%run_scoped3A : memref<!tpu.dma_semaphore, #tpu.memory_space<semaphore_mem>>)
      %dma_wait3A = arith.constant 0 : i32
      %dma_wait3A_101 = tpu.memref_slice %arg5[%arg0, %add3A_95, %dma_wait3A] : memref<2x10240x128xf32, #tpu.memory_space<hbm>> -> memref<1x64x128xf32, #tpu.memory_space<hbm>>
      %dma_wait3A_102 = tpu.memref_squeeze %dma_wait3A_101 : memref<1x64x128xf32, #tpu.memory_space<hbm>> -> memref<64x128xf32, #tpu.memory_space<hbm>>
      %dma_wait3A_103 = arith.constant 0 : i32
      %dma_wait3A_104 = tpu.memref_slice %arg5[%arg0, %add3A_95, %dma_wait3A_103] : memref<2x10240x128xf32, #tpu.memory_space<hbm>> -> memref<1x64x128xf32, #tpu.memory_space<hbm>>
      %dma_wait3A_105 = tpu.memref_squeeze %dma_wait3A_104 : memref<1x64x128xf32, #tpu.memory_space<hbm>> -> memref<64x128xf32, #tpu.memory_space<hbm>>
      tpu.wait_dma2 semaphore(%run_scoped3A : memref<!tpu.dma_semaphore, #tpu.memory_space<semaphore_mem>>) src(%arg10 : memref<64x128xf32, #tpu.memory_space<vmem>>) dst(%dma_wait3A_105 : memref<64x128xf32, #tpu.memory_space<hbm>>)
      tpu.yield
    }) : () -> ()
    "tpu.region"() ({
      %run_scoped3A = tpu.sem_alloc : memref<!tpu.dma_semaphore, #tpu.memory_space<semaphore_mem>>
      %dma_start3A = arith.constant 0 : i32
      %dma_start3A_96 = tpu.memref_slice %arg15[%add3A_95, %dma_start3A] : memref<10240x16xf32, #tpu.memory_space<vmem_shared>> -> memref<64x16xf32, #tpu.memory_space<vmem_shared>>
      %dma_start3A_97 = arith.constant 0 : i32
      %dma_start3A_98 = tpu.memref_slice %arg15[%add3A_95, %dma_start3A_97] : memref<10240x16xf32, #tpu.memory_space<vmem_shared>> -> memref<64x16xf32, #tpu.memory_space<vmem_shared>>
      tpu.enqueue_dma source(%dma_start3A_98 : memref<64x16xf32, #tpu.memory_space<vmem_shared>>) target(%arg14 : memref<64x16xf32, #tpu.memory_space<vmem>>) target_semaphore(%run_scoped3A : memref<!tpu.dma_semaphore, #tpu.memory_space<semaphore_mem>>)
      %dma_wait3A = arith.constant 0 : i32
      %dma_wait3A_99 = tpu.memref_slice %arg15[%add3A_95, %dma_wait3A] : memref<10240x16xf32, #tpu.memory_space<vmem_shared>> -> memref<64x16xf32, #tpu.memory_space<vmem_shared>>
      %dma_wait3A_100 = arith.constant 0 : i32
      %dma_wait3A_101 = tpu.memref_slice %arg15[%add3A_95, %dma_wait3A_100] : memref<10240x16xf32, #tpu.memory_space<vmem_shared>> -> memref<64x16xf32, #tpu.memory_space<vmem_shared>>
      tpu.wait_dma2 semaphore(%run_scoped3A : memref<!tpu.dma_semaphore, #tpu.memory_space<semaphore_mem>>) src(%dma_wait3A_101 : memref<64x16xf32, #tpu.memory_space<vmem_shared>>) dst(%arg14 : memref<64x16xf32, #tpu.memory_space<vmem>>)
      tpu.yield
    }) : () -> ()
    "tpu.region"() ({
      %run_scoped3A = tpu.sem_alloc : memref<!tpu.dma_semaphore, #tpu.memory_space<semaphore_mem>>
      %dma_start3A = arith.constant 0 : i32
      %dma_start3A_96 = tpu.memref_slice %arg6[%arg0, %add3A_95, %dma_start3A] : memref<2x10240x16xf32, #tpu.memory_space<hbm>> -> memref<1x64x16xf32, #tpu.memory_space<hbm>>
      %dma_start3A_97 = tpu.memref_squeeze %dma_start3A_96 : memref<1x64x16xf32, #tpu.memory_space<hbm>> -> memref<64x16xf32, #tpu.memory_space<hbm>>
      %dma_start3A_98 = arith.constant 0 : i32
      %dma_start3A_99 = tpu.memref_slice %arg6[%arg0, %add3A_95, %dma_start3A_98] : memref<2x10240x16xf32, #tpu.memory_space<hbm>> -> memref<1x64x16xf32, #tpu.memory_space<hbm>>
      %dma_start3A_100 = tpu.memref_squeeze %dma_start3A_99 : memref<1x64x16xf32, #tpu.memory_space<hbm>> -> memref<64x16xf32, #tpu.memory_space<hbm>>
      tpu.enqueue_dma source(%arg14 : memref<64x16xf32, #tpu.memory_space<vmem>>) target(%dma_start3A_100 : memref<64x16xf32, #tpu.memory_space<hbm>>) target_semaphore(%run_scoped3A : memref<!tpu.dma_semaphore, #tpu.memory_space<semaphore_mem>>)
      %dma_wait3A = arith.constant 0 : i32
      %dma_wait3A_101 = tpu.memref_slice %arg6[%arg0, %add3A_95, %dma_wait3A] : memref<2x10240x16xf32, #tpu.memory_space<hbm>> -> memref<1x64x16xf32, #tpu.memory_space<hbm>>
      %dma_wait3A_102 = tpu.memref_squeeze %dma_wait3A_101 : memref<1x64x16xf32, #tpu.memory_space<hbm>> -> memref<64x16xf32, #tpu.memory_space<hbm>>
      %dma_wait3A_103 = arith.constant 0 : i32
      %dma_wait3A_104 = tpu.memref_slice %arg6[%arg0, %add3A_95, %dma_wait3A_103] : memref<2x10240x16xf32, #tpu.memory_space<hbm>> -> memref<1x64x16xf32, #tpu.memory_space<hbm>>
      %dma_wait3A_105 = tpu.memref_squeeze %dma_wait3A_104 : memref<1x64x16xf32, #tpu.memory_space<hbm>> -> memref<64x16xf32, #tpu.memory_space<hbm>>
      tpu.wait_dma2 semaphore(%run_scoped3A : memref<!tpu.dma_semaphore, #tpu.memory_space<semaphore_mem>>) src(%arg14 : memref<64x16xf32, #tpu.memory_space<vmem>>) dst(%dma_wait3A_105 : memref<64x16xf32, #tpu.memory_space<hbm>>)
      tpu.yield
    }) : () -> ()
    return
  }
}

#map = affine_map<(d0, d1) -> (0, 0)>
#map1 = affine_map<(d0, d1) -> (0)>
#map2 = affine_map<(d0, d1) -> (0, 0, 0)>
module attributes {stable_mosaic.version = 14 : i64} {
  func.func @_sc_agg_body(%arg0: i32, %arg1: i32, %arg2: memref<10240x128xf32, #tpu.memory_space<hbm>>, %arg3: memref<320000xi32, #tpu.memory_space<hbm>>, %arg4: memref<320000xi32, #tpu.memory_space<hbm>>, %arg5: memref<2x10240x128xf32, #tpu.memory_space<hbm>>, %arg6: memref<80xi32, #tpu.memory_space<vmem>>, %arg7: memref<80xi32, #tpu.memory_space<vmem>>, %arg8: memref<80x128xf32, #tpu.memory_space<vmem>>, %arg9: memref<64x128xf32, #tpu.memory_space<vmem>>, %arg10: memref<!tpu.dma_semaphore, #tpu.memory_space<semaphore_mem>>, %arg11: memref<10240x128xf32, #tpu.memory_space<vmem_shared>>) attributes {dimension_semantics = [#tpu.dimension_semantics<core_parallel>, #tpu.dimension_semantics<subcore_parallel>], iteration_bounds = array<i64: 2, 16>, scalar_prefetch = 0 : i64, scratch_operands = 6 : i64, tpu.core_type = #tpu.core_type<sc_vector_subcore>, window_params = [{transform_indices = #map}, {transform_indices = #map1}, {transform_indices = #map1}, {transform_indices = #map2}]} {
    %mul3A = arith.constant 16 : i32
    %mul3A_0 = arith.muli %arg0, %mul3A : i32
    %add3A = arith.addi %mul3A_0, %arg1 : i32
    %mul3A_1 = arith.constant 640 : i32
    %mul3A_2 = arith.muli %arg1, %mul3A_1 : i32
    %broadcast_in_dim3A = arith.constant 0.000000e+00 : f32
    %broadcast_in_dim3A_3 = vector.broadcast %broadcast_in_dim3A : f32 to vector<16xf32>
    %scan3A = arith.constant 0 : i32
    %scan3A_4 = arith.constant 0 : i32
    %scan3A_5 = arith.constant 512 : i32
    %scan3A_6 = arith.addi %scan3A_4, %scan3A_5 : i32
    %scan3A_7 = arith.constant 1 : i32
    %scan3A_8 = scf.for %scan3A_60 = %scan3A_4 to %scan3A_6 step %scan3A_7 iter_args(%scan3A_61 = %scan3A) -> (i32)  : i32 {
      %jit3A = arith.constant 8 : i32
      %div3A = arith.divsi %scan3A_60, %jit3A : i32
      %sign3A = arith.constant 0 : i32
      %sign3A_62 = arith.cmpi sgt, %scan3A_60, %sign3A : i32
      %sign3A_63 = arith.extui %sign3A_62 : i1 to i32
      %sign3A_64 = arith.constant 0 : i32
      %sign3A_65 = arith.cmpi slt, %scan3A_60, %sign3A_64 : i32
      %sign3A_66 = arith.extui %sign3A_65 : i1 to i32
      %sign3A_67 = arith.subi %sign3A_63, %sign3A_66 : i32
      %sign3A_68 = arith.constant 0 : i32
      %sign3A_69 = arith.cmpi sgt, %jit3A, %sign3A_68 : i32
      %sign3A_70 = arith.extui %sign3A_69 : i1 to i32
      %sign3A_71 = arith.constant 0 : i32
      %sign3A_72 = arith.cmpi slt, %jit3A, %sign3A_71 : i32
      %sign3A_73 = arith.extui %sign3A_72 : i1 to i32
      %sign3A_74 = arith.subi %sign3A_70, %sign3A_73 : i32
      %ne3A = arith.cmpi ne, %sign3A_67, %sign3A_74 : i32
      %rem3A = arith.remsi %scan3A_60, %jit3A : i32
      %ne3A_75 = arith.constant 0 : i32
      %ne3A_76 = arith.cmpi ne, %rem3A, %ne3A_75 : i32
      %and3A = arith.andi %ne3A, %ne3A_76 : i1
      %sub3A = arith.constant 1 : i32
      %sub3A_77 = arith.subi %div3A, %sub3A : i32
      %select_n3A = arith.select %and3A, %sub3A_77, %div3A : i32
      %jit3A_78 = arith.constant 8 : i32
      %eq3A = arith.constant 0 : i32
      %eq3A_79 = arith.cmpi eq, %jit3A_78, %eq3A : i32
      %jit3A_80 = arith.constant 1 : i32
      %select_n3A_81 = arith.select %eq3A_79, %jit3A_80, %jit3A_78 : i32
      %rem3A_82 = arith.remsi %scan3A_60, %select_n3A_81 : i32
      %ne3A_83 = arith.constant 0 : i32
      %ne3A_84 = arith.cmpi ne, %rem3A_82, %ne3A_83 : i32
      %lt3A = arith.constant 0 : i32
      %lt3A_85 = arith.cmpi slt, %rem3A_82, %lt3A : i32
      %lt3A_86 = arith.constant 0 : i32
      %lt3A_87 = arith.cmpi slt, %select_n3A_81, %lt3A_86 : i32
      %ne3A_88 = arith.xori %lt3A_85, %lt3A_87 : i1
      %and3A_89 = arith.andi %ne3A_88, %ne3A_84 : i1
      %add3A_90 = arith.addi %rem3A_82, %select_n3A_81 : i32
      %select_n3A_91 = arith.select %and3A_89, %add3A_90, %rem3A_82 : i32
      %mul3A_92 = arith.constant 16 : i32
      %mul3A_93 = arith.muli %select_n3A_91, %mul3A_92 : i32
      %swap3A = arith.index_cast %select_n3A : i32 to index
      %swap3A_94 = arith.index_cast %mul3A_93 : i32 to index
      %swap3A_95 = tpu.vector_load %arg9[%swap3A, %swap3A_94] {strides = array<i32>} : memref<64x128xf32, #tpu.memory_space<vmem>>, vector<1x16xf32>,
      %swap3A_96 = vector.shape_cast %swap3A_95 : vector<1x16xf32> to vector<16xf32>
      %swap3A_97 = vector.shape_cast %broadcast_in_dim3A_3 : vector<16xf32> to vector<1x16xf32>
      tpu.vector_store %arg9[%swap3A, %swap3A_94], %swap3A_97 {strides = array<i32>} : memref<64x128xf32, #tpu.memory_space<vmem>>, vector<1x16xf32>,
      %scan3A_98 = arith.constant 0 : i32
      scf.yield %scan3A_98 : i32
    }
    %scan3A_9 = arith.constant 512 : i32
    %add3A_10 = arith.constant 0 : i32
    %add3A_11 = arith.addi %mul3A_2, %add3A_10 : i32
    "tpu.region"() ({
      %run_scoped3A = tpu.sem_alloc : memref<!tpu.dma_semaphore, #tpu.memory_space<semaphore_mem>>
      %dma_start3A = arith.constant 0 : i32
      %dma_start3A_60 = tpu.memref_slice %arg11[%add3A_11, %dma_start3A] : memref<10240x128xf32, #tpu.memory_space<vmem_shared>> -> memref<64x128xf32, #tpu.memory_space<vmem_shared>>
      %dma_start3A_61 = arith.constant 0 : i32
      %dma_start3A_62 = tpu.memref_slice %arg11[%add3A_11, %dma_start3A_61] : memref<10240x128xf32, #tpu.memory_space<vmem_shared>> -> memref<64x128xf32, #tpu.memory_space<vmem_shared>>
      tpu.enqueue_dma source(%arg9 : memref<64x128xf32, #tpu.memory_space<vmem>>) target(%dma_start3A_62 : memref<64x128xf32, #tpu.memory_space<vmem_shared>>) target_semaphore(%run_scoped3A : memref<!tpu.dma_semaphore, #tpu.memory_space<semaphore_mem>>)
      %dma_wait3A = arith.constant 0 : i32
      %dma_wait3A_63 = tpu.memref_slice %arg11[%add3A_11, %dma_wait3A] : memref<10240x128xf32, #tpu.memory_space<vmem_shared>> -> memref<64x128xf32, #tpu.memory_space<vmem_shared>>
      %dma_wait3A_64 = arith.constant 0 : i32
      %dma_wait3A_65 = tpu.memref_slice %arg11[%add3A_11, %dma_wait3A_64] : memref<10240x128xf32, #tpu.memory_space<vmem_shared>> -> memref<64x128xf32, #tpu.memory_space<vmem_shared>>
      tpu.wait_dma2 semaphore(%run_scoped3A : memref<!tpu.dma_semaphore, #tpu.memory_space<semaphore_mem>>) src(%arg9 : memref<64x128xf32, #tpu.memory_space<vmem>>) dst(%dma_wait3A_65 : memref<64x128xf32, #tpu.memory_space<vmem_shared>>)
      tpu.yield
    }) : () -> ()
    %add3A_12 = arith.constant 64 : i32
    %add3A_13 = arith.addi %mul3A_2, %add3A_12 : i32
    "tpu.region"() ({
      %run_scoped3A = tpu.sem_alloc : memref<!tpu.dma_semaphore, #tpu.memory_space<semaphore_mem>>
      %dma_start3A = arith.constant 0 : i32
      %dma_start3A_60 = tpu.memref_slice %arg11[%add3A_13, %dma_start3A] : memref<10240x128xf32, #tpu.memory_space<vmem_shared>> -> memref<64x128xf32, #tpu.memory_space<vmem_shared>>
      %dma_start3A_61 = arith.constant 0 : i32
      %dma_start3A_62 = tpu.memref_slice %arg11[%add3A_13, %dma_start3A_61] : memref<10240x128xf32, #tpu.memory_space<vmem_shared>> -> memref<64x128xf32, #tpu.memory_space<vmem_shared>>
      tpu.enqueue_dma source(%arg9 : memref<64x128xf32, #tpu.memory_space<vmem>>) target(%dma_start3A_62 : memref<64x128xf32, #tpu.memory_space<vmem_shared>>) target_semaphore(%run_scoped3A : memref<!tpu.dma_semaphore, #tpu.memory_space<semaphore_mem>>)
      %dma_wait3A = arith.constant 0 : i32
      %dma_wait3A_63 = tpu.memref_slice %arg11[%add3A_13, %dma_wait3A] : memref<10240x128xf32, #tpu.memory_space<vmem_shared>> -> memref<64x128xf32, #tpu.memory_space<vmem_shared>>
      %dma_wait3A_64 = arith.constant 0 : i32
      %dma_wait3A_65 = tpu.memref_slice %arg11[%add3A_13, %dma_wait3A_64] : memref<10240x128xf32, #tpu.memory_space<vmem_shared>> -> memref<64x128xf32, #tpu.memory_space<vmem_shared>>
      tpu.wait_dma2 semaphore(%run_scoped3A : memref<!tpu.dma_semaphore, #tpu.memory_space<semaphore_mem>>) src(%arg9 : memref<64x128xf32, #tpu.memory_space<vmem>>) dst(%dma_wait3A_65 : memref<64x128xf32, #tpu.memory_space<vmem_shared>>)
      tpu.yield
    }) : () -> ()
    %add3A_14 = arith.constant 128 : i32
    %add3A_15 = arith.addi %mul3A_2, %add3A_14 : i32
    "tpu.region"() ({
      %run_scoped3A = tpu.sem_alloc : memref<!tpu.dma_semaphore, #tpu.memory_space<semaphore_mem>>
      %dma_start3A = arith.constant 0 : i32
      %dma_start3A_60 = tpu.memref_slice %arg11[%add3A_15, %dma_start3A] : memref<10240x128xf32, #tpu.memory_space<vmem_shared>> -> memref<64x128xf32, #tpu.memory_space<vmem_shared>>
      %dma_start3A_61 = arith.constant 0 : i32
      %dma_start3A_62 = tpu.memref_slice %arg11[%add3A_15, %dma_start3A_61] : memref<10240x128xf32, #tpu.memory_space<vmem_shared>> -> memref<64x128xf32, #tpu.memory_space<vmem_shared>>
      tpu.enqueue_dma source(%arg9 : memref<64x128xf32, #tpu.memory_space<vmem>>) target(%dma_start3A_62 : memref<64x128xf32, #tpu.memory_space<vmem_shared>>) target_semaphore(%run_scoped3A : memref<!tpu.dma_semaphore, #tpu.memory_space<semaphore_mem>>)
      %dma_wait3A = arith.constant 0 : i32
      %dma_wait3A_63 = tpu.memref_slice %arg11[%add3A_15, %dma_wait3A] : memref<10240x128xf32, #tpu.memory_space<vmem_shared>> -> memref<64x128xf32, #tpu.memory_space<vmem_shared>>
      %dma_wait3A_64 = arith.constant 0 : i32
      %dma_wait3A_65 = tpu.memref_slice %arg11[%add3A_15, %dma_wait3A_64] : memref<10240x128xf32, #tpu.memory_space<vmem_shared>> -> memref<64x128xf32, #tpu.memory_space<vmem_shared>>
      tpu.wait_dma2 semaphore(%run_scoped3A : memref<!tpu.dma_semaphore, #tpu.memory_space<semaphore_mem>>) src(%arg9 : memref<64x128xf32, #tpu.memory_space<vmem>>) dst(%dma_wait3A_65 : memref<64x128xf32, #tpu.memory_space<vmem_shared>>)
      tpu.yield
    }) : () -> ()
    %add3A_16 = arith.constant 192 : i32
    %add3A_17 = arith.addi %mul3A_2, %add3A_16 : i32
    "tpu.region"() ({
      %run_scoped3A = tpu.sem_alloc : memref<!tpu.dma_semaphore, #tpu.memory_space<semaphore_mem>>
      %dma_start3A = arith.constant 0 : i32
      %dma_start3A_60 = tpu.memref_slice %arg11[%add3A_17, %dma_start3A] : memref<10240x128xf32, #tpu.memory_space<vmem_shared>> -> memref<64x128xf32, #tpu.memory_space<vmem_shared>>
      %dma_start3A_61 = arith.constant 0 : i32
      %dma_start3A_62 = tpu.memref_slice %arg11[%add3A_17, %dma_start3A_61] : memref<10240x128xf32, #tpu.memory_space<vmem_shared>> -> memref<64x128xf32, #tpu.memory_space<vmem_shared>>
      tpu.enqueue_dma source(%arg9 : memref<64x128xf32, #tpu.memory_space<vmem>>) target(%dma_start3A_62 : memref<64x128xf32, #tpu.memory_space<vmem_shared>>) target_semaphore(%run_scoped3A : memref<!tpu.dma_semaphore, #tpu.memory_space<semaphore_mem>>)
      %dma_wait3A = arith.constant 0 : i32
      %dma_wait3A_63 = tpu.memref_slice %arg11[%add3A_17, %dma_wait3A] : memref<10240x128xf32, #tpu.memory_space<vmem_shared>> -> memref<64x128xf32, #tpu.memory_space<vmem_shared>>
      %dma_wait3A_64 = arith.constant 0 : i32
      %dma_wait3A_65 = tpu.memref_slice %arg11[%add3A_17, %dma_wait3A_64] : memref<10240x128xf32, #tpu.memory_space<vmem_shared>> -> memref<64x128xf32, #tpu.memory_space<vmem_shared>>
      tpu.wait_dma2 semaphore(%run_scoped3A : memref<!tpu.dma_semaphore, #tpu.memory_space<semaphore_mem>>) src(%arg9 : memref<64x128xf32, #tpu.memory_space<vmem>>) dst(%dma_wait3A_65 : memref<64x128xf32, #tpu.memory_space<vmem_shared>>)
      tpu.yield
    }) : () -> ()
    %add3A_18 = arith.constant 256 : i32
    %add3A_19 = arith.addi %mul3A_2, %add3A_18 : i32
    "tpu.region"() ({
      %run_scoped3A = tpu.sem_alloc : memref<!tpu.dma_semaphore, #tpu.memory_space<semaphore_mem>>
      %dma_start3A = arith.constant 0 : i32
      %dma_start3A_60 = tpu.memref_slice %arg11[%add3A_19, %dma_start3A] : memref<10240x128xf32, #tpu.memory_space<vmem_shared>> -> memref<64x128xf32, #tpu.memory_space<vmem_shared>>
      %dma_start3A_61 = arith.constant 0 : i32
      %dma_start3A_62 = tpu.memref_slice %arg11[%add3A_19, %dma_start3A_61] : memref<10240x128xf32, #tpu.memory_space<vmem_shared>> -> memref<64x128xf32, #tpu.memory_space<vmem_shared>>
      tpu.enqueue_dma source(%arg9 : memref<64x128xf32, #tpu.memory_space<vmem>>) target(%dma_start3A_62 : memref<64x128xf32, #tpu.memory_space<vmem_shared>>) target_semaphore(%run_scoped3A : memref<!tpu.dma_semaphore, #tpu.memory_space<semaphore_mem>>)
      %dma_wait3A = arith.constant 0 : i32
      %dma_wait3A_63 = tpu.memref_slice %arg11[%add3A_19, %dma_wait3A] : memref<10240x128xf32, #tpu.memory_space<vmem_shared>> -> memref<64x128xf32, #tpu.memory_space<vmem_shared>>
      %dma_wait3A_64 = arith.constant 0 : i32
      %dma_wait3A_65 = tpu.memref_slice %arg11[%add3A_19, %dma_wait3A_64] : memref<10240x128xf32, #tpu.memory_space<vmem_shared>> -> memref<64x128xf32, #tpu.memory_space<vmem_shared>>
      tpu.wait_dma2 semaphore(%run_scoped3A : memref<!tpu.dma_semaphore, #tpu.memory_space<semaphore_mem>>) src(%arg9 : memref<64x128xf32, #tpu.memory_space<vmem>>) dst(%dma_wait3A_65 : memref<64x128xf32, #tpu.memory_space<vmem_shared>>)
      tpu.yield
    }) : () -> ()
    %add3A_20 = arith.constant 320 : i32
    %add3A_21 = arith.addi %mul3A_2, %add3A_20 : i32
    "tpu.region"() ({
      %run_scoped3A = tpu.sem_alloc : memref<!tpu.dma_semaphore, #tpu.memory_space<semaphore_mem>>
      %dma_start3A = arith.constant 0 : i32
      %dma_start3A_60 = tpu.memref_slice %arg11[%add3A_21, %dma_start3A] : memref<10240x128xf32, #tpu.memory_space<vmem_shared>> -> memref<64x128xf32, #tpu.memory_space<vmem_shared>>
      %dma_start3A_61 = arith.constant 0 : i32
      %dma_start3A_62 = tpu.memref_slice %arg11[%add3A_21, %dma_start3A_61] : memref<10240x128xf32, #tpu.memory_space<vmem_shared>> -> memref<64x128xf32, #tpu.memory_space<vmem_shared>>
      tpu.enqueue_dma source(%arg9 : memref<64x128xf32, #tpu.memory_space<vmem>>) target(%dma_start3A_62 : memref<64x128xf32, #tpu.memory_space<vmem_shared>>) target_semaphore(%run_scoped3A : memref<!tpu.dma_semaphore, #tpu.memory_space<semaphore_mem>>)
      %dma_wait3A = arith.constant 0 : i32
      %dma_wait3A_63 = tpu.memref_slice %arg11[%add3A_21, %dma_wait3A] : memref<10240x128xf32, #tpu.memory_space<vmem_shared>> -> memref<64x128xf32, #tpu.memory_space<vmem_shared>>
      %dma_wait3A_64 = arith.constant 0 : i32
      %dma_wait3A_65 = tpu.memref_slice %arg11[%add3A_21, %dma_wait3A_64] : memref<10240x128xf32, #tpu.memory_space<vmem_shared>> -> memref<64x128xf32, #tpu.memory_space<vmem_shared>>
      tpu.wait_dma2 semaphore(%run_scoped3A : memref<!tpu.dma_semaphore, #tpu.memory_space<semaphore_mem>>) src(%arg9 : memref<64x128xf32, #tpu.memory_space<vmem>>) dst(%dma_wait3A_65 : memref<64x128xf32, #tpu.memory_space<vmem_shared>>)
      tpu.yield
    }) : () -> ()
    %add3A_22 = arith.constant 384 : i32
    %add3A_23 = arith.addi %mul3A_2, %add3A_22 : i32
    "tpu.region"() ({
      %run_scoped3A = tpu.sem_alloc : memref<!tpu.dma_semaphore, #tpu.memory_space<semaphore_mem>>
      %dma_start3A = arith.constant 0 : i32
      %dma_start3A_60 = tpu.memref_slice %arg11[%add3A_23, %dma_start3A] : memref<10240x128xf32, #tpu.memory_space<vmem_shared>> -> memref<64x128xf32, #tpu.memory_space<vmem_shared>>
      %dma_start3A_61 = arith.constant 0 : i32
      %dma_start3A_62 = tpu.memref_slice %arg11[%add3A_23, %dma_start3A_61] : memref<10240x128xf32, #tpu.memory_space<vmem_shared>> -> memref<64x128xf32, #tpu.memory_space<vmem_shared>>
      tpu.enqueue_dma source(%arg9 : memref<64x128xf32, #tpu.memory_space<vmem>>) target(%dma_start3A_62 : memref<64x128xf32, #tpu.memory_space<vmem_shared>>) target_semaphore(%run_scoped3A : memref<!tpu.dma_semaphore, #tpu.memory_space<semaphore_mem>>)
      %dma_wait3A = arith.constant 0 : i32
      %dma_wait3A_63 = tpu.memref_slice %arg11[%add3A_23, %dma_wait3A] : memref<10240x128xf32, #tpu.memory_space<vmem_shared>> -> memref<64x128xf32, #tpu.memory_space<vmem_shared>>
      %dma_wait3A_64 = arith.constant 0 : i32
      %dma_wait3A_65 = tpu.memref_slice %arg11[%add3A_23, %dma_wait3A_64] : memref<10240x128xf32, #tpu.memory_space<vmem_shared>> -> memref<64x128xf32, #tpu.memory_space<vmem_shared>>
      tpu.wait_dma2 semaphore(%run_scoped3A : memref<!tpu.dma_semaphore, #tpu.memory_space<semaphore_mem>>) src(%arg9 : memref<64x128xf32, #tpu.memory_space<vmem>>) dst(%dma_wait3A_65 : memref<64x128xf32, #tpu.memory_space<vmem_shared>>)
      tpu.yield
    }) : () -> ()
    %add3A_24 = arith.constant 448 : i32
    %add3A_25 = arith.addi %mul3A_2, %add3A_24 : i32
    "tpu.region"() ({
      %run_scoped3A = tpu.sem_alloc : memref<!tpu.dma_semaphore, #tpu.memory_space<semaphore_mem>>
      %dma_start3A = arith.constant 0 : i32
      %dma_start3A_60 = tpu.memref_slice %arg11[%add3A_25, %dma_start3A] : memref<10240x128xf32, #tpu.memory_space<vmem_shared>> -> memref<64x128xf32, #tpu.memory_space<vmem_shared>>
      %dma_start3A_61 = arith.constant 0 : i32
      %dma_start3A_62 = tpu.memref_slice %arg11[%add3A_25, %dma_start3A_61] : memref<10240x128xf32, #tpu.memory_space<vmem_shared>> -> memref<64x128xf32, #tpu.memory_space<vmem_shared>>
      tpu.enqueue_dma source(%arg9 : memref<64x128xf32, #tpu.memory_space<vmem>>) target(%dma_start3A_62 : memref<64x128xf32, #tpu.memory_space<vmem_shared>>) target_semaphore(%run_scoped3A : memref<!tpu.dma_semaphore, #tpu.memory_space<semaphore_mem>>)
      %dma_wait3A = arith.constant 0 : i32
      %dma_wait3A_63 = tpu.memref_slice %arg11[%add3A_25, %dma_wait3A] : memref<10240x128xf32, #tpu.memory_space<vmem_shared>> -> memref<64x128xf32, #tpu.memory_space<vmem_shared>>
      %dma_wait3A_64 = arith.constant 0 : i32
      %dma_wait3A_65 = tpu.memref_slice %arg11[%add3A_25, %dma_wait3A_64] : memref<10240x128xf32, #tpu.memory_space<vmem_shared>> -> memref<64x128xf32, #tpu.memory_space<vmem_shared>>
      tpu.wait_dma2 semaphore(%run_scoped3A : memref<!tpu.dma_semaphore, #tpu.memory_space<semaphore_mem>>) src(%arg9 : memref<64x128xf32, #tpu.memory_space<vmem>>) dst(%dma_wait3A_65 : memref<64x128xf32, #tpu.memory_space<vmem_shared>>)
      tpu.yield
    }) : () -> ()
    %add3A_26 = arith.constant 512 : i32
    %add3A_27 = arith.addi %mul3A_2, %add3A_26 : i32
    "tpu.region"() ({
      %run_scoped3A = tpu.sem_alloc : memref<!tpu.dma_semaphore, #tpu.memory_space<semaphore_mem>>
      %dma_start3A = arith.constant 0 : i32
      %dma_start3A_60 = tpu.memref_slice %arg11[%add3A_27, %dma_start3A] : memref<10240x128xf32, #tpu.memory_space<vmem_shared>> -> memref<64x128xf32, #tpu.memory_space<vmem_shared>>
      %dma_start3A_61 = arith.constant 0 : i32
      %dma_start3A_62 = tpu.memref_slice %arg11[%add3A_27, %dma_start3A_61] : memref<10240x128xf32, #tpu.memory_space<vmem_shared>> -> memref<64x128xf32, #tpu.memory_space<vmem_shared>>
      tpu.enqueue_dma source(%arg9 : memref<64x128xf32, #tpu.memory_space<vmem>>) target(%dma_start3A_62 : memref<64x128xf32, #tpu.memory_space<vmem_shared>>) target_semaphore(%run_scoped3A : memref<!tpu.dma_semaphore, #tpu.memory_space<semaphore_mem>>)
      %dma_wait3A = arith.constant 0 : i32
      %dma_wait3A_63 = tpu.memref_slice %arg11[%add3A_27, %dma_wait3A] : memref<10240x128xf32, #tpu.memory_space<vmem_shared>> -> memref<64x128xf32, #tpu.memory_space<vmem_shared>>
      %dma_wait3A_64 = arith.constant 0 : i32
      %dma_wait3A_65 = tpu.memref_slice %arg11[%add3A_27, %dma_wait3A_64] : memref<10240x128xf32, #tpu.memory_space<vmem_shared>> -> memref<64x128xf32, #tpu.memory_space<vmem_shared>>
      tpu.wait_dma2 semaphore(%run_scoped3A : memref<!tpu.dma_semaphore, #tpu.memory_space<semaphore_mem>>) src(%arg9 : memref<64x128xf32, #tpu.memory_space<vmem>>) dst(%dma_wait3A_65 : memref<64x128xf32, #tpu.memory_space<vmem_shared>>)
      tpu.yield
    }) : () -> ()
    %add3A_28 = arith.constant 576 : i32
    %add3A_29 = arith.addi %mul3A_2, %add3A_28 : i32
    "tpu.region"() ({
      %run_scoped3A = tpu.sem_alloc : memref<!tpu.dma_semaphore, #tpu.memory_space<semaphore_mem>>
      %dma_start3A = arith.constant 0 : i32
      %dma_start3A_60 = tpu.memref_slice %arg11[%add3A_29, %dma_start3A] : memref<10240x128xf32, #tpu.memory_space<vmem_shared>> -> memref<64x128xf32, #tpu.memory_space<vmem_shared>>
      %dma_start3A_61 = arith.constant 0 : i32
      %dma_start3A_62 = tpu.memref_slice %arg11[%add3A_29, %dma_start3A_61] : memref<10240x128xf32, #tpu.memory_space<vmem_shared>> -> memref<64x128xf32, #tpu.memory_space<vmem_shared>>
      tpu.enqueue_dma source(%arg9 : memref<64x128xf32, #tpu.memory_space<vmem>>) target(%dma_start3A_62 : memref<64x128xf32, #tpu.memory_space<vmem_shared>>) target_semaphore(%run_scoped3A : memref<!tpu.dma_semaphore, #tpu.memory_space<semaphore_mem>>)
      %dma_wait3A = arith.constant 0 : i32
      %dma_wait3A_63 = tpu.memref_slice %arg11[%add3A_29, %dma_wait3A] : memref<10240x128xf32, #tpu.memory_space<vmem_shared>> -> memref<64x128xf32, #tpu.memory_space<vmem_shared>>
      %dma_wait3A_64 = arith.constant 0 : i32
      %dma_wait3A_65 = tpu.memref_slice %arg11[%add3A_29, %dma_wait3A_64] : memref<10240x128xf32, #tpu.memory_space<vmem_shared>> -> memref<64x128xf32, #tpu.memory_space<vmem_shared>>
      tpu.wait_dma2 semaphore(%run_scoped3A : memref<!tpu.dma_semaphore, #tpu.memory_space<semaphore_mem>>) src(%arg9 : memref<64x128xf32, #tpu.memory_space<vmem>>) dst(%dma_wait3A_65 : memref<64x128xf32, #tpu.memory_space<vmem_shared>>)
      tpu.yield
    }) : () -> ()
    %barrier3A = arith.constant 0 : index
    tpu.barrier barrier_id(%barrier3A)
    %mul3A_30 = arith.constant 10000 : i32
    %mul3A_31 = arith.muli %add3A, %mul3A_30 : i32
    %scan3A_32 = arith.constant 0 : i32
    %scan3A_33 = arith.constant 0 : i32
    %scan3A_34 = arith.constant 125 : i32
    %scan3A_35 = arith.addi %scan3A_33, %scan3A_34 : i32
    %scan3A_36 = arith.constant 1 : i32
    %scan3A_37 = scf.for %scan3A_60 = %scan3A_33 to %scan3A_35 step %scan3A_36 iter_args(%scan3A_61 = %scan3A_32) -> (i32)  : i32 {
      %mul3A_62 = arith.constant 80 : i32
      %mul3A_63 = arith.muli %scan3A_60, %mul3A_62 : i32
      %add3A_64 = arith.addi %mul3A_31, %mul3A_63 : i32
      "tpu.region"() ({
        %run_scoped3A = tpu.sem_alloc : memref<!tpu.dma_semaphore, #tpu.memory_space<semaphore_mem>>
        %dma_start3A_70 = tpu.memref_slice %arg3[%add3A_64] : memref<320000xi32, #tpu.memory_space<hbm>> -> memref<80xi32, #tpu.memory_space<hbm>>
        %dma_start3A_71 = tpu.memref_slice %arg3[%add3A_64] : memref<320000xi32, #tpu.memory_space<hbm>> -> memref<80xi32, #tpu.memory_space<hbm>>
        tpu.enqueue_dma source(%dma_start3A_71 : memref<80xi32, #tpu.memory_space<hbm>>) target(%arg6 : memref<80xi32, #tpu.memory_space<vmem>>) target_semaphore(%run_scoped3A : memref<!tpu.dma_semaphore, #tpu.memory_space<semaphore_mem>>)
        %dma_wait3A_72 = tpu.memref_slice %arg3[%add3A_64] : memref<320000xi32, #tpu.memory_space<hbm>> -> memref<80xi32, #tpu.memory_space<hbm>>
        %dma_wait3A_73 = tpu.memref_slice %arg3[%add3A_64] : memref<320000xi32, #tpu.memory_space<hbm>> -> memref<80xi32, #tpu.memory_space<hbm>>
        tpu.wait_dma2 semaphore(%run_scoped3A : memref<!tpu.dma_semaphore, #tpu.memory_space<semaphore_mem>>) src(%dma_wait3A_73 : memref<80xi32, #tpu.memory_space<hbm>>) dst(%arg6 : memref<80xi32, #tpu.memory_space<vmem>>)
        tpu.yield
      }) : () -> ()
      "tpu.region"() ({
        %run_scoped3A = tpu.sem_alloc : memref<!tpu.dma_semaphore, #tpu.memory_space<semaphore_mem>>
        %dma_start3A_70 = tpu.memref_slice %arg4[%add3A_64] : memref<320000xi32, #tpu.memory_space<hbm>> -> memref<80xi32, #tpu.memory_space<hbm>>
        %dma_start3A_71 = tpu.memref_slice %arg4[%add3A_64] : memref<320000xi32, #tpu.memory_space<hbm>> -> memref<80xi32, #tpu.memory_space<hbm>>
        tpu.enqueue_dma source(%dma_start3A_71 : memref<80xi32, #tpu.memory_space<hbm>>) target(%arg7 : memref<80xi32, #tpu.memory_space<vmem>>) target_semaphore(%run_scoped3A : memref<!tpu.dma_semaphore, #tpu.memory_space<semaphore_mem>>)
        %dma_wait3A_72 = tpu.memref_slice %arg4[%add3A_64] : memref<320000xi32, #tpu.memory_space<hbm>> -> memref<80xi32, #tpu.memory_space<hbm>>
        %dma_wait3A_73 = tpu.memref_slice %arg4[%add3A_64] : memref<320000xi32, #tpu.memory_space<hbm>> -> memref<80xi32, #tpu.memory_space<hbm>>
        tpu.wait_dma2 semaphore(%run_scoped3A : memref<!tpu.dma_semaphore, #tpu.memory_space<semaphore_mem>>) src(%dma_wait3A_73 : memref<80xi32, #tpu.memory_space<hbm>>) dst(%arg7 : memref<80xi32, #tpu.memory_space<vmem>>)
        tpu.yield
      }) : () -> ()
      %dma_start3A = arith.constant 0 : i32
      %dma_start3A_65 = arith.constant 0 : i32
      %dma_start3A_66 = tpu.memref_slice %arg2[%dma_start3A, %dma_start3A_65] : memref<10240x128xf32, #tpu.memory_space<hbm>> -> memref<10240x128xf32, #tpu.memory_space<hbm>>
      tpu.enqueue_indirect_dma source(%dma_start3A_66 : memref<10240x128xf32, #tpu.memory_space<hbm>>) target(%arg8 : memref<80x128xf32, #tpu.memory_space<vmem>>) offsets(%arg6 : memref<80xi32, #tpu.memory_space<vmem>>) semaphore(%arg10 : memref<!tpu.dma_semaphore, #tpu.memory_space<semaphore_mem>>)
      %dma_wait3A = arith.constant 0 : i32
      %dma_wait3A_67 = arith.constant 0 : i32
      %dma_wait3A_68 = tpu.memref_slice %arg2[%dma_wait3A, %dma_wait3A_67] : memref<10240x128xf32, #tpu.memory_space<hbm>> -> memref<10240x128xf32, #tpu.memory_space<hbm>>
      tpu.wait_indirect_dma semaphore(%arg10 : memref<!tpu.dma_semaphore, #tpu.memory_space<semaphore_mem>>) src(%dma_wait3A_68 : memref<10240x128xf32, #tpu.memory_space<hbm>>) dst(%arg8 : memref<80x128xf32, #tpu.memory_space<vmem>>)
      "tpu.region"() ({
        %run_scoped3A = tpu.sem_alloc : memref<!tpu.dma_semaphore, #tpu.memory_space<semaphore_mem>>
        %dma_start3A_70 = arith.constant 0 : i32
        %dma_start3A_71 = arith.constant 0 : i32
        %dma_start3A_72 = tpu.memref_slice %arg11[%dma_start3A_70, %dma_start3A_71] : memref<10240x128xf32, #tpu.memory_space<vmem_shared>> -> memref<10240x128xf32, #tpu.memory_space<vmem_shared>>
        tpu.enqueue_indirect_dma source(%arg8 : memref<80x128xf32, #tpu.memory_space<vmem>>) target(%dma_start3A_72 : memref<10240x128xf32, #tpu.memory_space<vmem_shared>>) offsets(%arg7 : memref<80xi32, #tpu.memory_space<vmem>>) semaphore(%run_scoped3A : memref<!tpu.dma_semaphore, #tpu.memory_space<semaphore_mem>>) {add = true}
        %dma_wait3A_73 = arith.constant 0 : i32
        %dma_wait3A_74 = arith.constant 0 : i32
        %dma_wait3A_75 = tpu.memref_slice %arg11[%dma_wait3A_73, %dma_wait3A_74] : memref<10240x128xf32, #tpu.memory_space<vmem_shared>> -> memref<10240x128xf32, #tpu.memory_space<vmem_shared>>
        tpu.wait_indirect_dma semaphore(%run_scoped3A : memref<!tpu.dma_semaphore, #tpu.memory_space<semaphore_mem>>) src(%arg8 : memref<80x128xf32, #tpu.memory_space<vmem>>) dst(%dma_wait3A_75 : memref<10240x128xf32, #tpu.memory_space<vmem_shared>>)
        tpu.yield
      }) : () -> ()
      %scan3A_69 = arith.constant 0 : i32
      scf.yield %scan3A_69 : i32
    }
    %scan3A_38 = arith.constant 125 : i32
    %barrier3A_39 = arith.constant 0 : index
    tpu.barrier barrier_id(%barrier3A_39)
    %add3A_40 = arith.constant 0 : i32
    %add3A_41 = arith.addi %mul3A_2, %add3A_40 : i32
    "tpu.region"() ({
      %run_scoped3A = tpu.sem_alloc : memref<!tpu.dma_semaphore, #tpu.memory_space<semaphore_mem>>
      %dma_start3A = arith.constant 0 : i32
      %dma_start3A_60 = tpu.memref_slice %arg11[%add3A_41, %dma_start3A] : memref<10240x128xf32, #tpu.memory_space<vmem_shared>> -> memref<64x128xf32, #tpu.memory_space<vmem_shared>>
      %dma_start3A_61 = arith.constant 0 : i32
      %dma_start3A_62 = tpu.memref_slice %arg11[%add3A_41, %dma_start3A_61] : memref<10240x128xf32, #tpu.memory_space<vmem_shared>> -> memref<64x128xf32, #tpu.memory_space<vmem_shared>>
      tpu.enqueue_dma source(%dma_start3A_62 : memref<64x128xf32, #tpu.memory_space<vmem_shared>>) target(%arg9 : memref<64x128xf32, #tpu.memory_space<vmem>>) target_semaphore(%run_scoped3A : memref<!tpu.dma_semaphore, #tpu.memory_space<semaphore_mem>>)
      %dma_wait3A = arith.constant 0 : i32
      %dma_wait3A_63 = tpu.memref_slice %arg11[%add3A_41, %dma_wait3A] : memref<10240x128xf32, #tpu.memory_space<vmem_shared>> -> memref<64x128xf32, #tpu.memory_space<vmem_shared>>
      %dma_wait3A_64 = arith.constant 0 : i32
      %dma_wait3A_65 = tpu.memref_slice %arg11[%add3A_41, %dma_wait3A_64] : memref<10240x128xf32, #tpu.memory_space<vmem_shared>> -> memref<64x128xf32, #tpu.memory_space<vmem_shared>>
      tpu.wait_dma2 semaphore(%run_scoped3A : memref<!tpu.dma_semaphore, #tpu.memory_space<semaphore_mem>>) src(%dma_wait3A_65 : memref<64x128xf32, #tpu.memory_space<vmem_shared>>) dst(%arg9 : memref<64x128xf32, #tpu.memory_space<vmem>>)
      tpu.yield
    }) : () -> ()
    "tpu.region"() ({
      %run_scoped3A = tpu.sem_alloc : memref<!tpu.dma_semaphore, #tpu.memory_space<semaphore_mem>>
      %dma_start3A = arith.constant 0 : i32
      %dma_start3A_60 = tpu.memref_slice %arg5[%arg0, %add3A_41, %dma_start3A] : memref<2x10240x128xf32, #tpu.memory_space<hbm>> -> memref<1x64x128xf32, #tpu.memory_space<hbm>>
      %dma_start3A_61 = tpu.memref_squeeze %dma_start3A_60 : memref<1x64x128xf32, #tpu.memory_space<hbm>> -> memref<64x128xf32, #tpu.memory_space<hbm>>
      %dma_start3A_62 = arith.constant 0 : i32
      %dma_start3A_63 = tpu.memref_slice %arg5[%arg0, %add3A_41, %dma_start3A_62] : memref<2x10240x128xf32, #tpu.memory_space<hbm>> -> memref<1x64x128xf32, #tpu.memory_space<hbm>>
      %dma_start3A_64 = tpu.memref_squeeze %dma_start3A_63 : memref<1x64x128xf32, #tpu.memory_space<hbm>> -> memref<64x128xf32, #tpu.memory_space<hbm>>
      tpu.enqueue_dma source(%arg9 : memref<64x128xf32, #tpu.memory_space<vmem>>) target(%dma_start3A_64 : memref<64x128xf32, #tpu.memory_space<hbm>>) target_semaphore(%run_scoped3A : memref<!tpu.dma_semaphore, #tpu.memory_space<semaphore_mem>>)
      %dma_wait3A = arith.constant 0 : i32
      %dma_wait3A_65 = tpu.memref_slice %arg5[%arg0, %add3A_41, %dma_wait3A] : memref<2x10240x128xf32, #tpu.memory_space<hbm>> -> memref<1x64x128xf32, #tpu.memory_space<hbm>>
      %dma_wait3A_66 = tpu.memref_squeeze %dma_wait3A_65 : memref<1x64x128xf32, #tpu.memory_space<hbm>> -> memref<64x128xf32, #tpu.memory_space<hbm>>
      %dma_wait3A_67 = arith.constant 0 : i32
      %dma_wait3A_68 = tpu.memref_slice %arg5[%arg0, %add3A_41, %dma_wait3A_67] : memref<2x10240x128xf32, #tpu.memory_space<hbm>> -> memref<1x64x128xf32, #tpu.memory_space<hbm>>
      %dma_wait3A_69 = tpu.memref_squeeze %dma_wait3A_68 : memref<1x64x128xf32, #tpu.memory_space<hbm>> -> memref<64x128xf32, #tpu.memory_space<hbm>>
      tpu.wait_dma2 semaphore(%run_scoped3A : memref<!tpu.dma_semaphore, #tpu.memory_space<semaphore_mem>>) src(%arg9 : memref<64x128xf32, #tpu.memory_space<vmem>>) dst(%dma_wait3A_69 : memref<64x128xf32, #tpu.memory_space<hbm>>)
      tpu.yield
    }) : () -> ()
    %add3A_42 = arith.constant 64 : i32
    %add3A_43 = arith.addi %mul3A_2, %add3A_42 : i32
    "tpu.region"() ({
      %run_scoped3A = tpu.sem_alloc : memref<!tpu.dma_semaphore, #tpu.memory_space<semaphore_mem>>
      %dma_start3A = arith.constant 0 : i32
      %dma_start3A_60 = tpu.memref_slice %arg11[%add3A_43, %dma_start3A] : memref<10240x128xf32, #tpu.memory_space<vmem_shared>> -> memref<64x128xf32, #tpu.memory_space<vmem_shared>>
      %dma_start3A_61 = arith.constant 0 : i32
      %dma_start3A_62 = tpu.memref_slice %arg11[%add3A_43, %dma_start3A_61] : memref<10240x128xf32, #tpu.memory_space<vmem_shared>> -> memref<64x128xf32, #tpu.memory_space<vmem_shared>>
      tpu.enqueue_dma source(%dma_start3A_62 : memref<64x128xf32, #tpu.memory_space<vmem_shared>>) target(%arg9 : memref<64x128xf32, #tpu.memory_space<vmem>>) target_semaphore(%run_scoped3A : memref<!tpu.dma_semaphore, #tpu.memory_space<semaphore_mem>>)
      %dma_wait3A = arith.constant 0 : i32
      %dma_wait3A_63 = tpu.memref_slice %arg11[%add3A_43, %dma_wait3A] : memref<10240x128xf32, #tpu.memory_space<vmem_shared>> -> memref<64x128xf32, #tpu.memory_space<vmem_shared>>
      %dma_wait3A_64 = arith.constant 0 : i32
      %dma_wait3A_65 = tpu.memref_slice %arg11[%add3A_43, %dma_wait3A_64] : memref<10240x128xf32, #tpu.memory_space<vmem_shared>> -> memref<64x128xf32, #tpu.memory_space<vmem_shared>>
      tpu.wait_dma2 semaphore(%run_scoped3A : memref<!tpu.dma_semaphore, #tpu.memory_space<semaphore_mem>>) src(%dma_wait3A_65 : memref<64x128xf32, #tpu.memory_space<vmem_shared>>) dst(%arg9 : memref<64x128xf32, #tpu.memory_space<vmem>>)
      tpu.yield
    }) : () -> ()
    "tpu.region"() ({
      %run_scoped3A = tpu.sem_alloc : memref<!tpu.dma_semaphore, #tpu.memory_space<semaphore_mem>>
      %dma_start3A = arith.constant 0 : i32
      %dma_start3A_60 = tpu.memref_slice %arg5[%arg0, %add3A_43, %dma_start3A] : memref<2x10240x128xf32, #tpu.memory_space<hbm>> -> memref<1x64x128xf32, #tpu.memory_space<hbm>>
      %dma_start3A_61 = tpu.memref_squeeze %dma_start3A_60 : memref<1x64x128xf32, #tpu.memory_space<hbm>> -> memref<64x128xf32, #tpu.memory_space<hbm>>
      %dma_start3A_62 = arith.constant 0 : i32
      %dma_start3A_63 = tpu.memref_slice %arg5[%arg0, %add3A_43, %dma_start3A_62] : memref<2x10240x128xf32, #tpu.memory_space<hbm>> -> memref<1x64x128xf32, #tpu.memory_space<hbm>>
      %dma_start3A_64 = tpu.memref_squeeze %dma_start3A_63 : memref<1x64x128xf32, #tpu.memory_space<hbm>> -> memref<64x128xf32, #tpu.memory_space<hbm>>
      tpu.enqueue_dma source(%arg9 : memref<64x128xf32, #tpu.memory_space<vmem>>) target(%dma_start3A_64 : memref<64x128xf32, #tpu.memory_space<hbm>>) target_semaphore(%run_scoped3A : memref<!tpu.dma_semaphore, #tpu.memory_space<semaphore_mem>>)
      %dma_wait3A = arith.constant 0 : i32
      %dma_wait3A_65 = tpu.memref_slice %arg5[%arg0, %add3A_43, %dma_wait3A] : memref<2x10240x128xf32, #tpu.memory_space<hbm>> -> memref<1x64x128xf32, #tpu.memory_space<hbm>>
      %dma_wait3A_66 = tpu.memref_squeeze %dma_wait3A_65 : memref<1x64x128xf32, #tpu.memory_space<hbm>> -> memref<64x128xf32, #tpu.memory_space<hbm>>
      %dma_wait3A_67 = arith.constant 0 : i32
      %dma_wait3A_68 = tpu.memref_slice %arg5[%arg0, %add3A_43, %dma_wait3A_67] : memref<2x10240x128xf32, #tpu.memory_space<hbm>> -> memref<1x64x128xf32, #tpu.memory_space<hbm>>
      %dma_wait3A_69 = tpu.memref_squeeze %dma_wait3A_68 : memref<1x64x128xf32, #tpu.memory_space<hbm>> -> memref<64x128xf32, #tpu.memory_space<hbm>>
      tpu.wait_dma2 semaphore(%run_scoped3A : memref<!tpu.dma_semaphore, #tpu.memory_space<semaphore_mem>>) src(%arg9 : memref<64x128xf32, #tpu.memory_space<vmem>>) dst(%dma_wait3A_69 : memref<64x128xf32, #tpu.memory_space<hbm>>)
      tpu.yield
    }) : () -> ()
    %add3A_44 = arith.constant 128 : i32
    %add3A_45 = arith.addi %mul3A_2, %add3A_44 : i32
    "tpu.region"() ({
      %run_scoped3A = tpu.sem_alloc : memref<!tpu.dma_semaphore, #tpu.memory_space<semaphore_mem>>
      %dma_start3A = arith.constant 0 : i32
      %dma_start3A_60 = tpu.memref_slice %arg11[%add3A_45, %dma_start3A] : memref<10240x128xf32, #tpu.memory_space<vmem_shared>> -> memref<64x128xf32, #tpu.memory_space<vmem_shared>>
      %dma_start3A_61 = arith.constant 0 : i32
      %dma_start3A_62 = tpu.memref_slice %arg11[%add3A_45, %dma_start3A_61] : memref<10240x128xf32, #tpu.memory_space<vmem_shared>> -> memref<64x128xf32, #tpu.memory_space<vmem_shared>>
      tpu.enqueue_dma source(%dma_start3A_62 : memref<64x128xf32, #tpu.memory_space<vmem_shared>>) target(%arg9 : memref<64x128xf32, #tpu.memory_space<vmem>>) target_semaphore(%run_scoped3A : memref<!tpu.dma_semaphore, #tpu.memory_space<semaphore_mem>>)
      %dma_wait3A = arith.constant 0 : i32
      %dma_wait3A_63 = tpu.memref_slice %arg11[%add3A_45, %dma_wait3A] : memref<10240x128xf32, #tpu.memory_space<vmem_shared>> -> memref<64x128xf32, #tpu.memory_space<vmem_shared>>
      %dma_wait3A_64 = arith.constant 0 : i32
      %dma_wait3A_65 = tpu.memref_slice %arg11[%add3A_45, %dma_wait3A_64] : memref<10240x128xf32, #tpu.memory_space<vmem_shared>> -> memref<64x128xf32, #tpu.memory_space<vmem_shared>>
      tpu.wait_dma2 semaphore(%run_scoped3A : memref<!tpu.dma_semaphore, #tpu.memory_space<semaphore_mem>>) src(%dma_wait3A_65 : memref<64x128xf32, #tpu.memory_space<vmem_shared>>) dst(%arg9 : memref<64x128xf32, #tpu.memory_space<vmem>>)
      tpu.yield
    }) : () -> ()
    "tpu.region"() ({
      %run_scoped3A = tpu.sem_alloc : memref<!tpu.dma_semaphore, #tpu.memory_space<semaphore_mem>>
      %dma_start3A = arith.constant 0 : i32
      %dma_start3A_60 = tpu.memref_slice %arg5[%arg0, %add3A_45, %dma_start3A] : memref<2x10240x128xf32, #tpu.memory_space<hbm>> -> memref<1x64x128xf32, #tpu.memory_space<hbm>>
      %dma_start3A_61 = tpu.memref_squeeze %dma_start3A_60 : memref<1x64x128xf32, #tpu.memory_space<hbm>> -> memref<64x128xf32, #tpu.memory_space<hbm>>
      %dma_start3A_62 = arith.constant 0 : i32
      %dma_start3A_63 = tpu.memref_slice %arg5[%arg0, %add3A_45, %dma_start3A_62] : memref<2x10240x128xf32, #tpu.memory_space<hbm>> -> memref<1x64x128xf32, #tpu.memory_space<hbm>>
      %dma_start3A_64 = tpu.memref_squeeze %dma_start3A_63 : memref<1x64x128xf32, #tpu.memory_space<hbm>> -> memref<64x128xf32, #tpu.memory_space<hbm>>
      tpu.enqueue_dma source(%arg9 : memref<64x128xf32, #tpu.memory_space<vmem>>) target(%dma_start3A_64 : memref<64x128xf32, #tpu.memory_space<hbm>>) target_semaphore(%run_scoped3A : memref<!tpu.dma_semaphore, #tpu.memory_space<semaphore_mem>>)
      %dma_wait3A = arith.constant 0 : i32
      %dma_wait3A_65 = tpu.memref_slice %arg5[%arg0, %add3A_45, %dma_wait3A] : memref<2x10240x128xf32, #tpu.memory_space<hbm>> -> memref<1x64x128xf32, #tpu.memory_space<hbm>>
      %dma_wait3A_66 = tpu.memref_squeeze %dma_wait3A_65 : memref<1x64x128xf32, #tpu.memory_space<hbm>> -> memref<64x128xf32, #tpu.memory_space<hbm>>
      %dma_wait3A_67 = arith.constant 0 : i32
      %dma_wait3A_68 = tpu.memref_slice %arg5[%arg0, %add3A_45, %dma_wait3A_67] : memref<2x10240x128xf32, #tpu.memory_space<hbm>> -> memref<1x64x128xf32, #tpu.memory_space<hbm>>
      %dma_wait3A_69 = tpu.memref_squeeze %dma_wait3A_68 : memref<1x64x128xf32, #tpu.memory_space<hbm>> -> memref<64x128xf32, #tpu.memory_space<hbm>>
      tpu.wait_dma2 semaphore(%run_scoped3A : memref<!tpu.dma_semaphore, #tpu.memory_space<semaphore_mem>>) src(%arg9 : memref<64x128xf32, #tpu.memory_space<vmem>>) dst(%dma_wait3A_69 : memref<64x128xf32, #tpu.memory_space<hbm>>)
      tpu.yield
    }) : () -> ()
    %add3A_46 = arith.constant 192 : i32
    %add3A_47 = arith.addi %mul3A_2, %add3A_46 : i32
    "tpu.region"() ({
      %run_scoped3A = tpu.sem_alloc : memref<!tpu.dma_semaphore, #tpu.memory_space<semaphore_mem>>
      %dma_start3A = arith.constant 0 : i32
      %dma_start3A_60 = tpu.memref_slice %arg11[%add3A_47, %dma_start3A] : memref<10240x128xf32, #tpu.memory_space<vmem_shared>> -> memref<64x128xf32, #tpu.memory_space<vmem_shared>>
      %dma_start3A_61 = arith.constant 0 : i32
      %dma_start3A_62 = tpu.memref_slice %arg11[%add3A_47, %dma_start3A_61] : memref<10240x128xf32, #tpu.memory_space<vmem_shared>> -> memref<64x128xf32, #tpu.memory_space<vmem_shared>>
      tpu.enqueue_dma source(%dma_start3A_62 : memref<64x128xf32, #tpu.memory_space<vmem_shared>>) target(%arg9 : memref<64x128xf32, #tpu.memory_space<vmem>>) target_semaphore(%run_scoped3A : memref<!tpu.dma_semaphore, #tpu.memory_space<semaphore_mem>>)
      %dma_wait3A = arith.constant 0 : i32
      %dma_wait3A_63 = tpu.memref_slice %arg11[%add3A_47, %dma_wait3A] : memref<10240x128xf32, #tpu.memory_space<vmem_shared>> -> memref<64x128xf32, #tpu.memory_space<vmem_shared>>
      %dma_wait3A_64 = arith.constant 0 : i32
      %dma_wait3A_65 = tpu.memref_slice %arg11[%add3A_47, %dma_wait3A_64] : memref<10240x128xf32, #tpu.memory_space<vmem_shared>> -> memref<64x128xf32, #tpu.memory_space<vmem_shared>>
      tpu.wait_dma2 semaphore(%run_scoped3A : memref<!tpu.dma_semaphore, #tpu.memory_space<semaphore_mem>>) src(%dma_wait3A_65 : memref<64x128xf32, #tpu.memory_space<vmem_shared>>) dst(%arg9 : memref<64x128xf32, #tpu.memory_space<vmem>>)
      tpu.yield
    }) : () -> ()
    "tpu.region"() ({
      %run_scoped3A = tpu.sem_alloc : memref<!tpu.dma_semaphore, #tpu.memory_space<semaphore_mem>>
      %dma_start3A = arith.constant 0 : i32
      %dma_start3A_60 = tpu.memref_slice %arg5[%arg0, %add3A_47, %dma_start3A] : memref<2x10240x128xf32, #tpu.memory_space<hbm>> -> memref<1x64x128xf32, #tpu.memory_space<hbm>>
      %dma_start3A_61 = tpu.memref_squeeze %dma_start3A_60 : memref<1x64x128xf32, #tpu.memory_space<hbm>> -> memref<64x128xf32, #tpu.memory_space<hbm>>
      %dma_start3A_62 = arith.constant 0 : i32
      %dma_start3A_63 = tpu.memref_slice %arg5[%arg0, %add3A_47, %dma_start3A_62] : memref<2x10240x128xf32, #tpu.memory_space<hbm>> -> memref<1x64x128xf32, #tpu.memory_space<hbm>>
      %dma_start3A_64 = tpu.memref_squeeze %dma_start3A_63 : memref<1x64x128xf32, #tpu.memory_space<hbm>> -> memref<64x128xf32, #tpu.memory_space<hbm>>
      tpu.enqueue_dma source(%arg9 : memref<64x128xf32, #tpu.memory_space<vmem>>) target(%dma_start3A_64 : memref<64x128xf32, #tpu.memory_space<hbm>>) target_semaphore(%run_scoped3A : memref<!tpu.dma_semaphore, #tpu.memory_space<semaphore_mem>>)
      %dma_wait3A = arith.constant 0 : i32
      %dma_wait3A_65 = tpu.memref_slice %arg5[%arg0, %add3A_47, %dma_wait3A] : memref<2x10240x128xf32, #tpu.memory_space<hbm>> -> memref<1x64x128xf32, #tpu.memory_space<hbm>>
      %dma_wait3A_66 = tpu.memref_squeeze %dma_wait3A_65 : memref<1x64x128xf32, #tpu.memory_space<hbm>> -> memref<64x128xf32, #tpu.memory_space<hbm>>
      %dma_wait3A_67 = arith.constant 0 : i32
      %dma_wait3A_68 = tpu.memref_slice %arg5[%arg0, %add3A_47, %dma_wait3A_67] : memref<2x10240x128xf32, #tpu.memory_space<hbm>> -> memref<1x64x128xf32, #tpu.memory_space<hbm>>
      %dma_wait3A_69 = tpu.memref_squeeze %dma_wait3A_68 : memref<1x64x128xf32, #tpu.memory_space<hbm>> -> memref<64x128xf32, #tpu.memory_space<hbm>>
      tpu.wait_dma2 semaphore(%run_scoped3A : memref<!tpu.dma_semaphore, #tpu.memory_space<semaphore_mem>>) src(%arg9 : memref<64x128xf32, #tpu.memory_space<vmem>>) dst(%dma_wait3A_69 : memref<64x128xf32, #tpu.memory_space<hbm>>)
      tpu.yield
    }) : () -> ()
    %add3A_48 = arith.constant 256 : i32
    %add3A_49 = arith.addi %mul3A_2, %add3A_48 : i32
    "tpu.region"() ({
      %run_scoped3A = tpu.sem_alloc : memref<!tpu.dma_semaphore, #tpu.memory_space<semaphore_mem>>
      %dma_start3A = arith.constant 0 : i32
      %dma_start3A_60 = tpu.memref_slice %arg11[%add3A_49, %dma_start3A] : memref<10240x128xf32, #tpu.memory_space<vmem_shared>> -> memref<64x128xf32, #tpu.memory_space<vmem_shared>>
      %dma_start3A_61 = arith.constant 0 : i32
      %dma_start3A_62 = tpu.memref_slice %arg11[%add3A_49, %dma_start3A_61] : memref<10240x128xf32, #tpu.memory_space<vmem_shared>> -> memref<64x128xf32, #tpu.memory_space<vmem_shared>>
      tpu.enqueue_dma source(%dma_start3A_62 : memref<64x128xf32, #tpu.memory_space<vmem_shared>>) target(%arg9 : memref<64x128xf32, #tpu.memory_space<vmem>>) target_semaphore(%run_scoped3A : memref<!tpu.dma_semaphore, #tpu.memory_space<semaphore_mem>>)
      %dma_wait3A = arith.constant 0 : i32
      %dma_wait3A_63 = tpu.memref_slice %arg11[%add3A_49, %dma_wait3A] : memref<10240x128xf32, #tpu.memory_space<vmem_shared>> -> memref<64x128xf32, #tpu.memory_space<vmem_shared>>
      %dma_wait3A_64 = arith.constant 0 : i32
      %dma_wait3A_65 = tpu.memref_slice %arg11[%add3A_49, %dma_wait3A_64] : memref<10240x128xf32, #tpu.memory_space<vmem_shared>> -> memref<64x128xf32, #tpu.memory_space<vmem_shared>>
      tpu.wait_dma2 semaphore(%run_scoped3A : memref<!tpu.dma_semaphore, #tpu.memory_space<semaphore_mem>>) src(%dma_wait3A_65 : memref<64x128xf32, #tpu.memory_space<vmem_shared>>) dst(%arg9 : memref<64x128xf32, #tpu.memory_space<vmem>>)
      tpu.yield
    }) : () -> ()
    "tpu.region"() ({
      %run_scoped3A = tpu.sem_alloc : memref<!tpu.dma_semaphore, #tpu.memory_space<semaphore_mem>>
      %dma_start3A = arith.constant 0 : i32
      %dma_start3A_60 = tpu.memref_slice %arg5[%arg0, %add3A_49, %dma_start3A] : memref<2x10240x128xf32, #tpu.memory_space<hbm>> -> memref<1x64x128xf32, #tpu.memory_space<hbm>>
      %dma_start3A_61 = tpu.memref_squeeze %dma_start3A_60 : memref<1x64x128xf32, #tpu.memory_space<hbm>> -> memref<64x128xf32, #tpu.memory_space<hbm>>
      %dma_start3A_62 = arith.constant 0 : i32
      %dma_start3A_63 = tpu.memref_slice %arg5[%arg0, %add3A_49, %dma_start3A_62] : memref<2x10240x128xf32, #tpu.memory_space<hbm>> -> memref<1x64x128xf32, #tpu.memory_space<hbm>>
      %dma_start3A_64 = tpu.memref_squeeze %dma_start3A_63 : memref<1x64x128xf32, #tpu.memory_space<hbm>> -> memref<64x128xf32, #tpu.memory_space<hbm>>
      tpu.enqueue_dma source(%arg9 : memref<64x128xf32, #tpu.memory_space<vmem>>) target(%dma_start3A_64 : memref<64x128xf32, #tpu.memory_space<hbm>>) target_semaphore(%run_scoped3A : memref<!tpu.dma_semaphore, #tpu.memory_space<semaphore_mem>>)
      %dma_wait3A = arith.constant 0 : i32
      %dma_wait3A_65 = tpu.memref_slice %arg5[%arg0, %add3A_49, %dma_wait3A] : memref<2x10240x128xf32, #tpu.memory_space<hbm>> -> memref<1x64x128xf32, #tpu.memory_space<hbm>>
      %dma_wait3A_66 = tpu.memref_squeeze %dma_wait3A_65 : memref<1x64x128xf32, #tpu.memory_space<hbm>> -> memref<64x128xf32, #tpu.memory_space<hbm>>
      %dma_wait3A_67 = arith.constant 0 : i32
      %dma_wait3A_68 = tpu.memref_slice %arg5[%arg0, %add3A_49, %dma_wait3A_67] : memref<2x10240x128xf32, #tpu.memory_space<hbm>> -> memref<1x64x128xf32, #tpu.memory_space<hbm>>
      %dma_wait3A_69 = tpu.memref_squeeze %dma_wait3A_68 : memref<1x64x128xf32, #tpu.memory_space<hbm>> -> memref<64x128xf32, #tpu.memory_space<hbm>>
      tpu.wait_dma2 semaphore(%run_scoped3A : memref<!tpu.dma_semaphore, #tpu.memory_space<semaphore_mem>>) src(%arg9 : memref<64x128xf32, #tpu.memory_space<vmem>>) dst(%dma_wait3A_69 : memref<64x128xf32, #tpu.memory_space<hbm>>)
      tpu.yield
    }) : () -> ()
    %add3A_50 = arith.constant 320 : i32
    %add3A_51 = arith.addi %mul3A_2, %add3A_50 : i32
    "tpu.region"() ({
      %run_scoped3A = tpu.sem_alloc : memref<!tpu.dma_semaphore, #tpu.memory_space<semaphore_mem>>
      %dma_start3A = arith.constant 0 : i32
      %dma_start3A_60 = tpu.memref_slice %arg11[%add3A_51, %dma_start3A] : memref<10240x128xf32, #tpu.memory_space<vmem_shared>> -> memref<64x128xf32, #tpu.memory_space<vmem_shared>>
      %dma_start3A_61 = arith.constant 0 : i32
      %dma_start3A_62 = tpu.memref_slice %arg11[%add3A_51, %dma_start3A_61] : memref<10240x128xf32, #tpu.memory_space<vmem_shared>> -> memref<64x128xf32, #tpu.memory_space<vmem_shared>>
      tpu.enqueue_dma source(%dma_start3A_62 : memref<64x128xf32, #tpu.memory_space<vmem_shared>>) target(%arg9 : memref<64x128xf32, #tpu.memory_space<vmem>>) target_semaphore(%run_scoped3A : memref<!tpu.dma_semaphore, #tpu.memory_space<semaphore_mem>>)
      %dma_wait3A = arith.constant 0 : i32
      %dma_wait3A_63 = tpu.memref_slice %arg11[%add3A_51, %dma_wait3A] : memref<10240x128xf32, #tpu.memory_space<vmem_shared>> -> memref<64x128xf32, #tpu.memory_space<vmem_shared>>
      %dma_wait3A_64 = arith.constant 0 : i32
      %dma_wait3A_65 = tpu.memref_slice %arg11[%add3A_51, %dma_wait3A_64] : memref<10240x128xf32, #tpu.memory_space<vmem_shared>> -> memref<64x128xf32, #tpu.memory_space<vmem_shared>>
      tpu.wait_dma2 semaphore(%run_scoped3A : memref<!tpu.dma_semaphore, #tpu.memory_space<semaphore_mem>>) src(%dma_wait3A_65 : memref<64x128xf32, #tpu.memory_space<vmem_shared>>) dst(%arg9 : memref<64x128xf32, #tpu.memory_space<vmem>>)
      tpu.yield
    }) : () -> ()
    "tpu.region"() ({
      %run_scoped3A = tpu.sem_alloc : memref<!tpu.dma_semaphore, #tpu.memory_space<semaphore_mem>>
      %dma_start3A = arith.constant 0 : i32
      %dma_start3A_60 = tpu.memref_slice %arg5[%arg0, %add3A_51, %dma_start3A] : memref<2x10240x128xf32, #tpu.memory_space<hbm>> -> memref<1x64x128xf32, #tpu.memory_space<hbm>>
      %dma_start3A_61 = tpu.memref_squeeze %dma_start3A_60 : memref<1x64x128xf32, #tpu.memory_space<hbm>> -> memref<64x128xf32, #tpu.memory_space<hbm>>
      %dma_start3A_62 = arith.constant 0 : i32
      %dma_start3A_63 = tpu.memref_slice %arg5[%arg0, %add3A_51, %dma_start3A_62] : memref<2x10240x128xf32, #tpu.memory_space<hbm>> -> memref<1x64x128xf32, #tpu.memory_space<hbm>>
      %dma_start3A_64 = tpu.memref_squeeze %dma_start3A_63 : memref<1x64x128xf32, #tpu.memory_space<hbm>> -> memref<64x128xf32, #tpu.memory_space<hbm>>
      tpu.enqueue_dma source(%arg9 : memref<64x128xf32, #tpu.memory_space<vmem>>) target(%dma_start3A_64 : memref<64x128xf32, #tpu.memory_space<hbm>>) target_semaphore(%run_scoped3A : memref<!tpu.dma_semaphore, #tpu.memory_space<semaphore_mem>>)
      %dma_wait3A = arith.constant 0 : i32
      %dma_wait3A_65 = tpu.memref_slice %arg5[%arg0, %add3A_51, %dma_wait3A] : memref<2x10240x128xf32, #tpu.memory_space<hbm>> -> memref<1x64x128xf32, #tpu.memory_space<hbm>>
      %dma_wait3A_66 = tpu.memref_squeeze %dma_wait3A_65 : memref<1x64x128xf32, #tpu.memory_space<hbm>> -> memref<64x128xf32, #tpu.memory_space<hbm>>
      %dma_wait3A_67 = arith.constant 0 : i32
      %dma_wait3A_68 = tpu.memref_slice %arg5[%arg0, %add3A_51, %dma_wait3A_67] : memref<2x10240x128xf32, #tpu.memory_space<hbm>> -> memref<1x64x128xf32, #tpu.memory_space<hbm>>
      %dma_wait3A_69 = tpu.memref_squeeze %dma_wait3A_68 : memref<1x64x128xf32, #tpu.memory_space<hbm>> -> memref<64x128xf32, #tpu.memory_space<hbm>>
      tpu.wait_dma2 semaphore(%run_scoped3A : memref<!tpu.dma_semaphore, #tpu.memory_space<semaphore_mem>>) src(%arg9 : memref<64x128xf32, #tpu.memory_space<vmem>>) dst(%dma_wait3A_69 : memref<64x128xf32, #tpu.memory_space<hbm>>)
      tpu.yield
    }) : () -> ()
    %add3A_52 = arith.constant 384 : i32
    %add3A_53 = arith.addi %mul3A_2, %add3A_52 : i32
    "tpu.region"() ({
      %run_scoped3A = tpu.sem_alloc : memref<!tpu.dma_semaphore, #tpu.memory_space<semaphore_mem>>
      %dma_start3A = arith.constant 0 : i32
      %dma_start3A_60 = tpu.memref_slice %arg11[%add3A_53, %dma_start3A] : memref<10240x128xf32, #tpu.memory_space<vmem_shared>> -> memref<64x128xf32, #tpu.memory_space<vmem_shared>>
      %dma_start3A_61 = arith.constant 0 : i32
      %dma_start3A_62 = tpu.memref_slice %arg11[%add3A_53, %dma_start3A_61] : memref<10240x128xf32, #tpu.memory_space<vmem_shared>> -> memref<64x128xf32, #tpu.memory_space<vmem_shared>>
      tpu.enqueue_dma source(%dma_start3A_62 : memref<64x128xf32, #tpu.memory_space<vmem_shared>>) target(%arg9 : memref<64x128xf32, #tpu.memory_space<vmem>>) target_semaphore(%run_scoped3A : memref<!tpu.dma_semaphore, #tpu.memory_space<semaphore_mem>>)
      %dma_wait3A = arith.constant 0 : i32
      %dma_wait3A_63 = tpu.memref_slice %arg11[%add3A_53, %dma_wait3A] : memref<10240x128xf32, #tpu.memory_space<vmem_shared>> -> memref<64x128xf32, #tpu.memory_space<vmem_shared>>
      %dma_wait3A_64 = arith.constant 0 : i32
      %dma_wait3A_65 = tpu.memref_slice %arg11[%add3A_53, %dma_wait3A_64] : memref<10240x128xf32, #tpu.memory_space<vmem_shared>> -> memref<64x128xf32, #tpu.memory_space<vmem_shared>>
      tpu.wait_dma2 semaphore(%run_scoped3A : memref<!tpu.dma_semaphore, #tpu.memory_space<semaphore_mem>>) src(%dma_wait3A_65 : memref<64x128xf32, #tpu.memory_space<vmem_shared>>) dst(%arg9 : memref<64x128xf32, #tpu.memory_space<vmem>>)
      tpu.yield
    }) : () -> ()
    "tpu.region"() ({
      %run_scoped3A = tpu.sem_alloc : memref<!tpu.dma_semaphore, #tpu.memory_space<semaphore_mem>>
      %dma_start3A = arith.constant 0 : i32
      %dma_start3A_60 = tpu.memref_slice %arg5[%arg0, %add3A_53, %dma_start3A] : memref<2x10240x128xf32, #tpu.memory_space<hbm>> -> memref<1x64x128xf32, #tpu.memory_space<hbm>>
      %dma_start3A_61 = tpu.memref_squeeze %dma_start3A_60 : memref<1x64x128xf32, #tpu.memory_space<hbm>> -> memref<64x128xf32, #tpu.memory_space<hbm>>
      %dma_start3A_62 = arith.constant 0 : i32
      %dma_start3A_63 = tpu.memref_slice %arg5[%arg0, %add3A_53, %dma_start3A_62] : memref<2x10240x128xf32, #tpu.memory_space<hbm>> -> memref<1x64x128xf32, #tpu.memory_space<hbm>>
      %dma_start3A_64 = tpu.memref_squeeze %dma_start3A_63 : memref<1x64x128xf32, #tpu.memory_space<hbm>> -> memref<64x128xf32, #tpu.memory_space<hbm>>
      tpu.enqueue_dma source(%arg9 : memref<64x128xf32, #tpu.memory_space<vmem>>) target(%dma_start3A_64 : memref<64x128xf32, #tpu.memory_space<hbm>>) target_semaphore(%run_scoped3A : memref<!tpu.dma_semaphore, #tpu.memory_space<semaphore_mem>>)
      %dma_wait3A = arith.constant 0 : i32
      %dma_wait3A_65 = tpu.memref_slice %arg5[%arg0, %add3A_53, %dma_wait3A] : memref<2x10240x128xf32, #tpu.memory_space<hbm>> -> memref<1x64x128xf32, #tpu.memory_space<hbm>>
      %dma_wait3A_66 = tpu.memref_squeeze %dma_wait3A_65 : memref<1x64x128xf32, #tpu.memory_space<hbm>> -> memref<64x128xf32, #tpu.memory_space<hbm>>
      %dma_wait3A_67 = arith.constant 0 : i32
      %dma_wait3A_68 = tpu.memref_slice %arg5[%arg0, %add3A_53, %dma_wait3A_67] : memref<2x10240x128xf32, #tpu.memory_space<hbm>> -> memref<1x64x128xf32, #tpu.memory_space<hbm>>
      %dma_wait3A_69 = tpu.memref_squeeze %dma_wait3A_68 : memref<1x64x128xf32, #tpu.memory_space<hbm>> -> memref<64x128xf32, #tpu.memory_space<hbm>>
      tpu.wait_dma2 semaphore(%run_scoped3A : memref<!tpu.dma_semaphore, #tpu.memory_space<semaphore_mem>>) src(%arg9 : memref<64x128xf32, #tpu.memory_space<vmem>>) dst(%dma_wait3A_69 : memref<64x128xf32, #tpu.memory_space<hbm>>)
      tpu.yield
    }) : () -> ()
    %add3A_54 = arith.constant 448 : i32
    %add3A_55 = arith.addi %mul3A_2, %add3A_54 : i32
    "tpu.region"() ({
      %run_scoped3A = tpu.sem_alloc : memref<!tpu.dma_semaphore, #tpu.memory_space<semaphore_mem>>
      %dma_start3A = arith.constant 0 : i32
      %dma_start3A_60 = tpu.memref_slice %arg11[%add3A_55, %dma_start3A] : memref<10240x128xf32, #tpu.memory_space<vmem_shared>> -> memref<64x128xf32, #tpu.memory_space<vmem_shared>>
      %dma_start3A_61 = arith.constant 0 : i32
      %dma_start3A_62 = tpu.memref_slice %arg11[%add3A_55, %dma_start3A_61] : memref<10240x128xf32, #tpu.memory_space<vmem_shared>> -> memref<64x128xf32, #tpu.memory_space<vmem_shared>>
      tpu.enqueue_dma source(%dma_start3A_62 : memref<64x128xf32, #tpu.memory_space<vmem_shared>>) target(%arg9 : memref<64x128xf32, #tpu.memory_space<vmem>>) target_semaphore(%run_scoped3A : memref<!tpu.dma_semaphore, #tpu.memory_space<semaphore_mem>>)
      %dma_wait3A = arith.constant 0 : i32
      %dma_wait3A_63 = tpu.memref_slice %arg11[%add3A_55, %dma_wait3A] : memref<10240x128xf32, #tpu.memory_space<vmem_shared>> -> memref<64x128xf32, #tpu.memory_space<vmem_shared>>
      %dma_wait3A_64 = arith.constant 0 : i32
      %dma_wait3A_65 = tpu.memref_slice %arg11[%add3A_55, %dma_wait3A_64] : memref<10240x128xf32, #tpu.memory_space<vmem_shared>> -> memref<64x128xf32, #tpu.memory_space<vmem_shared>>
      tpu.wait_dma2 semaphore(%run_scoped3A : memref<!tpu.dma_semaphore, #tpu.memory_space<semaphore_mem>>) src(%dma_wait3A_65 : memref<64x128xf32, #tpu.memory_space<vmem_shared>>) dst(%arg9 : memref<64x128xf32, #tpu.memory_space<vmem>>)
      tpu.yield
    }) : () -> ()
    "tpu.region"() ({
      %run_scoped3A = tpu.sem_alloc : memref<!tpu.dma_semaphore, #tpu.memory_space<semaphore_mem>>
      %dma_start3A = arith.constant 0 : i32
      %dma_start3A_60 = tpu.memref_slice %arg5[%arg0, %add3A_55, %dma_start3A] : memref<2x10240x128xf32, #tpu.memory_space<hbm>> -> memref<1x64x128xf32, #tpu.memory_space<hbm>>
      %dma_start3A_61 = tpu.memref_squeeze %dma_start3A_60 : memref<1x64x128xf32, #tpu.memory_space<hbm>> -> memref<64x128xf32, #tpu.memory_space<hbm>>
      %dma_start3A_62 = arith.constant 0 : i32
      %dma_start3A_63 = tpu.memref_slice %arg5[%arg0, %add3A_55, %dma_start3A_62] : memref<2x10240x128xf32, #tpu.memory_space<hbm>> -> memref<1x64x128xf32, #tpu.memory_space<hbm>>
      %dma_start3A_64 = tpu.memref_squeeze %dma_start3A_63 : memref<1x64x128xf32, #tpu.memory_space<hbm>> -> memref<64x128xf32, #tpu.memory_space<hbm>>
      tpu.enqueue_dma source(%arg9 : memref<64x128xf32, #tpu.memory_space<vmem>>) target(%dma_start3A_64 : memref<64x128xf32, #tpu.memory_space<hbm>>) target_semaphore(%run_scoped3A : memref<!tpu.dma_semaphore, #tpu.memory_space<semaphore_mem>>)
      %dma_wait3A = arith.constant 0 : i32
      %dma_wait3A_65 = tpu.memref_slice %arg5[%arg0, %add3A_55, %dma_wait3A] : memref<2x10240x128xf32, #tpu.memory_space<hbm>> -> memref<1x64x128xf32, #tpu.memory_space<hbm>>
      %dma_wait3A_66 = tpu.memref_squeeze %dma_wait3A_65 : memref<1x64x128xf32, #tpu.memory_space<hbm>> -> memref<64x128xf32, #tpu.memory_space<hbm>>
      %dma_wait3A_67 = arith.constant 0 : i32
      %dma_wait3A_68 = tpu.memref_slice %arg5[%arg0, %add3A_55, %dma_wait3A_67] : memref<2x10240x128xf32, #tpu.memory_space<hbm>> -> memref<1x64x128xf32, #tpu.memory_space<hbm>>
      %dma_wait3A_69 = tpu.memref_squeeze %dma_wait3A_68 : memref<1x64x128xf32, #tpu.memory_space<hbm>> -> memref<64x128xf32, #tpu.memory_space<hbm>>
      tpu.wait_dma2 semaphore(%run_scoped3A : memref<!tpu.dma_semaphore, #tpu.memory_space<semaphore_mem>>) src(%arg9 : memref<64x128xf32, #tpu.memory_space<vmem>>) dst(%dma_wait3A_69 : memref<64x128xf32, #tpu.memory_space<hbm>>)
      tpu.yield
    }) : () -> ()
    %add3A_56 = arith.constant 512 : i32
    %add3A_57 = arith.addi %mul3A_2, %add3A_56 : i32
    "tpu.region"() ({
      %run_scoped3A = tpu.sem_alloc : memref<!tpu.dma_semaphore, #tpu.memory_space<semaphore_mem>>
      %dma_start3A = arith.constant 0 : i32
      %dma_start3A_60 = tpu.memref_slice %arg11[%add3A_57, %dma_start3A] : memref<10240x128xf32, #tpu.memory_space<vmem_shared>> -> memref<64x128xf32, #tpu.memory_space<vmem_shared>>
      %dma_start3A_61 = arith.constant 0 : i32
      %dma_start3A_62 = tpu.memref_slice %arg11[%add3A_57, %dma_start3A_61] : memref<10240x128xf32, #tpu.memory_space<vmem_shared>> -> memref<64x128xf32, #tpu.memory_space<vmem_shared>>
      tpu.enqueue_dma source(%dma_start3A_62 : memref<64x128xf32, #tpu.memory_space<vmem_shared>>) target(%arg9 : memref<64x128xf32, #tpu.memory_space<vmem>>) target_semaphore(%run_scoped3A : memref<!tpu.dma_semaphore, #tpu.memory_space<semaphore_mem>>)
      %dma_wait3A = arith.constant 0 : i32
      %dma_wait3A_63 = tpu.memref_slice %arg11[%add3A_57, %dma_wait3A] : memref<10240x128xf32, #tpu.memory_space<vmem_shared>> -> memref<64x128xf32, #tpu.memory_space<vmem_shared>>
      %dma_wait3A_64 = arith.constant 0 : i32
      %dma_wait3A_65 = tpu.memref_slice %arg11[%add3A_57, %dma_wait3A_64] : memref<10240x128xf32, #tpu.memory_space<vmem_shared>> -> memref<64x128xf32, #tpu.memory_space<vmem_shared>>
      tpu.wait_dma2 semaphore(%run_scoped3A : memref<!tpu.dma_semaphore, #tpu.memory_space<semaphore_mem>>) src(%dma_wait3A_65 : memref<64x128xf32, #tpu.memory_space<vmem_shared>>) dst(%arg9 : memref<64x128xf32, #tpu.memory_space<vmem>>)
      tpu.yield
    }) : () -> ()
    "tpu.region"() ({
      %run_scoped3A = tpu.sem_alloc : memref<!tpu.dma_semaphore, #tpu.memory_space<semaphore_mem>>
      %dma_start3A = arith.constant 0 : i32
      %dma_start3A_60 = tpu.memref_slice %arg5[%arg0, %add3A_57, %dma_start3A] : memref<2x10240x128xf32, #tpu.memory_space<hbm>> -> memref<1x64x128xf32, #tpu.memory_space<hbm>>
      %dma_start3A_61 = tpu.memref_squeeze %dma_start3A_60 : memref<1x64x128xf32, #tpu.memory_space<hbm>> -> memref<64x128xf32, #tpu.memory_space<hbm>>
      %dma_start3A_62 = arith.constant 0 : i32
      %dma_start3A_63 = tpu.memref_slice %arg5[%arg0, %add3A_57, %dma_start3A_62] : memref<2x10240x128xf32, #tpu.memory_space<hbm>> -> memref<1x64x128xf32, #tpu.memory_space<hbm>>
      %dma_start3A_64 = tpu.memref_squeeze %dma_start3A_63 : memref<1x64x128xf32, #tpu.memory_space<hbm>> -> memref<64x128xf32, #tpu.memory_space<hbm>>
      tpu.enqueue_dma source(%arg9 : memref<64x128xf32, #tpu.memory_space<vmem>>) target(%dma_start3A_64 : memref<64x128xf32, #tpu.memory_space<hbm>>) target_semaphore(%run_scoped3A : memref<!tpu.dma_semaphore, #tpu.memory_space<semaphore_mem>>)
      %dma_wait3A = arith.constant 0 : i32
      %dma_wait3A_65 = tpu.memref_slice %arg5[%arg0, %add3A_57, %dma_wait3A] : memref<2x10240x128xf32, #tpu.memory_space<hbm>> -> memref<1x64x128xf32, #tpu.memory_space<hbm>>
      %dma_wait3A_66 = tpu.memref_squeeze %dma_wait3A_65 : memref<1x64x128xf32, #tpu.memory_space<hbm>> -> memref<64x128xf32, #tpu.memory_space<hbm>>
      %dma_wait3A_67 = arith.constant 0 : i32
      %dma_wait3A_68 = tpu.memref_slice %arg5[%arg0, %add3A_57, %dma_wait3A_67] : memref<2x10240x128xf32, #tpu.memory_space<hbm>> -> memref<1x64x128xf32, #tpu.memory_space<hbm>>
      %dma_wait3A_69 = tpu.memref_squeeze %dma_wait3A_68 : memref<1x64x128xf32, #tpu.memory_space<hbm>> -> memref<64x128xf32, #tpu.memory_space<hbm>>
      tpu.wait_dma2 semaphore(%run_scoped3A : memref<!tpu.dma_semaphore, #tpu.memory_space<semaphore_mem>>) src(%arg9 : memref<64x128xf32, #tpu.memory_space<vmem>>) dst(%dma_wait3A_69 : memref<64x128xf32, #tpu.memory_space<hbm>>)
      tpu.yield
    }) : () -> ()
    %add3A_58 = arith.constant 576 : i32
    %add3A_59 = arith.addi %mul3A_2, %add3A_58 : i32
    "tpu.region"() ({
      %run_scoped3A = tpu.sem_alloc : memref<!tpu.dma_semaphore, #tpu.memory_space<semaphore_mem>>
      %dma_start3A = arith.constant 0 : i32
      %dma_start3A_60 = tpu.memref_slice %arg11[%add3A_59, %dma_start3A] : memref<10240x128xf32, #tpu.memory_space<vmem_shared>> -> memref<64x128xf32, #tpu.memory_space<vmem_shared>>
      %dma_start3A_61 = arith.constant 0 : i32
      %dma_start3A_62 = tpu.memref_slice %arg11[%add3A_59, %dma_start3A_61] : memref<10240x128xf32, #tpu.memory_space<vmem_shared>> -> memref<64x128xf32, #tpu.memory_space<vmem_shared>>
      tpu.enqueue_dma source(%dma_start3A_62 : memref<64x128xf32, #tpu.memory_space<vmem_shared>>) target(%arg9 : memref<64x128xf32, #tpu.memory_space<vmem>>) target_semaphore(%run_scoped3A : memref<!tpu.dma_semaphore, #tpu.memory_space<semaphore_mem>>)
      %dma_wait3A = arith.constant 0 : i32
      %dma_wait3A_63 = tpu.memref_slice %arg11[%add3A_59, %dma_wait3A] : memref<10240x128xf32, #tpu.memory_space<vmem_shared>> -> memref<64x128xf32, #tpu.memory_space<vmem_shared>>
      %dma_wait3A_64 = arith.constant 0 : i32
      %dma_wait3A_65 = tpu.memref_slice %arg11[%add3A_59, %dma_wait3A_64] : memref<10240x128xf32, #tpu.memory_space<vmem_shared>> -> memref<64x128xf32, #tpu.memory_space<vmem_shared>>
      tpu.wait_dma2 semaphore(%run_scoped3A : memref<!tpu.dma_semaphore, #tpu.memory_space<semaphore_mem>>) src(%dma_wait3A_65 : memref<64x128xf32, #tpu.memory_space<vmem_shared>>) dst(%arg9 : memref<64x128xf32, #tpu.memory_space<vmem>>)
      tpu.yield
    }) : () -> ()
    "tpu.region"() ({
      %run_scoped3A = tpu.sem_alloc : memref<!tpu.dma_semaphore, #tpu.memory_space<semaphore_mem>>
      %dma_start3A = arith.constant 0 : i32
      %dma_start3A_60 = tpu.memref_slice %arg5[%arg0, %add3A_59, %dma_start3A] : memref<2x10240x128xf32, #tpu.memory_space<hbm>> -> memref<1x64x128xf32, #tpu.memory_space<hbm>>
      %dma_start3A_61 = tpu.memref_squeeze %dma_start3A_60 : memref<1x64x128xf32, #tpu.memory_space<hbm>> -> memref<64x128xf32, #tpu.memory_space<hbm>>
      %dma_start3A_62 = arith.constant 0 : i32
      %dma_start3A_63 = tpu.memref_slice %arg5[%arg0, %add3A_59, %dma_start3A_62] : memref<2x10240x128xf32, #tpu.memory_space<hbm>> -> memref<1x64x128xf32, #tpu.memory_space<hbm>>
      %dma_start3A_64 = tpu.memref_squeeze %dma_start3A_63 : memref<1x64x128xf32, #tpu.memory_space<hbm>> -> memref<64x128xf32, #tpu.memory_space<hbm>>
      tpu.enqueue_dma source(%arg9 : memref<64x128xf32, #tpu.memory_space<vmem>>) target(%dma_start3A_64 : memref<64x128xf32, #tpu.memory_space<hbm>>) target_semaphore(%run_scoped3A : memref<!tpu.dma_semaphore, #tpu.memory_space<semaphore_mem>>)
      %dma_wait3A = arith.constant 0 : i32
      %dma_wait3A_65 = tpu.memref_slice %arg5[%arg0, %add3A_59, %dma_wait3A] : memref<2x10240x128xf32, #tpu.memory_space<hbm>> -> memref<1x64x128xf32, #tpu.memory_space<hbm>>
      %dma_wait3A_66 = tpu.memref_squeeze %dma_wait3A_65 : memref<1x64x128xf32, #tpu.memory_space<hbm>> -> memref<64x128xf32, #tpu.memory_space<hbm>>
      %dma_wait3A_67 = arith.constant 0 : i32
      %dma_wait3A_68 = tpu.memref_slice %arg5[%arg0, %add3A_59, %dma_wait3A_67] : memref<2x10240x128xf32, #tpu.memory_space<hbm>> -> memref<1x64x128xf32, #tpu.memory_space<hbm>>
      %dma_wait3A_69 = tpu.memref_squeeze %dma_wait3A_68 : memref<1x64x128xf32, #tpu.memory_space<hbm>> -> memref<64x128xf32, #tpu.memory_space<hbm>>
      tpu.wait_dma2 semaphore(%run_scoped3A : memref<!tpu.dma_semaphore, #tpu.memory_space<semaphore_mem>>) src(%arg9 : memref<64x128xf32, #tpu.memory_space<vmem>>) dst(%dma_wait3A_69 : memref<64x128xf32, #tpu.memory_space<hbm>>)
      tpu.yield
    }) : () -> ()
    return
  }
}

module attributes {stable_mosaic.version = 14 : i64} {
  func.func @_mm_body(%arg0: i32, %arg1: memref<512x128xf32, #tpu.memory_space<vmem>>, %arg2: memref<128x128xf32, #tpu.memory_space<vmem>>, %arg3: memref<512x128xf32, #tpu.memory_space<vmem>>) attributes {dimension_semantics = [#tpu.dimension_semantics<arbitrary>], iteration_bounds = array<i64: 20>, scalar_prefetch = 0 : i64, scratch_operands = 0 : i64, tpu.core_type = #tpu.core_type<tc>, window_params = [{transform_indices = @transform_0, window_bounds = array<i64: 512, 128>}, {pipeline_mode = #tpu.pipeline_mode<synchronous>, transform_indices = @transform_1, window_bounds = array<i64: 128, 128>}, {transform_indices = @transform_2, window_bounds = array<i64: 512, 128>}]} {
    %get3A = arith.constant 0 : index
    %get3A_0 = arith.constant 0 : index
    %get3A_1 = vector.load %arg1[%get3A, %get3A_0] : memref<512x128xf32, #tpu.memory_space<vmem>>, vector<512x128xf32>
    %get3A_2 = arith.constant 0 : index
    %get3A_3 = arith.constant 0 : index
    %get3A_4 = vector.load %arg2[%get3A_2, %get3A_3] : memref<128x128xf32, #tpu.memory_space<vmem>>, vector<128x128xf32>
    %dot_general3A = arith.constant dense<0.000000e+00> : vector<512x128xf32>
    %dot_general3A_5 = tpu.matmul %get3A_1, %get3A_4, %dot_general3A {dimension_numbers = #tpu.dot_dimension_numbers<[1], [0], [0], [1], [0, 0, 1, 1], [], []>, transpose_lhs_hint = false} : vector<512x128xf32>, vector<128x128xf32>, vector<512x128xf32> -> vector<512x128xf32>
    %swap3A = arith.constant 0 : index
    %swap3A_6 = arith.constant 0 : index
    %swap3A_7 = vector.load %arg3[%swap3A, %swap3A_6] : memref<512x128xf32, #tpu.memory_space<vmem>>, vector<512x128xf32>
    tpu.vector_store %arg3[%swap3A, %swap3A_6], %dot_general3A_5 {strides = array<i32>} : memref<512x128xf32, #tpu.memory_space<vmem>>, vector<512x128xf32>,
    return
  }
  func.func @transform_0(%arg0: i32) -> (i32, i32) {
    %c0_i32 = arith.constant 0 : i32
    %c0_i32_0 = arith.constant 0 : i32
    return %arg0, %c0_i32 : i32, i32
  }
  func.func @transform_1(%arg0: i32) -> (i32, i32) {
    %c0_i32 = arith.constant 0 : i32
    %c0_i32_0 = arith.constant 0 : i32
    %c0_i32_1 = arith.constant 0 : i32
    return %c0_i32, %c0_i32_0 : i32, i32
  }
  func.func @transform_2(%arg0: i32) -> (i32, i32) {
    %c0_i32 = arith.constant 0 : i32
    %c0_i32_0 = arith.constant 0 : i32
    return %arg0, %c0_i32 : i32, i32
  }
}

module attributes {stable_mosaic.version = 14 : i64} {
  func.func @_mid_body(%arg0: i32, %arg1: memref<2x512x128xf32, #tpu.memory_space<vmem>>, %arg2: memref<2x512x16xf32, #tpu.memory_space<vmem>>, %arg3: memref<1x128xf32, #tpu.memory_space<vmem>>, %arg4: memref<128x128xf32, #tpu.memory_space<vmem>>, %arg5: memref<512x128xf32, #tpu.memory_space<vmem>>) attributes {dimension_semantics = [#tpu.dimension_semantics<arbitrary>], iteration_bounds = array<i64: 20>, scalar_prefetch = 0 : i64, scratch_operands = 0 : i64, tpu.core_type = #tpu.core_type<tc>, window_params = [{transform_indices = @transform_0, window_bounds = array<i64: 2, 512, 128>}, {transform_indices = @transform_1, window_bounds = array<i64: 2, 512, 16>}, {pipeline_mode = #tpu.pipeline_mode<synchronous>, transform_indices = @transform_2, window_bounds = array<i64: 1, 128>}, {pipeline_mode = #tpu.pipeline_mode<synchronous>, transform_indices = @transform_3, window_bounds = array<i64: 128, 128>}, {transform_indices = @transform_4, window_bounds = array<i64: 512, 128>}]} {
    %get3A = arith.constant 0 : index
    %get3A_0 = arith.constant 0 : index
    %get3A_1 = arith.constant 0 : index
    %get3A_2 = vector.load %arg2[%get3A, %get3A_0, %get3A_1] : memref<2x512x16xf32, #tpu.memory_space<vmem>>, vector<1x512x1xf32>
    %get3A_3 = vector.shape_cast %get3A_2 : vector<1x512x1xf32> to vector<512x1xf32>
    %get3A_4 = arith.constant 1 : index
    %get3A_5 = arith.constant 0 : index
    %get3A_6 = arith.constant 0 : index
    %get3A_7 = vector.load %arg2[%get3A_4, %get3A_5, %get3A_6] : memref<2x512x16xf32, #tpu.memory_space<vmem>>, vector<1x512x1xf32>
    %get3A_8 = vector.shape_cast %get3A_7 : vector<1x512x1xf32> to vector<512x1xf32>
    %add3A = arith.addf %get3A_3, %get3A_8 : vector<512x1xf32>
    %max3A = arith.constant 1.000000e+00 : f32
    %max3A_9 = vector.broadcast %max3A : f32 to vector<512x1xf32>
    %max3A_10 = arith.maximumf %add3A, %max3A_9 : vector<512x1xf32>
    %div3A = arith.constant 1.000000e+00 : f32
    %div3A_11 = vector.broadcast %div3A : f32 to vector<512x1xf32>
    %div3A_12 = arith.divf %div3A_11, %max3A_10 : vector<512x1xf32>
    %get3A_13 = arith.constant 0 : index
    %get3A_14 = arith.constant 0 : index
    %get3A_15 = arith.constant 0 : index
    %get3A_16 = vector.load %arg1[%get3A_13, %get3A_14, %get3A_15] : memref<2x512x128xf32, #tpu.memory_space<vmem>>, vector<1x512x128xf32>
    %get3A_17 = vector.shape_cast %get3A_16 : vector<1x512x128xf32> to vector<512x128xf32>
    %get3A_18 = arith.constant 1 : index
    %get3A_19 = arith.constant 0 : index
    %get3A_20 = arith.constant 0 : index
    %get3A_21 = vector.load %arg1[%get3A_18, %get3A_19, %get3A_20] : memref<2x512x128xf32, #tpu.memory_space<vmem>>, vector<1x512x128xf32>
    %get3A_22 = vector.shape_cast %get3A_21 : vector<1x512x128xf32> to vector<512x128xf32>
    %add3A_23 = arith.addf %get3A_17, %get3A_22 : vector<512x128xf32>
    %mul3A = vector.broadcast %div3A_12 : vector<512x1xf32> to vector<512x128xf32>
    %mul3A_24 = arith.mulf %add3A_23, %mul3A : vector<512x128xf32>
    %get3A_25 = arith.constant 0 : index
    %get3A_26 = arith.constant 0 : index
    %get3A_27 = vector.load %arg3[%get3A_25, %get3A_26] : memref<1x128xf32, #tpu.memory_space<vmem>>, vector<1x128xf32>
    %add3A_28 = vector.broadcast %get3A_27 : vector<1x128xf32> to vector<512x128xf32>
    %add3A_29 = arith.addf %mul3A_24, %add3A_28 : vector<512x128xf32>
    %max3A_30 = arith.constant 0.000000e+00 : f32
    %max3A_31 = vector.broadcast %max3A_30 : f32 to vector<512x128xf32>
    %max3A_32 = arith.maximumf %add3A_29, %max3A_31 : vector<512x128xf32>
    %get3A_33 = arith.constant 0 : index
    %get3A_34 = arith.constant 0 : index
    %get3A_35 = vector.load %arg4[%get3A_33, %get3A_34] : memref<128x128xf32, #tpu.memory_space<vmem>>, vector<128x128xf32>
    %dot_general3A = arith.constant dense<0.000000e+00> : vector<512x128xf32>
    %dot_general3A_36 = tpu.matmul %max3A_32, %get3A_35, %dot_general3A {dimension_numbers = #tpu.dot_dimension_numbers<[1], [0], [0], [1], [0, 0, 1, 1], [], []>, transpose_lhs_hint = false} : vector<512x128xf32>, vector<128x128xf32>, vector<512x128xf32> -> vector<512x128xf32>
    %swap3A = arith.constant 0 : index
    %swap3A_37 = arith.constant 0 : index
    %swap3A_38 = vector.load %arg5[%swap3A, %swap3A_37] : memref<512x128xf32, #tpu.memory_space<vmem>>, vector<512x128xf32>
    tpu.vector_store %arg5[%swap3A, %swap3A_37], %dot_general3A_36 {strides = array<i32>} : memref<512x128xf32, #tpu.memory_space<vmem>>, vector<512x128xf32>,
    return
  }
  func.func @transform_0(%arg0: i32) -> (i32, i32, i32) {
    %c0_i32 = arith.constant 0 : i32
    %c0_i32_0 = arith.constant 0 : i32
    %c0_i32_1 = arith.constant 0 : i32
    return %c0_i32, %arg0, %c0_i32_0 : i32, i32, i32
  }
  func.func @transform_1(%arg0: i32) -> (i32, i32, i32) {
    %c0_i32 = arith.constant 0 : i32
    %c0_i32_0 = arith.constant 0 : i32
    %c0_i32_1 = arith.constant 0 : i32
    return %c0_i32, %arg0, %c0_i32_0 : i32, i32, i32
  }
  func.func @transform_2(%arg0: i32) -> (i32, i32) {
    %c0_i32 = arith.constant 0 : i32
    %c0_i32_0 = arith.constant 0 : i32
    %c0_i32_1 = arith.constant 0 : i32
    return %c0_i32, %c0_i32_0 : i32, i32
  }
  func.func @transform_3(%arg0: i32) -> (i32, i32) {
    %c0_i32 = arith.constant 0 : i32
    %c0_i32_0 = arith.constant 0 : i32
    %c0_i32_1 = arith.constant 0 : i32
    return %c0_i32, %c0_i32_0 : i32, i32
  }
  func.func @transform_4(%arg0: i32) -> (i32, i32) {
    %c0_i32 = arith.constant 0 : i32
    %c0_i32_0 = arith.constant 0 : i32
    return %arg0, %c0_i32 : i32, i32
  }
}

module attributes {stable_mosaic.version = 14 : i64} {
  func.func @_fin_body(%arg0: i32, %arg1: memref<2x512x128xf32, #tpu.memory_space<vmem>>, %arg2: memref<2x512x16xf32, #tpu.memory_space<vmem>>, %arg3: memref<1x128xf32, #tpu.memory_space<vmem>>, %arg4: memref<512x128xf32, #tpu.memory_space<vmem>>) attributes {dimension_semantics = [#tpu.dimension_semantics<arbitrary>], iteration_bounds = array<i64: 20>, scalar_prefetch = 0 : i64, scratch_operands = 0 : i64, tpu.core_type = #tpu.core_type<tc>, window_params = [{transform_indices = @transform_0, window_bounds = array<i64: 2, 512, 128>}, {transform_indices = @transform_1, window_bounds = array<i64: 2, 512, 16>}, {pipeline_mode = #tpu.pipeline_mode<synchronous>, transform_indices = @transform_2, window_bounds = array<i64: 1, 128>}, {transform_indices = @transform_3, window_bounds = array<i64: 512, 128>}]} {
    %get3A = arith.constant 0 : index
    %get3A_0 = arith.constant 0 : index
    %get3A_1 = arith.constant 0 : index
    %get3A_2 = vector.load %arg2[%get3A, %get3A_0, %get3A_1] : memref<2x512x16xf32, #tpu.memory_space<vmem>>, vector<1x512x1xf32>
    %get3A_3 = vector.shape_cast %get3A_2 : vector<1x512x1xf32> to vector<512x1xf32>
    %get3A_4 = arith.constant 1 : index
    %get3A_5 = arith.constant 0 : index
    %get3A_6 = arith.constant 0 : index
    %get3A_7 = vector.load %arg2[%get3A_4, %get3A_5, %get3A_6] : memref<2x512x16xf32, #tpu.memory_space<vmem>>, vector<1x512x1xf32>
    %get3A_8 = vector.shape_cast %get3A_7 : vector<1x512x1xf32> to vector<512x1xf32>
    %add3A = arith.addf %get3A_3, %get3A_8 : vector<512x1xf32>
    %max3A = arith.constant 1.000000e+00 : f32
    %max3A_9 = vector.broadcast %max3A : f32 to vector<512x1xf32>
    %max3A_10 = arith.maximumf %add3A, %max3A_9 : vector<512x1xf32>
    %div3A = arith.constant 1.000000e+00 : f32
    %div3A_11 = vector.broadcast %div3A : f32 to vector<512x1xf32>
    %div3A_12 = arith.divf %div3A_11, %max3A_10 : vector<512x1xf32>
    %get3A_13 = arith.constant 0 : index
    %get3A_14 = arith.constant 0 : index
    %get3A_15 = arith.constant 0 : index
    %get3A_16 = vector.load %arg1[%get3A_13, %get3A_14, %get3A_15] : memref<2x512x128xf32, #tpu.memory_space<vmem>>, vector<1x512x128xf32>
    %get3A_17 = vector.shape_cast %get3A_16 : vector<1x512x128xf32> to vector<512x128xf32>
    %get3A_18 = arith.constant 1 : index
    %get3A_19 = arith.constant 0 : index
    %get3A_20 = arith.constant 0 : index
    %get3A_21 = vector.load %arg1[%get3A_18, %get3A_19, %get3A_20] : memref<2x512x128xf32, #tpu.memory_space<vmem>>, vector<1x512x128xf32>
    %get3A_22 = vector.shape_cast %get3A_21 : vector<1x512x128xf32> to vector<512x128xf32>
    %add3A_23 = arith.addf %get3A_17, %get3A_22 : vector<512x128xf32>
    %mul3A = vector.broadcast %div3A_12 : vector<512x1xf32> to vector<512x128xf32>
    %mul3A_24 = arith.mulf %add3A_23, %mul3A : vector<512x128xf32>
    %get3A_25 = arith.constant 0 : index
    %get3A_26 = arith.constant 0 : index
    %get3A_27 = vector.load %arg3[%get3A_25, %get3A_26] : memref<1x128xf32, #tpu.memory_space<vmem>>, vector<1x128xf32>
    %add3A_28 = vector.broadcast %get3A_27 : vector<1x128xf32> to vector<512x128xf32>
    %add3A_29 = arith.addf %mul3A_24, %add3A_28 : vector<512x128xf32>
    %swap3A = arith.constant 0 : index
    %swap3A_30 = arith.constant 0 : index
    %swap3A_31 = vector.load %arg4[%swap3A, %swap3A_30] : memref<512x128xf32, #tpu.memory_space<vmem>>, vector<512x128xf32>
    tpu.vector_store %arg4[%swap3A, %swap3A_30], %add3A_29 {strides = array<i32>} : memref<512x128xf32, #tpu.memory_space<vmem>>, vector<512x128xf32>,
    return
  }
  func.func @transform_0(%arg0: i32) -> (i32, i32, i32) {
    %c0_i32 = arith.constant 0 : i32
    %c0_i32_0 = arith.constant 0 : i32
    %c0_i32_1 = arith.constant 0 : i32
    return %c0_i32, %arg0, %c0_i32_0 : i32, i32, i32
  }
  func.func @transform_1(%arg0: i32) -> (i32, i32, i32) {
    %c0_i32 = arith.constant 0 : i32
    %c0_i32_0 = arith.constant 0 : i32
    %c0_i32_1 = arith.constant 0 : i32
    return %c0_i32, %arg0, %c0_i32_0 : i32, i32, i32
  }
  func.func @transform_2(%arg0: i32) -> (i32, i32) {
    %c0_i32 = arith.constant 0 : i32
    %c0_i32_0 = arith.constant 0 : i32
    %c0_i32_1 = arith.constant 0 : i32
    return %c0_i32, %c0_i32_0 : i32, i32
  }
  func.func @transform_3(%arg0: i32) -> (i32, i32) {
    %c0_i32 = arith.constant 0 : i32
    %c0_i32_0 = arith.constant 0 : i32
    return %arg0, %c0_i32 : i32, i32
  }
}

</mosaic_0001>

<sc_bundles>
// kernel: kernel.12.cloned.1.call-start
scs
__scs_entry_jumppad:
0x0: {  	(pc) =	sbr.rel $0x88, $3  }
0x1: {  	(tag) =	ssettag $0x0;
	lr =	simm.s32 $0x1  }
0x2: {  	[smem:$0x3F99] =	sst lr;
	_ =	strace $0xD0000000  }
0x3: {  	_ = 	snop  }
0x4: {  	_ = 	snop  }
0x5: {  	_ = 	snop  }
0x6: {  	_ = 	snop  }
0x7: {  	_ = 	snop  }
__scs_overlays_trampoline_lowered:
0x8: {  	[smem:$0x3FA8] =	sst s0  }
0x9: {  	[smem:$0x3FA9] =	sst s1  }
0xa: {  	[smem:$0x3FAA] =	sst s2  }
0xb: {  	[smem:$0x3FAB] =	sst s3  }
0xc: {  	[smem:$0x3FAC] =	sst s4  }
0xd: {  	[smem:$0x3FAD] =	sst s5  }
0xe: {  	[smem:$0x3FAE] =	sst s6  }
0xf: {  	[smem:$0x3FAF] =	sst s7  }
0x10: {  	[smem:$0x3FB0] =	sst s8  }
0x11: {  	[smem:$0x3FB1] =	sst s9;
	s0 =	simm.s32 @!p0 $0x0  }
0x12: {  	s1 =	sld [smem:$0x3F97];
	s0 =	simm.s32 @p0 $0x1  }
0x13: {  	[smem:$0x3FB2] =	sst s0;
	s0 =	simm.s32 @!p1 $0x0  }
0x14: {  	s2 =	sld [smem:$0x3F96];
	s0 =	simm.s32 @p1 $0x1  }
0x15: {  	[smem:$0x3FB3] =	sst s0;
	s0 =	simm.s32 @!p2 $0x0  }
0x16: {  	s3 =	sld [smem:$0x3FDB];
	s0 =	simm.s32 @p2 $0x1  }
0x17: {  	s4 =	simm.s32 $0x1BF5;
	[smem:$0x3FB5] =	sst s0  }
0x18: {  	s0 =	sld [smem:$0x3F98];
	_ =	swait.ge [sflag:s4], $0x0  }
0x19: {  	s7 =	sld [smem:$0x3F99]  }
0x1a: {  	s8 =	sadd.s32 $0xFFFFE003, lr  }
0x1b: {  	s9 =	sadd.s32 $0xFFFFFEF7, lr;
	s5 =	simm.s32 $0xFFFFFFFF;
	p2 =	slt.u32 s8, $0xFFFFF086  }
0x1c: {  	p1 =	slt.u32 s9, $0xF7A;
	s5 =	simm.s32 @!p2 $0x0  }
0x1d: {  	s5 =	simm.s32 @p1 $0x1;
	p0 =	seq.s32 s7, s2  }
0x1e: {  	s7 =	smul.u32 @!p0 $0xF7A, s2;
	p2 =	seq.s32 @!p0 s5, $0x0  }
0x1f: {  	s9 =	smul.u32 $0xF7A, s1;
	s8 =	simm.s32 @!p0 $0x1BF5;
	p2 =	por !p2, p0  }
0x20: {  	[sflag:s8] =	ssyncset.s32 @!p0 $0xFFFFF086;
	s6 =	sadd.s32 @!p0 s3, s7;
	s7 =	simm.s32 @!p0 $0x108  }
0x21: {  	s3 =	sadd.s32 s3, s9;
	s6 =	sadd.s32 @!p0 $0x88, s6;
	s7 =	simm.s32 @p2 $0x1082  }
0x22: {  	[simem:s7], [sflag:s8] =	dma.local @!p0 [hbm:s6], $0xF7A  }
0x23: {  	s9 =	sor.u32 $0xD0000000, s2;
	s6 =	simm.s32 $0x108;
	_ =	swait.ge @!p0 [sflag:s8], $0x0  }
0x24: {  	s3 =	sadd.s32 $0x88, s3;
	s6 =	simm.s32 @!p1 $0x1082;
	[sflag:s4] =	ssyncset.s32 $0xFFFFF086  }
0x25: {  	[simem:s6], [sflag:s4] =	dma.local [hbm:s3], $0xF7A  }
0x26: {  	[smem:$0x3F99] =	sst s1;
	(tag) =	ssettag s2;
	_ =	strace s9  }
0x27: {  	s1 =	sld [smem:$0x3FA9]  }
0x28: {  	s2 =	sld [smem:$0x3FAA]  }
0x29: {  	s4 =	sld [smem:$0x3FAC]  }
0x2a: {  	p0 =	seq.s32 s5, $0x0;
	s5 =	sld [smem:$0x3FAD]  }
0x2b: {  	s6 =	sld [smem:$0x3FAE]  }
0x2c: {  	s7 =	sld [smem:$0x3FAF]  }
0x2d: {  	s3 =	simm.s32 $0x108;
	s8 =	sld [smem:$0x3FB0]  }
0x2e: {  	s3 =	simm.s32 @!p0 $0x1082;
	s9 =	sld [smem:$0x3FB1]  }
0x2f: {  	lr =	sadd.s32 s0, s3;
	s0 =	sld [smem:$0x3FA8]  }
0x30: {  	s3 =	sld [smem:$0x3FAB]  }
0x31: {  	[smem:$0x3FB4] =	sst s10  }
0x32: {  	s10 =	sld [smem:$0x3FB2];
	_ =	sdelay $0x3  }
0x33: {  	p0 =	seq.s32 s10, $0x1;
	s10 =	sld [smem:$0x3FB4];
	_ =	sdelay $0x3  }
0x34: {  	[smem:$0x3FB4] =	sst s10  }
0x35: {  	s10 =	sld [smem:$0x3FB3];
	_ =	sdelay $0x3  }
0x36: {  	p1 =	seq.s32 s10, $0x1;
	s10 =	sld [smem:$0x3FB4];
	_ =	sdelay $0x3  }
0x37: {  	[smem:$0x3FB4] =	sst s10  }
0x38: {  	s10 =	sld [smem:$0x3FB5]  }
0x39: {  	_ = 	snop;
	(pc) =	sbr.ind lr, $3  }
0x3a: {  	_ = 	snop  }
0x3b: {  	_ = 	snop  }
0x3c: {  	p2 =	seq.s32 s10, $0x1;
	s10 =	sld [smem:$0x3FB4]  }
0x3d: {  	_ =	shalt  }
0x3e: {  	_ =	shalt  }
0x3f: {  	_ =	shalt  }
0x40: {  	_ =	shalt  }
0x41: {  	_ =	shalt  }
0x42: {  	_ =	shalt  }
0x43: {  	_ =	shalt  }
0x44: {  	_ =	shalt  }
0x45: {  	_ =	shalt  }
0x46: {  	_ =	shalt  }
0x47: {  	_ =	shalt  }
0x48: {  	_ =	shalt  }
0x49: {  	_ =	shalt  }
0x4a: {  	_ =	shalt  }
0x4b: {  	_ =	shalt  }
0x4c: {  	_ =	shalt  }
0x4d: {  	_ =	shalt  }
0x4e: {  	_ =	shalt  }
0x4f: {  	_ =	shalt  }
0x50: {  	_ =	shalt  }
0x51: {  	_ =	shalt  }
0x52: {  	_ =	shalt  }
0x53: {  	_ =	shalt  }
0x54: {  	_ =	shalt  }
0x55: {  	_ =	shalt  }
0x56: {  	_ =	shalt  }
0x57: {  	_ =	shalt  }
0x58: {  	_ =	shalt  }
0x59: {  	_ =	shalt  }
0x5a: {  	_ =	shalt  }
0x5b: {  	_ =	shalt  }
0x5c: {  	_ =	shalt  }
0x5d: {  	_ =	shalt  }
0x5e: {  	_ =	shalt  }
0x5f: {  	_ =	shalt  }
0x60: {  	_ =	shalt  }
0x61: {  	_ =	shalt  }
0x62: {  	_ =	shalt  }
0x63: {  	_ =	shalt  }
0x64: {  	_ =	shalt  }
0x65: {  	_ =	shalt  }
0x66: {  	_ =	shalt  }
0x67: {  	_ =	shalt  }
0x68: {  	_ =	shalt  }
0x69: {  	_ =	shalt  }
0x6a: {  	_ =	shalt  }
0x6b: {  	_ =	shalt  }
0x6c: {  	_ =	shalt  }
0x6d: {  	_ =	shalt  }
0x6e: {  	_ =	shalt  }
0x6f: {  	_ =	shalt  }
0x70: {  	_ =	shalt  }
0x71: {  	_ =	shalt  }
0x72: {  	_ =	shalt  }
0x73: {  	_ =	shalt  }
0x74: {  	_ =	shalt  }
0x75: {  	_ =	shalt  }
0x76: {  	_ =	shalt  }
0x77: {  	_ =	shalt  }
0x78: {  	_ =	shalt  }
0x79: {  	_ =	shalt  }
0x7a: {  	_ =	shalt  }
0x7b: {  	_ =	shalt  }
0x7c: {  	_ =	shalt  }
0x7d: {  	_ =	shalt  }
0x7e: {  	_ =	shalt  }
0x7f: {  	_ =	shalt  }
0x80: {  	_ =	shalt  }
0x81: {  	_ =	shalt  }
0x82: {  	_ =	shalt  }
0x83: {  	_ =	shalt  }
0x84: {  	_ =	shalt  }
0x85: {  	_ =	shalt  }
0x86: {  	_ =	shalt  }
0x87: {  	_ =	shalt  }
.Lfunc_end0:
.L_simem_size_0:
called_computation.1_lowered:
.L_overlay_start_0:
0x88: {  	s2 =	sld [smem:$0x3FD9]  }
0x89: {  	s3 =	sld [smem:$0x3FFE];
	_ =	sdelay $0x1  }
0x8a: {  	s1 =	srdreg.scid  }
0x8b: {  	s0 =	sand.u32 $0x1, s1  }
0x8c: {  	s16 =	sshll.u32 s0, $0xA;
	s2 =	sadd.s32 s3, s2  }
0x8d: {  	s2 =	sadd.s32 s2, s16  }
0x8e: {  	[smem:$0x3FC0] =	sst s2  }
0x8f: {  	_ = 	snop  }
0x90: {  	(tm) =	ssettm $0x1  }
0x91: {  	s17 =	sld [smem:$0x3FFB];
	_ =	sdelay $0x3  }
0x92: {  	_ =	strace s17  }
0x93: {  	s2 =	sld [smem:$0x3FFC];
	_ =	sdelay $0x3  }
0x94: {  	_ =	strace s2  }
0x95: {  	s2 =	sld [smem:$0x3FFD];
	_ =	sdelay $0x3  }
0x96: {  	_ =	strace s2  }
0x97: {  	_ =	strace $0x8FFFFFFF  }
0x98: {  	s18 =	sld [smem:$0x3FDB];
	_ =	sdelay $0x1  }
0x99: {  	s19 =	simm.s32 $_scs_section_size  }
0x9a: {  	s4 =	simm.s32 $_size__tile_overlayer_lowered;
	s5 =	simm.s32 $_tile_overlayer_lowered  }
0x9b: {  	s22 =	simm.s32 $0x1BFF;
	s21 =	sshll.u32 s5, $0x1;
	s2 =	sadd.s32 s19, s18  }
0x9c: {  	s6 =	simm.s32 $0x0;
	s20 =	sshll.u32 s4, $0x1;
	s4 =	sadd.s32 s21, s2  }
0x9d: {  	[timem:s6], [sflag:s22] =	dma.local [hbm:s4], s20  }
0x9e: {  	_ =	swait.ge [sflag:s22], s20  }
0x9f: {  	s3 =	ssub.s32 $0x0, s20;
	[sflag:s22] =	ssyncset.done $0x0  }
0xa0: {  	[sflag:s22] =	ssyncadd.s32 s3;
	_ =	sdelay $0x1  }
0xa1: {  	s23 =	simm.s32 $0x1B8B  }
0xa2: {  	_ =	swait.ge [sflag:s23], $0x1  }
0xa3: {  	[sflag:s23] =	ssyncset.done $0x0  }
0xa4: {  	s25 =	simm.s32 $0x1B8E;
	s24 =	sld [smem:$0x3FFE];
	[sflag:s23] =	ssyncadd.s32 $0xFFFFFFFF  }
0xa5: {  	s26 =	simm.s32 $execute0_lowered;
	[smem:$0x3FD2] =	sst s25  }
0xa6: {  	s4 =	sshll.u32 s26, $0x1;
	_ =	strace $0x80000049;
	[dreg:$0x1] =	wrdreg $0xFFFFFFFF  }
0xa7: {  	s28 =	simm.s32 $_size_execute0_lowered;
	s2 =	sadd.s32 s2, s4;
	[dreg:$0x0] =	wrdreg $0x0  }
0xa8: {  	s4 =	sshll.u32 s28, $0x1;
	[dreg:$0x2] =	wrdreg s2  }
0xa9: {  	[dreg:$0x3] =	wrdreg s4  }
0xaa: {  	[dreg:$0x4] =	wrdreg $0xC0  }
0xab: {  	_ =	task [dreg:s6], $0x5FFFF  }
0xac: {  	[dreg:$0x1] =	wrdreg $0xFFFFFFFF  }
0xad: {  	[dreg:$0x0] =	wrdreg $0x60  }
0xae: {  	[dreg:$0x2] =	wrdreg s24  }
0xaf: {  	[dreg:$0x3] =	wrdreg $0x48A00  }
0xb0: {  	[dreg:$0x4] =	wrdreg $0x9  }
0xb1: {  	_ =	task.clear_ibuf [dreg:s6], $0x5FFFF;
	_ =	strace $0x90000049  }
0xb2: {  	s29 =	simm.s32 $0x9;
	_ =	strace $0x8000004B  }
0xb3: {  	_ =	swait.ge [sflag:s29], $0x1  }
0xb4: {  	[sflag:s29] =	ssyncadd.s32 $0xFFFFFFFF  }
0xb5: {  	_ =	strace $0x9000004B  }
0xb6: {  	_ =	sfence  }
0xb7: {  	s30 =	sld [smem:$0x0];
	_ =	sdelay $0x2  }
0xb8: {  	s31 =	sshll.u32 s1, $0xD;
	s1 =	sshrl.u32 s1, $0x2  }
0xb9: {  	s3 =	sand.u32 $0x4000, s31;
	s1 =	sadd.s32 s1, s30  }
0xba: {  	s0 =	sor.u32 s3, s0;
	s1 =	sshll.u32 s1, $0x11  }
0xbb: {  	s0 =	sor.u32 s1, s0  }
0xbc: {  	s0 =	sadd.s32 $0x8F2B, s0  }
0xbd: {  	[sflag:s0] =	ssyncadd.remote.s32 $0x1  }
0xbe: {  	_ =	sfence.sel $0xFFFF  }
0xbf: {  	[dreg:$0x0] =	wrdreg $0xFFFFFFFF;
	(pc) =	sbr.abs _section_cstart, $3  }
0xc0: {  	[dreg:$0x1] =	wrdreg $0xFFFFFFFF  }
0xc1: {  	_ =	task.clear_ibuf [dreg:s6], $0x2FFFF;
	_ =	strace $0x9FFFFFFF  }
0xc2: {  	(tm) =	ssettm $0x7FFFFFFF  }
0xc3: {  	_ =	shalt  }
tec
execute0_lowered:
.L_overlay_start_1:
0x0: {  	(tag) =	ssettag $0x1  }
0x1: {  	s0 =	srdreg.scid  }
0x2: {  	s6 =	stileid.u32;
	s3 =	rddreg [dreg:$0x0]  }
0x3: {  	s1 =	simm.s32 $0x0;
	s29 =	simm.s32 $0x28A0;
	s4 =	smul.u32 $0x2710, s6  }
0x4: {  	s30 =	simm.s32 $0x2;
	s0 =	sand.u32 $0x1, s0;
	s10 =	smul.u32 $0x14000, s6  }
0x5: {  	s31 =	simm.s32 $0x50;
	s2 =	smul.u32 $0x27100, s0;
	s5 =	ssub.s32 $0x2, s0  }
0x6: {  	[smem:$0x7FF] =	sst s1;
	s0 =	smul.u32 $0x140000, s0;
	s25 =	sshrl.u32 s5, $0x1  }
0x7: {  	s16 =	sor.u32 $0x2000, s10;
	s17 =	sadd.s32 $0x4000, s10;
	s18 =	sadd.s32 $0x6000, s10  }
0x8: {  	s19 =	sadd.s32 $0x8000, s10;
	s20 =	sadd.s32 $0xA000, s10;
	s21 =	sadd.s32 $0xC000, s10  }
0x9: {  	s22 =	sadd.s32 $0xE000, s10;
	s23 =	sadd.s32 $0x10000, s10;
	s24 =	sadd.s32 $0x12000, s10  }
0xa: {  	s2 =	sadd.s32 s4, s2;
	s4 =	sadd.s32 $0x3DE00, s3;
	s5 =	ssub.s32 s5, s25  }
0xb: {  	s26 =	sadd.s32 s10, s0;
	s7 =	sadd.s32 s0, s16;
	s8 =	sadd.s32 s0, s17  }
0xc: {  	s9 =	sadd.s32 s0, s18;
	s14 =	sadd.s32 s0, s20;
	s15 =	sadd.s32 s0, s21  }
0xd: {  	s6 =	sshrl.u32 s26, $0x3;
	s7 =	sshrl.u32 s7, $0x3;
	s11 =	sshrl.u32 s9, $0x3  }
0xe: {  	s9 =	sadd.s32 s0, s22;
	s26 =	sshrl.u32 s2, $0x3;
	s6 =	sadd.s32 s4, s6  }
0xf: {  	s2 =	simm.s32 $0x0;
	s7 =	sadd.s32 s4, s7;
	[dreg:$0x3] =	wrdreg s6  }
0x10: {  	s9 =	sshrl.u32 s9, $0x3;
	[dreg:$0x4] =	wrdreg s7;
	s6 =	sshrl.u32 s8, $0x3  }
0x11: {  	s8 =	sadd.s32 s0, s19;
	s7 =	sshrl.u32 s14, $0x3;
	s9 =	sadd.s32 s4, s9  }
0x12: {  	s14 =	sadd.s32 $0x15E00, s3;
	s6 =	sadd.s32 s4, s6;
	s12 =	sshrl.u32 s8, $0x3  }
0x13: {  	s25 =	sadd.s32 s4, s7;
	s8 =	sshrl.u32 s15, $0x3;
	[dreg:$0x5] =	wrdreg s6  }
0x14: {  	s6 =	sadd.s32 s4, s11;
	s13 =	sadd.s32 s4, s12;
	[dreg:$0x8] =	wrdreg s25  }
0x15: {  	s8 =	sadd.s32 s4, s8;
	s11 =	sadd.s32 s0, s23;
	[dreg:$0x6] =	wrdreg s6  }
0x16: {  	s0 =	sadd.s32 s0, s24;
	s25 =	smax.u32 s5, $0x1;
	[dreg:$0x7] =	wrdreg s13  }
0x17: {  	s12 =	sshrl.u32 s11, $0x3;
	s11 =	rddreg [dreg:$0x1];
	s0 =	sshrl.u32 s0, $0x3  }
0x18: {  	s12 =	sadd.s32 s4, s12;
	s13 =	sadd.s32 s4, s0;
	_ =	strace $0x8000004A  }
0x19: {  	s0 =	sadd.s32 s26, s3;
	s15 =	sadd.s32 s10, s11;
	s16 =	sadd.s32 s16, s11  }
0x1a: {  	s17 =	sadd.s32 s17, s11;
	s18 =	sadd.s32 s18, s11;
	s19 =	sadd.s32 s19, s11  }
0x1b: {  	s20 =	sadd.s32 s20, s11;
	s21 =	sadd.s32 s21, s11;
	s22 =	sadd.s32 s22, s11  }
0x1c: {  	s23 =	sadd.s32 s23, s11;
	s24 =	sadd.s32 s24, s11;
	s10 =	simm.s32 $0xA0  }
0x1d: {  	v0 =	vimm.f32 $0.0e+00;
	s26 =	sadd.s32 $0x2200, s0;
	s28 =	sadd.s32 $0xC000, s0;
	s0 =	simm.s32 $0x1  }
.LBB2_1:
0x1e: {  	s3 =	sand.u32 $0x7E00, s1  }
0x1f: {  	s4 =	sand.u32 $0x70, s1;
	s5 =	sshrl.u32 s3, $0x2  }
0x20: {  	s3 =	simm.s32 $0x40;
	s5 =	sor.u32 s4, s5;
	s4 =	simm.s32 $0x0  }
.LBB2_2:
0x21: {  	p0 =	sne.s32 s3, $0x7FC0  }
0x22: {  	[tilespmem:s5+$0x28A0] =	vst v0;
	s4 =	sadd.s32 $0x10, s4;
	s5 =	smov.u32 s3;
	s3 =	sadd.s32 $0x40, s3  }
.Ltmp0:
0x23: {  	(pc) =	sbr.rel @p0 .LBB2_2-.Ltmp0, $4  }
0x24: {  	_ = 	snop  }
0x25: {  	s5 =	sand.u32 $0x7E00, s5  }
0x26: {  	s6 =	sand.u32 $0x70, s4;
	s5 =	sshrl.u32 s5, $0x2  }
0x27: {  	s5 =	sor.u32 s6, s5  }
0x28: {  	[tilespmem:s5+$0x28A0] =	vst v0  }
0x29: {  	[spmem:s15] =	stream.linear.scatter [tilespmem:s29], [sflag:$0x2], $0x2000, $0x38;
	[tilespmem:$0x188A0] =	vst v63  }
0x2a: {  	_ =	swait.ge [sflag:s30], $0x2000  }
0x2b: {  	[sflag:s30] =	ssyncset.done $0x0  }
0x2c: {  	[sflag:s30] =	ssyncadd.s32 $0xFFFFE000  }
0x2d: {  	[spmem:s16] =	stream.linear.scatter [tilespmem:s29], [sflag:$0x2], $0x2000, $0x38;
	[tilespmem:$0x188A0] =	vst v63  }
0x2e: {  	_ =	swait.ge [sflag:s30], $0x2000  }
0x2f: {  	[sflag:s30] =	ssyncset.done $0x0  }
0x30: {  	[sflag:s30] =	ssyncadd.s32 $0xFFFFE000  }
0x31: {  	[spmem:s17] =	stream.linear.scatter [tilespmem:s29], [sflag:$0x2], $0x2000, $0x38;
	[tilespmem:$0x188A0] =	vst v63  }
0x32: {  	_ =	swait.ge [sflag:s30], $0x2000  }
0x33: {  	[sflag:s30] =	ssyncset.done $0x0  }
0x34: {  	[sflag:s30] =	ssyncadd.s32 $0xFFFFE000  }
0x35: {  	[spmem:s18] =	stream.linear.scatter [tilespmem:s29], [sflag:$0x2], $0x2000, $0x38;
	[tilespmem:$0x188A0] =	vst v63  }
0x36: {  	_ =	swait.ge [sflag:s30], $0x2000  }
0x37: {  	[sflag:s30] =	ssyncset.done $0x0  }
0x38: {  	[sflag:s30] =	ssyncadd.s32 $0xFFFFE000  }
0x39: {  	[spmem:s19] =	stream.linear.scatter [tilespmem:s29], [sflag:$0x2], $0x2000, $0x38;
	[tilespmem:$0x188A0] =	vst v63  }
0x3a: {  	_ =	swait.ge [sflag:s30], $0x2000  }
0x3b: {  	[sflag:s30] =	ssyncset.done $0x0  }
0x3c: {  	[sflag:s30] =	ssyncadd.s32 $0xFFFFE000  }
0x3d: {  	[spmem:s20] =	stream.linear.scatter [tilespmem:s29], [sflag:$0x2], $0x2000, $0x38;
	[tilespmem:$0x188A0] =	vst v63  }
0x3e: {  	_ =	swait.ge [sflag:s30], $0x2000  }
0x3f: {  	[sflag:s30] =	ssyncset.done $0x0  }
0x40: {  	[sflag:s30] =	ssyncadd.s32 $0xFFFFE000  }
0x41: {  	[spmem:s21] =	stream.linear.scatter [tilespmem:s29], [sflag:$0x2], $0x2000, $0x38;
	[tilespmem:$0x188A0] =	vst v63  }
0x42: {  	_ =	swait.ge [sflag:s30], $0x2000  }
0x43: {  	[sflag:s30] =	ssyncset.done $0x0  }
0x44: {  	[sflag:s30] =	ssyncadd.s32 $0xFFFFE000  }
0x45: {  	[spmem:s22] =	stream.linear.scatter [tilespmem:s29], [sflag:$0x2], $0x2000, $0x38;
	[tilespmem:$0x188A0] =	vst v63  }
0x46: {  	_ =	swait.ge [sflag:s30], $0x2000  }
0x47: {  	[sflag:s30] =	ssyncset.done $0x0  }
0x48: {  	[sflag:s30] =	ssyncadd.s32 $0xFFFFE000  }
0x49: {  	[spmem:s23] =	stream.linear.scatter [tilespmem:s29], [sflag:$0x2], $0x2000, $0x38;
	[tilespmem:$0x188A0] =	vst v63  }
0x4a: {  	_ =	swait.ge [sflag:s30], $0x2000  }
0x4b: {  	[sflag:s30] =	ssyncset.done $0x0  }
0x4c: {  	[sflag:s30] =	ssyncadd.s32 $0xFFFFE000  }
0x4d: {  	[spmem:s24] =	stream.linear.scatter [tilespmem:s29], [sflag:$0x2], $0x2000, $0x38;
	[tilespmem:$0x188A0] =	vst v63  }
0x4e: {  	_ =	swait.ge [sflag:s30], $0x2000  }
0x4f: {  	[sflag:s30] =	ssyncset.done $0x0  }
0x50: {  	[sflag:s30] =	ssyncadd.s32 $0xFFFFE000  }
0x51: {  	s3 =	sadd.s32 $0x0, s28;
	[bflag:$0x0] =	sbarrier.arrive $0xFFFF  }
0x52: {  	[tilespmem:s1], [sflag:$0x2] =	stream.linear.gather [hbm4b:s3+s1], $0x50, $0x38;
	[tilespmem:$0x188A0] =	vst v63  }
0x53: {  	_ =	swait.ge [sflag:s30], $0x50  }
0x54: {  	[sflag:s30] =	ssyncset.done $0x0  }
0x55: {  	s7 =	sadd.s32 $0x0, s26;
	[sflag:s30] =	ssyncadd.s32 $0xFFFFFFB0  }
0x56: {  	[tilespmem:s31], [sflag:$0x2] =	stream.linear.gather [hbm4b:s7+s1], $0x50, $0x38;
	[tilespmem:$0x188A0] =	vst v63  }
0x57: {  	_ =	swait.ge [sflag:s30], $0x50  }
0x58: {  	[sflag:s30] =	ssyncset.done $0x0  }
0x59: {  	[sflag:s30] =	ssyncadd.s32 $0xFFFFFFB0  }
0x5a: {  	[tilespmem:s10], [sflag:$0x1] =	stream.indirect.gather [hbm4b:s14+s31], $0x80, s1, s31, $0xb8;
	[tilespmem:$0x188A0] =	vst v63  }
0x5b: {  	_ =	swait.ge [sflag:s0], $0x2800  }
0x5c: {  	[sflag:s0] =	ssyncset.done $0x0  }
0x5d: {  	[sflag:s0] =	ssyncadd.s32 $0xFFFFD800  }
0x5e: {  	[spmem:s11] =	stream.indirect.scatter.add.f32 [tilespmem:s10], [sflag:$0x2], $0x80, s31, s31, $0xb8;
	[tilespmem:$0x188A0] =	vst v63  }
0x5f: {  	_ =	swait.ge [sflag:s30], $0x2800  }
0x60: {  	s4 =	simm.s32 $0x14;
	s3 =	simm.s32 $0xA;
	[sflag:s30] =	ssyncset.done $0x0  }
.LBB2_4:
0x61: {  	s5 =	sadd.s32 s3, s28  }
0x62: {  	[sflag:s30] =	ssyncadd.s32 $0xFFFFD800;
	s6 =	smov.u32 s4;
	s7 =	sadd.s32 $0xA, s4  }
0x63: {  	[tilespmem:s1], [sflag:$0x2] =	stream.linear.gather [hbm4b:s5+s1], $0x50, $0x38;
	[tilespmem:$0x188A0] =	vst v63  }
0x64: {  	p0 =	sne.s32 s4, $0x4D8;
	_ =	swait.ge [sflag:s30], $0x50  }
0x65: {  	[sflag:s30] =	ssyncset.done $0x0  }
0x66: {  	s4 =	sadd.s32 s3, s26;
	s3 =	smov.u32 s6;
	[sflag:s30] =	ssyncadd.s32 $0xFFFFFFB0  }
0x67: {  	[tilespmem:s31], [sflag:$0x2] =	stream.linear.gather [hbm4b:s4+s1], $0x50, $0x38;
	[tilespmem:$0x188A0] =	vst v63  }
0x68: {  	_ =	swait.ge [sflag:s30], $0x50  }
0x69: {  	[sflag:s30] =	ssyncset.done $0x0  }
0x6a: {  	[sflag:s30] =	ssyncadd.s32 $0xFFFFFFB0  }
0x6b: {  	[tilespmem:s10], [sflag:$0x1] =	stream.indirect.gather [hbm4b:s14+s31], $0x80, s1, s31, $0xb8;
	[tilespmem:$0x188A0] =	vst v63  }
0x6c: {  	_ =	swait.ge [sflag:s0], $0x2800  }
.Ltmp1:
0x6d: {  	[sflag:s0] =	ssyncset.done $0x0;
	(pc) =	sbr.rel @p0 .LBB2_4-.Ltmp1, $4  }
0x6e: {  	[sflag:s0] =	ssyncadd.s32 $0xFFFFD800  }
0x6f: {  	[spmem:s11] =	stream.indirect.scatter.add.f32 [tilespmem:s10], [sflag:$0x2], $0x80, s31, s31, $0xb8;
	[tilespmem:$0x188A0] =	vst v63  }
0x70: {  	_ =	swait.ge [sflag:s30], $0x2800  }
0x71: {  	s4 =	smov.u32 s7;
	[sflag:s30] =	ssyncset.done $0x0  }
0x72: {  	s4 =	sadd.s32 s3, s28;
	[sflag:s30] =	ssyncadd.s32 $0xFFFFD800  }
0x73: {  	[tilespmem:s1], [sflag:$0x2] =	stream.linear.gather [hbm4b:s4+s1], $0x50, $0x38;
	[tilespmem:$0x188A0] =	vst v63  }
0x74: {  	_ =	swait.ge [sflag:s30], $0x50  }
0x75: {  	[sflag:s30] =	ssyncset.done $0x0  }
0x76: {  	s5 =	sadd.s32 s3, s26;
	[sflag:s30] =	ssyncadd.s32 $0xFFFFFFB0  }
0x77: {  	[tilespmem:s31], [sflag:$0x2] =	stream.linear.gather [hbm4b:s5+s1], $0x50, $0x38;
	[tilespmem:$0x188A0] =	vst v63  }
0x78: {  	_ =	swait.ge [sflag:s30], $0x50  }
0x79: {  	[sflag:s30] =	ssyncset.done $0x0  }
0x7a: {  	[sflag:s30] =	ssyncadd.s32 $0xFFFFFFB0  }
0x7b: {  	[tilespmem:s10], [sflag:$0x1] =	stream.indirect.gather [hbm4b:s14+s31], $0x80, s1, s31, $0xb8;
	[tilespmem:$0x188A0] =	vst v63  }
0x7c: {  	_ =	swait.ge [sflag:s0], $0x2800  }
0x7d: {  	[sflag:s0] =	ssyncset.done $0x0  }
0x7e: {  	[sflag:s0] =	ssyncadd.s32 $0xFFFFD800  }
0x7f: {  	[spmem:s11] =	stream.indirect.scatter.add.f32 [tilespmem:s10], [sflag:$0x2], $0x80, s31, s31, $0xb8;
	[tilespmem:$0x188A0] =	vst v63  }
0x80: {  	_ =	swait.ge [sflag:s30], $0x2800  }
0x81: {  	[sflag:s30] =	ssyncset.done $0x0  }
0x82: {  	[sflag:s30] =	ssyncadd.s32 $0xFFFFD800  }
0x83: {  	[bflag:$0x0] =	sbarrier.arrive $0xFFFF  }
0x84: {  	[tilespmem:s29], [sflag:$0x2] =	stream.linear.gather [spmem:s15], $0x2000, $0x38;
	[tilespmem:$0x188A0] =	vst v63  }
0x85: {  	_ =	swait.ge [sflag:s30], $0x2000  }
0x86: {  	[sflag:s30] =	ssyncset.done $0x0  }
0x87: {  	s6 =	rddreg [dreg:$0x3];
	[sflag:s30] =	ssyncadd.s32 $0xFFFFE000  }
0x88: {  	[hbm4b:s6+s1] =	stream.linear.scatter [tilespmem:s29], [sflag:$0x2], $0x2000, $0x38;
	[tilespmem:$0x188A0] =	vst v63  }
0x89: {  	_ =	swait.ge [sflag:s30], $0x2000  }
0x8a: {  	[sflag:s30] =	ssyncset.done $0x0  }
0x8b: {  	[sflag:s30] =	ssyncadd.s32 $0xFFFFE000  }
0x8c: {  	[tilespmem:s29], [sflag:$0x2] =	stream.linear.gather [spmem:s16], $0x2000, $0x38;
	[tilespmem:$0x188A0] =	vst v63  }
0x8d: {  	_ =	swait.ge [sflag:s30], $0x2000  }
0x8e: {  	[sflag:s30] =	ssyncset.done $0x0  }
0x8f: {  	s7 =	rddreg [dreg:$0x4];
	[sflag:s30] =	ssyncadd.s32 $0xFFFFE000  }
0x90: {  	[hbm4b:s7+s1] =	stream.linear.scatter [tilespmem:s29], [sflag:$0x2], $0x2000, $0x38;
	[tilespmem:$0x188A0] =	vst v63  }
0x91: {  	_ =	swait.ge [sflag:s30], $0x2000  }
0x92: {  	[sflag:s30] =	ssyncset.done $0x0  }
0x93: {  	[sflag:s30] =	ssyncadd.s32 $0xFFFFE000  }
0x94: {  	[tilespmem:s29], [sflag:$0x2] =	stream.linear.gather [spmem:s17], $0x2000, $0x38;
	[tilespmem:$0x188A0] =	vst v63  }
0x95: {  	_ =	swait.ge [sflag:s30], $0x2000  }
0x96: {  	[sflag:s30] =	ssyncset.done $0x0  }
0x97: {  	s4 =	rddreg [dreg:$0x5];
	[sflag:s30] =	ssyncadd.s32 $0xFFFFE000  }
0x98: {  	[hbm4b:s4+s1] =	stream.linear.scatter [tilespmem:s29], [sflag:$0x2], $0x2000, $0x38;
	[tilespmem:$0x188A0] =	vst v63  }
0x99: {  	_ =	swait.ge [sflag:s30], $0x2000  }
0x9a: {  	[sflag:s30] =	ssyncset.done $0x0  }
0x9b: {  	[sflag:s30] =	ssyncadd.s32 $0xFFFFE000  }
0x9c: {  	[tilespmem:s29], [sflag:$0x2] =	stream.linear.gather [spmem:s18], $0x2000, $0x38;
	[tilespmem:$0x188A0] =	vst v63  }
0x9d: {  	_ =	swait.ge [sflag:s30], $0x2000  }
0x9e: {  	[sflag:s30] =	ssyncset.done $0x0  }
0x9f: {  	s5 =	rddreg [dreg:$0x6];
	[sflag:s30] =	ssyncadd.s32 $0xFFFFE000  }
0xa0: {  	[hbm4b:s5+s1] =	stream.linear.scatter [tilespmem:s29], [sflag:$0x2], $0x2000, $0x38;
	[tilespmem:$0x188A0] =	vst v63  }
0xa1: {  	_ =	swait.ge [sflag:s30], $0x2000  }
0xa2: {  	[sflag:s30] =	ssyncset.done $0x0  }
0xa3: {  	[sflag:s30] =	ssyncadd.s32 $0xFFFFE000  }
0xa4: {  	[tilespmem:s29], [sflag:$0x2] =	stream.linear.gather [spmem:s19], $0x2000, $0x38;
	[tilespmem:$0x188A0] =	vst v63  }
0xa5: {  	_ =	swait.ge [sflag:s30], $0x2000  }
0xa6: {  	[sflag:s30] =	ssyncset.done $0x0  }
0xa7: {  	s6 =	rddreg [dreg:$0x7];
	[sflag:s30] =	ssyncadd.s32 $0xFFFFE000  }
0xa8: {  	[hbm4b:s6+s1] =	stream.linear.scatter [tilespmem:s29], [sflag:$0x2], $0x2000, $0x38;
	[tilespmem:$0x188A0] =	vst v63  }
0xa9: {  	_ =	swait.ge [sflag:s30], $0x2000  }
0xaa: {  	[sflag:s30] =	ssyncset.done $0x0  }
0xab: {  	[sflag:s30] =	ssyncadd.s32 $0xFFFFE000  }
0xac: {  	[tilespmem:s29], [sflag:$0x2] =	stream.linear.gather [spmem:s20], $0x2000, $0x38;
	[tilespmem:$0x188A0] =	vst v63  }
0xad: {  	_ =	swait.ge [sflag:s30], $0x2000  }
0xae: {  	[sflag:s30] =	ssyncset.done $0x0  }
0xaf: {  	s7 =	rddreg [dreg:$0x8];
	[sflag:s30] =	ssyncadd.s32 $0xFFFFE000  }
0xb0: {  	[hbm4b:s7+s1] =	stream.linear.scatter [tilespmem:s29], [sflag:$0x2], $0x2000, $0x38;
	[tilespmem:$0x188A0] =	vst v63  }
0xb1: {  	_ =	swait.ge [sflag:s30], $0x2000  }
0xb2: {  	[sflag:s30] =	ssyncset.done $0x0  }
0xb3: {  	[sflag:s30] =	ssyncadd.s32 $0xFFFFE000  }
0xb4: {  	[tilespmem:s29], [sflag:$0x2] =	stream.linear.gather [spmem:s21], $0x2000, $0x38;
	[tilespmem:$0x188A0] =	vst v63  }
0xb5: {  	_ =	swait.ge [sflag:s30], $0x2000  }
0xb6: {  	[sflag:s30] =	ssyncset.done $0x0  }
0xb7: {  	[sflag:s30] =	ssyncadd.s32 $0xFFFFE000  }
0xb8: {  	[hbm4b:s8+s1] =	stream.linear.scatter [tilespmem:s29], [sflag:$0x2], $0x2000, $0x38;
	[tilespmem:$0x188A0] =	vst v63  }
0xb9: {  	_ =	swait.ge [sflag:s30], $0x2000  }
0xba: {  	[sflag:s30] =	ssyncset.done $0x0  }
0xbb: {  	[sflag:s30] =	ssyncadd.s32 $0xFFFFE000  }
0xbc: {  	[tilespmem:s29], [sflag:$0x2] =	stream.linear.gather [spmem:s22], $0x2000, $0x38;
	[tilespmem:$0x188A0] =	vst v63  }
0xbd: {  	_ =	swait.ge [sflag:s30], $0x2000  }
0xbe: {  	[sflag:s30] =	ssyncset.done $0x0  }
0xbf: {  	[sflag:s30] =	ssyncadd.s32 $0xFFFFE000  }
0xc0: {  	[hbm4b:s9+s1] =	stream.linear.scatter [tilespmem:s29], [sflag:$0x2], $0x2000, $0x38;
	[tilespmem:$0x188A0] =	vst v63  }
0xc1: {  	_ =	swait.ge [sflag:s30], $0x2000  }
0xc2: {  	[sflag:s30] =	ssyncset.done $0x0  }
0xc3: {  	[sflag:s30] =	ssyncadd.s32 $0xFFFFE000  }
0xc4: {  	[tilespmem:s29], [sflag:$0x2] =	stream.linear.gather [spmem:s23], $0x2000, $0x38;
	[tilespmem:$0x188A0] =	vst v63  }
0xc5: {  	_ =	swait.ge [sflag:s30], $0x2000  }
0xc6: {  	[sflag:s30] =	ssyncset.done $0x0  }
0xc7: {  	[sflag:s30] =	ssyncadd.s32 $0xFFFFE000  }
0xc8: {  	[hbm4b:s12+s1] =	stream.linear.scatter [tilespmem:s29], [sflag:$0x2], $0x2000, $0x38;
	[tilespmem:$0x188A0] =	vst v63  }
0xc9: {  	_ =	swait.ge [sflag:s30], $0x2000  }
0xca: {  	[sflag:s30] =	ssyncset.done $0x0  }
0xcb: {  	[sflag:s30] =	ssyncadd.s32 $0xFFFFE000  }
0xcc: {  	[tilespmem:s29], [sflag:$0x2] =	stream.linear.gather [spmem:s24], $0x2000, $0x38;
	[tilespmem:$0x188A0] =	vst v63  }
0xcd: {  	s2 =	sadd.s32 $0x1, s2;
	_ =	swait.ge [sflag:s30], $0x2000  }
0xce: {  	p0 =	sne.s32 s2, s25;
	[sflag:s30] =	ssyncset.done $0x0  }
.Ltmp2:
0xcf: {  	[sflag:s30] =	ssyncadd.s32 $0xFFFFE000;
	(pc) =	sbr.rel @p0 .LBB2_1-.Ltmp2, $4  }
0xd0: {  	[hbm4b:s13+s1] =	stream.linear.scatter [tilespmem:s29], [sflag:$0x2], $0x2000, $0x38;
	[tilespmem:$0x188A0] =	vst v63  }
0xd1: {  	_ =	swait.ge [sflag:s30], $0x2000  }
0xd2: {  	[sflag:s30] =	ssyncset.done $0x0  }
0xd3: {  	[sflag:s30] =	ssyncadd.s32 $0xFFFFE000  }
0xd4: {  	_ =	sfence.sel $0x180000  }
0xd5: {  	[bflag:$0x0] =	sbarrier.arrive $0xFFFF  }
0xd6: {  	_ =	strace $0x9000004A  }
0xd7: {  	s0 =	stileid.u32;
	[bflag:$0x2] =	sbarrier.arrive $0xFFFF  }
0xd8: {  	p0 =	sne.s32 s0, $0x0;
	s0 =	rddreg [dreg:$0x2]  }
0xd9: {  	s0 =	sadd.s32 @!p0 $0x100000, s0  }
0xda: {  	[sflag:s0] =	ssyncadd.tile.s32 @!p0 $0x1;
	_ =	shalt  }
.Lfunc_end2:
_tile_overlayer_lowered:
.L_overlay_start_2:
0xdb: {  	(tag) =	ssettag $0x2  }
0xdc: {  	s0 =	rddreg [dreg:$0x0];
	s2 =	stileid.u32  }
0xdd: {  	s1 =	rddreg [dreg:$0x1];
	p0 =	sne.s32 s2, $0x0  }
0xde: {  	s3 =	rddreg [dreg:$0x2];
	[bflag:$0x3] =	sbarrier.arrive $0xFFFF;
	s2 =	simm.s32 @!p0 $0x1C02  }
0xdf: {  	[timem:s3], [sflag:s2] =	dma.local @!p0 [hbm:s0], s1  }
0xe0: {  	s0 =	simm.s32 @!p0 $0x2  }
0xe1: {  	_ =	swait.ge @!p0 [sflag:s0], s1  }
0xe2: {  	s1 =	ssub.s32 @!p0 $0x0, s1;
	[sflag:s0] =	ssyncset.done @!p0 $0x0  }
0xe3: {  	[sflag:s0] =	ssyncadd.s32 @!p0 s1  }
0xe4: {  	[bflag:$0x3] =	sbarrier.arrive $0xFFFF  }
0xe5: {  	_ =	shalt  }

// kernel: kernel.15.cloned.1.call-start
scs
__scs_entry_jumppad:
0x0: {  	(pc) =	sbr.rel $0x88, $3  }
0x1: {  	(tag) =	ssettag $0x0;
	lr =	simm.s32 $0x1  }
0x2: {  	[smem:$0x3F99] =	sst lr;
	_ =	strace $0xD0000000  }
0x3: {  	_ = 	snop  }
0x4: {  	_ = 	snop  }
0x5: {  	_ = 	snop  }
0x6: {  	_ = 	snop  }
0x7: {  	_ = 	snop  }
__scs_overlays_trampoline_lowered:
0x8: {  	[smem:$0x3FA8] =	sst s0  }
0x9: {  	[smem:$0x3FA9] =	sst s1  }
0xa: {  	[smem:$0x3FAA] =	sst s2  }
0xb: {  	[smem:$0x3FAB] =	sst s3  }
0xc: {  	[smem:$0x3FAC] =	sst s4  }
0xd: {  	[smem:$0x3FAD] =	sst s5  }
0xe: {  	[smem:$0x3FAE] =	sst s6  }
0xf: {  	[smem:$0x3FAF] =	sst s7  }
0x10: {  	[smem:$0x3FB0] =	sst s8  }
0x11: {  	[smem:$0x3FB1] =	sst s9;
	s0 =	simm.s32 @!p0 $0x0  }
0x12: {  	s1 =	sld [smem:$0x3F97];
	s0 =	simm.s32 @p0 $0x1  }
0x13: {  	[smem:$0x3FB2] =	sst s0;
	s0 =	simm.s32 @!p1 $0x0  }
0x14: {  	s2 =	sld [smem:$0x3F96];
	s0 =	simm.s32 @p1 $0x1  }
0x15: {  	[smem:$0x3FB3] =	sst s0;
	s0 =	simm.s32 @!p2 $0x0  }
0x16: {  	s3 =	sld [smem:$0x3FDB];
	s0 =	simm.s32 @p2 $0x1  }
0x17: {  	s4 =	simm.s32 $0x1BF5;
	[smem:$0x3FB5] =	sst s0  }
0x18: {  	s0 =	sld [smem:$0x3F98];
	_ =	swait.ge [sflag:s4], $0x0  }
0x19: {  	s7 =	sld [smem:$0x3F99]  }
0x1a: {  	s8 =	sadd.s32 $0xFFFFE003, lr  }
0x1b: {  	s9 =	sadd.s32 $0xFFFFFEF7, lr;
	s5 =	simm.s32 $0xFFFFFFFF;
	p2 =	slt.u32 s8, $0xFFFFF086  }
0x1c: {  	p1 =	slt.u32 s9, $0xF7A;
	s5 =	simm.s32 @!p2 $0x0  }
0x1d: {  	s5 =	simm.s32 @p1 $0x1;
	p0 =	seq.s32 s7, s2  }
0x1e: {  	s7 =	smul.u32 @!p0 $0xF7A, s2;
	p2 =	seq.s32 @!p0 s5, $0x0  }
0x1f: {  	s9 =	smul.u32 $0xF7A, s1;
	s8 =	simm.s32 @!p0 $0x1BF5;
	p2 =	por !p2, p0  }
0x20: {  	[sflag:s8] =	ssyncset.s32 @!p0 $0xFFFFF086;
	s6 =	sadd.s32 @!p0 s3, s7;
	s7 =	simm.s32 @!p0 $0x108  }
0x21: {  	s3 =	sadd.s32 s3, s9;
	s6 =	sadd.s32 @!p0 $0x88, s6;
	s7 =	simm.s32 @p2 $0x1082  }
0x22: {  	[simem:s7], [sflag:s8] =	dma.local @!p0 [hbm:s6], $0xF7A  }
0x23: {  	s9 =	sor.u32 $0xD0000000, s2;
	s6 =	simm.s32 $0x108;
	_ =	swait.ge @!p0 [sflag:s8], $0x0  }
0x24: {  	s3 =	sadd.s32 $0x88, s3;
	s6 =	simm.s32 @!p1 $0x1082;
	[sflag:s4] =	ssyncset.s32 $0xFFFFF086  }
0x25: {  	[simem:s6], [sflag:s4] =	dma.local [hbm:s3], $0xF7A  }
0x26: {  	[smem:$0x3F99] =	sst s1;
	(tag) =	ssettag s2;
	_ =	strace s9  }
0x27: {  	s1 =	sld [smem:$0x3FA9]  }
0x28: {  	s2 =	sld [smem:$0x3FAA]  }
0x29: {  	s4 =	sld [smem:$0x3FAC]  }
0x2a: {  	p0 =	seq.s32 s5, $0x0;
	s5 =	sld [smem:$0x3FAD]  }
0x2b: {  	s6 =	sld [smem:$0x3FAE]  }
0x2c: {  	s7 =	sld [smem:$0x3FAF]  }
0x2d: {  	s3 =	simm.s32 $0x108;
	s8 =	sld [smem:$0x3FB0]  }
0x2e: {  	s3 =	simm.s32 @!p0 $0x1082;
	s9 =	sld [smem:$0x3FB1]  }
0x2f: {  	lr =	sadd.s32 s0, s3;
	s0 =	sld [smem:$0x3FA8]  }
0x30: {  	s3 =	sld [smem:$0x3FAB]  }
0x31: {  	[smem:$0x3FB4] =	sst s10  }
0x32: {  	s10 =	sld [smem:$0x3FB2];
	_ =	sdelay $0x3  }
0x33: {  	p0 =	seq.s32 s10, $0x1;
	s10 =	sld [smem:$0x3FB4];
	_ =	sdelay $0x3  }
0x34: {  	[smem:$0x3FB4] =	sst s10  }
0x35: {  	s10 =	sld [smem:$0x3FB3];
	_ =	sdelay $0x3  }
0x36: {  	p1 =	seq.s32 s10, $0x1;
	s10 =	sld [smem:$0x3FB4];
	_ =	sdelay $0x3  }
0x37: {  	[smem:$0x3FB4] =	sst s10  }
0x38: {  	s10 =	sld [smem:$0x3FB5]  }
0x39: {  	_ = 	snop;
	(pc) =	sbr.ind lr, $3  }
0x3a: {  	_ = 	snop  }
0x3b: {  	_ = 	snop  }
0x3c: {  	p2 =	seq.s32 s10, $0x1;
	s10 =	sld [smem:$0x3FB4]  }
0x3d: {  	_ =	shalt  }
0x3e: {  	_ =	shalt  }
0x3f: {  	_ =	shalt  }
0x40: {  	_ =	shalt  }
0x41: {  	_ =	shalt  }
0x42: {  	_ =	shalt  }
0x43: {  	_ =	shalt  }
0x44: {  	_ =	shalt  }
0x45: {  	_ =	shalt  }
0x46: {  	_ =	shalt  }
0x47: {  	_ =	shalt  }
0x48: {  	_ =	shalt  }
0x49: {  	_ =	shalt  }
0x4a: {  	_ =	shalt  }
0x4b: {  	_ =	shalt  }
0x4c: {  	_ =	shalt  }
0x4d: {  	_ =	shalt  }
0x4e: {  	_ =	shalt  }
0x4f: {  	_ =	shalt  }
0x50: {  	_ =	shalt  }
0x51: {  	_ =	shalt  }
0x52: {  	_ =	shalt  }
0x53: {  	_ =	shalt  }
0x54: {  	_ =	shalt  }
0x55: {  	_ =	shalt  }
0x56: {  	_ =	shalt  }
0x57: {  	_ =	shalt  }
0x58: {  	_ =	shalt  }
0x59: {  	_ =	shalt  }
0x5a: {  	_ =	shalt  }
0x5b: {  	_ =	shalt  }
0x5c: {  	_ =	shalt  }
0x5d: {  	_ =	shalt  }
0x5e: {  	_ =	shalt  }
0x5f: {  	_ =	shalt  }
0x60: {  	_ =	shalt  }
0x61: {  	_ =	shalt  }
0x62: {  	_ =	shalt  }
0x63: {  	_ =	shalt  }
0x64: {  	_ =	shalt  }
0x65: {  	_ =	shalt  }
0x66: {  	_ =	shalt  }
0x67: {  	_ =	shalt  }
0x68: {  	_ =	shalt  }
0x69: {  	_ =	shalt  }
0x6a: {  	_ =	shalt  }
0x6b: {  	_ =	shalt  }
0x6c: {  	_ =	shalt  }
0x6d: {  	_ =	shalt  }
0x6e: {  	_ =	shalt  }
0x6f: {  	_ =	shalt  }
0x70: {  	_ =	shalt  }
0x71: {  	_ =	shalt  }
0x72: {  	_ =	shalt  }
0x73: {  	_ =	shalt  }
0x74: {  	_ =	shalt  }
0x75: {  	_ =	shalt  }
0x76: {  	_ =	shalt  }
0x77: {  	_ =	shalt  }
0x78: {  	_ =	shalt  }
0x79: {  	_ =	shalt  }
0x7a: {  	_ =	shalt  }
0x7b: {  	_ =	shalt  }
0x7c: {  	_ =	shalt  }
0x7d: {  	_ =	shalt  }
0x7e: {  	_ =	shalt  }
0x7f: {  	_ =	shalt  }
0x80: {  	_ =	shalt  }
0x81: {  	_ =	shalt  }
0x82: {  	_ =	shalt  }
0x83: {  	_ =	shalt  }
0x84: {  	_ =	shalt  }
0x85: {  	_ =	shalt  }
0x86: {  	_ =	shalt  }
0x87: {  	_ =	shalt  }
.Lfunc_end0:
.L_simem_size_0:
called_computation.2_lowered:
.L_overlay_start_0:
0x88: {  	s2 =	sld [smem:$0x3FD9]  }
0x89: {  	s3 =	sld [smem:$0x3FFE];
	_ =	sdelay $0x1  }
0x8a: {  	s1 =	srdreg.scid  }
0x8b: {  	s0 =	sand.u32 $0x1, s1  }
0x8c: {  	s16 =	sshll.u32 s0, $0xA;
	s2 =	sadd.s32 s3, s2  }
0x8d: {  	s2 =	sadd.s32 s2, s16  }
0x8e: {  	[smem:$0x3FC0] =	sst s2  }
0x8f: {  	_ = 	snop  }
0x90: {  	(tm) =	ssettm $0x1  }
0x91: {  	s17 =	sld [smem:$0x3FFB];
	_ =	sdelay $0x3  }
0x92: {  	_ =	strace s17  }
0x93: {  	s2 =	sld [smem:$0x3FFC];
	_ =	sdelay $0x3  }
0x94: {  	_ =	strace s2  }
0x95: {  	s2 =	sld [smem:$0x3FFD];
	_ =	sdelay $0x3  }
0x96: {  	_ =	strace s2  }
0x97: {  	_ =	strace $0x8FFFFFFF  }
0x98: {  	s18 =	sld [smem:$0x3FDB];
	_ =	sdelay $0x1  }
0x99: {  	s19 =	simm.s32 $_scs_section_size  }
0x9a: {  	s4 =	simm.s32 $_size__tile_overlayer_lowered;
	s5 =	simm.s32 $_tile_overlayer_lowered  }
0x9b: {  	s22 =	simm.s32 $0x1BFF;
	s21 =	sshll.u32 s5, $0x1;
	s2 =	sadd.s32 s19, s18  }
0x9c: {  	s6 =	simm.s32 $0x0;
	s20 =	sshll.u32 s4, $0x1;
	s4 =	sadd.s32 s21, s2  }
0x9d: {  	[timem:s6], [sflag:s22] =	dma.local [hbm:s4], s20  }
0x9e: {  	_ =	swait.ge [sflag:s22], s20  }
0x9f: {  	s3 =	ssub.s32 $0x0, s20;
	[sflag:s22] =	ssyncset.done $0x0  }
0xa0: {  	[sflag:s22] =	ssyncadd.s32 s3;
	_ =	sdelay $0x1  }
0xa1: {  	s23 =	simm.s32 $0x1B8B  }
0xa2: {  	_ =	swait.ge [sflag:s23], $0x1  }
0xa3: {  	[sflag:s23] =	ssyncset.done $0x0  }
0xa4: {  	s25 =	simm.s32 $0x1B8E;
	s24 =	sld [smem:$0x3FFE];
	[sflag:s23] =	ssyncadd.s32 $0xFFFFFFFF  }
0xa5: {  	s26 =	simm.s32 $execute0_lowered;
	[smem:$0x3FD2] =	sst s25  }
0xa6: {  	s4 =	sshll.u32 s26, $0x1;
	_ =	strace $0x8000004C;
	[dreg:$0x1] =	wrdreg $0xFFFFFFFF  }
0xa7: {  	s28 =	simm.s32 $_size_execute0_lowered;
	s2 =	sadd.s32 s2, s4;
	[dreg:$0x0] =	wrdreg $0x0  }
0xa8: {  	s4 =	sshll.u32 s28, $0x1;
	[dreg:$0x2] =	wrdreg s2  }
0xa9: {  	[dreg:$0x3] =	wrdreg s4  }
0xaa: {  	[dreg:$0x4] =	wrdreg $0xC0  }
0xab: {  	_ =	task [dreg:s6], $0x5FFFF  }
0xac: {  	[dreg:$0x1] =	wrdreg $0xFFFFFFFF  }
0xad: {  	[dreg:$0x0] =	wrdreg $0x60  }
0xae: {  	[dreg:$0x2] =	wrdreg s24  }
0xaf: {  	[dreg:$0x3] =	wrdreg $0x48A00  }
0xb0: {  	[dreg:$0x4] =	wrdreg $0x9  }
0xb1: {  	_ =	task.clear_ibuf [dreg:s6], $0x5FFFF;
	_ =	strace $0x9000004C  }
0xb2: {  	s29 =	simm.s32 $0x9;
	_ =	strace $0x8000004E  }
0xb3: {  	_ =	swait.ge [sflag:s29], $0x1  }
0xb4: {  	[sflag:s29] =	ssyncadd.s32 $0xFFFFFFFF  }
0xb5: {  	_ =	strace $0x9000004E  }
0xb6: {  	_ =	sfence  }
0xb7: {  	s30 =	sld [smem:$0x0];
	_ =	sdelay $0x2  }
0xb8: {  	s31 =	sshll.u32 s1, $0xD;
	s1 =	sshrl.u32 s1, $0x2  }
0xb9: {  	s3 =	sand.u32 $0x4000, s31;
	s1 =	sadd.s32 s1, s30  }
0xba: {  	s0 =	sor.u32 s3, s0;
	s1 =	sshll.u32 s1, $0x11  }
0xbb: {  	s0 =	sor.u32 s1, s0  }
0xbc: {  	s0 =	sadd.s32 $0x8F2B, s0  }
0xbd: {  	[sflag:s0] =	ssyncadd.remote.s32 $0x1  }
0xbe: {  	_ =	sfence.sel $0xFFFF  }
0xbf: {  	[dreg:$0x0] =	wrdreg $0xFFFFFFFF;
	(pc) =	sbr.abs _section_cstart, $3  }
0xc0: {  	[dreg:$0x1] =	wrdreg $0xFFFFFFFF  }
0xc1: {  	_ =	task.clear_ibuf [dreg:s6], $0x2FFFF;
	_ =	strace $0x9FFFFFFF  }
0xc2: {  	(tm) =	ssettm $0x7FFFFFFF  }
0xc3: {  	_ =	shalt  }
tec
execute0_lowered:
.L_overlay_start_1:
0x0: {  	(tag) =	ssettag $0x1  }
0x1: {  	s0 =	srdreg.scid  }
0x2: {  	s6 =	stileid.u32;
	s3 =	rddreg [dreg:$0x0]  }
0x3: {  	s1 =	simm.s32 $0x0;
	s29 =	simm.s32 $0x28A0;
	s4 =	smul.u32 $0x2710, s6  }
0x4: {  	s30 =	simm.s32 $0x2;
	s0 =	sand.u32 $0x1, s0;
	s10 =	smul.u32 $0x14000, s6  }
0x5: {  	s31 =	simm.s32 $0x50;
	s2 =	smul.u32 $0x27100, s0;
	s5 =	ssub.s32 $0x2, s0  }
0x6: {  	[smem:$0x7FF] =	sst s1;
	s0 =	smul.u32 $0x140000, s0;
	s25 =	sshrl.u32 s5, $0x1  }
0x7: {  	s16 =	sor.u32 $0x2000, s10;
	s17 =	sadd.s32 $0x4000, s10;
	s18 =	sadd.s32 $0x6000, s10  }
0x8: {  	s19 =	sadd.s32 $0x8000, s10;
	s20 =	sadd.s32 $0xA000, s10;
	s21 =	sadd.s32 $0xC000, s10  }
0x9: {  	s22 =	sadd.s32 $0xE000, s10;
	s23 =	sadd.s32 $0x10000, s10;
	s24 =	sadd.s32 $0x12000, s10  }
0xa: {  	s2 =	sadd.s32 s4, s2;
	s4 =	sadd.s32 $0x3DE00, s3;
	s5 =	ssub.s32 s5, s25  }
0xb: {  	s26 =	sadd.s32 s10, s0;
	s7 =	sadd.s32 s0, s16;
	s8 =	sadd.s32 s0, s17  }
0xc: {  	s9 =	sadd.s32 s0, s18;
	s14 =	sadd.s32 s0, s20;
	s15 =	sadd.s32 s0, s21  }
0xd: {  	s6 =	sshrl.u32 s26, $0x3;
	s7 =	sshrl.u32 s7, $0x3;
	s11 =	sshrl.u32 s9, $0x3  }
0xe: {  	s9 =	sadd.s32 s0, s22;
	s26 =	sshrl.u32 s2, $0x3;
	s6 =	sadd.s32 s4, s6  }
0xf: {  	s2 =	simm.s32 $0x0;
	s7 =	sadd.s32 s4, s7;
	[dreg:$0x3] =	wrdreg s6  }
0x10: {  	s9 =	sshrl.u32 s9, $0x3;
	[dreg:$0x4] =	wrdreg s7;
	s6 =	sshrl.u32 s8, $0x3  }
0x11: {  	s8 =	sadd.s32 s0, s19;
	s7 =	sshrl.u32 s14, $0x3;
	s9 =	sadd.s32 s4, s9  }
0x12: {  	s14 =	sadd.s32 $0x15E00, s3;
	s6 =	sadd.s32 s4, s6;
	s12 =	sshrl.u32 s8, $0x3  }
0x13: {  	s25 =	sadd.s32 s4, s7;
	s8 =	sshrl.u32 s15, $0x3;
	[dreg:$0x5] =	wrdreg s6  }
0x14: {  	s6 =	sadd.s32 s4, s11;
	s13 =	sadd.s32 s4, s12;
	[dreg:$0x8] =	wrdreg s25  }
0x15: {  	s8 =	sadd.s32 s4, s8;
	s11 =	sadd.s32 s0, s23;
	[dreg:$0x6] =	wrdreg s6  }
0x16: {  	s0 =	sadd.s32 s0, s24;
	s25 =	smax.u32 s5, $0x1;
	[dreg:$0x7] =	wrdreg s13  }
0x17: {  	s12 =	sshrl.u32 s11, $0x3;
	s11 =	rddreg [dreg:$0x1];
	s0 =	sshrl.u32 s0, $0x3  }
0x18: {  	s12 =	sadd.s32 s4, s12;
	s13 =	sadd.s32 s4, s0;
	_ =	strace $0x8000004D  }
0x19: {  	s0 =	sadd.s32 s26, s3;
	s15 =	sadd.s32 s10, s11;
	s16 =	sadd.s32 s16, s11  }
0x1a: {  	s17 =	sadd.s32 s17, s11;
	s18 =	sadd.s32 s18, s11;
	s19 =	sadd.s32 s19, s11  }
0x1b: {  	s20 =	sadd.s32 s20, s11;
	s21 =	sadd.s32 s21, s11;
	s22 =	sadd.s32 s22, s11  }
0x1c: {  	s23 =	sadd.s32 s23, s11;
	s24 =	sadd.s32 s24, s11;
	s10 =	simm.s32 $0xA0  }
0x1d: {  	v0 =	vimm.f32 $0.0e+00;
	s26 =	sadd.s32 $0x2200, s0;
	s28 =	sadd.s32 $0xC000, s0;
	s0 =	simm.s32 $0x1  }
.LBB2_1:
0x1e: {  	s3 =	sand.u32 $0x7E00, s1  }
0x1f: {  	s4 =	sand.u32 $0x70, s1;
	s5 =	sshrl.u32 s3, $0x2  }
0x20: {  	s3 =	simm.s32 $0x40;
	s5 =	sor.u32 s4, s5;
	s4 =	simm.s32 $0x0  }
.LBB2_2:
0x21: {  	p0 =	sne.s32 s3, $0x7FC0  }
0x22: {  	[tilespmem:s5+$0x28A0] =	vst v0;
	s4 =	sadd.s32 $0x10, s4;
	s5 =	smov.u32 s3;
	s3 =	sadd.s32 $0x40, s3  }
.Ltmp0:
0x23: {  	(pc) =	sbr.rel @p0 .LBB2_2-.Ltmp0, $4  }
0x24: {  	_ = 	snop  }
0x25: {  	s5 =	sand.u32 $0x7E00, s5  }
0x26: {  	s6 =	sand.u32 $0x70, s4;
	s5 =	sshrl.u32 s5, $0x2  }
0x27: {  	s5 =	sor.u32 s6, s5  }
0x28: {  	[tilespmem:s5+$0x28A0] =	vst v0  }
0x29: {  	[spmem:s15] =	stream.linear.scatter [tilespmem:s29], [sflag:$0x2], $0x2000, $0x38;
	[tilespmem:$0x188A0] =	vst v63  }
0x2a: {  	_ =	swait.ge [sflag:s30], $0x2000  }
0x2b: {  	[sflag:s30] =	ssyncset.done $0x0  }
0x2c: {  	[sflag:s30] =	ssyncadd.s32 $0xFFFFE000  }
0x2d: {  	[spmem:s16] =	stream.linear.scatter [tilespmem:s29], [sflag:$0x2], $0x2000, $0x38;
	[tilespmem:$0x188A0] =	vst v63  }
0x2e: {  	_ =	swait.ge [sflag:s30], $0x2000  }
0x2f: {  	[sflag:s30] =	ssyncset.done $0x0  }
0x30: {  	[sflag:s30] =	ssyncadd.s32 $0xFFFFE000  }
0x31: {  	[spmem:s17] =	stream.linear.scatter [tilespmem:s29], [sflag:$0x2], $0x2000, $0x38;
	[tilespmem:$0x188A0] =	vst v63  }
0x32: {  	_ =	swait.ge [sflag:s30], $0x2000  }
0x33: {  	[sflag:s30] =	ssyncset.done $0x0  }
0x34: {  	[sflag:s30] =	ssyncadd.s32 $0xFFFFE000  }
0x35: {  	[spmem:s18] =	stream.linear.scatter [tilespmem:s29], [sflag:$0x2], $0x2000, $0x38;
	[tilespmem:$0x188A0] =	vst v63  }
0x36: {  	_ =	swait.ge [sflag:s30], $0x2000  }
0x37: {  	[sflag:s30] =	ssyncset.done $0x0  }
0x38: {  	[sflag:s30] =	ssyncadd.s32 $0xFFFFE000  }
0x39: {  	[spmem:s19] =	stream.linear.scatter [tilespmem:s29], [sflag:$0x2], $0x2000, $0x38;
	[tilespmem:$0x188A0] =	vst v63  }
0x3a: {  	_ =	swait.ge [sflag:s30], $0x2000  }
0x3b: {  	[sflag:s30] =	ssyncset.done $0x0  }
0x3c: {  	[sflag:s30] =	ssyncadd.s32 $0xFFFFE000  }
0x3d: {  	[spmem:s20] =	stream.linear.scatter [tilespmem:s29], [sflag:$0x2], $0x2000, $0x38;
	[tilespmem:$0x188A0] =	vst v63  }
0x3e: {  	_ =	swait.ge [sflag:s30], $0x2000  }
0x3f: {  	[sflag:s30] =	ssyncset.done $0x0  }
0x40: {  	[sflag:s30] =	ssyncadd.s32 $0xFFFFE000  }
0x41: {  	[spmem:s21] =	stream.linear.scatter [tilespmem:s29], [sflag:$0x2], $0x2000, $0x38;
	[tilespmem:$0x188A0] =	vst v63  }
0x42: {  	_ =	swait.ge [sflag:s30], $0x2000  }
0x43: {  	[sflag:s30] =	ssyncset.done $0x0  }
0x44: {  	[sflag:s30] =	ssyncadd.s32 $0xFFFFE000  }
0x45: {  	[spmem:s22] =	stream.linear.scatter [tilespmem:s29], [sflag:$0x2], $0x2000, $0x38;
	[tilespmem:$0x188A0] =	vst v63  }
0x46: {  	_ =	swait.ge [sflag:s30], $0x2000  }
0x47: {  	[sflag:s30] =	ssyncset.done $0x0  }
0x48: {  	[sflag:s30] =	ssyncadd.s32 $0xFFFFE000  }
0x49: {  	[spmem:s23] =	stream.linear.scatter [tilespmem:s29], [sflag:$0x2], $0x2000, $0x38;
	[tilespmem:$0x188A0] =	vst v63  }
0x4a: {  	_ =	swait.ge [sflag:s30], $0x2000  }
0x4b: {  	[sflag:s30] =	ssyncset.done $0x0  }
0x4c: {  	[sflag:s30] =	ssyncadd.s32 $0xFFFFE000  }
0x4d: {  	[spmem:s24] =	stream.linear.scatter [tilespmem:s29], [sflag:$0x2], $0x2000, $0x38;
	[tilespmem:$0x188A0] =	vst v63  }
0x4e: {  	_ =	swait.ge [sflag:s30], $0x2000  }
0x4f: {  	[sflag:s30] =	ssyncset.done $0x0  }
0x50: {  	[sflag:s30] =	ssyncadd.s32 $0xFFFFE000  }
0x51: {  	s3 =	sadd.s32 $0x0, s28;
	[bflag:$0x0] =	sbarrier.arrive $0xFFFF  }
0x52: {  	[tilespmem:s1], [sflag:$0x2] =	stream.linear.gather [hbm4b:s3+s1], $0x50, $0x38;
	[tilespmem:$0x188A0] =	vst v63  }
0x53: {  	_ =	swait.ge [sflag:s30], $0x50  }
0x54: {  	[sflag:s30] =	ssyncset.done $0x0  }
0x55: {  	s7 =	sadd.s32 $0x0, s26;
	[sflag:s30] =	ssyncadd.s32 $0xFFFFFFB0  }
0x56: {  	[tilespmem:s31], [sflag:$0x2] =	stream.linear.gather [hbm4b:s7+s1], $0x50, $0x38;
	[tilespmem:$0x188A0] =	vst v63  }
0x57: {  	_ =	swait.ge [sflag:s30], $0x50  }
0x58: {  	[sflag:s30] =	ssyncset.done $0x0  }
0x59: {  	[sflag:s30] =	ssyncadd.s32 $0xFFFFFFB0  }
0x5a: {  	[tilespmem:s10], [sflag:$0x1] =	stream.indirect.gather [hbm4b:s14+s31], $0x80, s1, s31, $0xb8;
	[tilespmem:$0x188A0] =	vst v63  }
0x5b: {  	_ =	swait.ge [sflag:s0], $0x2800  }
0x5c: {  	[sflag:s0] =	ssyncset.done $0x0  }
0x5d: {  	[sflag:s0] =	ssyncadd.s32 $0xFFFFD800  }
0x5e: {  	[spmem:s11] =	stream.indirect.scatter.add.f32 [tilespmem:s10], [sflag:$0x2], $0x80, s31, s31, $0xb8;
	[tilespmem:$0x188A0] =	vst v63  }
0x5f: {  	_ =	swait.ge [sflag:s30], $0x2800  }
0x60: {  	s4 =	simm.s32 $0x14;
	s3 =	simm.s32 $0xA;
	[sflag:s30] =	ssyncset.done $0x0  }
.LBB2_4:
0x61: {  	s5 =	sadd.s32 s3, s28  }
0x62: {  	[sflag:s30] =	ssyncadd.s32 $0xFFFFD800;
	s6 =	smov.u32 s4;
	s7 =	sadd.s32 $0xA, s4  }
0x63: {  	[tilespmem:s1], [sflag:$0x2] =	stream.linear.gather [hbm4b:s5+s1], $0x50, $0x38;
	[tilespmem:$0x188A0] =	vst v63  }
0x64: {  	p0 =	sne.s32 s4, $0x4D8;
	_ =	swait.ge [sflag:s30], $0x50  }
0x65: {  	[sflag:s30] =	ssyncset.done $0x0  }
0x66: {  	s4 =	sadd.s32 s3, s26;
	s3 =	smov.u32 s6;
	[sflag:s30] =	ssyncadd.s32 $0xFFFFFFB0  }
0x67: {  	[tilespmem:s31], [sflag:$0x2] =	stream.linear.gather [hbm4b:s4+s1], $0x50, $0x38;
	[tilespmem:$0x188A0] =	vst v63  }
0x68: {  	_ =	swait.ge [sflag:s30], $0x50  }
0x69: {  	[sflag:s30] =	ssyncset.done $0x0  }
0x6a: {  	[sflag:s30] =	ssyncadd.s32 $0xFFFFFFB0  }
0x6b: {  	[tilespmem:s10], [sflag:$0x1] =	stream.indirect.gather [hbm4b:s14+s31], $0x80, s1, s31, $0xb8;
	[tilespmem:$0x188A0] =	vst v63  }
0x6c: {  	_ =	swait.ge [sflag:s0], $0x2800  }
.Ltmp1:
0x6d: {  	[sflag:s0] =	ssyncset.done $0x0;
	(pc) =	sbr.rel @p0 .LBB2_4-.Ltmp1, $4  }
0x6e: {  	[sflag:s0] =	ssyncadd.s32 $0xFFFFD800  }
0x6f: {  	[spmem:s11] =	stream.indirect.scatter.add.f32 [tilespmem:s10], [sflag:$0x2], $0x80, s31, s31, $0xb8;
	[tilespmem:$0x188A0] =	vst v63  }
0x70: {  	_ =	swait.ge [sflag:s30], $0x2800  }
0x71: {  	s4 =	smov.u32 s7;
	[sflag:s30] =	ssyncset.done $0x0  }
0x72: {  	s4 =	sadd.s32 s3, s28;
	[sflag:s30] =	ssyncadd.s32 $0xFFFFD800  }
0x73: {  	[tilespmem:s1], [sflag:$0x2] =	stream.linear.gather [hbm4b:s4+s1], $0x50, $0x38;
	[tilespmem:$0x188A0] =	vst v63  }
0x74: {  	_ =	swait.ge [sflag:s30], $0x50  }
0x75: {  	[sflag:s30] =	ssyncset.done $0x0  }
0x76: {  	s5 =	sadd.s32 s3, s26;
	[sflag:s30] =	ssyncadd.s32 $0xFFFFFFB0  }
0x77: {  	[tilespmem:s31], [sflag:$0x2] =	stream.linear.gather [hbm4b:s5+s1], $0x50, $0x38;
	[tilespmem:$0x188A0] =	vst v63  }
0x78: {  	_ =	swait.ge [sflag:s30], $0x50  }
0x79: {  	[sflag:s30] =	ssyncset.done $0x0  }
0x7a: {  	[sflag:s30] =	ssyncadd.s32 $0xFFFFFFB0  }
0x7b: {  	[tilespmem:s10], [sflag:$0x1] =	stream.indirect.gather [hbm4b:s14+s31], $0x80, s1, s31, $0xb8;
	[tilespmem:$0x188A0] =	vst v63  }
0x7c: {  	_ =	swait.ge [sflag:s0], $0x2800  }
0x7d: {  	[sflag:s0] =	ssyncset.done $0x0  }
0x7e: {  	[sflag:s0] =	ssyncadd.s32 $0xFFFFD800  }
0x7f: {  	[spmem:s11] =	stream.indirect.scatter.add.f32 [tilespmem:s10], [sflag:$0x2], $0x80, s31, s31, $0xb8;
	[tilespmem:$0x188A0] =	vst v63  }
0x80: {  	_ =	swait.ge [sflag:s30], $0x2800  }
0x81: {  	[sflag:s30] =	ssyncset.done $0x0  }
0x82: {  	[sflag:s30] =	ssyncadd.s32 $0xFFFFD800  }
0x83: {  	[bflag:$0x0] =	sbarrier.arrive $0xFFFF  }
0x84: {  	[tilespmem:s29], [sflag:$0x2] =	stream.linear.gather [spmem:s15], $0x2000, $0x38;
	[tilespmem:$0x188A0] =	vst v63  }
0x85: {  	_ =	swait.ge [sflag:s30], $0x2000  }
0x86: {  	[sflag:s30] =	ssyncset.done $0x0  }
0x87: {  	s6 =	rddreg [dreg:$0x3];
	[sflag:s30] =	ssyncadd.s32 $0xFFFFE000  }
0x88: {  	[hbm4b:s6+s1] =	stream.linear.scatter [tilespmem:s29], [sflag:$0x2], $0x2000, $0x38;
	[tilespmem:$0x188A0] =	vst v63  }
0x89: {  	_ =	swait.ge [sflag:s30], $0x2000  }
0x8a: {  	[sflag:s30] =	ssyncset.done $0x0  }
0x8b: {  	[sflag:s30] =	ssyncadd.s32 $0xFFFFE000  }
0x8c: {  	[tilespmem:s29], [sflag:$0x2] =	stream.linear.gather [spmem:s16], $0x2000, $0x38;
	[tilespmem:$0x188A0] =	vst v63  }
0x8d: {  	_ =	swait.ge [sflag:s30], $0x2000  }
0x8e: {  	[sflag:s30] =	ssyncset.done $0x0  }
0x8f: {  	s7 =	rddreg [dreg:$0x4];
	[sflag:s30] =	ssyncadd.s32 $0xFFFFE000  }
0x90: {  	[hbm4b:s7+s1] =	stream.linear.scatter [tilespmem:s29], [sflag:$0x2], $0x2000, $0x38;
	[tilespmem:$0x188A0] =	vst v63  }
0x91: {  	_ =	swait.ge [sflag:s30], $0x2000  }
0x92: {  	[sflag:s30] =	ssyncset.done $0x0  }
0x93: {  	[sflag:s30] =	ssyncadd.s32 $0xFFFFE000  }
0x94: {  	[tilespmem:s29], [sflag:$0x2] =	stream.linear.gather [spmem:s17], $0x2000, $0x38;
	[tilespmem:$0x188A0] =	vst v63  }
0x95: {  	_ =	swait.ge [sflag:s30], $0x2000  }
0x96: {  	[sflag:s30] =	ssyncset.done $0x0  }
0x97: {  	s4 =	rddreg [dreg:$0x5];
	[sflag:s30] =	ssyncadd.s32 $0xFFFFE000  }
0x98: {  	[hbm4b:s4+s1] =	stream.linear.scatter [tilespmem:s29], [sflag:$0x2], $0x2000, $0x38;
	[tilespmem:$0x188A0] =	vst v63  }
0x99: {  	_ =	swait.ge [sflag:s30], $0x2000  }
0x9a: {  	[sflag:s30] =	ssyncset.done $0x0  }
0x9b: {  	[sflag:s30] =	ssyncadd.s32 $0xFFFFE000  }
0x9c: {  	[tilespmem:s29], [sflag:$0x2] =	stream.linear.gather [spmem:s18], $0x2000, $0x38;
	[tilespmem:$0x188A0] =	vst v63  }
0x9d: {  	_ =	swait.ge [sflag:s30], $0x2000  }
0x9e: {  	[sflag:s30] =	ssyncset.done $0x0  }
0x9f: {  	s5 =	rddreg [dreg:$0x6];
	[sflag:s30] =	ssyncadd.s32 $0xFFFFE000  }
0xa0: {  	[hbm4b:s5+s1] =	stream.linear.scatter [tilespmem:s29], [sflag:$0x2], $0x2000, $0x38;
	[tilespmem:$0x188A0] =	vst v63  }
0xa1: {  	_ =	swait.ge [sflag:s30], $0x2000  }
0xa2: {  	[sflag:s30] =	ssyncset.done $0x0  }
0xa3: {  	[sflag:s30] =	ssyncadd.s32 $0xFFFFE000  }
0xa4: {  	[tilespmem:s29], [sflag:$0x2] =	stream.linear.gather [spmem:s19], $0x2000, $0x38;
	[tilespmem:$0x188A0] =	vst v63  }
0xa5: {  	_ =	swait.ge [sflag:s30], $0x2000  }
0xa6: {  	[sflag:s30] =	ssyncset.done $0x0  }
0xa7: {  	s6 =	rddreg [dreg:$0x7];
	[sflag:s30] =	ssyncadd.s32 $0xFFFFE000  }
0xa8: {  	[hbm4b:s6+s1] =	stream.linear.scatter [tilespmem:s29], [sflag:$0x2], $0x2000, $0x38;
	[tilespmem:$0x188A0] =	vst v63  }
0xa9: {  	_ =	swait.ge [sflag:s30], $0x2000  }
0xaa: {  	[sflag:s30] =	ssyncset.done $0x0  }
0xab: {  	[sflag:s30] =	ssyncadd.s32 $0xFFFFE000  }
0xac: {  	[tilespmem:s29], [sflag:$0x2] =	stream.linear.gather [spmem:s20], $0x2000, $0x38;
	[tilespmem:$0x188A0] =	vst v63  }
0xad: {  	_ =	swait.ge [sflag:s30], $0x2000  }
0xae: {  	[sflag:s30] =	ssyncset.done $0x0  }
0xaf: {  	s7 =	rddreg [dreg:$0x8];
	[sflag:s30] =	ssyncadd.s32 $0xFFFFE000  }
0xb0: {  	[hbm4b:s7+s1] =	stream.linear.scatter [tilespmem:s29], [sflag:$0x2], $0x2000, $0x38;
	[tilespmem:$0x188A0] =	vst v63  }
0xb1: {  	_ =	swait.ge [sflag:s30], $0x2000  }
0xb2: {  	[sflag:s30] =	ssyncset.done $0x0  }
0xb3: {  	[sflag:s30] =	ssyncadd.s32 $0xFFFFE000  }
0xb4: {  	[tilespmem:s29], [sflag:$0x2] =	stream.linear.gather [spmem:s21], $0x2000, $0x38;
	[tilespmem:$0x188A0] =	vst v63  }
0xb5: {  	_ =	swait.ge [sflag:s30], $0x2000  }
0xb6: {  	[sflag:s30] =	ssyncset.done $0x0  }
0xb7: {  	[sflag:s30] =	ssyncadd.s32 $0xFFFFE000  }
0xb8: {  	[hbm4b:s8+s1] =	stream.linear.scatter [tilespmem:s29], [sflag:$0x2], $0x2000, $0x38;
	[tilespmem:$0x188A0] =	vst v63  }
0xb9: {  	_ =	swait.ge [sflag:s30], $0x2000  }
0xba: {  	[sflag:s30] =	ssyncset.done $0x0  }
0xbb: {  	[sflag:s30] =	ssyncadd.s32 $0xFFFFE000  }
0xbc: {  	[tilespmem:s29], [sflag:$0x2] =	stream.linear.gather [spmem:s22], $0x2000, $0x38;
	[tilespmem:$0x188A0] =	vst v63  }
0xbd: {  	_ =	swait.ge [sflag:s30], $0x2000  }
0xbe: {  	[sflag:s30] =	ssyncset.done $0x0  }
0xbf: {  	[sflag:s30] =	ssyncadd.s32 $0xFFFFE000  }
0xc0: {  	[hbm4b:s9+s1] =	stream.linear.scatter [tilespmem:s29], [sflag:$0x2], $0x2000, $0x38;
	[tilespmem:$0x188A0] =	vst v63  }
0xc1: {  	_ =	swait.ge [sflag:s30], $0x2000  }
0xc2: {  	[sflag:s30] =	ssyncset.done $0x0  }
0xc3: {  	[sflag:s30] =	ssyncadd.s32 $0xFFFFE000  }
0xc4: {  	[tilespmem:s29], [sflag:$0x2] =	stream.linear.gather [spmem:s23], $0x2000, $0x38;
	[tilespmem:$0x188A0] =	vst v63  }
0xc5: {  	_ =	swait.ge [sflag:s30], $0x2000  }
0xc6: {  	[sflag:s30] =	ssyncset.done $0x0  }
0xc7: {  	[sflag:s30] =	ssyncadd.s32 $0xFFFFE000  }
0xc8: {  	[hbm4b:s12+s1] =	stream.linear.scatter [tilespmem:s29], [sflag:$0x2], $0x2000, $0x38;
	[tilespmem:$0x188A0] =	vst v63  }
0xc9: {  	_ =	swait.ge [sflag:s30], $0x2000  }
0xca: {  	[sflag:s30] =	ssyncset.done $0x0  }
0xcb: {  	[sflag:s30] =	ssyncadd.s32 $0xFFFFE000  }
0xcc: {  	[tilespmem:s29], [sflag:$0x2] =	stream.linear.gather [spmem:s24], $0x2000, $0x38;
	[tilespmem:$0x188A0] =	vst v63  }
0xcd: {  	s2 =	sadd.s32 $0x1, s2;
	_ =	swait.ge [sflag:s30], $0x2000  }
0xce: {  	p0 =	sne.s32 s2, s25;
	[sflag:s30] =	ssyncset.done $0x0  }
.Ltmp2:
0xcf: {  	[sflag:s30] =	ssyncadd.s32 $0xFFFFE000;
	(pc) =	sbr.rel @p0 .LBB2_1-.Ltmp2, $4  }
0xd0: {  	[hbm4b:s13+s1] =	stream.linear.scatter [tilespmem:s29], [sflag:$0x2], $0x2000, $0x38;
	[tilespmem:$0x188A0] =	vst v63  }
0xd1: {  	_ =	swait.ge [sflag:s30], $0x2000  }
0xd2: {  	[sflag:s30] =	ssyncset.done $0x0  }
0xd3: {  	[sflag:s30] =	ssyncadd.s32 $0xFFFFE000  }
0xd4: {  	_ =	sfence.sel $0x180000  }
0xd5: {  	[bflag:$0x0] =	sbarrier.arrive $0xFFFF  }
0xd6: {  	_ =	strace $0x9000004D  }
0xd7: {  	s0 =	stileid.u32;
	[bflag:$0x2] =	sbarrier.arrive $0xFFFF  }
0xd8: {  	p0 =	sne.s32 s0, $0x0;
	s0 =	rddreg [dreg:$0x2]  }
0xd9: {  	s0 =	sadd.s32 @!p0 $0x100000, s0  }
0xda: {  	[sflag:s0] =	ssyncadd.tile.s32 @!p0 $0x1;
	_ =	shalt  }
.Lfunc_end2:
_tile_overlayer_lowered:
.L_overlay_start_2:
0xdb: {  	(tag) =	ssettag $0x2  }
0xdc: {  	s0 =	rddreg [dreg:$0x0];
	s2 =	stileid.u32  }
0xdd: {  	s1 =	rddreg [dreg:$0x1];
	p0 =	sne.s32 s2, $0x0  }
0xde: {  	s3 =	rddreg [dreg:$0x2];
	[bflag:$0x3] =	sbarrier.arrive $0xFFFF;
	s2 =	simm.s32 @!p0 $0x1C02  }
0xdf: {  	[timem:s3], [sflag:s2] =	dma.local @!p0 [hbm:s0], s1  }
0xe0: {  	s0 =	simm.s32 @!p0 $0x2  }
0xe1: {  	_ =	swait.ge @!p0 [sflag:s0], s1  }
0xe2: {  	s1 =	ssub.s32 @!p0 $0x0, s1;
	[sflag:s0] =	ssyncset.done @!p0 $0x0  }
0xe3: {  	[sflag:s0] =	ssyncadd.s32 @!p0 s1  }
0xe4: {  	[bflag:$0x3] =	sbarrier.arrive $0xFFFF  }
0xe5: {  	_ =	shalt  }

// kernel: kernel.9.cloned.1.call-start
scs
__scs_entry_jumppad:
0x0: {  	(pc) =	sbr.rel $0x88, $3  }
0x1: {  	(tag) =	ssettag $0x0;
	lr =	simm.s32 $0x1  }
0x2: {  	[smem:$0x3F99] =	sst lr;
	_ =	strace $0xD0000000  }
0x3: {  	_ = 	snop  }
0x4: {  	_ = 	snop  }
0x5: {  	_ = 	snop  }
0x6: {  	_ = 	snop  }
0x7: {  	_ = 	snop  }
__scs_overlays_trampoline_lowered:
0x8: {  	[smem:$0x3FA8] =	sst s0  }
0x9: {  	[smem:$0x3FA9] =	sst s1  }
0xa: {  	[smem:$0x3FAA] =	sst s2  }
0xb: {  	[smem:$0x3FAB] =	sst s3  }
0xc: {  	[smem:$0x3FAC] =	sst s4  }
0xd: {  	[smem:$0x3FAD] =	sst s5  }
0xe: {  	[smem:$0x3FAE] =	sst s6  }
0xf: {  	[smem:$0x3FAF] =	sst s7  }
0x10: {  	[smem:$0x3FB0] =	sst s8  }
0x11: {  	[smem:$0x3FB1] =	sst s9;
	s0 =	simm.s32 @!p0 $0x0  }
0x12: {  	s1 =	sld [smem:$0x3F97];
	s0 =	simm.s32 @p0 $0x1  }
0x13: {  	[smem:$0x3FB2] =	sst s0;
	s0 =	simm.s32 @!p1 $0x0  }
0x14: {  	s2 =	sld [smem:$0x3F96];
	s0 =	simm.s32 @p1 $0x1  }
0x15: {  	[smem:$0x3FB3] =	sst s0;
	s0 =	simm.s32 @!p2 $0x0  }
0x16: {  	s3 =	sld [smem:$0x3FDB];
	s0 =	simm.s32 @p2 $0x1  }
0x17: {  	s4 =	simm.s32 $0x1BF5;
	[smem:$0x3FB5] =	sst s0  }
0x18: {  	s0 =	sld [smem:$0x3F98];
	_ =	swait.ge [sflag:s4], $0x0  }
0x19: {  	s7 =	sld [smem:$0x3F99]  }
0x1a: {  	s8 =	sadd.s32 $0xFFFFE003, lr  }
0x1b: {  	s9 =	sadd.s32 $0xFFFFFEF7, lr;
	s5 =	simm.s32 $0xFFFFFFFF;
	p2 =	slt.u32 s8, $0xFFFFF086  }
0x1c: {  	p1 =	slt.u32 s9, $0xF7A;
	s5 =	simm.s32 @!p2 $0x0  }
0x1d: {  	s5 =	simm.s32 @p1 $0x1;
	p0 =	seq.s32 s7, s2  }
0x1e: {  	s7 =	smul.u32 @!p0 $0xF7A, s2;
	p2 =	seq.s32 @!p0 s5, $0x0  }
0x1f: {  	s9 =	smul.u32 $0xF7A, s1;
	s8 =	simm.s32 @!p0 $0x1BF5;
	p2 =	por !p2, p0  }
0x20: {  	[sflag:s8] =	ssyncset.s32 @!p0 $0xFFFFF086;
	s6 =	sadd.s32 @!p0 s3, s7;
	s7 =	simm.s32 @!p0 $0x108  }
0x21: {  	s3 =	sadd.s32 s3, s9;
	s6 =	sadd.s32 @!p0 $0x88, s6;
	s7 =	simm.s32 @p2 $0x1082  }
0x22: {  	[simem:s7], [sflag:s8] =	dma.local @!p0 [hbm:s6], $0xF7A  }
0x23: {  	s9 =	sor.u32 $0xD0000000, s2;
	s6 =	simm.s32 $0x108;
	_ =	swait.ge @!p0 [sflag:s8], $0x0  }
0x24: {  	s3 =	sadd.s32 $0x88, s3;
	s6 =	simm.s32 @!p1 $0x1082;
	[sflag:s4] =	ssyncset.s32 $0xFFFFF086  }
0x25: {  	[simem:s6], [sflag:s4] =	dma.local [hbm:s3], $0xF7A  }
0x26: {  	[smem:$0x3F99] =	sst s1;
	(tag) =	ssettag s2;
	_ =	strace s9  }
0x27: {  	s1 =	sld [smem:$0x3FA9]  }
0x28: {  	s2 =	sld [smem:$0x3FAA]  }
0x29: {  	s4 =	sld [smem:$0x3FAC]  }
0x2a: {  	p0 =	seq.s32 s5, $0x0;
	s5 =	sld [smem:$0x3FAD]  }
0x2b: {  	s6 =	sld [smem:$0x3FAE]  }
0x2c: {  	s7 =	sld [smem:$0x3FAF]  }
0x2d: {  	s3 =	simm.s32 $0x108;
	s8 =	sld [smem:$0x3FB0]  }
0x2e: {  	s3 =	simm.s32 @!p0 $0x1082;
	s9 =	sld [smem:$0x3FB1]  }
0x2f: {  	lr =	sadd.s32 s0, s3;
	s0 =	sld [smem:$0x3FA8]  }
0x30: {  	s3 =	sld [smem:$0x3FAB]  }
0x31: {  	[smem:$0x3FB4] =	sst s10  }
0x32: {  	s10 =	sld [smem:$0x3FB2];
	_ =	sdelay $0x3  }
0x33: {  	p0 =	seq.s32 s10, $0x1;
	s10 =	sld [smem:$0x3FB4];
	_ =	sdelay $0x3  }
0x34: {  	[smem:$0x3FB4] =	sst s10  }
0x35: {  	s10 =	sld [smem:$0x3FB3];
	_ =	sdelay $0x3  }
0x36: {  	p1 =	seq.s32 s10, $0x1;
	s10 =	sld [smem:$0x3FB4];
	_ =	sdelay $0x3  }
0x37: {  	[smem:$0x3FB4] =	sst s10  }
0x38: {  	s10 =	sld [smem:$0x3FB5]  }
0x39: {  	_ = 	snop;
	(pc) =	sbr.ind lr, $3  }
0x3a: {  	_ = 	snop  }
0x3b: {  	_ = 	snop  }
0x3c: {  	p2 =	seq.s32 s10, $0x1;
	s10 =	sld [smem:$0x3FB4]  }
0x3d: {  	_ =	shalt  }
0x3e: {  	_ =	shalt  }
0x3f: {  	_ =	shalt  }
0x40: {  	_ =	shalt  }
0x41: {  	_ =	shalt  }
0x42: {  	_ =	shalt  }
0x43: {  	_ =	shalt  }
0x44: {  	_ =	shalt  }
0x45: {  	_ =	shalt  }
0x46: {  	_ =	shalt  }
0x47: {  	_ =	shalt  }
0x48: {  	_ =	shalt  }
0x49: {  	_ =	shalt  }
0x4a: {  	_ =	shalt  }
0x4b: {  	_ =	shalt  }
0x4c: {  	_ =	shalt  }
0x4d: {  	_ =	shalt  }
0x4e: {  	_ =	shalt  }
0x4f: {  	_ =	shalt  }
0x50: {  	_ =	shalt  }
0x51: {  	_ =	shalt  }
0x52: {  	_ =	shalt  }
0x53: {  	_ =	shalt  }
0x54: {  	_ =	shalt  }
0x55: {  	_ =	shalt  }
0x56: {  	_ =	shalt  }
0x57: {  	_ =	shalt  }
0x58: {  	_ =	shalt  }
0x59: {  	_ =	shalt  }
0x5a: {  	_ =	shalt  }
0x5b: {  	_ =	shalt  }
0x5c: {  	_ =	shalt  }
0x5d: {  	_ =	shalt  }
0x5e: {  	_ =	shalt  }
0x5f: {  	_ =	shalt  }
0x60: {  	_ =	shalt  }
0x61: {  	_ =	shalt  }
0x62: {  	_ =	shalt  }
0x63: {  	_ =	shalt  }
0x64: {  	_ =	shalt  }
0x65: {  	_ =	shalt  }
0x66: {  	_ =	shalt  }
0x67: {  	_ =	shalt  }
0x68: {  	_ =	shalt  }
0x69: {  	_ =	shalt  }
0x6a: {  	_ =	shalt  }
0x6b: {  	_ =	shalt  }
0x6c: {  	_ =	shalt  }
0x6d: {  	_ =	shalt  }
0x6e: {  	_ =	shalt  }
0x6f: {  	_ =	shalt  }
0x70: {  	_ =	shalt  }
0x71: {  	_ =	shalt  }
0x72: {  	_ =	shalt  }
0x73: {  	_ =	shalt  }
0x74: {  	_ =	shalt  }
0x75: {  	_ =	shalt  }
0x76: {  	_ =	shalt  }
0x77: {  	_ =	shalt  }
0x78: {  	_ =	shalt  }
0x79: {  	_ =	shalt  }
0x7a: {  	_ =	shalt  }
0x7b: {  	_ =	shalt  }
0x7c: {  	_ =	shalt  }
0x7d: {  	_ =	shalt  }
0x7e: {  	_ =	shalt  }
0x7f: {  	_ =	shalt  }
0x80: {  	_ =	shalt  }
0x81: {  	_ =	shalt  }
0x82: {  	_ =	shalt  }
0x83: {  	_ =	shalt  }
0x84: {  	_ =	shalt  }
0x85: {  	_ =	shalt  }
0x86: {  	_ =	shalt  }
0x87: {  	_ =	shalt  }
.Lfunc_end0:
.L_simem_size_0:
called_computation_lowered:
.L_overlay_start_0:
0x88: {  	s2 =	sld [smem:$0x3FD9]  }
0x89: {  	s3 =	sld [smem:$0x3FFE];
	_ =	sdelay $0x1  }
0x8a: {  	s1 =	srdreg.scid  }
0x8b: {  	s0 =	sand.u32 $0x1, s1  }
0x8c: {  	s17 =	sshll.u32 s0, $0xA;
	s2 =	sadd.s32 s3, s2  }
0x8d: {  	s2 =	sadd.s32 s2, s17  }
0x8e: {  	[smem:$0x3FC0] =	sst s2  }
0x8f: {  	_ = 	snop  }
0x90: {  	s2 =	sld [smem:$0x3FD0];
	(tm) =	ssettm $0x1  }
0x91: {  	s18 =	sld [smem:$0x3FFB];
	_ =	sdelay $0x3  }
0x92: {  	_ =	strace s18  }
0x93: {  	s3 =	sld [smem:$0x3FFC];
	_ =	sdelay $0x3  }
0x94: {  	_ =	strace s3  }
0x95: {  	s3 =	sld [smem:$0x3FFD];
	_ =	sdelay $0x3  }
0x96: {  	_ =	strace s3  }
0x97: {  	_ =	strace $0x8FFFFFFF  }
0x98: {  	s19 =	sld [smem:$0x3FDB];
	_ =	sdelay $0x1  }
0x99: {  	s4 =	simm.s32 $_scs_section_size  }
0x9a: {  	s5 =	simm.s32 $_size__tile_overlayer_lowered;
	s6 =	simm.s32 $_tile_overlayer_lowered  }
0x9b: {  	s22 =	simm.s32 $0x1BFF;
	s21 =	sshll.u32 s6, $0x1;
	s3 =	sadd.s32 s4, s19  }
0x9c: {  	s7 =	simm.s32 $0x0;
	s20 =	sshll.u32 s5, $0x1;
	s5 =	sadd.s32 s21, s3  }
0x9d: {  	[timem:s7], [sflag:s22] =	dma.local [hbm:s5], s20  }
0x9e: {  	_ =	swait.ge [sflag:s22], s20  }
0x9f: {  	s4 =	ssub.s32 $0x0, s20;
	[sflag:s22] =	ssyncset.done $0x0  }
0xa0: {  	[sflag:s22] =	ssyncadd.s32 s4;
	_ =	sdelay $0x1  }
0xa1: {  	s23 =	simm.s32 $0x1B8B  }
0xa2: {  	_ =	swait.ge [sflag:s23], $0x1  }
0xa3: {  	[sflag:s23] =	ssyncset.done $0x0  }
0xa4: {  	s25 =	simm.s32 $0x1B8E;
	s24 =	sld [smem:$0x3FFE];
	[sflag:s23] =	ssyncadd.s32 $0xFFFFFFFF  }
0xa5: {  	s26 =	simm.s32 $execute0_lowered;
	[smem:$0x3FD2] =	sst s25  }
0xa6: {  	s5 =	sshll.u32 s26, $0x1;
	_ =	strace $0x80000046;
	[dreg:$0x1] =	wrdreg $0xFFFFFFFF  }
0xa7: {  	s28 =	simm.s32 $_size_execute0_lowered;
	s3 =	sadd.s32 s3, s5;
	[dreg:$0x0] =	wrdreg $0x0  }
0xa8: {  	s5 =	sshll.u32 s28, $0x1;
	[dreg:$0x2] =	wrdreg s3  }
0xa9: {  	[dreg:$0x3] =	wrdreg s5  }
0xaa: {  	[dreg:$0x4] =	wrdreg $0xC0  }
0xab: {  	_ =	task [dreg:s7], $0x5FFFF  }
0xac: {  	[dreg:$0x1] =	wrdreg $0xFFFFFFFF  }
0xad: {  	[dreg:$0x0] =	wrdreg $0x60  }
0xae: {  	[dreg:$0x2] =	wrdreg s24  }
0xaf: {  	[dreg:$0x3] =	wrdreg s2  }
0xb0: {  	[dreg:$0x4] =	wrdreg $0x48A00  }
0xb1: {  	[dreg:$0x5] =	wrdreg $0x191A00  }
0xb2: {  	[dreg:$0x6] =	wrdreg $0x9  }
0xb3: {  	_ =	task.clear_ibuf [dreg:s7], $0x7FFFF;
	_ =	strace $0x90000046  }
0xb4: {  	s29 =	simm.s32 $0x9;
	_ =	strace $0x80000048  }
0xb5: {  	_ =	swait.ge [sflag:s29], $0x1  }
0xb6: {  	[sflag:s29] =	ssyncadd.s32 $0xFFFFFFFF  }
0xb7: {  	_ =	strace $0x90000048  }
0xb8: {  	_ =	sfence  }
0xb9: {  	s30 =	sld [smem:$0x0];
	_ =	sdelay $0x2  }
0xba: {  	s31 =	sshll.u32 s1, $0xD;
	s1 =	sshrl.u32 s1, $0x2  }
0xbb: {  	s3 =	sand.u32 $0x4000, s31;
	s1 =	sadd.s32 s1, s30  }
0xbc: {  	s0 =	sor.u32 s3, s0;
	s1 =	sshll.u32 s1, $0x11  }
0xbd: {  	s0 =	sor.u32 s1, s0  }
0xbe: {  	s0 =	sadd.s32 $0x8F2B, s0  }
0xbf: {  	[sflag:s0] =	ssyncadd.remote.s32 $0x1  }
0xc0: {  	_ =	sfence.sel $0xFFFF  }
0xc1: {  	[dreg:$0x0] =	wrdreg $0xFFFFFFFF;
	(pc) =	sbr.abs _section_cstart, $3  }
0xc2: {  	[dreg:$0x1] =	wrdreg $0xFFFFFFFF  }
0xc3: {  	_ =	task.clear_ibuf [dreg:s7], $0x2FFFF;
	_ =	strace $0x9FFFFFFF  }
0xc4: {  	(tm) =	ssettm $0x7FFFFFFF  }
0xc5: {  	_ =	shalt  }
tec
execute0_lowered:
.L_overlay_start_1:
0x0: {  	(tag) =	ssettag $0x1  }
0x1: {  	s28 =	stileid.u32  }
0x2: {  	s0 =	srdreg.scid;
	s2 =	smul.u32 $0x2710, s28  }
0x3: {  	s12 =	sand.u32 $0x1, s0;
	s8 =	smul.u32 $0x280, s28  }
0x4: {  	s1 =	smul.u32 $0x27100, s12  }
0x5: {  	s0 =	rddreg [dreg:$0x0];
	s20 =	smul.u32 $0x140000, s12  }
0x6: {  	s3 =	ssub.s32 $0x2, s12;
	s11 =	sadd.s32 $0x3DE00, s0;
	s12 =	smul.u32 $0x28000, s12  }
0x7: {  	s4 =	sshrl.u32 s3, $0x1;
	s14 =	sor.u32 $0x40, s8;
	s16 =	sadd.s32 $0x80, s8  }
0x8: {  	s17 =	sadd.s32 $0xC0, s8;
	s18 =	sadd.s32 $0x100, s8;
	s19 =	sadd.s32 $0x140, s8  }
0x9: {  	s21 =	sadd.s32 $0x180, s8;
	s22 =	sadd.s32 $0x1C0, s8;
	s23 =	sadd.s32 $0x200, s8  }
0xa: {  	s24 =	sadd.s32 $0x240, s8;
	s1 =	sadd.s32 s2, s1;
	s15 =	ssub.s32 s3, s4  }
0xb: {  	s2 =	smul.u32 $0x14000, s28;
	s4 =	sshll.u32 s14, $0x7;
	s3 =	sshll.u32 s16, $0x7  }
0xc: {  	s7 =	sshll.u32 s17, $0x7;
	s6 =	sshll.u32 s18, $0x7;
	s5 =	sshll.u32 s19, $0x7  }
0xd: {  	s14 =	sshll.u32 s14, $0x4;
	s16 =	sshll.u32 s16, $0x4;
	s17 =	sshll.u32 s17, $0x4  }
0xe: {  	s18 =	sshll.u32 s18, $0x4;
	s19 =	sshll.u32 s19, $0x4;
	s9 =	sadd.s32 s2, s20  }
0xf: {  	s10 =	sadd.s32 s20, s4;
	s13 =	sadd.s32 s20, s3;
	s9 =	sshrl.u32 s9, $0x3  }
0x10: {  	s30 =	sadd.s32 s20, s6;
	s31 =	sadd.s32 s20, s5;
	s8 =	sadd.s32 s11, s9  }
0x11: {  	s29 =	sadd.s32 s12, s18;
	s9 =	sshrl.u32 s13, $0x3;
	[dreg:$0x5] =	wrdreg s8  }
0x12: {  	s8 =	sshrl.u32 s10, $0x3;
	s10 =	sadd.s32 s20, s7;
	s25 =	sadd.s32 s11, s9  }
0x13: {  	s9 =	sshrl.u32 s30, $0x3;
	s8 =	sadd.s32 s11, s8;
	[dreg:$0x7] =	wrdreg s25  }
0x14: {  	s26 =	sshrl.u32 s10, $0x3;
	s9 =	sadd.s32 s11, s9;
	[dreg:$0x6] =	wrdreg s8  }
0x15: {  	s10 =	sshrl.u32 s31, $0x3;
	s8 =	sadd.s32 s11, s26;
	[dreg:$0x9] =	wrdreg s9  }
0x16: {  	s31 =	sadd.s32 s12, s14;
	[dreg:$0x8] =	wrdreg s8;
	s8 =	sshll.u32 s21, $0x7  }
0x17: {  	s9 =	sadd.s32 s11, s10;
	s10 =	sshll.u32 s23, $0x7;
	s13 =	sadd.s32 s20, s8  }
0x18: {  	s23 =	sshll.u32 s23, $0x4;
	[dreg:$0xa] =	wrdreg s9;
	s13 =	sshrl.u32 s13, $0x3  }
0x19: {  	s9 =	sshll.u32 s22, $0x7;
	s26 =	sadd.s32 s20, s10;
	s25 =	sadd.s32 s11, s13  }
0x1a: {  	s13 =	sshll.u32 s24, $0x7;
	[dreg:$0xb] =	wrdreg s25;
	s25 =	sadd.s32 s20, s9  }
0x1b: {  	s21 =	sshll.u32 s21, $0x4;
	s20 =	sadd.s32 s20, s13;
	s25 =	sshrl.u32 s25, $0x3  }
0x1c: {  	s26 =	sshrl.u32 s26, $0x3;
	s20 =	sshrl.u32 s20, $0x3;
	s25 =	sadd.s32 s11, s25  }
0x1d: {  	[dreg:$0xc] =	wrdreg s25;
	s25 =	sadd.s32 s11, s26;
	s26 =	smul.u32 $0x2800, s28  }
0x1e: {  	s11 =	sadd.s32 s11, s20;
	s28 =	sshll.u32 s22, $0x4;
	[dreg:$0xd] =	wrdreg s25  }
0x1f: {  	s22 =	sshrl.u32 s31, $0x3;
	[dreg:$0xe] =	wrdreg s11;
	s30 =	sadd.s32 s26, s12  }
0x20: {  	s31 =	sadd.s32 s12, s17;
	s25 =	rddreg [dreg:$0x1];
	s20 =	sshrl.u32 s30, $0x3  }
0x21: {  	s11 =	simm.s32 $0x0;
	s30 =	sadd.s32 s12, s16;
	s20 =	sadd.s32 s25, s20  }
0x22: {  	[dreg:$0xf] =	wrdreg s20;
	s20 =	sadd.s32 s25, s22;
	s22 =	sshrl.u32 s31, $0x3  }
0x23: {  	[dreg:$0x10] =	wrdreg s20;
	s20 =	sshrl.u32 s30, $0x3;
	s30 =	sadd.s32 s25, s22  }
0x24: {  	s31 =	sshrl.u32 s29, $0x3;
	s20 =	sadd.s32 s25, s20;
	[dreg:$0x12] =	wrdreg s30  }
0x25: {  	s22 =	sadd.s32 s12, s19;
	[dreg:$0x11] =	wrdreg s20;
	s20 =	sadd.s32 s25, s31  }
0x26: {  	s30 =	sadd.s32 s12, s21;
	[dreg:$0x13] =	wrdreg s20;
	s20 =	sshrl.u32 s22, $0x3  }
0x27: {  	[smem:$0x7FF] =	sst s11;
	s22 =	sshrl.u32 s30, $0x3;
	s20 =	sadd.s32 s25, s20  }
0x28: {  	s29 =	sadd.s32 s12, s28;
	s31 =	sadd.s32 s25, s22;
	[dreg:$0x14] =	wrdreg s20  }
0x29: {  	s24 =	sshll.u32 s24, $0x4;
	s22 =	sshrl.u32 s29, $0x3;
	[dreg:$0x15] =	wrdreg s31  }
0x2a: {  	s30 =	sadd.s32 s12, s23;
	s20 =	sadd.s32 s25, s22;
	s22 =	rddreg [dreg:$0x3]  }
0x2b: {  	s12 =	sadd.s32 s12, s24;
	s29 =	sshrl.u32 s30, $0x3;
	[dreg:$0x16] =	wrdreg s20  }
0x2c: {  	s12 =	sshrl.u32 s12, $0x3;
	s29 =	sadd.s32 s25, s29;
	s20 =	rddreg [dreg:$0x2]  }
0x2d: {  	s12 =	sadd.s32 s25, s12;
	[dreg:$0x17] =	wrdreg s29  }
0x2e: {  	s1 =	sshrl.u32 s1, $0x3;
	s25 =	sadd.s32 $0x15E00, s0;
	[dreg:$0x18] =	wrdreg s12  }
0x2f: {  	s29 =	sadd.s32 s1, s0;
	s31 =	sadd.s32 s26, s22;
	s26 =	sadd.s32 s17, s22  }
0x30: {  	_ =	strace $0x80000047;
	s1 =	sadd.s32 s2, s20;
	[dreg:$0x19] =	wrdreg s31  }
0x31: {  	s2 =	sadd.s32 s4, s20;
	s4 =	sadd.s32 s14, s22;
	s12 =	sadd.s32 s3, s20  }
0x32: {  	s14 =	sadd.s32 s16, s22;
	s16 =	sadd.s32 s7, s20;
	[dreg:$0x1f] =	wrdreg s26  }
0x33: {  	s30 =	sadd.s32 s6, s20;
	s3 =	sadd.s32 s18, s22;
	s6 =	sadd.s32 s8, s20  }
0x34: {  	s7 =	sadd.s32 s21, s22;
	s8 =	sadd.s32 s9, s20;
	[dreg:$0x1a] =	wrdreg s2  }
0x35: {  	s9 =	sadd.s32 s28, s22;
	s10 =	sadd.s32 s10, s20;
	[dreg:$0x1b] =	wrdreg s4  }
0x36: {  	s13 =	sadd.s32 s13, s20;
	s31 =	smax.u32 s15, $0x1;
	[dreg:$0x1c] =	wrdreg s12  }
0x37: {  	s17 =	sadd.s32 $0xC000, s29;
	s18 =	simm.s32 $0x28A0;
	[dreg:$0x1d] =	wrdreg s14  }
0x38: {  	s15 =	simm.s32 $0xA0;
	s26 =	simm.s32 $0x1;
	[dreg:$0x1e] =	wrdreg s16  }
0x39: {  	s28 =	simm.s32 $0x188A0;
	[smem:$0x7FC] =	sst s30;
	s4 =	sadd.s32 s5, s20  }
0x3a: {  	s5 =	sadd.s32 s19, s22;
	s12 =	sadd.s32 s23, s22;
	s14 =	sadd.s32 s24, s22  }
0x3b: {  	[smem:$0x7FD] =	sst s31;
	s16 =	sadd.s32 $0x2200, s29;
	s19 =	simm.s32 $0x2  }
0x3c: {  	v0 =	vimm.f32 $0.0e+00;
	v1 =	vimm.f32 $1.000000000e+00;
	s23 =	simm.s32 $0x18DA0;
	s24 =	simm.s32 $0x50;
	s29 =	simm.s32 $0x0  }
.LBB2_1:
0x3d: {  	s21 =	sand.u32 $0x7E00, s11  }
0x3e: {  	s31 =	sand.u32 $0x70, s11;
	s21 =	sshrl.u32 s21, $0x2  }
0x3f: {  	s30 =	simm.s32 $0x40;
	s21 =	sor.u32 s31, s21;
	s31 =	simm.s32 $0x0  }
.LBB2_2:
0x40: {  	p0 =	sne.s32 s30, $0x7FC0  }
0x41: {  	[tilespmem:s21+$0x28A0] =	vst v0;
	s31 =	sadd.s32 $0x10, s31;
	s21 =	smov.u32 s30;
	s30 =	sadd.s32 $0x40, s30  }
.Ltmp0:
0x42: {  	(pc) =	sbr.rel @p0 .LBB2_2-.Ltmp0, $4  }
0x43: {  	_ = 	snop  }
0x44: {  	s21 =	sand.u32 $0x7E00, s21  }
0x45: {  	s0 =	sand.u32 $0x70, s31;
	s21 =	sshrl.u32 s21, $0x2  }
0x46: {  	s21 =	sor.u32 s0, s21  }
0x47: {  	[tilespmem:s21+$0x28A0] =	vst v0;
	s30 =	simm.s32 $0x40;
	s21 =	simm.s32 $0x0  }
.LBB2_4:
0x48: {  	p0 =	sne.s32 s30, $0x13C0;
	[tilespmem:s21+$0x188A0] =	vst v1;
	s0 =	smov.u32 s30;
	s30 =	sadd.s32 $0x40, s30  }
.Ltmp1:
0x49: {  	(pc) =	sbr.rel @p0 .LBB2_4-.Ltmp1, $2  }
0x4a: {  	_ =	sdelay $0x2  }
0x4b: {  	s21 =	sshra.s32 s0, $0x2  }
0x4c: {  	[tilespmem:s21+$0x188A0] =	vst v1;
	s30 =	simm.s32 $0x40;
	s21 =	simm.s32 $0x0  }
.LBB2_6:
0x4d: {  	p0 =	sne.s32 s30, $0xFC0;
	[tilespmem:s21+$0x18DA0] =	vst v0;
	s0 =	smov.u32 s30;
	s30 =	sadd.s32 $0x40, s30  }
.Ltmp2:
0x4e: {  	(pc) =	sbr.rel @p0 .LBB2_6-.Ltmp2, $2  }
0x4f: {  	_ =	sdelay $0x2  }
0x50: {  	s21 =	sshra.s32 s0, $0x2  }
0x51: {  	[tilespmem:s21+$0x18DA0] =	vst v0  }
0x52: {  	[spmem:s1] =	stream.linear.scatter [tilespmem:s18], [sflag:$0x2], $0x2000, $0x38;
	[tilespmem:$0x1B9A0] =	vst v63  }
0x53: {  	_ =	swait.ge [sflag:s19], $0x2000  }
0x54: {  	[sflag:s19] =	ssyncset.done $0x0  }
0x55: {  	s0 =	rddreg [dreg:$0x19];
	[sflag:s19] =	ssyncadd.s32 $0xFFFFE000  }
0x56: {  	[spmem:s0] =	stream.linear.scatter [tilespmem:s23], [sflag:$0x2], $0x400, $0x38;
	[tilespmem:$0x1B9A0] =	vst v63  }
0x57: {  	_ =	swait.ge [sflag:s19], $0x400  }
0x58: {  	[sflag:s19] =	ssyncset.done $0x0  }
0x59: {  	s21 =	rddreg [dreg:$0x1a];
	[sflag:s19] =	ssyncadd.s32 $0xFFFFFC00  }
0x5a: {  	[spmem:s21] =	stream.linear.scatter [tilespmem:s18], [sflag:$0x2], $0x2000, $0x38;
	[tilespmem:$0x1B9A0] =	vst v63  }
0x5b: {  	_ =	swait.ge [sflag:s19], $0x2000  }
0x5c: {  	[sflag:s19] =	ssyncset.done $0x0  }
0x5d: {  	s2 =	smov.u32 s1;
	s1 =	rddreg [dreg:$0x1b];
	[sflag:s19] =	ssyncadd.s32 $0xFFFFE000  }
0x5e: {  	[spmem:s1] =	stream.linear.scatter [tilespmem:s23], [sflag:$0x2], $0x400, $0x38;
	[tilespmem:$0x1B9A0] =	vst v63  }
0x5f: {  	_ =	swait.ge [sflag:s19], $0x400  }
0x60: {  	[sflag:s19] =	ssyncset.done $0x0  }
0x61: {  	s21 =	rddreg [dreg:$0x1c];
	[sflag:s19] =	ssyncadd.s32 $0xFFFFFC00  }
0x62: {  	[spmem:s21] =	stream.linear.scatter [tilespmem:s18], [sflag:$0x2], $0x2000, $0x38;
	[tilespmem:$0x1B9A0] =	vst v63  }
0x63: {  	_ =	swait.ge [sflag:s19], $0x2000  }
0x64: {  	[sflag:s19] =	ssyncset.done $0x0  }
0x65: {  	s1 =	rddreg [dreg:$0x1d];
	[sflag:s19] =	ssyncadd.s32 $0xFFFFE000  }
0x66: {  	[spmem:s1] =	stream.linear.scatter [tilespmem:s23], [sflag:$0x2], $0x400, $0x38;
	[tilespmem:$0x1B9A0] =	vst v63  }
0x67: {  	_ =	swait.ge [sflag:s19], $0x400  }
0x68: {  	[sflag:s19] =	ssyncset.done $0x0  }
0x69: {  	s21 =	rddreg [dreg:$0x1e];
	[sflag:s19] =	ssyncadd.s32 $0xFFFFFC00  }
0x6a: {  	[spmem:s21] =	stream.linear.scatter [tilespmem:s18], [sflag:$0x2], $0x2000, $0x38;
	[tilespmem:$0x1B9A0] =	vst v63  }
0x6b: {  	_ =	swait.ge [sflag:s19], $0x2000  }
0x6c: {  	[sflag:s19] =	ssyncset.done $0x0  }
0x6d: {  	s1 =	rddreg [dreg:$0x1f];
	[sflag:s19] =	ssyncadd.s32 $0xFFFFE000  }
0x6e: {  	[spmem:s1] =	stream.linear.scatter [tilespmem:s23], [sflag:$0x2], $0x400, $0x38;
	[tilespmem:$0x1B9A0] =	vst v63  }
0x6f: {  	_ =	swait.ge [sflag:s19], $0x400  }
0x70: {  	s21 =	sld [smem:$0x7FC]  }
0x71: {  	[sflag:s19] =	ssyncset.done $0x0  }
0x72: {  	[sflag:s19] =	ssyncadd.s32 $0xFFFFFC00  }
0x73: {  	[spmem:s21] =	stream.linear.scatter [tilespmem:s18], [sflag:$0x2], $0x2000, $0x38;
	[tilespmem:$0x1B9A0] =	vst v63  }
0x74: {  	_ =	swait.ge [sflag:s19], $0x2000  }
0x75: {  	[sflag:s19] =	ssyncset.done $0x0  }
0x76: {  	[sflag:s19] =	ssyncadd.s32 $0xFFFFE000  }
0x77: {  	[spmem:s3] =	stream.linear.scatter [tilespmem:s23], [sflag:$0x2], $0x400, $0x38;
	[tilespmem:$0x1B9A0] =	vst v63  }
0x78: {  	_ =	swait.ge [sflag:s19], $0x400  }
0x79: {  	[sflag:s19] =	ssyncset.done $0x0  }
0x7a: {  	[sflag:s19] =	ssyncadd.s32 $0xFFFFFC00  }
0x7b: {  	[spmem:s4] =	stream.linear.scatter [tilespmem:s18], [sflag:$0x2], $0x2000, $0x38;
	[tilespmem:$0x1B9A0] =	vst v63  }
0x7c: {  	_ =	swait.ge [sflag:s19], $0x2000  }
0x7d: {  	[sflag:s19] =	ssyncset.done $0x0  }
0x7e: {  	[sflag:s19] =	ssyncadd.s32 $0xFFFFE000  }
0x7f: {  	[spmem:s5] =	stream.linear.scatter [tilespmem:s23], [sflag:$0x2], $0x400, $0x38;
	[tilespmem:$0x1B9A0] =	vst v63  }
0x80: {  	_ =	swait.ge [sflag:s19], $0x400  }
0x81: {  	[sflag:s19] =	ssyncset.done $0x0  }
0x82: {  	[sflag:s19] =	ssyncadd.s32 $0xFFFFFC00  }
0x83: {  	[spmem:s6] =	stream.linear.scatter [tilespmem:s18], [sflag:$0x2], $0x2000, $0x38;
	[tilespmem:$0x1B9A0] =	vst v63  }
0x84: {  	_ =	swait.ge [sflag:s19], $0x2000  }
0x85: {  	[sflag:s19] =	ssyncset.done $0x0  }
0x86: {  	[sflag:s19] =	ssyncadd.s32 $0xFFFFE000  }
0x87: {  	[spmem:s7] =	stream.linear.scatter [tilespmem:s23], [sflag:$0x2], $0x400, $0x38;
	[tilespmem:$0x1B9A0] =	vst v63  }
0x88: {  	_ =	swait.ge [sflag:s19], $0x400  }
0x89: {  	[sflag:s19] =	ssyncset.done $0x0  }
0x8a: {  	[sflag:s19] =	ssyncadd.s32 $0xFFFFFC00  }
0x8b: {  	[spmem:s8] =	stream.linear.scatter [tilespmem:s18], [sflag:$0x2], $0x2000, $0x38;
	[tilespmem:$0x1B9A0] =	vst v63  }
0x8c: {  	_ =	swait.ge [sflag:s19], $0x2000  }
0x8d: {  	[sflag:s19] =	ssyncset.done $0x0  }
0x8e: {  	[sflag:s19] =	ssyncadd.s32 $0xFFFFE000  }
0x8f: {  	[spmem:s9] =	stream.linear.scatter [tilespmem:s23], [sflag:$0x2], $0x400, $0x38;
	[tilespmem:$0x1B9A0] =	vst v63  }
0x90: {  	_ =	swait.ge [sflag:s19], $0x400  }
0x91: {  	[sflag:s19] =	ssyncset.done $0x0  }
0x92: {  	[sflag:s19] =	ssyncadd.s32 $0xFFFFFC00  }
0x93: {  	[spmem:s10] =	stream.linear.scatter [tilespmem:s18], [sflag:$0x2], $0x2000, $0x38;
	[tilespmem:$0x1B9A0] =	vst v63  }
0x94: {  	_ =	swait.ge [sflag:s19], $0x2000  }
0x95: {  	[sflag:s19] =	ssyncset.done $0x0  }
0x96: {  	[sflag:s19] =	ssyncadd.s32 $0xFFFFE000  }
0x97: {  	[spmem:s12] =	stream.linear.scatter [tilespmem:s23], [sflag:$0x2], $0x400, $0x38;
	[tilespmem:$0x1B9A0] =	vst v63  }
0x98: {  	_ =	swait.ge [sflag:s19], $0x400  }
0x99: {  	[sflag:s19] =	ssyncset.done $0x0  }
0x9a: {  	[sflag:s19] =	ssyncadd.s32 $0xFFFFFC00  }
0x9b: {  	[spmem:s13] =	stream.linear.scatter [tilespmem:s18], [sflag:$0x2], $0x2000, $0x38;
	[tilespmem:$0x1B9A0] =	vst v63  }
0x9c: {  	_ =	swait.ge [sflag:s19], $0x2000  }
0x9d: {  	[sflag:s19] =	ssyncset.done $0x0  }
0x9e: {  	[sflag:s19] =	ssyncadd.s32 $0xFFFFE000  }
0x9f: {  	[spmem:s14] =	stream.linear.scatter [tilespmem:s23], [sflag:$0x2], $0x400, $0x38;
	[tilespmem:$0x1B9A0] =	vst v63  }
0xa0: {  	_ =	swait.ge [sflag:s19], $0x400  }
0xa1: {  	[sflag:s19] =	ssyncset.done $0x0  }
0xa2: {  	[sflag:s19] =	ssyncadd.s32 $0xFFFFFC00  }
0xa3: {  	s1 =	sadd.s32 $0x0, s17;
	[bflag:$0x0] =	sbarrier.arrive $0xFFFF  }
0xa4: {  	[tilespmem:s11], [sflag:$0x2] =	stream.linear.gather [hbm4b:s1+s11], $0x50, $0x38;
	[tilespmem:$0x1B9A0] =	vst v63  }
0xa5: {  	_ =	swait.ge [sflag:s19], $0x50  }
0xa6: {  	[sflag:s19] =	ssyncset.done $0x0  }
0xa7: {  	s21 =	sadd.s32 $0x0, s16;
	[sflag:s19] =	ssyncadd.s32 $0xFFFFFFB0  }
0xa8: {  	[tilespmem:s24], [sflag:$0x2] =	stream.linear.gather [hbm4b:s21+s11], $0x50, $0x38;
	[tilespmem:$0x1B9A0] =	vst v63  }
0xa9: {  	_ =	swait.ge [sflag:s19], $0x50  }
0xaa: {  	[sflag:s19] =	ssyncset.done $0x0  }
0xab: {  	[sflag:s19] =	ssyncadd.s32 $0xFFFFFFB0  }
0xac: {  	[tilespmem:s15], [sflag:$0x1] =	stream.indirect.gather [hbm4b:s25+s24], $0x80, s11, s24, $0xb8;
	[tilespmem:$0x1B9A0] =	vst v63  }
0xad: {  	_ =	swait.ge [sflag:s26], $0x2800  }
0xae: {  	[sflag:s26] =	ssyncset.done $0x0  }
0xaf: {  	[sflag:s26] =	ssyncadd.s32 $0xFFFFD800  }
0xb0: {  	[spmem:s20] =	stream.indirect.scatter.add.f32 [tilespmem:s15], [sflag:$0x2], $0x80, s24, s24, $0xb8;
	[tilespmem:$0x1B9A0] =	vst v63  }
0xb1: {  	_ =	swait.ge [sflag:s19], $0x2800  }
0xb2: {  	[sflag:s19] =	ssyncset.done $0x0  }
0xb3: {  	[sflag:s19] =	ssyncadd.s32 $0xFFFFD800  }
0xb4: {  	[spmem:s22] =	stream.indirect.scatter.add.f32 [tilespmem:s28], [sflag:$0x2], $0x10, s24, s24, $0xb8;
	[tilespmem:$0x1B9A0] =	vst v63  }
0xb5: {  	_ =	swait.ge [sflag:s19], $0x500  }
0xb6: {  	s30 =	simm.s32 $0xA;
	s31 =	simm.s32 $0x14;
	[sflag:s19] =	ssyncset.done $0x0  }
.LBB2_8:
0xb7: {  	s0 =	sadd.s32 s30, s17  }
0xb8: {  	[sflag:s19] =	ssyncadd.s32 $0xFFFFFB00;
	s21 =	smov.u32 s31;
	s1 =	sadd.s32 $0xA, s31  }
0xb9: {  	[tilespmem:s11], [sflag:$0x2] =	stream.linear.gather [hbm4b:s0+s11], $0x50, $0x38;
	[tilespmem:$0x1B9A0] =	vst v63  }
0xba: {  	p0 =	sne.s32 s31, $0x4D8;
	_ =	swait.ge [sflag:s19], $0x50  }
0xbb: {  	[sflag:s19] =	ssyncset.done $0x0  }
0xbc: {  	s0 =	sadd.s32 s30, s16;
	s30 =	smov.u32 s21;
	[sflag:s19] =	ssyncadd.s32 $0xFFFFFFB0  }
0xbd: {  	[tilespmem:s24], [sflag:$0x2] =	stream.linear.gather [hbm4b:s0+s11], $0x50, $0x38;
	[tilespmem:$0x1B9A0] =	vst v63  }
0xbe: {  	_ =	swait.ge [sflag:s19], $0x50  }
0xbf: {  	[sflag:s19] =	ssyncset.done $0x0  }
0xc0: {  	[sflag:s19] =	ssyncadd.s32 $0xFFFFFFB0  }
0xc1: {  	[tilespmem:s15], [sflag:$0x1] =	stream.indirect.gather [hbm4b:s25+s24], $0x80, s11, s24, $0xb8;
	[tilespmem:$0x1B9A0] =	vst v63  }
0xc2: {  	_ =	swait.ge [sflag:s26], $0x2800  }
0xc3: {  	[sflag:s26] =	ssyncset.done $0x0  }
0xc4: {  	[sflag:s26] =	ssyncadd.s32 $0xFFFFD800  }
0xc5: {  	[spmem:s20] =	stream.indirect.scatter.add.f32 [tilespmem:s15], [sflag:$0x2], $0x80, s24, s24, $0xb8;
	[tilespmem:$0x1B9A0] =	vst v63  }
0xc6: {  	_ =	swait.ge [sflag:s19], $0x2800  }
.Ltmp3:
0xc7: {  	[sflag:s19] =	ssyncset.done $0x0;
	(pc) =	sbr.rel @p0 .LBB2_8-.Ltmp3, $4  }
0xc8: {  	[sflag:s19] =	ssyncadd.s32 $0xFFFFD800  }
0xc9: {  	[spmem:s22] =	stream.indirect.scatter.add.f32 [tilespmem:s28], [sflag:$0x2], $0x10, s24, s24, $0xb8;
	[tilespmem:$0x1B9A0] =	vst v63  }
0xca: {  	_ =	swait.ge [sflag:s19], $0x500  }
0xcb: {  	s31 =	smov.u32 s1;
	[sflag:s19] =	ssyncset.done $0x0  }
0xcc: {  	s0 =	sadd.s32 s30, s17;
	[sflag:s19] =	ssyncadd.s32 $0xFFFFFB00  }
0xcd: {  	[tilespmem:s11], [sflag:$0x2] =	stream.linear.gather [hbm4b:s0+s11], $0x50, $0x38;
	[tilespmem:$0x1B9A0] =	vst v63  }
0xce: {  	_ =	swait.ge [sflag:s19], $0x50  }
0xcf: {  	[sflag:s19] =	ssyncset.done $0x0  }
0xd0: {  	s30 =	sadd.s32 s30, s16;
	[sflag:s19] =	ssyncadd.s32 $0xFFFFFFB0  }
0xd1: {  	[tilespmem:s24], [sflag:$0x2] =	stream.linear.gather [hbm4b:s30+s11], $0x50, $0x38;
	[tilespmem:$0x1B9A0] =	vst v63  }
0xd2: {  	_ =	swait.ge [sflag:s19], $0x50  }
0xd3: {  	[sflag:s19] =	ssyncset.done $0x0  }
0xd4: {  	[sflag:s19] =	ssyncadd.s32 $0xFFFFFFB0  }
0xd5: {  	[tilespmem:s15], [sflag:$0x1] =	stream.indirect.gather [hbm4b:s25+s24], $0x80, s11, s24, $0xb8;
	[tilespmem:$0x1B9A0] =	vst v63  }
0xd6: {  	_ =	swait.ge [sflag:s26], $0x2800  }
0xd7: {  	[sflag:s26] =	ssyncset.done $0x0  }
0xd8: {  	[sflag:s26] =	ssyncadd.s32 $0xFFFFD800  }
0xd9: {  	[spmem:s20] =	stream.indirect.scatter.add.f32 [tilespmem:s15], [sflag:$0x2], $0x80, s24, s24, $0xb8;
	[tilespmem:$0x1B9A0] =	vst v63  }
0xda: {  	_ =	swait.ge [sflag:s19], $0x2800  }
0xdb: {  	[sflag:s19] =	ssyncset.done $0x0  }
0xdc: {  	[sflag:s19] =	ssyncadd.s32 $0xFFFFD800  }
0xdd: {  	[spmem:s22] =	stream.indirect.scatter.add.f32 [tilespmem:s28], [sflag:$0x2], $0x10, s24, s24, $0xb8;
	[tilespmem:$0x1B9A0] =	vst v63  }
0xde: {  	_ =	swait.ge [sflag:s19], $0x500  }
0xdf: {  	[sflag:s19] =	ssyncset.done $0x0  }
0xe0: {  	[sflag:s19] =	ssyncadd.s32 $0xFFFFFB00  }
0xe1: {  	[bflag:$0x0] =	sbarrier.arrive $0xFFFF  }
0xe2: {  	[tilespmem:s18], [sflag:$0x2] =	stream.linear.gather [spmem:s2], $0x2000, $0x38;
	[tilespmem:$0x1B9A0] =	vst v63  }
0xe3: {  	_ =	swait.ge [sflag:s19], $0x2000  }
0xe4: {  	[sflag:s19] =	ssyncset.done $0x0  }
0xe5: {  	s31 =	rddreg [dreg:$0x5];
	[sflag:s19] =	ssyncadd.s32 $0xFFFFE000  }
0xe6: {  	[hbm4b:s31+s11] =	stream.linear.scatter [tilespmem:s18], [sflag:$0x2], $0x2000, $0x38;
	[tilespmem:$0x1B9A0] =	vst v63  }
0xe7: {  	_ =	swait.ge [sflag:s19], $0x2000  }
0xe8: {  	[sflag:s19] =	ssyncset.done $0x0  }
0xe9: {  	s1 =	smov.u32 s2;
	s2 =	rddreg [dreg:$0x19];
	[sflag:s19] =	ssyncadd.s32 $0xFFFFE000  }
0xea: {  	[tilespmem:s23], [sflag:$0x2] =	stream.linear.gather [spmem:s2], $0x400, $0x38;
	[tilespmem:$0x1B9A0] =	vst v63  }
0xeb: {  	_ =	swait.ge [sflag:s19], $0x400  }
0xec: {  	[sflag:s19] =	ssyncset.done $0x0  }
0xed: {  	s21 =	rddreg [dreg:$0xf];
	[sflag:s19] =	ssyncadd.s32 $0xFFFFFC00  }
0xee: {  	[hbm4b:s21+s11] =	stream.linear.scatter [tilespmem:s23], [sflag:$0x2], $0x400, $0x38;
	[tilespmem:$0x1B9A0] =	vst v63  }
0xef: {  	_ =	swait.ge [sflag:s19], $0x400  }
0xf0: {  	[sflag:s19] =	ssyncset.done $0x0  }
0xf1: {  	s30 =	rddreg [dreg:$0x1a];
	[sflag:s19] =	ssyncadd.s32 $0xFFFFFC00  }
0xf2: {  	[tilespmem:s18], [sflag:$0x2] =	stream.linear.gather [spmem:s30], $0x2000, $0x38;
	[tilespmem:$0x1B9A0] =	vst v63  }
0xf3: {  	_ =	swait.ge [sflag:s19], $0x2000  }
0xf4: {  	[sflag:s19] =	ssyncset.done $0x0  }
0xf5: {  	s31 =	rddreg [dreg:$0x6];
	[sflag:s19] =	ssyncadd.s32 $0xFFFFE000  }
0xf6: {  	[hbm4b:s31+s11] =	stream.linear.scatter [tilespmem:s18], [sflag:$0x2], $0x2000, $0x38;
	[tilespmem:$0x1B9A0] =	vst v63  }
0xf7: {  	_ =	swait.ge [sflag:s19], $0x2000  }
0xf8: {  	[sflag:s19] =	ssyncset.done $0x0  }
0xf9: {  	s2 =	rddreg [dreg:$0x1b];
	[sflag:s19] =	ssyncadd.s32 $0xFFFFE000  }
0xfa: {  	[tilespmem:s23], [sflag:$0x2] =	stream.linear.gather [spmem:s2], $0x400, $0x38;
	[tilespmem:$0x1B9A0] =	vst v63  }
0xfb: {  	_ =	swait.ge [sflag:s19], $0x400  }
0xfc: {  	[sflag:s19] =	ssyncset.done $0x0  }
0xfd: {  	s21 =	rddreg [dreg:$0x10];
	[sflag:s19] =	ssyncadd.s32 $0xFFFFFC00  }
0xfe: {  	[hbm4b:s21+s11] =	stream.linear.scatter [tilespmem:s23], [sflag:$0x2], $0x400, $0x38;
	[tilespmem:$0x1B9A0] =	vst v63  }
0xff: {  	_ =	swait.ge [sflag:s19], $0x400  }
0x100: {  	[sflag:s19] =	ssyncset.done $0x0  }
0x101: {  	s30 =	rddreg [dreg:$0x1c];
	[sflag:s19] =	ssyncadd.s32 $0xFFFFFC00  }
0x102: {  	[tilespmem:s18], [sflag:$0x2] =	stream.linear.gather [spmem:s30], $0x2000, $0x38;
	[tilespmem:$0x1B9A0] =	vst v63  }
0x103: {  	_ =	swait.ge [sflag:s19], $0x2000  }
0x104: {  	[sflag:s19] =	ssyncset.done $0x0  }
0x105: {  	s31 =	rddreg [dreg:$0x7];
	[sflag:s19] =	ssyncadd.s32 $0xFFFFE000  }
0x106: {  	[hbm4b:s31+s11] =	stream.linear.scatter [tilespmem:s18], [sflag:$0x2], $0x2000, $0x38;
	[tilespmem:$0x1B9A0] =	vst v63  }
0x107: {  	_ =	swait.ge [sflag:s19], $0x2000  }
0x108: {  	[sflag:s19] =	ssyncset.done $0x0  }
0x109: {  	s2 =	rddreg [dreg:$0x1d];
	[sflag:s19] =	ssyncadd.s32 $0xFFFFE000  }
0x10a: {  	[tilespmem:s23], [sflag:$0x2] =	stream.linear.gather [spmem:s2], $0x400, $0x38;
	[tilespmem:$0x1B9A0] =	vst v63  }
0x10b: {  	_ =	swait.ge [sflag:s19], $0x400  }
0x10c: {  	[sflag:s19] =	ssyncset.done $0x0  }
0x10d: {  	s21 =	rddreg [dreg:$0x11];
	[sflag:s19] =	ssyncadd.s32 $0xFFFFFC00  }
0x10e: {  	[hbm4b:s21+s11] =	stream.linear.scatter [tilespmem:s23], [sflag:$0x2], $0x400, $0x38;
	[tilespmem:$0x1B9A0] =	vst v63  }
0x10f: {  	_ =	swait.ge [sflag:s19], $0x400  }
0x110: {  	[sflag:s19] =	ssyncset.done $0x0  }
0x111: {  	s30 =	rddreg [dreg:$0x1e];
	[sflag:s19] =	ssyncadd.s32 $0xFFFFFC00  }
0x112: {  	[tilespmem:s18], [sflag:$0x2] =	stream.linear.gather [spmem:s30], $0x2000, $0x38;
	[tilespmem:$0x1B9A0] =	vst v63  }
0x113: {  	_ =	swait.ge [sflag:s19], $0x2000  }
0x114: {  	[sflag:s19] =	ssyncset.done $0x0  }
0x115: {  	s31 =	rddreg [dreg:$0x8];
	[sflag:s19] =	ssyncadd.s32 $0xFFFFE000  }
0x116: {  	[hbm4b:s31+s11] =	stream.linear.scatter [tilespmem:s18], [sflag:$0x2], $0x2000, $0x38;
	[tilespmem:$0x1B9A0] =	vst v63  }
0x117: {  	_ =	swait.ge [sflag:s19], $0x2000  }
0x118: {  	[sflag:s19] =	ssyncset.done $0x0  }
0x119: {  	s2 =	rddreg [dreg:$0x1f];
	[sflag:s19] =	ssyncadd.s32 $0xFFFFE000  }
0x11a: {  	[tilespmem:s23], [sflag:$0x2] =	stream.linear.gather [spmem:s2], $0x400, $0x38;
	[tilespmem:$0x1B9A0] =	vst v63  }
0x11b: {  	_ =	swait.ge [sflag:s19], $0x400  }
0x11c: {  	[sflag:s19] =	ssyncset.done $0x0  }
0x11d: {  	s21 =	rddreg [dreg:$0x12];
	[sflag:s19] =	ssyncadd.s32 $0xFFFFFC00  }
0x11e: {  	[hbm4b:s21+s11] =	stream.linear.scatter [tilespmem:s23], [sflag:$0x2], $0x400, $0x38;
	[tilespmem:$0x1B9A0] =	vst v63  }
0x11f: {  	_ =	swait.ge [sflag:s19], $0x400  }
0x120: {  	s30 =	sld [smem:$0x7FC]  }
0x121: {  	[sflag:s19] =	ssyncset.done $0x0  }
0x122: {  	[sflag:s19] =	ssyncadd.s32 $0xFFFFFC00  }
0x123: {  	[tilespmem:s18], [sflag:$0x2] =	stream.linear.gather [spmem:s30], $0x2000, $0x38;
	[tilespmem:$0x1B9A0] =	vst v63  }
0x124: {  	_ =	swait.ge [sflag:s19], $0x2000  }
0x125: {  	[sflag:s19] =	ssyncset.done $0x0  }
0x126: {  	s31 =	rddreg [dreg:$0x9];
	[sflag:s19] =	ssyncadd.s32 $0xFFFFE000  }
0x127: {  	[hbm4b:s31+s11] =	stream.linear.scatter [tilespmem:s18], [sflag:$0x2], $0x2000, $0x38;
	[tilespmem:$0x1B9A0] =	vst v63  }
0x128: {  	_ =	swait.ge [sflag:s19], $0x2000  }
0x129: {  	[sflag:s19] =	ssyncset.done $0x0  }
0x12a: {  	[sflag:s19] =	ssyncadd.s32 $0xFFFFE000  }
0x12b: {  	[tilespmem:s23], [sflag:$0x2] =	stream.linear.gather [spmem:s3], $0x400, $0x38;
	[tilespmem:$0x1B9A0] =	vst v63  }
0x12c: {  	_ =	swait.ge [sflag:s19], $0x400  }
0x12d: {  	[sflag:s19] =	ssyncset.done $0x0  }
0x12e: {  	s2 =	rddreg [dreg:$0x13];
	[sflag:s19] =	ssyncadd.s32 $0xFFFFFC00  }
0x12f: {  	[hbm4b:s2+s11] =	stream.linear.scatter [tilespmem:s23], [sflag:$0x2], $0x400, $0x38;
	[tilespmem:$0x1B9A0] =	vst v63  }
0x130: {  	_ =	swait.ge [sflag:s19], $0x400  }
0x131: {  	[sflag:s19] =	ssyncset.done $0x0  }
0x132: {  	[sflag:s19] =	ssyncadd.s32 $0xFFFFFC00  }
0x133: {  	[tilespmem:s18], [sflag:$0x2] =	stream.linear.gather [spmem:s4], $0x2000, $0x38;
	[tilespmem:$0x1B9A0] =	vst v63  }
0x134: {  	_ =	swait.ge [sflag:s19], $0x2000  }
0x135: {  	[sflag:s19] =	ssyncset.done $0x0  }
0x136: {  	s21 =	rddreg [dreg:$0xa];
	[sflag:s19] =	ssyncadd.s32 $0xFFFFE000  }
0x137: {  	[hbm4b:s21+s11] =	stream.linear.scatter [tilespmem:s18], [sflag:$0x2], $0x2000, $0x38;
	[tilespmem:$0x1B9A0] =	vst v63  }
0x138: {  	_ =	swait.ge [sflag:s19], $0x2000  }
0x139: {  	[sflag:s19] =	ssyncset.done $0x0  }
0x13a: {  	[sflag:s19] =	ssyncadd.s32 $0xFFFFE000  }
0x13b: {  	[tilespmem:s23], [sflag:$0x2] =	stream.linear.gather [spmem:s5], $0x400, $0x38;
	[tilespmem:$0x1B9A0] =	vst v63  }
0x13c: {  	_ =	swait.ge [sflag:s19], $0x400  }
0x13d: {  	[sflag:s19] =	ssyncset.done $0x0  }
0x13e: {  	s30 =	rddreg [dreg:$0x14];
	[sflag:s19] =	ssyncadd.s32 $0xFFFFFC00  }
0x13f: {  	[hbm4b:s30+s11] =	stream.linear.scatter [tilespmem:s23], [sflag:$0x2], $0x400, $0x38;
	[tilespmem:$0x1B9A0] =	vst v63  }
0x140: {  	_ =	swait.ge [sflag:s19], $0x400  }
0x141: {  	[sflag:s19] =	ssyncset.done $0x0  }
0x142: {  	[sflag:s19] =	ssyncadd.s32 $0xFFFFFC00  }
0x143: {  	[tilespmem:s18], [sflag:$0x2] =	stream.linear.gather [spmem:s6], $0x2000, $0x38;
	[tilespmem:$0x1B9A0] =	vst v63  }
0x144: {  	_ =	swait.ge [sflag:s19], $0x2000  }
0x145: {  	[sflag:s19] =	ssyncset.done $0x0  }
0x146: {  	s31 =	rddreg [dreg:$0xb];
	[sflag:s19] =	ssyncadd.s32 $0xFFFFE000  }
0x147: {  	[hbm4b:s31+s11] =	stream.linear.scatter [tilespmem:s18], [sflag:$0x2], $0x2000, $0x38;
	[tilespmem:$0x1B9A0] =	vst v63  }
0x148: {  	_ =	swait.ge [sflag:s19], $0x2000  }
0x149: {  	[sflag:s19] =	ssyncset.done $0x0  }
0x14a: {  	[sflag:s19] =	ssyncadd.s32 $0xFFFFE000  }
0x14b: {  	[tilespmem:s23], [sflag:$0x2] =	stream.linear.gather [spmem:s7], $0x400, $0x38;
	[tilespmem:$0x1B9A0] =	vst v63  }
0x14c: {  	_ =	swait.ge [sflag:s19], $0x400  }
0x14d: {  	[sflag:s19] =	ssyncset.done $0x0  }
0x14e: {  	s2 =	rddreg [dreg:$0x15];
	[sflag:s19] =	ssyncadd.s32 $0xFFFFFC00  }
0x14f: {  	[hbm4b:s2+s11] =	stream.linear.scatter [tilespmem:s23], [sflag:$0x2], $0x400, $0x38;
	[tilespmem:$0x1B9A0] =	vst v63  }
0x150: {  	_ =	swait.ge [sflag:s19], $0x400  }
0x151: {  	[sflag:s19] =	ssyncset.done $0x0  }
0x152: {  	[sflag:s19] =	ssyncadd.s32 $0xFFFFFC00  }
0x153: {  	[tilespmem:s18], [sflag:$0x2] =	stream.linear.gather [spmem:s8], $0x2000, $0x38;
	[tilespmem:$0x1B9A0] =	vst v63  }
0x154: {  	_ =	swait.ge [sflag:s19], $0x2000  }
0x155: {  	[sflag:s19] =	ssyncset.done $0x0  }
0x156: {  	s21 =	rddreg [dreg:$0xc];
	[sflag:s19] =	ssyncadd.s32 $0xFFFFE000  }
0x157: {  	[hbm4b:s21+s11] =	stream.linear.scatter [tilespmem:s18], [sflag:$0x2], $0x2000, $0x38;
	[tilespmem:$0x1B9A0] =	vst v63  }
0x158: {  	_ =	swait.ge [sflag:s19], $0x2000  }
0x159: {  	[sflag:s19] =	ssyncset.done $0x0  }
0x15a: {  	[sflag:s19] =	ssyncadd.s32 $0xFFFFE000  }
0x15b: {  	[tilespmem:s23], [sflag:$0x2] =	stream.linear.gather [spmem:s9], $0x400, $0x38;
	[tilespmem:$0x1B9A0] =	vst v63  }
0x15c: {  	_ =	swait.ge [sflag:s19], $0x400  }
0x15d: {  	[sflag:s19] =	ssyncset.done $0x0  }
0x15e: {  	s30 =	rddreg [dreg:$0x16];
	[sflag:s19] =	ssyncadd.s32 $0xFFFFFC00  }
0x15f: {  	[hbm4b:s30+s11] =	stream.linear.scatter [tilespmem:s23], [sflag:$0x2], $0x400, $0x38;
	[tilespmem:$0x1B9A0] =	vst v63  }
0x160: {  	_ =	swait.ge [sflag:s19], $0x400  }
0x161: {  	[sflag:s19] =	ssyncset.done $0x0  }
0x162: {  	[sflag:s19] =	ssyncadd.s32 $0xFFFFFC00  }
0x163: {  	[tilespmem:s18], [sflag:$0x2] =	stream.linear.gather [spmem:s10], $0x2000, $0x38;
	[tilespmem:$0x1B9A0] =	vst v63  }
0x164: {  	_ =	swait.ge [sflag:s19], $0x2000  }
0x165: {  	[sflag:s19] =	ssyncset.done $0x0  }
0x166: {  	s31 =	rddreg [dreg:$0xd];
	[sflag:s19] =	ssyncadd.s32 $0xFFFFE000  }
0x167: {  	[hbm4b:s31+s11] =	stream.linear.scatter [tilespmem:s18], [sflag:$0x2], $0x2000, $0x38;
	[tilespmem:$0x1B9A0] =	vst v63  }
0x168: {  	_ =	swait.ge [sflag:s19], $0x2000  }
0x169: {  	[sflag:s19] =	ssyncset.done $0x0  }
0x16a: {  	[sflag:s19] =	ssyncadd.s32 $0xFFFFE000  }
0x16b: {  	[tilespmem:s23], [sflag:$0x2] =	stream.linear.gather [spmem:s12], $0x400, $0x38;
	[tilespmem:$0x1B9A0] =	vst v63  }
0x16c: {  	_ =	swait.ge [sflag:s19], $0x400  }
0x16d: {  	[sflag:s19] =	ssyncset.done $0x0  }
0x16e: {  	s2 =	rddreg [dreg:$0x17];
	[sflag:s19] =	ssyncadd.s32 $0xFFFFFC00  }
0x16f: {  	[hbm4b:s2+s11] =	stream.linear.scatter [tilespmem:s23], [sflag:$0x2], $0x400, $0x38;
	[tilespmem:$0x1B9A0] =	vst v63  }
0x170: {  	_ =	swait.ge [sflag:s19], $0x400  }
0x171: {  	[sflag:s19] =	ssyncset.done $0x0  }
0x172: {  	[sflag:s19] =	ssyncadd.s32 $0xFFFFFC00  }
0x173: {  	[tilespmem:s18], [sflag:$0x2] =	stream.linear.gather [spmem:s13], $0x2000, $0x38;
	[tilespmem:$0x1B9A0] =	vst v63  }
0x174: {  	_ =	swait.ge [sflag:s19], $0x2000  }
0x175: {  	[sflag:s19] =	ssyncset.done $0x0  }
0x176: {  	s21 =	rddreg [dreg:$0xe];
	[sflag:s19] =	ssyncadd.s32 $0xFFFFE000  }
0x177: {  	[hbm4b:s21+s11] =	stream.linear.scatter [tilespmem:s18], [sflag:$0x2], $0x2000, $0x38;
	[tilespmem:$0x1B9A0] =	vst v63  }
0x178: {  	_ =	swait.ge [sflag:s19], $0x2000  }
0x179: {  	[sflag:s19] =	ssyncset.done $0x0  }
0x17a: {  	[sflag:s19] =	ssyncadd.s32 $0xFFFFE000  }
0x17b: {  	[tilespmem:s23], [sflag:$0x2] =	stream.linear.gather [spmem:s14], $0x400, $0x38;
	[tilespmem:$0x1B9A0] =	vst v63  }
0x17c: {  	_ =	swait.ge [sflag:s19], $0x400  }
0x17d: {  	[sflag:s19] =	ssyncset.done $0x0  }
0x17e: {  	s30 =	rddreg [dreg:$0x18];
	[sflag:s19] =	ssyncadd.s32 $0xFFFFFC00  }
0x17f: {  	[hbm4b:s30+s11] =	stream.linear.scatter [tilespmem:s23], [sflag:$0x2], $0x400, $0x38;
	[tilespmem:$0x1B9A0] =	vst v63  }
0x180: {  	_ =	swait.ge [sflag:s19], $0x400  }
0x181: {  	s31 =	sld [smem:$0x7FD];
	_ =	sdelay $0x1  }
0x182: {  	s29 =	sadd.s32 $0x1, s29  }
0x183: {  	p0 =	sne.s32 s29, s31  }
.Ltmp4:
0x184: {  	_ = 	snop;
	(pc) =	sbr.rel @p0 .LBB2_1-.Ltmp4, $3  }
0x185: {  	_ =	sdelay $0x1  }
0x186: {  	[sflag:s19] =	ssyncset.done $0x0  }
0x187: {  	[sflag:s19] =	ssyncadd.s32 $0xFFFFFC00  }
0x188: {  	_ =	sfence.sel $0x180000  }
0x189: {  	[bflag:$0x0] =	sbarrier.arrive $0xFFFF  }
0x18a: {  	_ =	strace $0x90000047  }
0x18b: {  	s0 =	stileid.u32;
	[bflag:$0x2] =	sbarrier.arrive $0xFFFF  }
0x18c: {  	p0 =	sne.s32 s0, $0x0;
	s0 =	rddreg [dreg:$0x4]  }
0x18d: {  	s0 =	sadd.s32 @!p0 $0x100000, s0  }
0x18e: {  	[sflag:s0] =	ssyncadd.tile.s32 @!p0 $0x1;
	_ =	shalt  }
.Lfunc_end2:
_tile_overlayer_lowered:
.L_overlay_start_2:
0x18f: {  	(tag) =	ssettag $0x2  }
0x190: {  	s0 =	rddreg [dreg:$0x0];
	s2 =	stileid.u32  }
0x191: {  	s1 =	rddreg [dreg:$0x1];
	p0 =	sne.s32 s2, $0x0  }
0x192: {  	s3 =	rddreg [dreg:$0x2];
	[bflag:$0x3] =	sbarrier.arrive $0xFFFF;
	s2 =	simm.s32 @!p0 $0x1C02  }
0x193: {  	[timem:s3], [sflag:s2] =	dma.local @!p0 [hbm:s0], s1  }
0x194: {  	s0 =	simm.s32 @!p0 $0x2  }
0x195: {  	_ =	swait.ge @!p0 [sflag:s0], s1  }
0x196: {  	s1 =	ssub.s32 @!p0 $0x0, s1;
	[sflag:s0] =	ssyncset.done @!p0 $0x0  }
0x197: {  	[sflag:s0] =	ssyncadd.s32 @!p0 s1  }
0x198: {  	[bflag:$0x3] =	sbarrier.arrive $0xFFFF  }
0x199: {  	_ =	shalt  }

</sc_bundles>
